<compile_context>
chip_gen: v7x
topology: tpu7x:2x2x1
jax: 0.10.2.dev20260603
libtpu: 0.0.44.dev20260713+nightly
codegen_flags: <defaults>
</compile_context>

<pallas_src>
import functools

import jax
import jax.numpy as jnp
from jax import lax
from jax.experimental import pallas as pl
from jax.experimental.pallas import tpu as pltpu
from jax.experimental.pallas import tpu_sc as plsc

H = 224
W = 224
C = 192
CH = 14
CW = 14
NB = 1000
NIMG = 8
NPIX_IMG = H * W
NPIX = NIMG * NPIX_IMG
NPQ = CH * CW
OUT_ROW = C * NPQ
NW = 32
NCHUNK = C // 16
NG = 4 * CW


@functools.cache
def _build_kernel():
  mesh = plsc.VectorSubcoreMesh(
      core_axis_name="c", subcore_axis_name="s", num_cores=2, num_subcores=16)

  @functools.partial(
      pl.kernel,
      out_type=jax.ShapeDtypeStruct((NB, OUT_ROW), jnp.float32),
      mesh=mesh,
      scratch_types=[
          pltpu.VMEM((NB * 4,), jnp.float32),
          pltpu.VMEM((NB,), jnp.int32),
          pltpu.VMEM((8 * 16,), jnp.float32),
          pltpu.VMEM((2 * 16,), jnp.int32),
          pltpu.VMEM((2, 64), jnp.int32),
          pltpu.VMEM((2, NG, C), jnp.float32),
          pltpu.VMEM((2, OUT_ROW), jnp.float32),
          pltpu.SemaphoreType.DMA,
          pltpu.SemaphoreType.DMA,
          pltpu.SemaphoreType.DMA,
      ],
      compiler_params=pltpu.CompilerParams(
          needs_layout_passes=False, use_tc_tiling_on_sc=False),
  )
  def crop_kernel(img_ref, boxes_ref, bidx_ref, out_ref,
                  boxes_v, bidx_v, prmf, prmi, idx_v, gbuf, valt,
                  sem0, sem1, semo):
    wid = lax.axis_index("s") * 2 + lax.axis_index("c")
    pltpu.sync_copy(boxes_ref, boxes_v)
    pltpu.sync_copy(bidx_ref, bidx_v)

    ii = lax.iota(jnp.int32, 16)
    fi = ii.astype(jnp.float32)
    sems = (sem0, sem1)

    def splat(x):
      return jnp.full((16,), x, dtype=jnp.int32)

    def bcastf(ref, r, i):
      return plsc.load_gather(ref, [splat(16 * r + i)])

    def wait(par):
      pltpu.make_async_copy(
          img_ref.at[idx_v.at[par, pl.ds(0, NG)]],
          gbuf.at[par], sems[par]).wait()

    def compute_row(i, par, vpar, xlv, vxv):
      ylb = bcastf(prmf, 0, i)
      m = bcastf(prmf, 1, i) * vxv
      wb = ylb * m
      wt = m - wb
      onemx = 1.0 - xlv
      prmf[pl.ds(4 * 16, 16)] = onemx * wt
      prmf[pl.ds(5 * 16, 16)] = xlv * wt
      prmf[pl.ds(6 * 16, 16)] = onemx * wb
      prmf[pl.ds(7 * 16, 16)] = xlv * wb

      @plsc.parallel_loop(0, CW, unroll=2)
      def px_body(j):
        wtl = bcastf(prmf, 4, j)
        wtr = bcastf(prmf, 5, j)
        wbl = bcastf(prmf, 6, j)
        wbr = bcastf(prmf, 7, j)
        qoff = (i * CW + j) * C
        for k in range(NCHUNK):
          off = 16 * k
          v = (gbuf[par, j, pl.ds(off, 16)] * wtl
               + gbuf[par, CW + j, pl.ds(off, 16)] * wtr
               + gbuf[par, 2 * CW + j, pl.ds(off, 16)] * wbl
               + gbuf[par, 3 * CW + j, pl.ds(off, 16)] * wbr)
          valt[vpar, pl.ds(qoff + off, 16)] = v

    def run_box(t, _):
      n = wid + NW * t
      vpar = lax.rem(t, 2)

      @pl.when(t >= 2)
      def _():
        pltpu.make_async_copy(valt.at[0], out_ref.at[0], semo).wait()
      y1 = plsc.load_gather(boxes_v, [splat(4 * n + 0)])
      x1 = plsc.load_gather(boxes_v, [splat(4 * n + 1)])
      y2 = plsc.load_gather(boxes_v, [splat(4 * n + 2)])
      x2 = plsc.load_gather(boxes_v, [splat(4 * n + 3)])
      b = plsc.load_gather(bidx_v, [splat(n)])
      hs = (y2 - y1) * jnp.float32(H - 1) / jnp.float32(CH - 1)
      ws = (x2 - x1) * jnp.float32(W - 1) / jnp.float32(CW - 1)
      in_y = y1 * jnp.float32(H - 1) + fi * hs
      in_x = x1 * jnp.float32(W - 1) + fi * ws
      tyv = jnp.minimum(jnp.maximum(in_y.astype(jnp.int32), 0), H - 1)
      byv = jnp.minimum(tyv + 1, H - 1)
      ylv = in_y - tyv.astype(jnp.float32)
      vyv = jnp.where((in_y >= 0.0) & (in_y <= jnp.float32(H - 1)), 1.0, 0.0)
      lxv = jnp.minimum(jnp.maximum(in_x.astype(jnp.int32), 0), W - 1)
      rxv = jnp.minimum(lxv + 1, W - 1)
      xlv = in_x - lxv.astype(jnp.float32)
      vxv = jnp.where((in_x >= 0.0) & (in_x <= jnp.float32(W - 1)), 1.0, 0.0)
      prmf[pl.ds(0, 16)] = ylv.astype(jnp.float32)
      prmf[pl.ds(16, 16)] = vyv.astype(jnp.float32)
      base = b * NPIX_IMG
      prmi[pl.ds(0, 16)] = base + tyv * W
      prmi[pl.ds(16, 16)] = base + byv * W

      def issue(i, par):
        bt = bcastf(prmi, 0, i)
        bb = bcastf(prmi, 1, i)
        idx_v[par, pl.ds(0, 16)] = bt + lxv
        idx_v[par, pl.ds(CW, 16)] = bt + rxv
        idx_v[par, pl.ds(2 * CW, 16)] = bb + lxv
        idx_v[par, pl.ds(3 * CW, 16)] = bb + rxv
        pltpu.make_async_copy(
            img_ref.at[idx_v.at[par, pl.ds(0, NG)]],
            gbuf.at[par], sems[par]).start()

      def row_pair(p, _):
        i = 2 * p

        @pl.when(p == 0)
        def _():
          issue(i, 0)

        issue(i + 1, 1)
        wait(0)
        compute_row(i, 0, vpar, xlv, vxv)

        @pl.when(p < (CH // 2 - 1))
        def _():
          issue(i + 2, 0)

        wait(1)
        compute_row(i + 1, 1, vpar, xlv, vxv)
        return 0

      lax.fori_loop(0, CH // 2, row_pair, 0)
      pltpu.make_async_copy(valt.at[vpar], out_ref.at[n], semo).start()
      return 0

    nboxes = jnp.where(wid < NB - (NB // NW) * NW, NB // NW + 1, NB // NW)
    lax.fori_loop(0, nboxes, run_box, 0)
    pltpu.make_async_copy(valt.at[0], out_ref.at[0], semo).wait()
    pltpu.make_async_copy(valt.at[0], out_ref.at[0], semo).wait()

  return crop_kernel


_YB = 8
_PB = _YB * W
_NYB = H // _YB


_RPY = W * C // 128


def _transpose_body(in_ref, out_ref):
  for yy in range(_YB):
    xt = in_ref[0, :, yy, :].T
    x2 = xt.reshape(W // 2, 2, C)
    a = x2[:, 0, 0:128]
    b = jnp.concatenate([x2[:, 0, 128:C], x2[:, 1, 0:64]], axis=1)
    c = x2[:, 1, 64:C]
    for t, part in enumerate((a, b, c)):
      out_ref[pl.Slice(yy * _RPY + t, W // 2, 3), :] = part


def _to_channel_last(image):
  return pl.pallas_call(
      _transpose_body,
      grid=(NIMG, _NYB),
      in_specs=[pl.BlockSpec((1, C, _YB, W), lambda b, y: (b, 0, y, 0))],
      out_specs=pl.BlockSpec((_YB * _RPY, 128), lambda b, y: (b * _NYB + y, 0)),
      out_shape=jax.ShapeDtypeStruct((NPIX * C // 128, 128), jnp.float32),
  )(image)


def kernel(image, boxes, box_indices):
  img_t = _to_channel_last(image).reshape(NPIX, C)
  out = _build_kernel()(
      img_t, boxes.reshape(NB * 4), box_indices.astype(jnp.int32))
  return out.reshape(NB, CH, CW, C).transpose(0, 3, 1, 2)

# --- scband reference (transcript-rebuilt; emitter-appended) ---
"""Pipeline reference for scband-crop-and-resize-60146722013533 (READ-ONLY COPY).

The authoritative reference and input builder live on the scoring server;
editing this copy changes nothing except your own understanding.
"""

import jax, jax.numpy as jnp
import numpy as np

CROP_H = 14
CROP_W = 14
EXTRAPOLATION_VALUE = 0.0


def setup_inputs(seed: int = 0) -> dict:
    key = jax.random.key(seed)
    k1, k2, k3 = jax.random.split(key, 3)
    image = jax.random.normal(k1, (8, 192, 224, 224), dtype=jnp.float32)
    boxes = jax.random.uniform(k2, (1000, 4), dtype=jnp.float32)
    box_indices = jax.random.randint(k3, (1000,), 0, 8, dtype=jnp.int32)
    return {"image": image, "boxes": boxes, "box_indices": box_indices}


def crop_and_resize(image, boxes, box_indices, crop_h, crop_w, extrapolation_value):
    # Faithful port of TF-style crop_and_resize (NCHW), boxes = (y1, x1, y2, x2) normalized.
    B, C, H, W = image.shape
    y1, x1, y2, x2 = boxes[:, 0], boxes[:, 1], boxes[:, 2], boxes[:, 3]
    height_scale = (y2 - y1) * (H - 1) / (crop_h - 1)
    width_scale = (x2 - x1) * (W - 1) / (crop_w - 1)
    ys = jnp.arange(crop_h, dtype=jnp.float32)
    xs = jnp.arange(crop_w, dtype=jnp.float32)
    in_y = y1[:, None] * (H - 1) + ys[None, :] * height_scale[:, None]  # [N, ch]
    in_x = x1[:, None] * (W - 1) + xs[None, :] * width_scale[:, None]  # [N, cw]
    valid_y = (in_y >= 0) & (in_y <= H - 1)
    valid_x = (in_x >= 0) & (in_x <= W - 1)
    top = jnp.floor(in_y)
    bottom = jnp.ceil(in_y)
    y_lerp = in_y - top
    left = jnp.floor(in_x)
    right = jnp.ceil(in_x)
    x_lerp = in_x - left
    ty = jnp.clip(top, 0, H - 1).astype(jnp.int32)
    by = jnp.clip(bottom, 0, H - 1).astype(jnp.int32)
    lx = jnp.clip(left, 0, W - 1).astype(jnp.int32)
    rx = jnp.clip(right, 0, W - 1).astype(jnp.int32)
    b = box_indices.astype(jnp.int32)[:, None, None]

    def gather(yi, xi):
        # image[b, :, y, x] with advanced indices separated by a slice -> [N, ch, cw, C]
        return image[b, :, yi[:, :, None], xi[:, None, :]]

    tl = gather(ty, lx)
    tr = gather(ty, rx)
    bl = gather(by, lx)
    br = gather(by, rx)
    xl = x_lerp[:, None, :, None]
    yl = y_lerp[:, :, None, None]
    top_v = tl + (tr - tl) * xl
    bot_v = bl + (br - bl) * xl
    val = top_v + (bot_v - top_v) * yl  # [N, ch, cw, C]
    mask = (valid_y[:, :, None] & valid_x[:, None, :])[:, :, :, None]
    val = jnp.where(mask, val, jnp.float32(extrapolation_value))
    return jnp.transpose(val, (0, 3, 1, 2))  # [N, C, ch, cw]


def reference(image, boxes, box_indices):
    return crop_and_resize(image, boxes, box_indices, CROP_H, CROP_W, EXTRAPOLATION_VALUE)

if __name__ == "__main__":
    import jax
    _d = setup_inputs()
    print(jax.jit(kernel)(*tuple(_d.values())))

</pallas_src>

<mosaic_0001>
#map = affine_map<(d0, d1) -> (0, 0)>
#map1 = affine_map<(d0, d1) -> (0)>
module attributes {stable_mosaic.version = 14 : i64} {
  func.func @crop_kernel(%arg0: i32, %arg1: i32, %arg2: memref<401408x192xf32, #tpu.memory_space<hbm>>, %arg3: memref<4000xf32, #tpu.memory_space<hbm>>, %arg4: memref<1000xi32, #tpu.memory_space<hbm>>, %arg5: memref<1000x37632xf32, #tpu.memory_space<hbm>>, %arg6: memref<4000xf32, #tpu.memory_space<vmem>>, %arg7: memref<1000xi32, #tpu.memory_space<vmem>>, %arg8: memref<128xf32, #tpu.memory_space<vmem>>, %arg9: memref<32xi32, #tpu.memory_space<vmem>>, %arg10: memref<2x64xi32, #tpu.memory_space<vmem>>, %arg11: memref<2x56x192xf32, #tpu.memory_space<vmem>>, %arg12: memref<2x37632xf32, #tpu.memory_space<vmem>>, %arg13: memref<!tpu.dma_semaphore, #tpu.memory_space<semaphore_mem>>, %arg14: memref<!tpu.dma_semaphore, #tpu.memory_space<semaphore_mem>>, %arg15: memref<!tpu.dma_semaphore, #tpu.memory_space<semaphore_mem>>) attributes {dimension_semantics = [#tpu.dimension_semantics<core_parallel>, #tpu.dimension_semantics<subcore_parallel>], iteration_bounds = array<i64: 2, 16>, scalar_prefetch = 0 : i64, scratch_operands = 10 : i64, tpu.core_type = #tpu.core_type<sc_vector_subcore>, window_params = [{transform_indices = #map}, {transform_indices = #map1}, {transform_indices = #map1}, {transform_indices = #map}]} {
    %mul3A = arith.constant 2 : i32
    %mul3A_0 = arith.muli %arg1, %mul3A : i32
    %add3A = arith.addi %mul3A_0, %arg0 : i32
    "tpu.region"() ({
      %run_scoped3A = tpu.sem_alloc : memref<!tpu.dma_semaphore, #tpu.memory_space<semaphore_mem>>
      tpu.enqueue_dma source(%arg3 : memref<4000xf32, #tpu.memory_space<hbm>>) target(%arg6 : memref<4000xf32, #tpu.memory_space<vmem>>) target_semaphore(%run_scoped3A : memref<!tpu.dma_semaphore, #tpu.memory_space<semaphore_mem>>)
      tpu.wait_dma2 semaphore(%run_scoped3A : memref<!tpu.dma_semaphore, #tpu.memory_space<semaphore_mem>>) src(%arg3 : memref<4000xf32, #tpu.memory_space<hbm>>) dst(%arg6 : memref<4000xf32, #tpu.memory_space<vmem>>)
      tpu.yield
    }) : () -> ()
    "tpu.region"() ({
      %run_scoped3A = tpu.sem_alloc : memref<!tpu.dma_semaphore, #tpu.memory_space<semaphore_mem>>
      tpu.enqueue_dma source(%arg4 : memref<1000xi32, #tpu.memory_space<hbm>>) target(%arg7 : memref<1000xi32, #tpu.memory_space<vmem>>) target_semaphore(%run_scoped3A : memref<!tpu.dma_semaphore, #tpu.memory_space<semaphore_mem>>)
      tpu.wait_dma2 semaphore(%run_scoped3A : memref<!tpu.dma_semaphore, #tpu.memory_space<semaphore_mem>>) src(%arg4 : memref<1000xi32, #tpu.memory_space<hbm>>) dst(%arg7 : memref<1000xi32, #tpu.memory_space<vmem>>)
      tpu.yield
    }) : () -> ()
    %iota3A = tpu.iota {dimensions = array<i32: 0>} : vector<16xi32>
    %convert_element_type3A = arith.sitofp %iota3A : vector<16xi32> to vector<16xf32>
    %lt3A = arith.constant 8 : i32
    %lt3A_1 = arith.cmpi slt, %add3A, %lt3A : i32
    %jit3A = arith.constant 32 : i32
    %jit3A_2 = arith.constant 31 : i32
    %select_n3A = arith.select %lt3A_1, %jit3A, %jit3A_2 : i32
    %while3A = arith.constant 0 : i32
    %while3A_3 = arith.constant 0 : i32
    %while3A_4 = arith.subi %select_n3A, %while3A : i32
    %while3A_5 = arith.addi %while3A, %while3A_4 : i32
    %while3A_6 = arith.constant 1 : i32
    %while3A_7 = arith.divsi %while3A_4, %while3A_6 : i32
    %while3A_8 = arith.muli %while3A_7, %while3A_6 : i32
    %while3A_9 = arith.addi %while3A, %while3A_8 : i32
    %while3A_10 = arith.constant 1 : i32
    %while3A_11 = scf.for %while3A_41 = %while3A to %while3A_9 step %while3A_10 iter_args(%while3A_42 = %while3A_3) -> (i32)  : i32 {
      %mul3A_43 = arith.constant 32 : i32
      %mul3A_44 = arith.muli %mul3A_43, %while3A_41 : i32
      %add3A_45 = arith.addi %add3A, %mul3A_44 : i32
      %rem3A = arith.constant 2 : i32
      %rem3A_46 = arith.remsi %while3A_41, %rem3A : i32
      %ge3A = arith.constant 2 : i32
      %ge3A_47 = arith.cmpi sge, %while3A_41, %ge3A : i32
      %convert_element_type3A_48 = arith.extui %ge3A_47 : i1 to i32
      %cond3A = arith.constant 0 : i32
      %cond3A_49 = arith.cmpi ne, %convert_element_type3A_48, %cond3A : i32
      scf.if %cond3A_49 {
        %dma_wait3A_182 = arith.constant 0 : i32
        %dma_wait3A_183 = arith.constant 0 : i32
        %dma_wait3A_184 = arith.constant 0 : i32
        %dma_wait3A_185 = tpu.memref_slice %arg12[%dma_wait3A_182, %dma_wait3A_184] : memref<2x37632xf32, #tpu.memory_space<vmem>> -> memref<1x37632xf32, #tpu.memory_space<vmem>>
        %dma_wait3A_186 = tpu.memref_squeeze %dma_wait3A_185 : memref<1x37632xf32, #tpu.memory_space<vmem>> -> memref<37632xf32, #tpu.memory_space<vmem>>
        %dma_wait3A_187 = arith.constant 0 : i32
        %dma_wait3A_188 = tpu.memref_slice %arg5[%dma_wait3A_183, %dma_wait3A_187] : memref<1000x37632xf32, #tpu.memory_space<hbm>> -> memref<1x37632xf32, #tpu.memory_space<hbm>>
        %dma_wait3A_189 = tpu.memref_squeeze %dma_wait3A_188 : memref<1x37632xf32, #tpu.memory_space<hbm>> -> memref<37632xf32, #tpu.memory_space<hbm>>
        %dma_wait3A_190 = arith.constant 0 : i32
        %dma_wait3A_191 = tpu.memref_slice %arg5[%dma_wait3A_183, %dma_wait3A_190] : memref<1000x37632xf32, #tpu.memory_space<hbm>> -> memref<1x37632xf32, #tpu.memory_space<hbm>>
        %dma_wait3A_192 = tpu.memref_squeeze %dma_wait3A_191 : memref<1x37632xf32, #tpu.memory_space<hbm>> -> memref<37632xf32, #tpu.memory_space<hbm>>
        %dma_wait3A_193 = arith.constant 0 : i32
        %dma_wait3A_194 = tpu.memref_slice %arg12[%dma_wait3A_182, %dma_wait3A_193] : memref<2x37632xf32, #tpu.memory_space<vmem>> -> memref<1x37632xf32, #tpu.memory_space<vmem>>
        %dma_wait3A_195 = tpu.memref_squeeze %dma_wait3A_194 : memref<1x37632xf32, #tpu.memory_space<vmem>> -> memref<37632xf32, #tpu.memory_space<vmem>>
        tpu.wait_dma2 semaphore(%arg15 : memref<!tpu.dma_semaphore, #tpu.memory_space<semaphore_mem>>) src(%dma_wait3A_195 : memref<37632xf32, #tpu.memory_space<vmem>>) dst(%dma_wait3A_192 : memref<37632xf32, #tpu.memory_space<hbm>>)
      } else {
      }
      %mul3A_50 = arith.constant 4 : i32
      %mul3A_51 = arith.muli %mul3A_50, %add3A_45 : i32
      %add3A_52 = arith.constant 0 : i32
      %add3A_53 = arith.addi %mul3A_51, %add3A_52 : i32
      %broadcast_in_dim3A = vector.broadcast %add3A_53 : i32 to vector<16xi32>
      %gather3A = tpu.vector_load_idx %arg6[%broadcast_in_dim3A] : memref<4000xf32, #tpu.memory_space<vmem>>[vector<16xi32>], vector<16xf32>,
      %mul3A_54 = arith.constant 4 : i32
      %mul3A_55 = arith.muli %mul3A_54, %add3A_45 : i32
      %add3A_56 = arith.constant 1 : i32
      %add3A_57 = arith.addi %mul3A_55, %add3A_56 : i32
      %broadcast_in_dim3A_58 = vector.broadcast %add3A_57 : i32 to vector<16xi32>
      %gather3A_59 = tpu.vector_load_idx %arg6[%broadcast_in_dim3A_58] : memref<4000xf32, #tpu.memory_space<vmem>>[vector<16xi32>], vector<16xf32>,
      %mul3A_60 = arith.constant 4 : i32
      %mul3A_61 = arith.muli %mul3A_60, %add3A_45 : i32
      %add3A_62 = arith.constant 2 : i32
      %add3A_63 = arith.addi %mul3A_61, %add3A_62 : i32
      %broadcast_in_dim3A_64 = vector.broadcast %add3A_63 : i32 to vector<16xi32>
      %gather3A_65 = tpu.vector_load_idx %arg6[%broadcast_in_dim3A_64] : memref<4000xf32, #tpu.memory_space<vmem>>[vector<16xi32>], vector<16xf32>,
      %mul3A_66 = arith.constant 4 : i32
      %mul3A_67 = arith.muli %mul3A_66, %add3A_45 : i32
      %add3A_68 = arith.constant 3 : i32
      %add3A_69 = arith.addi %mul3A_67, %add3A_68 : i32
      %broadcast_in_dim3A_70 = vector.broadcast %add3A_69 : i32 to vector<16xi32>
      %gather3A_71 = tpu.vector_load_idx %arg6[%broadcast_in_dim3A_70] : memref<4000xf32, #tpu.memory_space<vmem>>[vector<16xi32>], vector<16xf32>,
      %broadcast_in_dim3A_72 = vector.broadcast %add3A_45 : i32 to vector<16xi32>
      %gather3A_73 = tpu.vector_load_idx %arg7[%broadcast_in_dim3A_72] : memref<1000xi32, #tpu.memory_space<vmem>>[vector<16xi32>], vector<16xi32>,
      %sub3A = arith.subf %gather3A_65, %gather3A : vector<16xf32>
      %mul3A_74 = arith.constant 2.230000e+02 : f32
      %mul3A_75 = vector.broadcast %mul3A_74 : f32 to vector<16xf32>
      %mul3A_76 = arith.mulf %sub3A, %mul3A_75 : vector<16xf32>
      %div3A = arith.constant 1.300000e+01 : f32
      %div3A_77 = vector.broadcast %div3A : f32 to vector<16xf32>
      %div3A_78 = arith.divf %mul3A_76, %div3A_77 : vector<16xf32>
      %sub3A_79 = arith.subf %gather3A_71, %gather3A_59 : vector<16xf32>
      %mul3A_80 = arith.constant 2.230000e+02 : f32
      %mul3A_81 = vector.broadcast %mul3A_80 : f32 to vector<16xf32>
      %mul3A_82 = arith.mulf %sub3A_79, %mul3A_81 : vector<16xf32>
      %div3A_83 = arith.constant 1.300000e+01 : f32
      %div3A_84 = vector.broadcast %div3A_83 : f32 to vector<16xf32>
      %div3A_85 = arith.divf %mul3A_82, %div3A_84 : vector<16xf32>
      %mul3A_86 = arith.constant 2.230000e+02 : f32
      %mul3A_87 = vector.broadcast %mul3A_86 : f32 to vector<16xf32>
      %mul3A_88 = arith.mulf %gather3A, %mul3A_87 : vector<16xf32>
      %mul3A_89 = arith.mulf %convert_element_type3A, %div3A_78 : vector<16xf32>
      %add3A_90 = arith.addf %mul3A_88, %mul3A_89 : vector<16xf32>
      %mul3A_91 = arith.constant 2.230000e+02 : f32
      %mul3A_92 = vector.broadcast %mul3A_91 : f32 to vector<16xf32>
      %mul3A_93 = arith.mulf %gather3A_59, %mul3A_92 : vector<16xf32>
      %mul3A_94 = arith.mulf %convert_element_type3A, %div3A_85 : vector<16xf32>
      %add3A_95 = arith.addf %mul3A_93, %mul3A_94 : vector<16xf32>
      %convert_element_type3A_96 = arith.fptosi %add3A_90 : vector<16xf32> to vector<16xi32>
      %max3A = arith.constant 0 : i32
      %max3A_97 = vector.broadcast %max3A : i32 to vector<16xi32>
      %max3A_98 = arith.maxsi %convert_element_type3A_96, %max3A_97 : vector<16xi32>
      %min3A = arith.constant 223 : i32
      %min3A_99 = vector.broadcast %min3A : i32 to vector<16xi32>
      %min3A_100 = arith.minsi %max3A_98, %min3A_99 : vector<16xi32>
      %add3A_101 = arith.constant 1 : i32
      %add3A_102 = vector.broadcast %add3A_101 : i32 to vector<16xi32>
      %add3A_103 = arith.addi %min3A_100, %add3A_102 : vector<16xi32>
      %min3A_104 = arith.constant 223 : i32
      %min3A_105 = vector.broadcast %min3A_104 : i32 to vector<16xi32>
      %min3A_106 = arith.minsi %add3A_103, %min3A_105 : vector<16xi32>
      %convert_element_type3A_107 = arith.sitofp %min3A_100 : vector<16xi32> to vector<16xf32>
      %sub3A_108 = arith.subf %add3A_90, %convert_element_type3A_107 : vector<16xf32>
      %ge3A_109 = arith.constant 0.000000e+00 : f32
      %ge3A_110 = vector.broadcast %ge3A_109 : f32 to vector<16xf32>
      %ge3A_111 = arith.cmpf oge, %add3A_90, %ge3A_110 : vector<16xf32>
      %le3A = arith.constant 2.230000e+02 : f32
      %le3A_112 = vector.broadcast %le3A : f32 to vector<16xf32>
      %le3A_113 = arith.cmpf ole, %add3A_90, %le3A_112 : vector<16xf32>
      %and3A = arith.andi %ge3A_111, %le3A_113 : vector<16xi1>
      %jit3A_114 = arith.constant 1.000000e+00 : f32
      %jit3A_115 = arith.constant 0.000000e+00 : f32
      %broadcast_in_dim3A_116 = vector.broadcast %jit3A_114 : f32 to vector<16xf32>
      %broadcast_in_dim3A_117 = vector.broadcast %jit3A_115 : f32 to vector<16xf32>
      %select_n3A_118 = arith.select %and3A, %broadcast_in_dim3A_116, %broadcast_in_dim3A_117 : vector<16xi1>, vector<16xf32>
      %convert_element_type3A_119 = arith.fptosi %add3A_95 : vector<16xf32> to vector<16xi32>
      %max3A_120 = arith.constant 0 : i32
      %max3A_121 = vector.broadcast %max3A_120 : i32 to vector<16xi32>
      %max3A_122 = arith.maxsi %convert_element_type3A_119, %max3A_121 : vector<16xi32>
      %min3A_123 = arith.constant 223 : i32
      %min3A_124 = vector.broadcast %min3A_123 : i32 to vector<16xi32>
      %min3A_125 = arith.minsi %max3A_122, %min3A_124 : vector<16xi32>
      %add3A_126 = arith.constant 1 : i32
      %add3A_127 = vector.broadcast %add3A_126 : i32 to vector<16xi32>
      %add3A_128 = arith.addi %min3A_125, %add3A_127 : vector<16xi32>
      %min3A_129 = arith.constant 223 : i32
      %min3A_130 = vector.broadcast %min3A_129 : i32 to vector<16xi32>
      %min3A_131 = arith.minsi %add3A_128, %min3A_130 : vector<16xi32>
      %convert_element_type3A_132 = arith.sitofp %min3A_125 : vector<16xi32> to vector<16xf32>
      %sub3A_133 = arith.subf %add3A_95, %convert_element_type3A_132 : vector<16xf32>
      %ge3A_134 = arith.constant 0.000000e+00 : f32
      %ge3A_135 = vector.broadcast %ge3A_134 : f32 to vector<16xf32>
      %ge3A_136 = arith.cmpf oge, %add3A_95, %ge3A_135 : vector<16xf32>
      %le3A_137 = arith.constant 2.230000e+02 : f32
      %le3A_138 = vector.broadcast %le3A_137 : f32 to vector<16xf32>
      %le3A_139 = arith.cmpf ole, %add3A_95, %le3A_138 : vector<16xf32>
      %and3A_140 = arith.andi %ge3A_136, %le3A_139 : vector<16xi1>
      %jit3A_141 = arith.constant 1.000000e+00 : f32
      %jit3A_142 = arith.constant 0.000000e+00 : f32
      %broadcast_in_dim3A_143 = vector.broadcast %jit3A_141 : f32 to vector<16xf32>
      %broadcast_in_dim3A_144 = vector.broadcast %jit3A_142 : f32 to vector<16xf32>
      %select_n3A_145 = arith.select %and3A_140, %broadcast_in_dim3A_143, %broadcast_in_dim3A_144 : vector<16xi1>, vector<16xf32>
      %swap3A = arith.constant 0 : index
      %swap3A_146 = tpu.vector_load %arg8[%swap3A] {strides = array<i32>} : memref<128xf32, #tpu.memory_space<vmem>>, vector<16xf32>,
      tpu.vector_store %arg8[%swap3A], %sub3A_108 {strides = array<i32>} : memref<128xf32, #tpu.memory_space<vmem>>, vector<16xf32>,
      %swap3A_147 = arith.constant 16 : index
      %swap3A_148 = tpu.vector_load %arg8[%swap3A_147] {strides = array<i32>} : memref<128xf32, #tpu.memory_space<vmem>>, vector<16xf32>,
      tpu.vector_store %arg8[%swap3A_147], %select_n3A_118 {strides = array<i32>} : memref<128xf32, #tpu.memory_space<vmem>>, vector<16xf32>,
      %mul3A_149 = arith.constant 50176 : i32
      %mul3A_150 = vector.broadcast %mul3A_149 : i32 to vector<16xi32>
      %mul3A_151 = arith.muli %gather3A_73, %mul3A_150 : vector<16xi32>
      %mul3A_152 = arith.constant 224 : i32
      %mul3A_153 = vector.broadcast %mul3A_152 : i32 to vector<16xi32>
      %mul3A_154 = arith.muli %min3A_100, %mul3A_153 : vector<16xi32>
      %add3A_155 = arith.addi %mul3A_151, %mul3A_154 : vector<16xi32>
      %swap3A_156 = arith.constant 0 : index
      %swap3A_157 = tpu.vector_load %arg9[%swap3A_156] {strides = array<i32>} : memref<32xi32, #tpu.memory_space<vmem>>, vector<16xi32>,
      tpu.vector_store %arg9[%swap3A_156], %add3A_155 {strides = array<i32>} : memref<32xi32, #tpu.memory_space<vmem>>, vector<16xi32>,
      %mul3A_158 = arith.constant 224 : i32
      %mul3A_159 = vector.broadcast %mul3A_158 : i32 to vector<16xi32>
      %mul3A_160 = arith.muli %min3A_106, %mul3A_159 : vector<16xi32>
      %add3A_161 = arith.addi %mul3A_151, %mul3A_160 : vector<16xi32>
      %swap3A_162 = arith.constant 16 : index
      %swap3A_163 = tpu.vector_load %arg9[%swap3A_162] {strides = array<i32>} : memref<32xi32, #tpu.memory_space<vmem>>, vector<16xi32>,
      tpu.vector_store %arg9[%swap3A_162], %add3A_161 {strides = array<i32>} : memref<32xi32, #tpu.memory_space<vmem>>, vector<16xi32>,
      %scan3A = arith.constant 0 : i32
      %scan3A_164 = arith.constant 0 : i32
      %scan3A_165 = arith.constant 7 : i32
      %scan3A_166 = arith.addi %scan3A_164, %scan3A_165 : i32
      %scan3A_167 = arith.constant 1 : i32
      %scan3A_168 = scf.for %scan3A_182 = %scan3A_164 to %scan3A_166 step %scan3A_167 iter_args(%scan3A_183 = %scan3A) -> (i32)  : i32 {
        %mul3A_184 = arith.constant 2 : i32
        %mul3A_185 = arith.muli %mul3A_184, %scan3A_182 : i32
        %eq3A = arith.constant 0 : i32
        %eq3A_186 = arith.cmpi eq, %scan3A_182, %eq3A : i32
        %convert_element_type3A_187 = arith.extui %eq3A_186 : i1 to i32
        %cond3A_188 = arith.constant 0 : i32
        %cond3A_189 = arith.cmpi ne, %convert_element_type3A_187, %cond3A_188 : i32
        scf.if %cond3A_189 {
          %add3A_321 = arith.constant 0 : i32
          %add3A_322 = arith.addi %add3A_321, %mul3A_185 : i32
          %broadcast_in_dim3A_323 = vector.broadcast %add3A_322 : i32 to vector<16xi32>
          %gather3A_324 = tpu.vector_load_idx %arg9[%broadcast_in_dim3A_323] : memref<32xi32, #tpu.memory_space<vmem>>[vector<16xi32>], vector<16xi32>,
          %add3A_325 = arith.constant 16 : i32
          %add3A_326 = arith.addi %add3A_325, %mul3A_185 : i32
          %broadcast_in_dim3A_327 = vector.broadcast %add3A_326 : i32 to vector<16xi32>
          %gather3A_328 = tpu.vector_load_idx %arg9[%broadcast_in_dim3A_327] : memref<32xi32, #tpu.memory_space<vmem>>[vector<16xi32>], vector<16xi32>,
          %add3A_329 = arith.addi %gather3A_324, %min3A_125 : vector<16xi32>
          %swap3A_330 = arith.constant 0 : i32
          %swap3A_331 = arith.index_cast %swap3A_330 : i32 to index
          %swap3A_332 = arith.constant 0 : index
          %swap3A_333 = tpu.vector_load %arg10[%swap3A_331, %swap3A_332] {strides = array<i32>} : memref<2x64xi32, #tpu.memory_space<vmem>>, vector<16xi32>,
          tpu.vector_store %arg10[%swap3A_331, %swap3A_332], %add3A_329 {strides = array<i32>} : memref<2x64xi32, #tpu.memory_space<vmem>>, vector<16xi32>,
          %add3A_334 = arith.addi %gather3A_324, %min3A_131 : vector<16xi32>
          %swap3A_335 = arith.constant 0 : i32
          %swap3A_336 = arith.index_cast %swap3A_335 : i32 to index
          %swap3A_337 = arith.constant 14 : index
          %swap3A_338 = tpu.vector_load %arg10[%swap3A_336, %swap3A_337] {strides = array<i32>} : memref<2x64xi32, #tpu.memory_space<vmem>>, vector<16xi32>,
          tpu.vector_store %arg10[%swap3A_336, %swap3A_337], %add3A_334 {strides = array<i32>} : memref<2x64xi32, #tpu.memory_space<vmem>>, vector<16xi32>,
          %add3A_339 = arith.addi %gather3A_328, %min3A_125 : vector<16xi32>
          %swap3A_340 = arith.constant 0 : i32
          %swap3A_341 = arith.index_cast %swap3A_340 : i32 to index
          %swap3A_342 = arith.constant 28 : index
          %swap3A_343 = tpu.vector_load %arg10[%swap3A_341, %swap3A_342] {strides = array<i32>} : memref<2x64xi32, #tpu.memory_space<vmem>>, vector<16xi32>,
          tpu.vector_store %arg10[%swap3A_341, %swap3A_342], %add3A_339 {strides = array<i32>} : memref<2x64xi32, #tpu.memory_space<vmem>>, vector<16xi32>,
          %add3A_344 = arith.addi %gather3A_328, %min3A_131 : vector<16xi32>
          %swap3A_345 = arith.constant 0 : i32
          %swap3A_346 = arith.index_cast %swap3A_345 : i32 to index
          %swap3A_347 = arith.constant 42 : index
          %swap3A_348 = tpu.vector_load %arg10[%swap3A_346, %swap3A_347] {strides = array<i32>} : memref<2x64xi32, #tpu.memory_space<vmem>>, vector<16xi32>,
          tpu.vector_store %arg10[%swap3A_346, %swap3A_347], %add3A_344 {strides = array<i32>} : memref<2x64xi32, #tpu.memory_space<vmem>>, vector<16xi32>,
          %dma_start3A_349 = arith.constant 0 : i32
          %dma_start3A_350 = arith.constant 0 : i32
          %dma_start3A_351 = arith.constant 0 : i32
          %dma_start3A_352 = arith.constant 0 : i32
          %dma_start3A_353 = tpu.memref_slice %arg11[%dma_start3A_350, %dma_start3A_351, %dma_start3A_352] : memref<2x56x192xf32, #tpu.memory_space<vmem>> -> memref<1x56x192xf32, #tpu.memory_space<vmem>>
          %dma_start3A_354 = tpu.memref_squeeze %dma_start3A_353 : memref<1x56x192xf32, #tpu.memory_space<vmem>> -> memref<56x192xf32, #tpu.memory_space<vmem>>
          %dma_start3A_355 = arith.constant 0 : i32
          %dma_start3A_356 = tpu.memref_slice %arg10[%dma_start3A_349, %dma_start3A_355] : memref<2x64xi32, #tpu.memory_space<vmem>> -> memref<1x56xi32, #tpu.memory_space<vmem>>
          %dma_start3A_357 = tpu.memref_squeeze %dma_start3A_356 : memref<1x56xi32, #tpu.memory_space<vmem>> -> memref<56xi32, #tpu.memory_space<vmem>>
          %dma_start3A_358 = arith.constant 0 : i32
          %dma_start3A_359 = arith.constant 0 : i32
          %dma_start3A_360 = tpu.memref_slice %arg2[%dma_start3A_358, %dma_start3A_359] : memref<401408x192xf32, #tpu.memory_space<hbm>> -> memref<401408x192xf32, #tpu.memory_space<hbm>>
          tpu.enqueue_indirect_dma source(%dma_start3A_360 : memref<401408x192xf32, #tpu.memory_space<hbm>>) target(%dma_start3A_354 : memref<56x192xf32, #tpu.memory_space<vmem>>) offsets(%dma_start3A_357 : memref<56xi32, #tpu.memory_space<vmem>>) semaphore(%arg13 : memref<!tpu.dma_semaphore, #tpu.memory_space<semaphore_mem>>)
        } else {
        }
        %add3A_190 = arith.constant 1 : i32
        %add3A_191 = arith.addi %mul3A_185, %add3A_190 : i32
        %add3A_192 = arith.constant 0 : i32
        %add3A_193 = arith.addi %add3A_192, %add3A_191 : i32
        %broadcast_in_dim3A_194 = vector.broadcast %add3A_193 : i32 to vector<16xi32>
        %gather3A_195 = tpu.vector_load_idx %arg9[%broadcast_in_dim3A_194] : memref<32xi32, #tpu.memory_space<vmem>>[vector<16xi32>], vector<16xi32>,
        %add3A_196 = arith.constant 16 : i32
        %add3A_197 = arith.addi %add3A_196, %add3A_191 : i32
        %broadcast_in_dim3A_198 = vector.broadcast %add3A_197 : i32 to vector<16xi32>
        %gather3A_199 = tpu.vector_load_idx %arg9[%broadcast_in_dim3A_198] : memref<32xi32, #tpu.memory_space<vmem>>[vector<16xi32>], vector<16xi32>,
        %add3A_200 = arith.addi %gather3A_195, %min3A_125 : vector<16xi32>
        %swap3A_201 = arith.constant 1 : i32
        %swap3A_202 = arith.index_cast %swap3A_201 : i32 to index
        %swap3A_203 = arith.constant 0 : index
        %swap3A_204 = tpu.vector_load %arg10[%swap3A_202, %swap3A_203] {strides = array<i32>} : memref<2x64xi32, #tpu.memory_space<vmem>>, vector<16xi32>,
        tpu.vector_store %arg10[%swap3A_202, %swap3A_203], %add3A_200 {strides = array<i32>} : memref<2x64xi32, #tpu.memory_space<vmem>>, vector<16xi32>,
        %add3A_205 = arith.addi %gather3A_195, %min3A_131 : vector<16xi32>
        %swap3A_206 = arith.constant 1 : i32
        %swap3A_207 = arith.index_cast %swap3A_206 : i32 to index
        %swap3A_208 = arith.constant 14 : index
        %swap3A_209 = tpu.vector_load %arg10[%swap3A_207, %swap3A_208] {strides = array<i32>} : memref<2x64xi32, #tpu.memory_space<vmem>>, vector<16xi32>,
        tpu.vector_store %arg10[%swap3A_207, %swap3A_208], %add3A_205 {strides = array<i32>} : memref<2x64xi32, #tpu.memory_space<vmem>>, vector<16xi32>,
        %add3A_210 = arith.addi %gather3A_199, %min3A_125 : vector<16xi32>
        %swap3A_211 = arith.constant 1 : i32
        %swap3A_212 = arith.index_cast %swap3A_211 : i32 to index
        %swap3A_213 = arith.constant 28 : index
        %swap3A_214 = tpu.vector_load %arg10[%swap3A_212, %swap3A_213] {strides = array<i32>} : memref<2x64xi32, #tpu.memory_space<vmem>>, vector<16xi32>,
        tpu.vector_store %arg10[%swap3A_212, %swap3A_213], %add3A_210 {strides = array<i32>} : memref<2x64xi32, #tpu.memory_space<vmem>>, vector<16xi32>,
        %add3A_215 = arith.addi %gather3A_199, %min3A_131 : vector<16xi32>
        %swap3A_216 = arith.constant 1 : i32
        %swap3A_217 = arith.index_cast %swap3A_216 : i32 to index
        %swap3A_218 = arith.constant 42 : index
        %swap3A_219 = tpu.vector_load %arg10[%swap3A_217, %swap3A_218] {strides = array<i32>} : memref<2x64xi32, #tpu.memory_space<vmem>>, vector<16xi32>,
        tpu.vector_store %arg10[%swap3A_217, %swap3A_218], %add3A_215 {strides = array<i32>} : memref<2x64xi32, #tpu.memory_space<vmem>>, vector<16xi32>,
        %dma_start3A_220 = arith.constant 1 : i32
        %dma_start3A_221 = arith.constant 1 : i32
        %dma_start3A_222 = arith.constant 0 : i32
        %dma_start3A_223 = arith.constant 0 : i32
        %dma_start3A_224 = tpu.memref_slice %arg11[%dma_start3A_221, %dma_start3A_222, %dma_start3A_223] : memref<2x56x192xf32, #tpu.memory_space<vmem>> -> memref<1x56x192xf32, #tpu.memory_space<vmem>>
        %dma_start3A_225 = tpu.memref_squeeze %dma_start3A_224 : memref<1x56x192xf32, #tpu.memory_space<vmem>> -> memref<56x192xf32, #tpu.memory_space<vmem>>
        %dma_start3A_226 = arith.constant 0 : i32
        %dma_start3A_227 = tpu.memref_slice %arg10[%dma_start3A_220, %dma_start3A_226] : memref<2x64xi32, #tpu.memory_space<vmem>> -> memref<1x56xi32, #tpu.memory_space<vmem>>
        %dma_start3A_228 = tpu.memref_squeeze %dma_start3A_227 : memref<1x56xi32, #tpu.memory_space<vmem>> -> memref<56xi32, #tpu.memory_space<vmem>>
        %dma_start3A_229 = arith.constant 0 : i32
        %dma_start3A_230 = arith.constant 0 : i32
        %dma_start3A_231 = tpu.memref_slice %arg2[%dma_start3A_229, %dma_start3A_230] : memref<401408x192xf32, #tpu.memory_space<hbm>> -> memref<401408x192xf32, #tpu.memory_space<hbm>>
        tpu.enqueue_indirect_dma source(%dma_start3A_231 : memref<401408x192xf32, #tpu.memory_space<hbm>>) target(%dma_start3A_225 : memref<56x192xf32, #tpu.memory_space<vmem>>) offsets(%dma_start3A_228 : memref<56xi32, #tpu.memory_space<vmem>>) semaphore(%arg14 : memref<!tpu.dma_semaphore, #tpu.memory_space<semaphore_mem>>)
        %dma_wait3A_232 = arith.constant 0 : i32
        %dma_wait3A_233 = arith.constant 0 : i32
        %dma_wait3A_234 = arith.constant 0 : i32
        %dma_wait3A_235 = arith.constant 0 : i32
        %dma_wait3A_236 = tpu.memref_slice %arg11[%dma_wait3A_233, %dma_wait3A_234, %dma_wait3A_235] : memref<2x56x192xf32, #tpu.memory_space<vmem>> -> memref<1x56x192xf32, #tpu.memory_space<vmem>>
        %dma_wait3A_237 = tpu.memref_squeeze %dma_wait3A_236 : memref<1x56x192xf32, #tpu.memory_space<vmem>> -> memref<56x192xf32, #tpu.memory_space<vmem>>
        %dma_wait3A_238 = arith.constant 0 : i32
        %dma_wait3A_239 = tpu.memref_slice %arg10[%dma_wait3A_232, %dma_wait3A_238] : memref<2x64xi32, #tpu.memory_space<vmem>> -> memref<1x56xi32, #tpu.memory_space<vmem>>
        %dma_wait3A_240 = tpu.memref_squeeze %dma_wait3A_239 : memref<1x56xi32, #tpu.memory_space<vmem>> -> memref<56xi32, #tpu.memory_space<vmem>>
        %dma_wait3A_241 = arith.constant 0 : i32
        %dma_wait3A_242 = arith.constant 0 : i32
        %dma_wait3A_243 = tpu.memref_slice %arg2[%dma_wait3A_241, %dma_wait3A_242] : memref<401408x192xf32, #tpu.memory_space<hbm>> -> memref<401408x192xf32, #tpu.memory_space<hbm>>
        tpu.wait_indirect_dma semaphore(%arg13 : memref<!tpu.dma_semaphore, #tpu.memory_space<semaphore_mem>>) src(%dma_wait3A_243 : memref<401408x192xf32, #tpu.memory_space<hbm>>) dst(%dma_wait3A_237 : memref<56x192xf32, #tpu.memory_space<vmem>>)
        %add3A_244 = arith.constant 0 : i32
        %add3A_245 = arith.addi %add3A_244, %mul3A_185 : i32
        %broadcast_in_dim3A_246 = vector.broadcast %add3A_245 : i32 to vector<16xi32>
        %gather3A_247 = tpu.vector_load_idx %arg8[%broadcast_in_dim3A_246] : memref<128xf32, #tpu.memory_space<vmem>>[vector<16xi32>], vector<16xf32>,
        %add3A_248 = arith.constant 16 : i32
        %add3A_249 = arith.addi %add3A_248, %mul3A_185 : i32
        %broadcast_in_dim3A_250 = vector.broadcast %add3A_249 : i32 to vector<16xi32>
        %gather3A_251 = tpu.vector_load_idx %arg8[%broadcast_in_dim3A_250] : memref<128xf32, #tpu.memory_space<vmem>>[vector<16xi32>], vector<16xf32>,
        %mul3A_252 = arith.mulf %gather3A_251, %select_n3A_145 : vector<16xf32>
        %mul3A_253 = arith.mulf %gather3A_247, %mul3A_252 : vector<16xf32>
        %sub3A_254 = arith.subf %mul3A_252, %mul3A_253 : vector<16xf32>
        %sub3A_255 = arith.constant 1.000000e+00 : f32
        %sub3A_256 = vector.broadcast %sub3A_255 : f32 to vector<16xf32>
        %sub3A_257 = arith.subf %sub3A_256, %sub3A_133 : vector<16xf32>
        %mul3A_258 = arith.mulf %sub3A_257, %sub3A_254 : vector<16xf32>
        %swap3A_259 = arith.constant 64 : index
        %swap3A_260 = tpu.vector_load %arg8[%swap3A_259] {strides = array<i32>} : memref<128xf32, #tpu.memory_space<vmem>>, vector<16xf32>,
        tpu.vector_store %arg8[%swap3A_259], %mul3A_258 {strides = array<i32>} : memref<128xf32, #tpu.memory_space<vmem>>, vector<16xf32>,
        %mul3A_261 = arith.mulf %sub3A_133, %sub3A_254 : vector<16xf32>
        %swap3A_262 = arith.constant 80 : index
        %swap3A_263 = tpu.vector_load %arg8[%swap3A_262] {strides = array<i32>} : memref<128xf32, #tpu.memory_space<vmem>>, vector<16xf32>,
        tpu.vector_store %arg8[%swap3A_262], %mul3A_261 {strides = array<i32>} : memref<128xf32, #tpu.memory_space<vmem>>, vector<16xf32>,
        %mul3A_264 = arith.mulf %sub3A_257, %mul3A_253 : vector<16xf32>
        %swap3A_265 = arith.constant 96 : index
        %swap3A_266 = tpu.vector_load %arg8[%swap3A_265] {strides = array<i32>} : memref<128xf32, #tpu.memory_space<vmem>>, vector<16xf32>,
        tpu.vector_store %arg8[%swap3A_265], %mul3A_264 {strides = array<i32>} : memref<128xf32, #tpu.memory_space<vmem>>, vector<16xf32>,
        %mul3A_267 = arith.mulf %sub3A_133, %mul3A_253 : vector<16xf32>
        %swap3A_268 = arith.constant 112 : index
        %swap3A_269 = tpu.vector_load %arg8[%swap3A_268] {strides = array<i32>} : memref<128xf32, #tpu.memory_space<vmem>>, vector<16xf32>,
        tpu.vector_store %arg8[%swap3A_268], %mul3A_267 {strides = array<i32>} : memref<128xf32, #tpu.memory_space<vmem>>, vector<16xf32>,
        %parallel_loop3A = arith.constant 0 : i32
        %parallel_loop3A_270 = arith.constant 14 : i32
        %parallel_loop3A_271 = arith.constant 1 : i32
        scf.for %parallel_loop3A_321 = %parallel_loop3A to %parallel_loop3A_270 step %parallel_loop3A_271  : i32 {
          %parallel_loop3A_322 = arith.constant 64 : i32
          %parallel_loop3A_323 = arith.addi %parallel_loop3A_322, %parallel_loop3A_321 : i32
          %parallel_loop3A_324 = vector.broadcast %parallel_loop3A_323 : i32 to vector<16xi32>
          %parallel_loop3A_325 = tpu.vector_load_idx %arg8[%parallel_loop3A_324] : memref<128xf32, #tpu.memory_space<vmem>>[vector<16xi32>], vector<16xf32>,
          %parallel_loop3A_326 = arith.constant 80 : i32
          %parallel_loop3A_327 = arith.addi %parallel_loop3A_326, %parallel_loop3A_321 : i32
          %parallel_loop3A_328 = vector.broadcast %parallel_loop3A_327 : i32 to vector<16xi32>
          %parallel_loop3A_329 = tpu.vector_load_idx %arg8[%parallel_loop3A_328] : memref<128xf32, #tpu.memory_space<vmem>>[vector<16xi32>], vector<16xf32>,
          %parallel_loop3A_330 = arith.constant 96 : i32
          %parallel_loop3A_331 = arith.addi %parallel_loop3A_330, %parallel_loop3A_321 : i32
          %parallel_loop3A_332 = vector.broadcast %parallel_loop3A_331 : i32 to vector<16xi32>
          %parallel_loop3A_333 = tpu.vector_load_idx %arg8[%parallel_loop3A_332] : memref<128xf32, #tpu.memory_space<vmem>>[vector<16xi32>], vector<16xf32>,
          %parallel_loop3A_334 = arith.constant 112 : i32
          %parallel_loop3A_335 = arith.addi %parallel_loop3A_334, %parallel_loop3A_321 : i32
          %parallel_loop3A_336 = vector.broadcast %parallel_loop3A_335 : i32 to vector<16xi32>
          %parallel_loop3A_337 = tpu.vector_load_idx %arg8[%parallel_loop3A_336] : memref<128xf32, #tpu.memory_space<vmem>>[vector<16xi32>], vector<16xf32>,
          %parallel_loop3A_338 = arith.constant 14 : i32
          %parallel_loop3A_339 = arith.muli %mul3A_185, %parallel_loop3A_338 : i32
          %parallel_loop3A_340 = arith.addi %parallel_loop3A_339, %parallel_loop3A_321 : i32
          %parallel_loop3A_341 = arith.constant 192 : i32
          %parallel_loop3A_342 = arith.muli %parallel_loop3A_340, %parallel_loop3A_341 : i32
          %parallel_loop3A_343 = arith.constant 0 : i32
          %parallel_loop3A_344 = arith.index_cast %parallel_loop3A_343 : i32 to index
          %parallel_loop3A_345 = arith.index_cast %parallel_loop3A_321 : i32 to index
          %parallel_loop3A_346 = arith.constant 0 : index
          %parallel_loop3A_347 = tpu.vector_load %arg11[%parallel_loop3A_344, %parallel_loop3A_345, %parallel_loop3A_346] {strides = array<i32>} : memref<2x56x192xf32, #tpu.memory_space<vmem>>, vector<16xf32>,
          %parallel_loop3A_348 = arith.mulf %parallel_loop3A_347, %parallel_loop3A_325 : vector<16xf32>
          %parallel_loop3A_349 = arith.constant 14 : i32
          %parallel_loop3A_350 = arith.addi %parallel_loop3A_349, %parallel_loop3A_321 : i32
          %parallel_loop3A_351 = arith.constant 0 : i32
          %parallel_loop3A_352 = arith.index_cast %parallel_loop3A_351 : i32 to index
          %parallel_loop3A_353 = arith.index_cast %parallel_loop3A_350 : i32 to index
          %parallel_loop3A_354 = arith.constant 0 : index
          %parallel_loop3A_355 = tpu.vector_load %arg11[%parallel_loop3A_352, %parallel_loop3A_353, %parallel_loop3A_354] {strides = array<i32>} : memref<2x56x192xf32, #tpu.memory_space<vmem>>, vector<16xf32>,
          %parallel_loop3A_356 = arith.mulf %parallel_loop3A_355, %parallel_loop3A_329 : vector<16xf32>
          %parallel_loop3A_357 = arith.addf %parallel_loop3A_348, %parallel_loop3A_356 : vector<16xf32>
          %parallel_loop3A_358 = arith.constant 28 : i32
          %parallel_loop3A_359 = arith.addi %parallel_loop3A_358, %parallel_loop3A_321 : i32
          %parallel_loop3A_360 = arith.constant 0 : i32
          %parallel_loop3A_361 = arith.index_cast %parallel_loop3A_360 : i32 to index
          %parallel_loop3A_362 = arith.index_cast %parallel_loop3A_359 : i32 to index
          %parallel_loop3A_363 = arith.constant 0 : index
          %parallel_loop3A_364 = tpu.vector_load %arg11[%parallel_loop3A_361, %parallel_loop3A_362, %parallel_loop3A_363] {strides = array<i32>} : memref<2x56x192xf32, #tpu.memory_space<vmem>>, vector<16xf32>,
          %parallel_loop3A_365 = arith.mulf %parallel_loop3A_364, %parallel_loop3A_333 : vector<16xf32>
          %parallel_loop3A_366 = arith.addf %parallel_loop3A_357, %parallel_loop3A_365 : vector<16xf32>
          %parallel_loop3A_367 = arith.constant 42 : i32
          %parallel_loop3A_368 = arith.addi %parallel_loop3A_367, %parallel_loop3A_321 : i32
          %parallel_loop3A_369 = arith.constant 0 : i32
          %parallel_loop3A_370 = arith.index_cast %parallel_loop3A_369 : i32 to index
          %parallel_loop3A_371 = arith.index_cast %parallel_loop3A_368 : i32 to index
          %parallel_loop3A_372 = arith.constant 0 : index
          %parallel_loop3A_373 = tpu.vector_load %arg11[%parallel_loop3A_370, %parallel_loop3A_371, %parallel_loop3A_372] {strides = array<i32>} : memref<2x56x192xf32, #tpu.memory_space<vmem>>, vector<16xf32>,
          %parallel_loop3A_374 = arith.mulf %parallel_loop3A_373, %parallel_loop3A_337 : vector<16xf32>
          %parallel_loop3A_375 = arith.addf %parallel_loop3A_366, %parallel_loop3A_374 : vector<16xf32>
          %parallel_loop3A_376 = arith.constant 0 : i32
          %parallel_loop3A_377 = arith.addi %parallel_loop3A_342, %parallel_loop3A_376 : i32
          %parallel_loop3A_378 = arith.index_cast %rem3A_46 : i32 to index
          %parallel_loop3A_379 = arith.index_cast %parallel_loop3A_377 : i32 to index
          %parallel_loop3A_380 = tpu.vector_load %arg12[%parallel_loop3A_378, %parallel_loop3A_379] {strides = array<i32>} : memref<2x37632xf32, #tpu.memory_space<vmem>>, vector<16xf32>,
          tpu.vector_store %arg12[%parallel_loop3A_378, %parallel_loop3A_379], %parallel_loop3A_375 {strides = array<i32>} : memref<2x37632xf32, #tpu.memory_space<vmem>>, vector<16xf32>,
          %parallel_loop3A_381 = arith.constant 0 : i32
          %parallel_loop3A_382 = arith.index_cast %parallel_loop3A_381 : i32 to index
          %parallel_loop3A_383 = arith.index_cast %parallel_loop3A_321 : i32 to index
          %parallel_loop3A_384 = arith.constant 16 : index
          %parallel_loop3A_385 = tpu.vector_load %arg11[%parallel_loop3A_382, %parallel_loop3A_383, %parallel_loop3A_384] {strides = array<i32>} : memref<2x56x192xf32, #tpu.memory_space<vmem>>, vector<16xf32>,
          %parallel_loop3A_386 = arith.mulf %parallel_loop3A_385, %parallel_loop3A_325 : vector<16xf32>
          %parallel_loop3A_387 = arith.constant 14 : i32
          %parallel_loop3A_388 = arith.addi %parallel_loop3A_387, %parallel_loop3A_321 : i32
          %parallel_loop3A_389 = arith.constant 0 : i32
          %parallel_loop3A_390 = arith.index_cast %parallel_loop3A_389 : i32 to index
          %parallel_loop3A_391 = arith.index_cast %parallel_loop3A_388 : i32 to index
          %parallel_loop3A_392 = arith.constant 16 : index
          %parallel_loop3A_393 = tpu.vector_load %arg11[%parallel_loop3A_390, %parallel_loop3A_391, %parallel_loop3A_392] {strides = array<i32>} : memref<2x56x192xf32, #tpu.memory_space<vmem>>, vector<16xf32>,
          %parallel_loop3A_394 = arith.mulf %parallel_loop3A_393, %parallel_loop3A_329 : vector<16xf32>
          %parallel_loop3A_395 = arith.addf %parallel_loop3A_386, %parallel_loop3A_394 : vector<16xf32>
          %parallel_loop3A_396 = arith.constant 28 : i32
          %parallel_loop3A_397 = arith.addi %parallel_loop3A_396, %parallel_loop3A_321 : i32
          %parallel_loop3A_398 = arith.constant 0 : i32
          %parallel_loop3A_399 = arith.index_cast %parallel_loop3A_398 : i32 to index
          %parallel_loop3A_400 = arith.index_cast %parallel_loop3A_397 : i32 to index
          %parallel_loop3A_401 = arith.constant 16 : index
          %parallel_loop3A_402 = tpu.vector_load %arg11[%parallel_loop3A_399, %parallel_loop3A_400, %parallel_loop3A_401] {strides = array<i32>} : memref<2x56x192xf32, #tpu.memory_space<vmem>>, vector<16xf32>,
          %parallel_loop3A_403 = arith.mulf %parallel_loop3A_402, %parallel_loop3A_333 : vector<16xf32>
          %parallel_loop3A_404 = arith.addf %parallel_loop3A_395, %parallel_loop3A_403 : vector<16xf32>
          %parallel_loop3A_405 = arith.constant 42 : i32
          %parallel_loop3A_406 = arith.addi %parallel_loop3A_405, %parallel_loop3A_321 : i32
          %parallel_loop3A_407 = arith.constant 0 : i32
          %parallel_loop3A_408 = arith.index_cast %parallel_loop3A_407 : i32 to index
          %parallel_loop3A_409 = arith.index_cast %parallel_loop3A_406 : i32 to index
          %parallel_loop3A_410 = arith.constant 16 : index
          %parallel_loop3A_411 = tpu.vector_load %arg11[%parallel_loop3A_408, %parallel_loop3A_409, %parallel_loop3A_410] {strides = array<i32>} : memref<2x56x192xf32, #tpu.memory_space<vmem>>, vector<16xf32>,
          %parallel_loop3A_412 = arith.mulf %parallel_loop3A_411, %parallel_loop3A_337 : vector<16xf32>
          %parallel_loop3A_413 = arith.addf %parallel_loop3A_404, %parallel_loop3A_412 : vector<16xf32>
          %parallel_loop3A_414 = arith.constant 16 : i32
          %parallel_loop3A_415 = arith.addi %parallel_loop3A_342, %parallel_loop3A_414 : i32
          %parallel_loop3A_416 = arith.index_cast %rem3A_46 : i32 to index
          %parallel_loop3A_417 = arith.index_cast %parallel_loop3A_415 : i32 to index
          %parallel_loop3A_418 = tpu.vector_load %arg12[%parallel_loop3A_416, %parallel_loop3A_417] {strides = array<i32>} : memref<2x37632xf32, #tpu.memory_space<vmem>>, vector<16xf32>,
          tpu.vector_store %arg12[%parallel_loop3A_416, %parallel_loop3A_417], %parallel_loop3A_413 {strides = array<i32>} : memref<2x37632xf32, #tpu.memory_space<vmem>>, vector<16xf32>,
          %parallel_loop3A_419 = arith.constant 0 : i32
          %parallel_loop3A_420 = arith.index_cast %parallel_loop3A_419 : i32 to index
          %parallel_loop3A_421 = arith.index_cast %parallel_loop3A_321 : i32 to index
          %parallel_loop3A_422 = arith.constant 32 : index
          %parallel_loop3A_423 = tpu.vector_load %arg11[%parallel_loop3A_420, %parallel_loop3A_421, %parallel_loop3A_422] {strides = array<i32>} : memref<2x56x192xf32, #tpu.memory_space<vmem>>, vector<16xf32>,
          %parallel_loop3A_424 = arith.mulf %parallel_loop3A_423, %parallel_loop3A_325 : vector<16xf32>
          %parallel_loop3A_425 = arith.constant 14 : i32
          %parallel_loop3A_426 = arith.addi %parallel_loop3A_425, %parallel_loop3A_321 : i32
          %parallel_loop3A_427 = arith.constant 0 : i32
          %parallel_loop3A_428 = arith.index_cast %parallel_loop3A_427 : i32 to index
          %parallel_loop3A_429 = arith.index_cast %parallel_loop3A_426 : i32 to index
          %parallel_loop3A_430 = arith.constant 32 : index
          %parallel_loop3A_431 = tpu.vector_load %arg11[%parallel_loop3A_428, %parallel_loop3A_429, %parallel_loop3A_430] {strides = array<i32>} : memref<2x56x192xf32, #tpu.memory_space<vmem>>, vector<16xf32>,
          %parallel_loop3A_432 = arith.mulf %parallel_loop3A_431, %parallel_loop3A_329 : vector<16xf32>
          %parallel_loop3A_433 = arith.addf %parallel_loop3A_424, %parallel_loop3A_432 : vector<16xf32>
          %parallel_loop3A_434 = arith.constant 28 : i32
          %parallel_loop3A_435 = arith.addi %parallel_loop3A_434, %parallel_loop3A_321 : i32
          %parallel_loop3A_436 = arith.constant 0 : i32
          %parallel_loop3A_437 = arith.index_cast %parallel_loop3A_436 : i32 to index
          %parallel_loop3A_438 = arith.index_cast %parallel_loop3A_435 : i32 to index
          %parallel_loop3A_439 = arith.constant 32 : index
          %parallel_loop3A_440 = tpu.vector_load %arg11[%parallel_loop3A_437, %parallel_loop3A_438, %parallel_loop3A_439] {strides = array<i32>} : memref<2x56x192xf32, #tpu.memory_space<vmem>>, vector<16xf32>,
          %parallel_loop3A_441 = arith.mulf %parallel_loop3A_440, %parallel_loop3A_333 : vector<16xf32>
          %parallel_loop3A_442 = arith.addf %parallel_loop3A_433, %parallel_loop3A_441 : vector<16xf32>
          %parallel_loop3A_443 = arith.constant 42 : i32
          %parallel_loop3A_444 = arith.addi %parallel_loop3A_443, %parallel_loop3A_321 : i32
          %parallel_loop3A_445 = arith.constant 0 : i32
          %parallel_loop3A_446 = arith.index_cast %parallel_loop3A_445 : i32 to index
          %parallel_loop3A_447 = arith.index_cast %parallel_loop3A_444 : i32 to index
          %parallel_loop3A_448 = arith.constant 32 : index
          %parallel_loop3A_449 = tpu.vector_load %arg11[%parallel_loop3A_446, %parallel_loop3A_447, %parallel_loop3A_448] {strides = array<i32>} : memref<2x56x192xf32, #tpu.memory_space<vmem>>, vector<16xf32>,
          %parallel_loop3A_450 = arith.mulf %parallel_loop3A_449, %parallel_loop3A_337 : vector<16xf32>
          %parallel_loop3A_451 = arith.addf %parallel_loop3A_442, %parallel_loop3A_450 : vector<16xf32>
          %parallel_loop3A_452 = arith.constant 32 : i32
          %parallel_loop3A_453 = arith.addi %parallel_loop3A_342, %parallel_loop3A_452 : i32
          %parallel_loop3A_454 = arith.index_cast %rem3A_46 : i32 to index
          %parallel_loop3A_455 = arith.index_cast %parallel_loop3A_453 : i32 to index
          %parallel_loop3A_456 = tpu.vector_load %arg12[%parallel_loop3A_454, %parallel_loop3A_455] {strides = array<i32>} : memref<2x37632xf32, #tpu.memory_space<vmem>>, vector<16xf32>,
          tpu.vector_store %arg12[%parallel_loop3A_454, %parallel_loop3A_455], %parallel_loop3A_451 {strides = array<i32>} : memref<2x37632xf32, #tpu.memory_space<vmem>>, vector<16xf32>,
          %parallel_loop3A_457 = arith.constant 0 : i32
          %parallel_loop3A_458 = arith.index_cast %parallel_loop3A_457 : i32 to index
          %parallel_loop3A_459 = arith.index_cast %parallel_loop3A_321 : i32 to index
          %parallel_loop3A_460 = arith.constant 48 : index
          %parallel_loop3A_461 = tpu.vector_load %arg11[%parallel_loop3A_458, %parallel_loop3A_459, %parallel_loop3A_460] {strides = array<i32>} : memref<2x56x192xf32, #tpu.memory_space<vmem>>, vector<16xf32>,
          %parallel_loop3A_462 = arith.mulf %parallel_loop3A_461, %parallel_loop3A_325 : vector<16xf32>
          %parallel_loop3A_463 = arith.constant 14 : i32
          %parallel_loop3A_464 = arith.addi %parallel_loop3A_463, %parallel_loop3A_321 : i32
          %parallel_loop3A_465 = arith.constant 0 : i32
          %parallel_loop3A_466 = arith.index_cast %parallel_loop3A_465 : i32 to index
          %parallel_loop3A_467 = arith.index_cast %parallel_loop3A_464 : i32 to index
          %parallel_loop3A_468 = arith.constant 48 : index
          %parallel_loop3A_469 = tpu.vector_load %arg11[%parallel_loop3A_466, %parallel_loop3A_467, %parallel_loop3A_468] {strides = array<i32>} : memref<2x56x192xf32, #tpu.memory_space<vmem>>, vector<16xf32>,
          %parallel_loop3A_470 = arith.mulf %parallel_loop3A_469, %parallel_loop3A_329 : vector<16xf32>
          %parallel_loop3A_471 = arith.addf %parallel_loop3A_462, %parallel_loop3A_470 : vector<16xf32>
          %parallel_loop3A_472 = arith.constant 28 : i32
          %parallel_loop3A_473 = arith.addi %parallel_loop3A_472, %parallel_loop3A_321 : i32
          %parallel_loop3A_474 = arith.constant 0 : i32
          %parallel_loop3A_475 = arith.index_cast %parallel_loop3A_474 : i32 to index
          %parallel_loop3A_476 = arith.index_cast %parallel_loop3A_473 : i32 to index
          %parallel_loop3A_477 = arith.constant 48 : index
          %parallel_loop3A_478 = tpu.vector_load %arg11[%parallel_loop3A_475, %parallel_loop3A_476, %parallel_loop3A_477] {strides = array<i32>} : memref<2x56x192xf32, #tpu.memory_space<vmem>>, vector<16xf32>,
          %parallel_loop3A_479 = arith.mulf %parallel_loop3A_478, %parallel_loop3A_333 : vector<16xf32>
          %parallel_loop3A_480 = arith.addf %parallel_loop3A_471, %parallel_loop3A_479 : vector<16xf32>
          %parallel_loop3A_481 = arith.constant 42 : i32
          %parallel_loop3A_482 = arith.addi %parallel_loop3A_481, %parallel_loop3A_321 : i32
          %parallel_loop3A_483 = arith.constant 0 : i32
          %parallel_loop3A_484 = arith.index_cast %parallel_loop3A_483 : i32 to index
          %parallel_loop3A_485 = arith.index_cast %parallel_loop3A_482 : i32 to index
          %parallel_loop3A_486 = arith.constant 48 : index
          %parallel_loop3A_487 = tpu.vector_load %arg11[%parallel_loop3A_484, %parallel_loop3A_485, %parallel_loop3A_486] {strides = array<i32>} : memref<2x56x192xf32, #tpu.memory_space<vmem>>, vector<16xf32>,
          %parallel_loop3A_488 = arith.mulf %parallel_loop3A_487, %parallel_loop3A_337 : vector<16xf32>
          %parallel_loop3A_489 = arith.addf %parallel_loop3A_480, %parallel_loop3A_488 : vector<16xf32>
          %parallel_loop3A_490 = arith.constant 48 : i32
          %parallel_loop3A_491 = arith.addi %parallel_loop3A_342, %parallel_loop3A_490 : i32
          %parallel_loop3A_492 = arith.index_cast %rem3A_46 : i32 to index
          %parallel_loop3A_493 = arith.index_cast %parallel_loop3A_491 : i32 to index
          %parallel_loop3A_494 = tpu.vector_load %arg12[%parallel_loop3A_492, %parallel_loop3A_493] {strides = array<i32>} : memref<2x37632xf32, #tpu.memory_space<vmem>>, vector<16xf32>,
          tpu.vector_store %arg12[%parallel_loop3A_492, %parallel_loop3A_493], %parallel_loop3A_489 {strides = array<i32>} : memref<2x37632xf32, #tpu.memory_space<vmem>>, vector<16xf32>,
          %parallel_loop3A_495 = arith.constant 0 : i32
          %parallel_loop3A_496 = arith.index_cast %parallel_loop3A_495 : i32 to index
          %parallel_loop3A_497 = arith.index_cast %parallel_loop3A_321 : i32 to index
          %parallel_loop3A_498 = arith.constant 64 : index
          %parallel_loop3A_499 = tpu.vector_load %arg11[%parallel_loop3A_496, %parallel_loop3A_497, %parallel_loop3A_498] {strides = array<i32>} : memref<2x56x192xf32, #tpu.memory_space<vmem>>, vector<16xf32>,
          %parallel_loop3A_500 = arith.mulf %parallel_loop3A_499, %parallel_loop3A_325 : vector<16xf32>
          %parallel_loop3A_501 = arith.constant 14 : i32
          %parallel_loop3A_502 = arith.addi %parallel_loop3A_501, %parallel_loop3A_321 : i32
          %parallel_loop3A_503 = arith.constant 0 : i32
          %parallel_loop3A_504 = arith.index_cast %parallel_loop3A_503 : i32 to index
          %parallel_loop3A_505 = arith.index_cast %parallel_loop3A_502 : i32 to index
          %parallel_loop3A_506 = arith.constant 64 : index
          %parallel_loop3A_507 = tpu.vector_load %arg11[%parallel_loop3A_504, %parallel_loop3A_505, %parallel_loop3A_506] {strides = array<i32>} : memref<2x56x192xf32, #tpu.memory_space<vmem>>, vector<16xf32>,
          %parallel_loop3A_508 = arith.mulf %parallel_loop3A_507, %parallel_loop3A_329 : vector<16xf32>
          %parallel_loop3A_509 = arith.addf %parallel_loop3A_500, %parallel_loop3A_508 : vector<16xf32>
          %parallel_loop3A_510 = arith.constant 28 : i32
          %parallel_loop3A_511 = arith.addi %parallel_loop3A_510, %parallel_loop3A_321 : i32
          %parallel_loop3A_512 = arith.constant 0 : i32
          %parallel_loop3A_513 = arith.index_cast %parallel_loop3A_512 : i32 to index
          %parallel_loop3A_514 = arith.index_cast %parallel_loop3A_511 : i32 to index
          %parallel_loop3A_515 = arith.constant 64 : index
          %parallel_loop3A_516 = tpu.vector_load %arg11[%parallel_loop3A_513, %parallel_loop3A_514, %parallel_loop3A_515] {strides = array<i32>} : memref<2x56x192xf32, #tpu.memory_space<vmem>>, vector<16xf32>,
          %parallel_loop3A_517 = arith.mulf %parallel_loop3A_516, %parallel_loop3A_333 : vector<16xf32>
          %parallel_loop3A_518 = arith.addf %parallel_loop3A_509, %parallel_loop3A_517 : vector<16xf32>
          %parallel_loop3A_519 = arith.constant 42 : i32
          %parallel_loop3A_520 = arith.addi %parallel_loop3A_519, %parallel_loop3A_321 : i32
          %parallel_loop3A_521 = arith.constant 0 : i32
          %parallel_loop3A_522 = arith.index_cast %parallel_loop3A_521 : i32 to index
          %parallel_loop3A_523 = arith.index_cast %parallel_loop3A_520 : i32 to index
          %parallel_loop3A_524 = arith.constant 64 : index
          %parallel_loop3A_525 = tpu.vector_load %arg11[%parallel_loop3A_522, %parallel_loop3A_523, %parallel_loop3A_524] {strides = array<i32>} : memref<2x56x192xf32, #tpu.memory_space<vmem>>, vector<16xf32>,
          %parallel_loop3A_526 = arith.mulf %parallel_loop3A_525, %parallel_loop3A_337 : vector<16xf32>
          %parallel_loop3A_527 = arith.addf %parallel_loop3A_518, %parallel_loop3A_526 : vector<16xf32>
          %parallel_loop3A_528 = arith.constant 64 : i32
          %parallel_loop3A_529 = arith.addi %parallel_loop3A_342, %parallel_loop3A_528 : i32
          %parallel_loop3A_530 = arith.index_cast %rem3A_46 : i32 to index
          %parallel_loop3A_531 = arith.index_cast %parallel_loop3A_529 : i32 to index
          %parallel_loop3A_532 = tpu.vector_load %arg12[%parallel_loop3A_530, %parallel_loop3A_531] {strides = array<i32>} : memref<2x37632xf32, #tpu.memory_space<vmem>>, vector<16xf32>,
          tpu.vector_store %arg12[%parallel_loop3A_530, %parallel_loop3A_531], %parallel_loop3A_527 {strides = array<i32>} : memref<2x37632xf32, #tpu.memory_space<vmem>>, vector<16xf32>,
          %parallel_loop3A_533 = arith.constant 0 : i32
          %parallel_loop3A_534 = arith.index_cast %parallel_loop3A_533 : i32 to index
          %parallel_loop3A_535 = arith.index_cast %parallel_loop3A_321 : i32 to index
          %parallel_loop3A_536 = arith.constant 80 : index
          %parallel_loop3A_537 = tpu.vector_load %arg11[%parallel_loop3A_534, %parallel_loop3A_535, %parallel_loop3A_536] {strides = array<i32>} : memref<2x56x192xf32, #tpu.memory_space<vmem>>, vector<16xf32>,
          %parallel_loop3A_538 = arith.mulf %parallel_loop3A_537, %parallel_loop3A_325 : vector<16xf32>
          %parallel_loop3A_539 = arith.constant 14 : i32
          %parallel_loop3A_540 = arith.addi %parallel_loop3A_539, %parallel_loop3A_321 : i32
          %parallel_loop3A_541 = arith.constant 0 : i32
          %parallel_loop3A_542 = arith.index_cast %parallel_loop3A_541 : i32 to index
          %parallel_loop3A_543 = arith.index_cast %parallel_loop3A_540 : i32 to index
          %parallel_loop3A_544 = arith.constant 80 : index
          %parallel_loop3A_545 = tpu.vector_load %arg11[%parallel_loop3A_542, %parallel_loop3A_543, %parallel_loop3A_544] {strides = array<i32>} : memref<2x56x192xf32, #tpu.memory_space<vmem>>, vector<16xf32>,
          %parallel_loop3A_546 = arith.mulf %parallel_loop3A_545, %parallel_loop3A_329 : vector<16xf32>
          %parallel_loop3A_547 = arith.addf %parallel_loop3A_538, %parallel_loop3A_546 : vector<16xf32>
          %parallel_loop3A_548 = arith.constant 28 : i32
          %parallel_loop3A_549 = arith.addi %parallel_loop3A_548, %parallel_loop3A_321 : i32
          %parallel_loop3A_550 = arith.constant 0 : i32
          %parallel_loop3A_551 = arith.index_cast %parallel_loop3A_550 : i32 to index
          %parallel_loop3A_552 = arith.index_cast %parallel_loop3A_549 : i32 to index
          %parallel_loop3A_553 = arith.constant 80 : index
          %parallel_loop3A_554 = tpu.vector_load %arg11[%parallel_loop3A_551, %parallel_loop3A_552, %parallel_loop3A_553] {strides = array<i32>} : memref<2x56x192xf32, #tpu.memory_space<vmem>>, vector<16xf32>,
          %parallel_loop3A_555 = arith.mulf %parallel_loop3A_554, %parallel_loop3A_333 : vector<16xf32>
          %parallel_loop3A_556 = arith.addf %parallel_loop3A_547, %parallel_loop3A_555 : vector<16xf32>
          %parallel_loop3A_557 = arith.constant 42 : i32
          %parallel_loop3A_558 = arith.addi %parallel_loop3A_557, %parallel_loop3A_321 : i32
          %parallel_loop3A_559 = arith.constant 0 : i32
          %parallel_loop3A_560 = arith.index_cast %parallel_loop3A_559 : i32 to index
          %parallel_loop3A_561 = arith.index_cast %parallel_loop3A_558 : i32 to index
          %parallel_loop3A_562 = arith.constant 80 : index
          %parallel_loop3A_563 = tpu.vector_load %arg11[%parallel_loop3A_560, %parallel_loop3A_561, %parallel_loop3A_562] {strides = array<i32>} : memref<2x56x192xf32, #tpu.memory_space<vmem>>, vector<16xf32>,
          %parallel_loop3A_564 = arith.mulf %parallel_loop3A_563, %parallel_loop3A_337 : vector<16xf32>
          %parallel_loop3A_565 = arith.addf %parallel_loop3A_556, %parallel_loop3A_564 : vector<16xf32>
          %parallel_loop3A_566 = arith.constant 80 : i32
          %parallel_loop3A_567 = arith.addi %parallel_loop3A_342, %parallel_loop3A_566 : i32
          %parallel_loop3A_568 = arith.index_cast %rem3A_46 : i32 to index
          %parallel_loop3A_569 = arith.index_cast %parallel_loop3A_567 : i32 to index
          %parallel_loop3A_570 = tpu.vector_load %arg12[%parallel_loop3A_568, %parallel_loop3A_569] {strides = array<i32>} : memref<2x37632xf32, #tpu.memory_space<vmem>>, vector<16xf32>,
          tpu.vector_store %arg12[%parallel_loop3A_568, %parallel_loop3A_569], %parallel_loop3A_565 {strides = array<i32>} : memref<2x37632xf32, #tpu.memory_space<vmem>>, vector<16xf32>,
          %parallel_loop3A_571 = arith.constant 0 : i32
          %parallel_loop3A_572 = arith.index_cast %parallel_loop3A_571 : i32 to index
          %parallel_loop3A_573 = arith.index_cast %parallel_loop3A_321 : i32 to index
          %parallel_loop3A_574 = arith.constant 96 : index
          %parallel_loop3A_575 = tpu.vector_load %arg11[%parallel_loop3A_572, %parallel_loop3A_573, %parallel_loop3A_574] {strides = array<i32>} : memref<2x56x192xf32, #tpu.memory_space<vmem>>, vector<16xf32>,
          %parallel_loop3A_576 = arith.mulf %parallel_loop3A_575, %parallel_loop3A_325 : vector<16xf32>
          %parallel_loop3A_577 = arith.constant 14 : i32
          %parallel_loop3A_578 = arith.addi %parallel_loop3A_577, %parallel_loop3A_321 : i32
          %parallel_loop3A_579 = arith.constant 0 : i32
          %parallel_loop3A_580 = arith.index_cast %parallel_loop3A_579 : i32 to index
          %parallel_loop3A_581 = arith.index_cast %parallel_loop3A_578 : i32 to index
          %parallel_loop3A_582 = arith.constant 96 : index
          %parallel_loop3A_583 = tpu.vector_load %arg11[%parallel_loop3A_580, %parallel_loop3A_581, %parallel_loop3A_582] {strides = array<i32>} : memref<2x56x192xf32, #tpu.memory_space<vmem>>, vector<16xf32>,
          %parallel_loop3A_584 = arith.mulf %parallel_loop3A_583, %parallel_loop3A_329 : vector<16xf32>
          %parallel_loop3A_585 = arith.addf %parallel_loop3A_576, %parallel_loop3A_584 : vector<16xf32>
          %parallel_loop3A_586 = arith.constant 28 : i32
          %parallel_loop3A_587 = arith.addi %parallel_loop3A_586, %parallel_loop3A_321 : i32
          %parallel_loop3A_588 = arith.constant 0 : i32
          %parallel_loop3A_589 = arith.index_cast %parallel_loop3A_588 : i32 to index
          %parallel_loop3A_590 = arith.index_cast %parallel_loop3A_587 : i32 to index
          %parallel_loop3A_591 = arith.constant 96 : index
          %parallel_loop3A_592 = tpu.vector_load %arg11[%parallel_loop3A_589, %parallel_loop3A_590, %parallel_loop3A_591] {strides = array<i32>} : memref<2x56x192xf32, #tpu.memory_space<vmem>>, vector<16xf32>,
          %parallel_loop3A_593 = arith.mulf %parallel_loop3A_592, %parallel_loop3A_333 : vector<16xf32>
          %parallel_loop3A_594 = arith.addf %parallel_loop3A_585, %parallel_loop3A_593 : vector<16xf32>
          %parallel_loop3A_595 = arith.constant 42 : i32
          %parallel_loop3A_596 = arith.addi %parallel_loop3A_595, %parallel_loop3A_321 : i32
          %parallel_loop3A_597 = arith.constant 0 : i32
          %parallel_loop3A_598 = arith.index_cast %parallel_loop3A_597 : i32 to index
          %parallel_loop3A_599 = arith.index_cast %parallel_loop3A_596 : i32 to index
          %parallel_loop3A_600 = arith.constant 96 : index
          %parallel_loop3A_601 = tpu.vector_load %arg11[%parallel_loop3A_598, %parallel_loop3A_599, %parallel_loop3A_600] {strides = array<i32>} : memref<2x56x192xf32, #tpu.memory_space<vmem>>, vector<16xf32>,
          %parallel_loop3A_602 = arith.mulf %parallel_loop3A_601, %parallel_loop3A_337 : vector<16xf32>
          %parallel_loop3A_603 = arith.addf %parallel_loop3A_594, %parallel_loop3A_602 : vector<16xf32>
          %parallel_loop3A_604 = arith.constant 96 : i32
          %parallel_loop3A_605 = arith.addi %parallel_loop3A_342, %parallel_loop3A_604 : i32
          %parallel_loop3A_606 = arith.index_cast %rem3A_46 : i32 to index
          %parallel_loop3A_607 = arith.index_cast %parallel_loop3A_605 : i32 to index
          %parallel_loop3A_608 = tpu.vector_load %arg12[%parallel_loop3A_606, %parallel_loop3A_607] {strides = array<i32>} : memref<2x37632xf32, #tpu.memory_space<vmem>>, vector<16xf32>,
          tpu.vector_store %arg12[%parallel_loop3A_606, %parallel_loop3A_607], %parallel_loop3A_603 {strides = array<i32>} : memref<2x37632xf32, #tpu.memory_space<vmem>>, vector<16xf32>,
          %parallel_loop3A_609 = arith.constant 0 : i32
          %parallel_loop3A_610 = arith.index_cast %parallel_loop3A_609 : i32 to index
          %parallel_loop3A_611 = arith.index_cast %parallel_loop3A_321 : i32 to index
          %parallel_loop3A_612 = arith.constant 112 : index
          %parallel_loop3A_613 = tpu.vector_load %arg11[%parallel_loop3A_610, %parallel_loop3A_611, %parallel_loop3A_612] {strides = array<i32>} : memref<2x56x192xf32, #tpu.memory_space<vmem>>, vector<16xf32>,
          %parallel_loop3A_614 = arith.mulf %parallel_loop3A_613, %parallel_loop3A_325 : vector<16xf32>
          %parallel_loop3A_615 = arith.constant 14 : i32
          %parallel_loop3A_616 = arith.addi %parallel_loop3A_615, %parallel_loop3A_321 : i32
          %parallel_loop3A_617 = arith.constant 0 : i32
          %parallel_loop3A_618 = arith.index_cast %parallel_loop3A_617 : i32 to index
          %parallel_loop3A_619 = arith.index_cast %parallel_loop3A_616 : i32 to index
          %parallel_loop3A_620 = arith.constant 112 : index
          %parallel_loop3A_621 = tpu.vector_load %arg11[%parallel_loop3A_618, %parallel_loop3A_619, %parallel_loop3A_620] {strides = array<i32>} : memref<2x56x192xf32, #tpu.memory_space<vmem>>, vector<16xf32>,
          %parallel_loop3A_622 = arith.mulf %parallel_loop3A_621, %parallel_loop3A_329 : vector<16xf32>
          %parallel_loop3A_623 = arith.addf %parallel_loop3A_614, %parallel_loop3A_622 : vector<16xf32>
          %parallel_loop3A_624 = arith.constant 28 : i32
          %parallel_loop3A_625 = arith.addi %parallel_loop3A_624, %parallel_loop3A_321 : i32
          %parallel_loop3A_626 = arith.constant 0 : i32
          %parallel_loop3A_627 = arith.index_cast %parallel_loop3A_626 : i32 to index
          %parallel_loop3A_628 = arith.index_cast %parallel_loop3A_625 : i32 to index
          %parallel_loop3A_629 = arith.constant 112 : index
          %parallel_loop3A_630 = tpu.vector_load %arg11[%parallel_loop3A_627, %parallel_loop3A_628, %parallel_loop3A_629] {strides = array<i32>} : memref<2x56x192xf32, #tpu.memory_space<vmem>>, vector<16xf32>,
          %parallel_loop3A_631 = arith.mulf %parallel_loop3A_630, %parallel_loop3A_333 : vector<16xf32>
          %parallel_loop3A_632 = arith.addf %parallel_loop3A_623, %parallel_loop3A_631 : vector<16xf32>
          %parallel_loop3A_633 = arith.constant 42 : i32
          %parallel_loop3A_634 = arith.addi %parallel_loop3A_633, %parallel_loop3A_321 : i32
          %parallel_loop3A_635 = arith.constant 0 : i32
          %parallel_loop3A_636 = arith.index_cast %parallel_loop3A_635 : i32 to index
          %parallel_loop3A_637 = arith.index_cast %parallel_loop3A_634 : i32 to index
          %parallel_loop3A_638 = arith.constant 112 : index
          %parallel_loop3A_639 = tpu.vector_load %arg11[%parallel_loop3A_636, %parallel_loop3A_637, %parallel_loop3A_638] {strides = array<i32>} : memref<2x56x192xf32, #tpu.memory_space<vmem>>, vector<16xf32>,
          %parallel_loop3A_640 = arith.mulf %parallel_loop3A_639, %parallel_loop3A_337 : vector<16xf32>
          %parallel_loop3A_641 = arith.addf %parallel_loop3A_632, %parallel_loop3A_640 : vector<16xf32>
          %parallel_loop3A_642 = arith.constant 112 : i32
          %parallel_loop3A_643 = arith.addi %parallel_loop3A_342, %parallel_loop3A_642 : i32
          %parallel_loop3A_644 = arith.index_cast %rem3A_46 : i32 to index
          %parallel_loop3A_645 = arith.index_cast %parallel_loop3A_643 : i32 to index
          %parallel_loop3A_646 = tpu.vector_load %arg12[%parallel_loop3A_644, %parallel_loop3A_645] {strides = array<i32>} : memref<2x37632xf32, #tpu.memory_space<vmem>>, vector<16xf32>,
          tpu.vector_store %arg12[%parallel_loop3A_644, %parallel_loop3A_645], %parallel_loop3A_641 {strides = array<i32>} : memref<2x37632xf32, #tpu.memory_space<vmem>>, vector<16xf32>,
          %parallel_loop3A_647 = arith.constant 0 : i32
          %parallel_loop3A_648 = arith.index_cast %parallel_loop3A_647 : i32 to index
          %parallel_loop3A_649 = arith.index_cast %parallel_loop3A_321 : i32 to index
          %parallel_loop3A_650 = arith.constant 128 : index
          %parallel_loop3A_651 = tpu.vector_load %arg11[%parallel_loop3A_648, %parallel_loop3A_649, %parallel_loop3A_650] {strides = array<i32>} : memref<2x56x192xf32, #tpu.memory_space<vmem>>, vector<16xf32>,
          %parallel_loop3A_652 = arith.mulf %parallel_loop3A_651, %parallel_loop3A_325 : vector<16xf32>
          %parallel_loop3A_653 = arith.constant 14 : i32
          %parallel_loop3A_654 = arith.addi %parallel_loop3A_653, %parallel_loop3A_321 : i32
          %parallel_loop3A_655 = arith.constant 0 : i32
          %parallel_loop3A_656 = arith.index_cast %parallel_loop3A_655 : i32 to index
          %parallel_loop3A_657 = arith.index_cast %parallel_loop3A_654 : i32 to index
          %parallel_loop3A_658 = arith.constant 128 : index
          %parallel_loop3A_659 = tpu.vector_load %arg11[%parallel_loop3A_656, %parallel_loop3A_657, %parallel_loop3A_658] {strides = array<i32>} : memref<2x56x192xf32, #tpu.memory_space<vmem>>, vector<16xf32>,
          %parallel_loop3A_660 = arith.mulf %parallel_loop3A_659, %parallel_loop3A_329 : vector<16xf32>
          %parallel_loop3A_661 = arith.addf %parallel_loop3A_652, %parallel_loop3A_660 : vector<16xf32>
          %parallel_loop3A_662 = arith.constant 28 : i32
          %parallel_loop3A_663 = arith.addi %parallel_loop3A_662, %parallel_loop3A_321 : i32
          %parallel_loop3A_664 = arith.constant 0 : i32
          %parallel_loop3A_665 = arith.index_cast %parallel_loop3A_664 : i32 to index
          %parallel_loop3A_666 = arith.index_cast %parallel_loop3A_663 : i32 to index
          %parallel_loop3A_667 = arith.constant 128 : index
          %parallel_loop3A_668 = tpu.vector_load %arg11[%parallel_loop3A_665, %parallel_loop3A_666, %parallel_loop3A_667] {strides = array<i32>} : memref<2x56x192xf32, #tpu.memory_space<vmem>>, vector<16xf32>,
          %parallel_loop3A_669 = arith.mulf %parallel_loop3A_668, %parallel_loop3A_333 : vector<16xf32>
          %parallel_loop3A_670 = arith.addf %parallel_loop3A_661, %parallel_loop3A_669 : vector<16xf32>
          %parallel_loop3A_671 = arith.constant 42 : i32
          %parallel_loop3A_672 = arith.addi %parallel_loop3A_671, %parallel_loop3A_321 : i32
          %parallel_loop3A_673 = arith.constant 0 : i32
          %parallel_loop3A_674 = arith.index_cast %parallel_loop3A_673 : i32 to index
          %parallel_loop3A_675 = arith.index_cast %parallel_loop3A_672 : i32 to index
          %parallel_loop3A_676 = arith.constant 128 : index
          %parallel_loop3A_677 = tpu.vector_load %arg11[%parallel_loop3A_674, %parallel_loop3A_675, %parallel_loop3A_676] {strides = array<i32>} : memref<2x56x192xf32, #tpu.memory_space<vmem>>, vector<16xf32>,
          %parallel_loop3A_678 = arith.mulf %parallel_loop3A_677, %parallel_loop3A_337 : vector<16xf32>
          %parallel_loop3A_679 = arith.addf %parallel_loop3A_670, %parallel_loop3A_678 : vector<16xf32>
          %parallel_loop3A_680 = arith.constant 128 : i32
          %parallel_loop3A_681 = arith.addi %parallel_loop3A_342, %parallel_loop3A_680 : i32
          %parallel_loop3A_682 = arith.index_cast %rem3A_46 : i32 to index
          %parallel_loop3A_683 = arith.index_cast %parallel_loop3A_681 : i32 to index
          %parallel_loop3A_684 = tpu.vector_load %arg12[%parallel_loop3A_682, %parallel_loop3A_683] {strides = array<i32>} : memref<2x37632xf32, #tpu.memory_space<vmem>>, vector<16xf32>,
          tpu.vector_store %arg12[%parallel_loop3A_682, %parallel_loop3A_683], %parallel_loop3A_679 {strides = array<i32>} : memref<2x37632xf32, #tpu.memory_space<vmem>>, vector<16xf32>,
          %parallel_loop3A_685 = arith.constant 0 : i32
          %parallel_loop3A_686 = arith.index_cast %parallel_loop3A_685 : i32 to index
          %parallel_loop3A_687 = arith.index_cast %parallel_loop3A_321 : i32 to index
          %parallel_loop3A_688 = arith.constant 144 : index
          %parallel_loop3A_689 = tpu.vector_load %arg11[%parallel_loop3A_686, %parallel_loop3A_687, %parallel_loop3A_688] {strides = array<i32>} : memref<2x56x192xf32, #tpu.memory_space<vmem>>, vector<16xf32>,
          %parallel_loop3A_690 = arith.mulf %parallel_loop3A_689, %parallel_loop3A_325 : vector<16xf32>
          %parallel_loop3A_691 = arith.constant 14 : i32
          %parallel_loop3A_692 = arith.addi %parallel_loop3A_691, %parallel_loop3A_321 : i32
          %parallel_loop3A_693 = arith.constant 0 : i32
          %parallel_loop3A_694 = arith.index_cast %parallel_loop3A_693 : i32 to index
          %parallel_loop3A_695 = arith.index_cast %parallel_loop3A_692 : i32 to index
          %parallel_loop3A_696 = arith.constant 144 : index
          %parallel_loop3A_697 = tpu.vector_load %arg11[%parallel_loop3A_694, %parallel_loop3A_695, %parallel_loop3A_696] {strides = array<i32>} : memref<2x56x192xf32, #tpu.memory_space<vmem>>, vector<16xf32>,
          %parallel_loop3A_698 = arith.mulf %parallel_loop3A_697, %parallel_loop3A_329 : vector<16xf32>
          %parallel_loop3A_699 = arith.addf %parallel_loop3A_690, %parallel_loop3A_698 : vector<16xf32>
          %parallel_loop3A_700 = arith.constant 28 : i32
          %parallel_loop3A_701 = arith.addi %parallel_loop3A_700, %parallel_loop3A_321 : i32
          %parallel_loop3A_702 = arith.constant 0 : i32
          %parallel_loop3A_703 = arith.index_cast %parallel_loop3A_702 : i32 to index
          %parallel_loop3A_704 = arith.index_cast %parallel_loop3A_701 : i32 to index
          %parallel_loop3A_705 = arith.constant 144 : index
          %parallel_loop3A_706 = tpu.vector_load %arg11[%parallel_loop3A_703, %parallel_loop3A_704, %parallel_loop3A_705] {strides = array<i32>} : memref<2x56x192xf32, #tpu.memory_space<vmem>>, vector<16xf32>,
          %parallel_loop3A_707 = arith.mulf %parallel_loop3A_706, %parallel_loop3A_333 : vector<16xf32>
          %parallel_loop3A_708 = arith.addf %parallel_loop3A_699, %parallel_loop3A_707 : vector<16xf32>
          %parallel_loop3A_709 = arith.constant 42 : i32
          %parallel_loop3A_710 = arith.addi %parallel_loop3A_709, %parallel_loop3A_321 : i32
          %parallel_loop3A_711 = arith.constant 0 : i32
          %parallel_loop3A_712 = arith.index_cast %parallel_loop3A_711 : i32 to index
          %parallel_loop3A_713 = arith.index_cast %parallel_loop3A_710 : i32 to index
          %parallel_loop3A_714 = arith.constant 144 : index
          %parallel_loop3A_715 = tpu.vector_load %arg11[%parallel_loop3A_712, %parallel_loop3A_713, %parallel_loop3A_714] {strides = array<i32>} : memref<2x56x192xf32, #tpu.memory_space<vmem>>, vector<16xf32>,
          %parallel_loop3A_716 = arith.mulf %parallel_loop3A_715, %parallel_loop3A_337 : vector<16xf32>
          %parallel_loop3A_717 = arith.addf %parallel_loop3A_708, %parallel_loop3A_716 : vector<16xf32>
          %parallel_loop3A_718 = arith.constant 144 : i32
          %parallel_loop3A_719 = arith.addi %parallel_loop3A_342, %parallel_loop3A_718 : i32
          %parallel_loop3A_720 = arith.index_cast %rem3A_46 : i32 to index
          %parallel_loop3A_721 = arith.index_cast %parallel_loop3A_719 : i32 to index
          %parallel_loop3A_722 = tpu.vector_load %arg12[%parallel_loop3A_720, %parallel_loop3A_721] {strides = array<i32>} : memref<2x37632xf32, #tpu.memory_space<vmem>>, vector<16xf32>,
          tpu.vector_store %arg12[%parallel_loop3A_720, %parallel_loop3A_721], %parallel_loop3A_717 {strides = array<i32>} : memref<2x37632xf32, #tpu.memory_space<vmem>>, vector<16xf32>,
          %parallel_loop3A_723 = arith.constant 0 : i32
          %parallel_loop3A_724 = arith.index_cast %parallel_loop3A_723 : i32 to index
          %parallel_loop3A_725 = arith.index_cast %parallel_loop3A_321 : i32 to index
          %parallel_loop3A_726 = arith.constant 160 : index
          %parallel_loop3A_727 = tpu.vector_load %arg11[%parallel_loop3A_724, %parallel_loop3A_725, %parallel_loop3A_726] {strides = array<i32>} : memref<2x56x192xf32, #tpu.memory_space<vmem>>, vector<16xf32>,
          %parallel_loop3A_728 = arith.mulf %parallel_loop3A_727, %parallel_loop3A_325 : vector<16xf32>
          %parallel_loop3A_729 = arith.constant 14 : i32
          %parallel_loop3A_730 = arith.addi %parallel_loop3A_729, %parallel_loop3A_321 : i32
          %parallel_loop3A_731 = arith.constant 0 : i32
          %parallel_loop3A_732 = arith.index_cast %parallel_loop3A_731 : i32 to index
          %parallel_loop3A_733 = arith.index_cast %parallel_loop3A_730 : i32 to index
          %parallel_loop3A_734 = arith.constant 160 : index
          %parallel_loop3A_735 = tpu.vector_load %arg11[%parallel_loop3A_732, %parallel_loop3A_733, %parallel_loop3A_734] {strides = array<i32>} : memref<2x56x192xf32, #tpu.memory_space<vmem>>, vector<16xf32>,
          %parallel_loop3A_736 = arith.mulf %parallel_loop3A_735, %parallel_loop3A_329 : vector<16xf32>
          %parallel_loop3A_737 = arith.addf %parallel_loop3A_728, %parallel_loop3A_736 : vector<16xf32>
          %parallel_loop3A_738 = arith.constant 28 : i32
          %parallel_loop3A_739 = arith.addi %parallel_loop3A_738, %parallel_loop3A_321 : i32
          %parallel_loop3A_740 = arith.constant 0 : i32
          %parallel_loop3A_741 = arith.index_cast %parallel_loop3A_740 : i32 to index
          %parallel_loop3A_742 = arith.index_cast %parallel_loop3A_739 : i32 to index
          %parallel_loop3A_743 = arith.constant 160 : index
          %parallel_loop3A_744 = tpu.vector_load %arg11[%parallel_loop3A_741, %parallel_loop3A_742, %parallel_loop3A_743] {strides = array<i32>} : memref<2x56x192xf32, #tpu.memory_space<vmem>>, vector<16xf32>,
          %parallel_loop3A_745 = arith.mulf %parallel_loop3A_744, %parallel_loop3A_333 : vector<16xf32>
          %parallel_loop3A_746 = arith.addf %parallel_loop3A_737, %parallel_loop3A_745 : vector<16xf32>
          %parallel_loop3A_747 = arith.constant 42 : i32
          %parallel_loop3A_748 = arith.addi %parallel_loop3A_747, %parallel_loop3A_321 : i32
          %parallel_loop3A_749 = arith.constant 0 : i32
          %parallel_loop3A_750 = arith.index_cast %parallel_loop3A_749 : i32 to index
          %parallel_loop3A_751 = arith.index_cast %parallel_loop3A_748 : i32 to index
          %parallel_loop3A_752 = arith.constant 160 : index
          %parallel_loop3A_753 = tpu.vector_load %arg11[%parallel_loop3A_750, %parallel_loop3A_751, %parallel_loop3A_752] {strides = array<i32>} : memref<2x56x192xf32, #tpu.memory_space<vmem>>, vector<16xf32>,
          %parallel_loop3A_754 = arith.mulf %parallel_loop3A_753, %parallel_loop3A_337 : vector<16xf32>
          %parallel_loop3A_755 = arith.addf %parallel_loop3A_746, %parallel_loop3A_754 : vector<16xf32>
          %parallel_loop3A_756 = arith.constant 160 : i32
          %parallel_loop3A_757 = arith.addi %parallel_loop3A_342, %parallel_loop3A_756 : i32
          %parallel_loop3A_758 = arith.index_cast %rem3A_46 : i32 to index
          %parallel_loop3A_759 = arith.index_cast %parallel_loop3A_757 : i32 to index
          %parallel_loop3A_760 = tpu.vector_load %arg12[%parallel_loop3A_758, %parallel_loop3A_759] {strides = array<i32>} : memref<2x37632xf32, #tpu.memory_space<vmem>>, vector<16xf32>,
          tpu.vector_store %arg12[%parallel_loop3A_758, %parallel_loop3A_759], %parallel_loop3A_755 {strides = array<i32>} : memref<2x37632xf32, #tpu.memory_space<vmem>>, vector<16xf32>,
          %parallel_loop3A_761 = arith.constant 0 : i32
          %parallel_loop3A_762 = arith.index_cast %parallel_loop3A_761 : i32 to index
          %parallel_loop3A_763 = arith.index_cast %parallel_loop3A_321 : i32 to index
          %parallel_loop3A_764 = arith.constant 176 : index
          %parallel_loop3A_765 = tpu.vector_load %arg11[%parallel_loop3A_762, %parallel_loop3A_763, %parallel_loop3A_764] {strides = array<i32>} : memref<2x56x192xf32, #tpu.memory_space<vmem>>, vector<16xf32>,
          %parallel_loop3A_766 = arith.mulf %parallel_loop3A_765, %parallel_loop3A_325 : vector<16xf32>
          %parallel_loop3A_767 = arith.constant 14 : i32
          %parallel_loop3A_768 = arith.addi %parallel_loop3A_767, %parallel_loop3A_321 : i32
          %parallel_loop3A_769 = arith.constant 0 : i32
          %parallel_loop3A_770 = arith.index_cast %parallel_loop3A_769 : i32 to index
          %parallel_loop3A_771 = arith.index_cast %parallel_loop3A_768 : i32 to index
          %parallel_loop3A_772 = arith.constant 176 : index
          %parallel_loop3A_773 = tpu.vector_load %arg11[%parallel_loop3A_770, %parallel_loop3A_771, %parallel_loop3A_772] {strides = array<i32>} : memref<2x56x192xf32, #tpu.memory_space<vmem>>, vector<16xf32>,
          %parallel_loop3A_774 = arith.mulf %parallel_loop3A_773, %parallel_loop3A_329 : vector<16xf32>
          %parallel_loop3A_775 = arith.addf %parallel_loop3A_766, %parallel_loop3A_774 : vector<16xf32>
          %parallel_loop3A_776 = arith.constant 28 : i32
          %parallel_loop3A_777 = arith.addi %parallel_loop3A_776, %parallel_loop3A_321 : i32
          %parallel_loop3A_778 = arith.constant 0 : i32
          %parallel_loop3A_779 = arith.index_cast %parallel_loop3A_778 : i32 to index
          %parallel_loop3A_780 = arith.index_cast %parallel_loop3A_777 : i32 to index
          %parallel_loop3A_781 = arith.constant 176 : index
          %parallel_loop3A_782 = tpu.vector_load %arg11[%parallel_loop3A_779, %parallel_loop3A_780, %parallel_loop3A_781] {strides = array<i32>} : memref<2x56x192xf32, #tpu.memory_space<vmem>>, vector<16xf32>,
          %parallel_loop3A_783 = arith.mulf %parallel_loop3A_782, %parallel_loop3A_333 : vector<16xf32>
          %parallel_loop3A_784 = arith.addf %parallel_loop3A_775, %parallel_loop3A_783 : vector<16xf32>
          %parallel_loop3A_785 = arith.constant 42 : i32
          %parallel_loop3A_786 = arith.addi %parallel_loop3A_785, %parallel_loop3A_321 : i32
          %parallel_loop3A_787 = arith.constant 0 : i32
          %parallel_loop3A_788 = arith.index_cast %parallel_loop3A_787 : i32 to index
          %parallel_loop3A_789 = arith.index_cast %parallel_loop3A_786 : i32 to index
          %parallel_loop3A_790 = arith.constant 176 : index
          %parallel_loop3A_791 = tpu.vector_load %arg11[%parallel_loop3A_788, %parallel_loop3A_789, %parallel_loop3A_790] {strides = array<i32>} : memref<2x56x192xf32, #tpu.memory_space<vmem>>, vector<16xf32>,
          %parallel_loop3A_792 = arith.mulf %parallel_loop3A_791, %parallel_loop3A_337 : vector<16xf32>
          %parallel_loop3A_793 = arith.addf %parallel_loop3A_784, %parallel_loop3A_792 : vector<16xf32>
          %parallel_loop3A_794 = arith.constant 176 : i32
          %parallel_loop3A_795 = arith.addi %parallel_loop3A_342, %parallel_loop3A_794 : i32
          %parallel_loop3A_796 = arith.index_cast %rem3A_46 : i32 to index
          %parallel_loop3A_797 = arith.index_cast %parallel_loop3A_795 : i32 to index
          %parallel_loop3A_798 = tpu.vector_load %arg12[%parallel_loop3A_796, %parallel_loop3A_797] {strides = array<i32>} : memref<2x37632xf32, #tpu.memory_space<vmem>>, vector<16xf32>,
          tpu.vector_store %arg12[%parallel_loop3A_796, %parallel_loop3A_797], %parallel_loop3A_793 {strides = array<i32>} : memref<2x37632xf32, #tpu.memory_space<vmem>>, vector<16xf32>,
        } {sc.loop_unroll_factor = 2 : i64, sc.parallel_access}
        %lt3A_272 = arith.constant 6 : i32
        %lt3A_273 = arith.cmpi slt, %scan3A_182, %lt3A_272 : i32
        %convert_element_type3A_274 = arith.extui %lt3A_273 : i1 to i32
        %cond3A_275 = arith.constant 0 : i32
        %cond3A_276 = arith.cmpi ne, %convert_element_type3A_274, %cond3A_275 : i32
        scf.if %cond3A_276 {
          %add3A_321 = arith.constant 2 : i32
          %add3A_322 = arith.addi %mul3A_185, %add3A_321 : i32
          %add3A_323 = arith.constant 0 : i32
          %add3A_324 = arith.addi %add3A_323, %add3A_322 : i32
          %broadcast_in_dim3A_325 = vector.broadcast %add3A_324 : i32 to vector<16xi32>
          %gather3A_326 = tpu.vector_load_idx %arg9[%broadcast_in_dim3A_325] : memref<32xi32, #tpu.memory_space<vmem>>[vector<16xi32>], vector<16xi32>,
          %add3A_327 = arith.constant 16 : i32
          %add3A_328 = arith.addi %add3A_327, %add3A_322 : i32
          %broadcast_in_dim3A_329 = vector.broadcast %add3A_328 : i32 to vector<16xi32>
          %gather3A_330 = tpu.vector_load_idx %arg9[%broadcast_in_dim3A_329] : memref<32xi32, #tpu.memory_space<vmem>>[vector<16xi32>], vector<16xi32>,
          %add3A_331 = arith.addi %gather3A_326, %min3A_125 : vector<16xi32>
          %swap3A_332 = arith.constant 0 : i32
          %swap3A_333 = arith.index_cast %swap3A_332 : i32 to index
          %swap3A_334 = arith.constant 0 : index
          %swap3A_335 = tpu.vector_load %arg10[%swap3A_333, %swap3A_334] {strides = array<i32>} : memref<2x64xi32, #tpu.memory_space<vmem>>, vector<16xi32>,
          tpu.vector_store %arg10[%swap3A_333, %swap3A_334], %add3A_331 {strides = array<i32>} : memref<2x64xi32, #tpu.memory_space<vmem>>, vector<16xi32>,
          %add3A_336 = arith.addi %gather3A_326, %min3A_131 : vector<16xi32>
          %swap3A_337 = arith.constant 0 : i32
          %swap3A_338 = arith.index_cast %swap3A_337 : i32 to index
          %swap3A_339 = arith.constant 14 : index
          %swap3A_340 = tpu.vector_load %arg10[%swap3A_338, %swap3A_339] {strides = array<i32>} : memref<2x64xi32, #tpu.memory_space<vmem>>, vector<16xi32>,
          tpu.vector_store %arg10[%swap3A_338, %swap3A_339], %add3A_336 {strides = array<i32>} : memref<2x64xi32, #tpu.memory_space<vmem>>, vector<16xi32>,
          %add3A_341 = arith.addi %gather3A_330, %min3A_125 : vector<16xi32>
          %swap3A_342 = arith.constant 0 : i32
          %swap3A_343 = arith.index_cast %swap3A_342 : i32 to index
          %swap3A_344 = arith.constant 28 : index
          %swap3A_345 = tpu.vector_load %arg10[%swap3A_343, %swap3A_344] {strides = array<i32>} : memref<2x64xi32, #tpu.memory_space<vmem>>, vector<16xi32>,
          tpu.vector_store %arg10[%swap3A_343, %swap3A_344], %add3A_341 {strides = array<i32>} : memref<2x64xi32, #tpu.memory_space<vmem>>, vector<16xi32>,
          %add3A_346 = arith.addi %gather3A_330, %min3A_131 : vector<16xi32>
          %swap3A_347 = arith.constant 0 : i32
          %swap3A_348 = arith.index_cast %swap3A_347 : i32 to index
          %swap3A_349 = arith.constant 42 : index
          %swap3A_350 = tpu.vector_load %arg10[%swap3A_348, %swap3A_349] {strides = array<i32>} : memref<2x64xi32, #tpu.memory_space<vmem>>, vector<16xi32>,
          tpu.vector_store %arg10[%swap3A_348, %swap3A_349], %add3A_346 {strides = array<i32>} : memref<2x64xi32, #tpu.memory_space<vmem>>, vector<16xi32>,
          %dma_start3A_351 = arith.constant 0 : i32
          %dma_start3A_352 = arith.constant 0 : i32
          %dma_start3A_353 = arith.constant 0 : i32
          %dma_start3A_354 = arith.constant 0 : i32
          %dma_start3A_355 = tpu.memref_slice %arg11[%dma_start3A_352, %dma_start3A_353, %dma_start3A_354] : memref<2x56x192xf32, #tpu.memory_space<vmem>> -> memref<1x56x192xf32, #tpu.memory_space<vmem>>
          %dma_start3A_356 = tpu.memref_squeeze %dma_start3A_355 : memref<1x56x192xf32, #tpu.memory_space<vmem>> -> memref<56x192xf32, #tpu.memory_space<vmem>>
          %dma_start3A_357 = arith.constant 0 : i32
          %dma_start3A_358 = tpu.memref_slice %arg10[%dma_start3A_351, %dma_start3A_357] : memref<2x64xi32, #tpu.memory_space<vmem>> -> memref<1x56xi32, #tpu.memory_space<vmem>>
          %dma_start3A_359 = tpu.memref_squeeze %dma_start3A_358 : memref<1x56xi32, #tpu.memory_space<vmem>> -> memref<56xi32, #tpu.memory_space<vmem>>
          %dma_start3A_360 = arith.constant 0 : i32
          %dma_start3A_361 = arith.constant 0 : i32
          %dma_start3A_362 = tpu.memref_slice %arg2[%dma_start3A_360, %dma_start3A_361] : memref<401408x192xf32, #tpu.memory_space<hbm>> -> memref<401408x192xf32, #tpu.memory_space<hbm>>
          tpu.enqueue_indirect_dma source(%dma_start3A_362 : memref<401408x192xf32, #tpu.memory_space<hbm>>) target(%dma_start3A_356 : memref<56x192xf32, #tpu.memory_space<vmem>>) offsets(%dma_start3A_359 : memref<56xi32, #tpu.memory_space<vmem>>) semaphore(%arg13 : memref<!tpu.dma_semaphore, #tpu.memory_space<semaphore_mem>>)
        } else {
        }
        %dma_wait3A_277 = arith.constant 1 : i32
        %dma_wait3A_278 = arith.constant 1 : i32
        %dma_wait3A_279 = arith.constant 0 : i32
        %dma_wait3A_280 = arith.constant 0 : i32
        %dma_wait3A_281 = tpu.memref_slice %arg11[%dma_wait3A_278, %dma_wait3A_279, %dma_wait3A_280] : memref<2x56x192xf32, #tpu.memory_space<vmem>> -> memref<1x56x192xf32, #tpu.memory_space<vmem>>
        %dma_wait3A_282 = tpu.memref_squeeze %dma_wait3A_281 : memref<1x56x192xf32, #tpu.memory_space<vmem>> -> memref<56x192xf32, #tpu.memory_space<vmem>>
        %dma_wait3A_283 = arith.constant 0 : i32
        %dma_wait3A_284 = tpu.memref_slice %arg10[%dma_wait3A_277, %dma_wait3A_283] : memref<2x64xi32, #tpu.memory_space<vmem>> -> memref<1x56xi32, #tpu.memory_space<vmem>>
        %dma_wait3A_285 = tpu.memref_squeeze %dma_wait3A_284 : memref<1x56xi32, #tpu.memory_space<vmem>> -> memref<56xi32, #tpu.memory_space<vmem>>
        %dma_wait3A_286 = arith.constant 0 : i32
        %dma_wait3A_287 = arith.constant 0 : i32
        %dma_wait3A_288 = tpu.memref_slice %arg2[%dma_wait3A_286, %dma_wait3A_287] : memref<401408x192xf32, #tpu.memory_space<hbm>> -> memref<401408x192xf32, #tpu.memory_space<hbm>>
        tpu.wait_indirect_dma semaphore(%arg14 : memref<!tpu.dma_semaphore, #tpu.memory_space<semaphore_mem>>) src(%dma_wait3A_288 : memref<401408x192xf32, #tpu.memory_space<hbm>>) dst(%dma_wait3A_282 : memref<56x192xf32, #tpu.memory_space<vmem>>)
        %add3A_289 = arith.constant 1 : i32
        %add3A_290 = arith.addi %mul3A_185, %add3A_289 : i32
        %add3A_291 = arith.constant 0 : i32
        %add3A_292 = arith.addi %add3A_291, %add3A_290 : i32
        %broadcast_in_dim3A_293 = vector.broadcast %add3A_292 : i32 to vector<16xi32>
        %gather3A_294 = tpu.vector_load_idx %arg8[%broadcast_in_dim3A_293] : memref<128xf32, #tpu.memory_space<vmem>>[vector<16xi32>], vector<16xf32>,
        %add3A_295 = arith.constant 16 : i32
        %add3A_296 = arith.addi %add3A_295, %add3A_290 : i32
        %broadcast_in_dim3A_297 = vector.broadcast %add3A_296 : i32 to vector<16xi32>
        %gather3A_298 = tpu.vector_load_idx %arg8[%broadcast_in_dim3A_297] : memref<128xf32, #tpu.memory_space<vmem>>[vector<16xi32>], vector<16xf32>,
        %mul3A_299 = arith.mulf %gather3A_298, %select_n3A_145 : vector<16xf32>
        %mul3A_300 = arith.mulf %gather3A_294, %mul3A_299 : vector<16xf32>
        %sub3A_301 = arith.subf %mul3A_299, %mul3A_300 : vector<16xf32>
        %sub3A_302 = arith.constant 1.000000e+00 : f32
        %sub3A_303 = vector.broadcast %sub3A_302 : f32 to vector<16xf32>
        %sub3A_304 = arith.subf %sub3A_303, %sub3A_133 : vector<16xf32>
        %mul3A_305 = arith.mulf %sub3A_304, %sub3A_301 : vector<16xf32>
        %swap3A_306 = arith.constant 64 : index
        %swap3A_307 = tpu.vector_load %arg8[%swap3A_306] {strides = array<i32>} : memref<128xf32, #tpu.memory_space<vmem>>, vector<16xf32>,
        tpu.vector_store %arg8[%swap3A_306], %mul3A_305 {strides = array<i32>} : memref<128xf32, #tpu.memory_space<vmem>>, vector<16xf32>,
        %mul3A_308 = arith.mulf %sub3A_133, %sub3A_301 : vector<16xf32>
        %swap3A_309 = arith.constant 80 : index
        %swap3A_310 = tpu.vector_load %arg8[%swap3A_309] {strides = array<i32>} : memref<128xf32, #tpu.memory_space<vmem>>, vector<16xf32>,
        tpu.vector_store %arg8[%swap3A_309], %mul3A_308 {strides = array<i32>} : memref<128xf32, #tpu.memory_space<vmem>>, vector<16xf32>,
        %mul3A_311 = arith.mulf %sub3A_304, %mul3A_300 : vector<16xf32>
        %swap3A_312 = arith.constant 96 : index
        %swap3A_313 = tpu.vector_load %arg8[%swap3A_312] {strides = array<i32>} : memref<128xf32, #tpu.memory_space<vmem>>, vector<16xf32>,
        tpu.vector_store %arg8[%swap3A_312], %mul3A_311 {strides = array<i32>} : memref<128xf32, #tpu.memory_space<vmem>>, vector<16xf32>,
        %mul3A_314 = arith.mulf %sub3A_133, %mul3A_300 : vector<16xf32>
        %swap3A_315 = arith.constant 112 : index
        %swap3A_316 = tpu.vector_load %arg8[%swap3A_315] {strides = array<i32>} : memref<128xf32, #tpu.memory_space<vmem>>, vector<16xf32>,
        tpu.vector_store %arg8[%swap3A_315], %mul3A_314 {strides = array<i32>} : memref<128xf32, #tpu.memory_space<vmem>>, vector<16xf32>,
        %parallel_loop3A_317 = arith.constant 0 : i32
        %parallel_loop3A_318 = arith.constant 14 : i32
        %parallel_loop3A_319 = arith.constant 1 : i32
        scf.for %parallel_loop3A_321 = %parallel_loop3A_317 to %parallel_loop3A_318 step %parallel_loop3A_319  : i32 {
          %parallel_loop3A_322 = arith.constant 64 : i32
          %parallel_loop3A_323 = arith.addi %parallel_loop3A_322, %parallel_loop3A_321 : i32
          %parallel_loop3A_324 = vector.broadcast %parallel_loop3A_323 : i32 to vector<16xi32>
          %parallel_loop3A_325 = tpu.vector_load_idx %arg8[%parallel_loop3A_324] : memref<128xf32, #tpu.memory_space<vmem>>[vector<16xi32>], vector<16xf32>,
          %parallel_loop3A_326 = arith.constant 80 : i32
          %parallel_loop3A_327 = arith.addi %parallel_loop3A_326, %parallel_loop3A_321 : i32
          %parallel_loop3A_328 = vector.broadcast %parallel_loop3A_327 : i32 to vector<16xi32>
          %parallel_loop3A_329 = tpu.vector_load_idx %arg8[%parallel_loop3A_328] : memref<128xf32, #tpu.memory_space<vmem>>[vector<16xi32>], vector<16xf32>,
          %parallel_loop3A_330 = arith.constant 96 : i32
          %parallel_loop3A_331 = arith.addi %parallel_loop3A_330, %parallel_loop3A_321 : i32
          %parallel_loop3A_332 = vector.broadcast %parallel_loop3A_331 : i32 to vector<16xi32>
          %parallel_loop3A_333 = tpu.vector_load_idx %arg8[%parallel_loop3A_332] : memref<128xf32, #tpu.memory_space<vmem>>[vector<16xi32>], vector<16xf32>,
          %parallel_loop3A_334 = arith.constant 112 : i32
          %parallel_loop3A_335 = arith.addi %parallel_loop3A_334, %parallel_loop3A_321 : i32
          %parallel_loop3A_336 = vector.broadcast %parallel_loop3A_335 : i32 to vector<16xi32>
          %parallel_loop3A_337 = tpu.vector_load_idx %arg8[%parallel_loop3A_336] : memref<128xf32, #tpu.memory_space<vmem>>[vector<16xi32>], vector<16xf32>,
          %parallel_loop3A_338 = arith.constant 14 : i32
          %parallel_loop3A_339 = arith.muli %add3A_290, %parallel_loop3A_338 : i32
          %parallel_loop3A_340 = arith.addi %parallel_loop3A_339, %parallel_loop3A_321 : i32
          %parallel_loop3A_341 = arith.constant 192 : i32
          %parallel_loop3A_342 = arith.muli %parallel_loop3A_340, %parallel_loop3A_341 : i32
          %parallel_loop3A_343 = arith.constant 1 : i32
          %parallel_loop3A_344 = arith.index_cast %parallel_loop3A_343 : i32 to index
          %parallel_loop3A_345 = arith.index_cast %parallel_loop3A_321 : i32 to index
          %parallel_loop3A_346 = arith.constant 0 : index
          %parallel_loop3A_347 = tpu.vector_load %arg11[%parallel_loop3A_344, %parallel_loop3A_345, %parallel_loop3A_346] {strides = array<i32>} : memref<2x56x192xf32, #tpu.memory_space<vmem>>, vector<16xf32>,
          %parallel_loop3A_348 = arith.mulf %parallel_loop3A_347, %parallel_loop3A_325 : vector<16xf32>
          %parallel_loop3A_349 = arith.constant 14 : i32
          %parallel_loop3A_350 = arith.addi %parallel_loop3A_349, %parallel_loop3A_321 : i32
          %parallel_loop3A_351 = arith.constant 1 : i32
          %parallel_loop3A_352 = arith.index_cast %parallel_loop3A_351 : i32 to index
          %parallel_loop3A_353 = arith.index_cast %parallel_loop3A_350 : i32 to index
          %parallel_loop3A_354 = arith.constant 0 : index
          %parallel_loop3A_355 = tpu.vector_load %arg11[%parallel_loop3A_352, %parallel_loop3A_353, %parallel_loop3A_354] {strides = array<i32>} : memref<2x56x192xf32, #tpu.memory_space<vmem>>, vector<16xf32>,
          %parallel_loop3A_356 = arith.mulf %parallel_loop3A_355, %parallel_loop3A_329 : vector<16xf32>
          %parallel_loop3A_357 = arith.addf %parallel_loop3A_348, %parallel_loop3A_356 : vector<16xf32>
          %parallel_loop3A_358 = arith.constant 28 : i32
          %parallel_loop3A_359 = arith.addi %parallel_loop3A_358, %parallel_loop3A_321 : i32
          %parallel_loop3A_360 = arith.constant 1 : i32
          %parallel_loop3A_361 = arith.index_cast %parallel_loop3A_360 : i32 to index
          %parallel_loop3A_362 = arith.index_cast %parallel_loop3A_359 : i32 to index
          %parallel_loop3A_363 = arith.constant 0 : index
          %parallel_loop3A_364 = tpu.vector_load %arg11[%parallel_loop3A_361, %parallel_loop3A_362, %parallel_loop3A_363] {strides = array<i32>} : memref<2x56x192xf32, #tpu.memory_space<vmem>>, vector<16xf32>,
          %parallel_loop3A_365 = arith.mulf %parallel_loop3A_364, %parallel_loop3A_333 : vector<16xf32>
          %parallel_loop3A_366 = arith.addf %parallel_loop3A_357, %parallel_loop3A_365 : vector<16xf32>
          %parallel_loop3A_367 = arith.constant 42 : i32
          %parallel_loop3A_368 = arith.addi %parallel_loop3A_367, %parallel_loop3A_321 : i32
          %parallel_loop3A_369 = arith.constant 1 : i32
          %parallel_loop3A_370 = arith.index_cast %parallel_loop3A_369 : i32 to index
          %parallel_loop3A_371 = arith.index_cast %parallel_loop3A_368 : i32 to index
          %parallel_loop3A_372 = arith.constant 0 : index
          %parallel_loop3A_373 = tpu.vector_load %arg11[%parallel_loop3A_370, %parallel_loop3A_371, %parallel_loop3A_372] {strides = array<i32>} : memref<2x56x192xf32, #tpu.memory_space<vmem>>, vector<16xf32>,
          %parallel_loop3A_374 = arith.mulf %parallel_loop3A_373, %parallel_loop3A_337 : vector<16xf32>
          %parallel_loop3A_375 = arith.addf %parallel_loop3A_366, %parallel_loop3A_374 : vector<16xf32>
          %parallel_loop3A_376 = arith.constant 0 : i32
          %parallel_loop3A_377 = arith.addi %parallel_loop3A_342, %parallel_loop3A_376 : i32
          %parallel_loop3A_378 = arith.index_cast %rem3A_46 : i32 to index
          %parallel_loop3A_379 = arith.index_cast %parallel_loop3A_377 : i32 to index
          %parallel_loop3A_380 = tpu.vector_load %arg12[%parallel_loop3A_378, %parallel_loop3A_379] {strides = array<i32>} : memref<2x37632xf32, #tpu.memory_space<vmem>>, vector<16xf32>,
          tpu.vector_store %arg12[%parallel_loop3A_378, %parallel_loop3A_379], %parallel_loop3A_375 {strides = array<i32>} : memref<2x37632xf32, #tpu.memory_space<vmem>>, vector<16xf32>,
          %parallel_loop3A_381 = arith.constant 1 : i32
          %parallel_loop3A_382 = arith.index_cast %parallel_loop3A_381 : i32 to index
          %parallel_loop3A_383 = arith.index_cast %parallel_loop3A_321 : i32 to index
          %parallel_loop3A_384 = arith.constant 16 : index
          %parallel_loop3A_385 = tpu.vector_load %arg11[%parallel_loop3A_382, %parallel_loop3A_383, %parallel_loop3A_384] {strides = array<i32>} : memref<2x56x192xf32, #tpu.memory_space<vmem>>, vector<16xf32>,
          %parallel_loop3A_386 = arith.mulf %parallel_loop3A_385, %parallel_loop3A_325 : vector<16xf32>
          %parallel_loop3A_387 = arith.constant 14 : i32
          %parallel_loop3A_388 = arith.addi %parallel_loop3A_387, %parallel_loop3A_321 : i32
          %parallel_loop3A_389 = arith.constant 1 : i32
          %parallel_loop3A_390 = arith.index_cast %parallel_loop3A_389 : i32 to index
          %parallel_loop3A_391 = arith.index_cast %parallel_loop3A_388 : i32 to index
          %parallel_loop3A_392 = arith.constant 16 : index
          %parallel_loop3A_393 = tpu.vector_load %arg11[%parallel_loop3A_390, %parallel_loop3A_391, %parallel_loop3A_392] {strides = array<i32>} : memref<2x56x192xf32, #tpu.memory_space<vmem>>, vector<16xf32>,
          %parallel_loop3A_394 = arith.mulf %parallel_loop3A_393, %parallel_loop3A_329 : vector<16xf32>
          %parallel_loop3A_395 = arith.addf %parallel_loop3A_386, %parallel_loop3A_394 : vector<16xf32>
          %parallel_loop3A_396 = arith.constant 28 : i32
          %parallel_loop3A_397 = arith.addi %parallel_loop3A_396, %parallel_loop3A_321 : i32
          %parallel_loop3A_398 = arith.constant 1 : i32
          %parallel_loop3A_399 = arith.index_cast %parallel_loop3A_398 : i32 to index
          %parallel_loop3A_400 = arith.index_cast %parallel_loop3A_397 : i32 to index
          %parallel_loop3A_401 = arith.constant 16 : index
          %parallel_loop3A_402 = tpu.vector_load %arg11[%parallel_loop3A_399, %parallel_loop3A_400, %parallel_loop3A_401] {strides = array<i32>} : memref<2x56x192xf32, #tpu.memory_space<vmem>>, vector<16xf32>,
          %parallel_loop3A_403 = arith.mulf %parallel_loop3A_402, %parallel_loop3A_333 : vector<16xf32>
          %parallel_loop3A_404 = arith.addf %parallel_loop3A_395, %parallel_loop3A_403 : vector<16xf32>
          %parallel_loop3A_405 = arith.constant 42 : i32
          %parallel_loop3A_406 = arith.addi %parallel_loop3A_405, %parallel_loop3A_321 : i32
          %parallel_loop3A_407 = arith.constant 1 : i32
          %parallel_loop3A_408 = arith.index_cast %parallel_loop3A_407 : i32 to index
          %parallel_loop3A_409 = arith.index_cast %parallel_loop3A_406 : i32 to index
          %parallel_loop3A_410 = arith.constant 16 : index
          %parallel_loop3A_411 = tpu.vector_load %arg11[%parallel_loop3A_408, %parallel_loop3A_409, %parallel_loop3A_410] {strides = array<i32>} : memref<2x56x192xf32, #tpu.memory_space<vmem>>, vector<16xf32>,
          %parallel_loop3A_412 = arith.mulf %parallel_loop3A_411, %parallel_loop3A_337 : vector<16xf32>
          %parallel_loop3A_413 = arith.addf %parallel_loop3A_404, %parallel_loop3A_412 : vector<16xf32>
          %parallel_loop3A_414 = arith.constant 16 : i32
          %parallel_loop3A_415 = arith.addi %parallel_loop3A_342, %parallel_loop3A_414 : i32
          %parallel_loop3A_416 = arith.index_cast %rem3A_46 : i32 to index
          %parallel_loop3A_417 = arith.index_cast %parallel_loop3A_415 : i32 to index
          %parallel_loop3A_418 = tpu.vector_load %arg12[%parallel_loop3A_416, %parallel_loop3A_417] {strides = array<i32>} : memref<2x37632xf32, #tpu.memory_space<vmem>>, vector<16xf32>,
          tpu.vector_store %arg12[%parallel_loop3A_416, %parallel_loop3A_417], %parallel_loop3A_413 {strides = array<i32>} : memref<2x37632xf32, #tpu.memory_space<vmem>>, vector<16xf32>,
          %parallel_loop3A_419 = arith.constant 1 : i32
          %parallel_loop3A_420 = arith.index_cast %parallel_loop3A_419 : i32 to index
          %parallel_loop3A_421 = arith.index_cast %parallel_loop3A_321 : i32 to index
          %parallel_loop3A_422 = arith.constant 32 : index
          %parallel_loop3A_423 = tpu.vector_load %arg11[%parallel_loop3A_420, %parallel_loop3A_421, %parallel_loop3A_422] {strides = array<i32>} : memref<2x56x192xf32, #tpu.memory_space<vmem>>, vector<16xf32>,
          %parallel_loop3A_424 = arith.mulf %parallel_loop3A_423, %parallel_loop3A_325 : vector<16xf32>
          %parallel_loop3A_425 = arith.constant 14 : i32
          %parallel_loop3A_426 = arith.addi %parallel_loop3A_425, %parallel_loop3A_321 : i32
          %parallel_loop3A_427 = arith.constant 1 : i32
          %parallel_loop3A_428 = arith.index_cast %parallel_loop3A_427 : i32 to index
          %parallel_loop3A_429 = arith.index_cast %parallel_loop3A_426 : i32 to index
          %parallel_loop3A_430 = arith.constant 32 : index
          %parallel_loop3A_431 = tpu.vector_load %arg11[%parallel_loop3A_428, %parallel_loop3A_429, %parallel_loop3A_430] {strides = array<i32>} : memref<2x56x192xf32, #tpu.memory_space<vmem>>, vector<16xf32>,
          %parallel_loop3A_432 = arith.mulf %parallel_loop3A_431, %parallel_loop3A_329 : vector<16xf32>
          %parallel_loop3A_433 = arith.addf %parallel_loop3A_424, %parallel_loop3A_432 : vector<16xf32>
          %parallel_loop3A_434 = arith.constant 28 : i32
          %parallel_loop3A_435 = arith.addi %parallel_loop3A_434, %parallel_loop3A_321 : i32
          %parallel_loop3A_436 = arith.constant 1 : i32
          %parallel_loop3A_437 = arith.index_cast %parallel_loop3A_436 : i32 to index
          %parallel_loop3A_438 = arith.index_cast %parallel_loop3A_435 : i32 to index
          %parallel_loop3A_439 = arith.constant 32 : index
          %parallel_loop3A_440 = tpu.vector_load %arg11[%parallel_loop3A_437, %parallel_loop3A_438, %parallel_loop3A_439] {strides = array<i32>} : memref<2x56x192xf32, #tpu.memory_space<vmem>>, vector<16xf32>,
          %parallel_loop3A_441 = arith.mulf %parallel_loop3A_440, %parallel_loop3A_333 : vector<16xf32>
          %parallel_loop3A_442 = arith.addf %parallel_loop3A_433, %parallel_loop3A_441 : vector<16xf32>
          %parallel_loop3A_443 = arith.constant 42 : i32
          %parallel_loop3A_444 = arith.addi %parallel_loop3A_443, %parallel_loop3A_321 : i32
          %parallel_loop3A_445 = arith.constant 1 : i32
          %parallel_loop3A_446 = arith.index_cast %parallel_loop3A_445 : i32 to index
          %parallel_loop3A_447 = arith.index_cast %parallel_loop3A_444 : i32 to index
          %parallel_loop3A_448 = arith.constant 32 : index
          %parallel_loop3A_449 = tpu.vector_load %arg11[%parallel_loop3A_446, %parallel_loop3A_447, %parallel_loop3A_448] {strides = array<i32>} : memref<2x56x192xf32, #tpu.memory_space<vmem>>, vector<16xf32>,
          %parallel_loop3A_450 = arith.mulf %parallel_loop3A_449, %parallel_loop3A_337 : vector<16xf32>
          %parallel_loop3A_451 = arith.addf %parallel_loop3A_442, %parallel_loop3A_450 : vector<16xf32>
          %parallel_loop3A_452 = arith.constant 32 : i32
          %parallel_loop3A_453 = arith.addi %parallel_loop3A_342, %parallel_loop3A_452 : i32
          %parallel_loop3A_454 = arith.index_cast %rem3A_46 : i32 to index
          %parallel_loop3A_455 = arith.index_cast %parallel_loop3A_453 : i32 to index
          %parallel_loop3A_456 = tpu.vector_load %arg12[%parallel_loop3A_454, %parallel_loop3A_455] {strides = array<i32>} : memref<2x37632xf32, #tpu.memory_space<vmem>>, vector<16xf32>,
          tpu.vector_store %arg12[%parallel_loop3A_454, %parallel_loop3A_455], %parallel_loop3A_451 {strides = array<i32>} : memref<2x37632xf32, #tpu.memory_space<vmem>>, vector<16xf32>,
          %parallel_loop3A_457 = arith.constant 1 : i32
          %parallel_loop3A_458 = arith.index_cast %parallel_loop3A_457 : i32 to index
          %parallel_loop3A_459 = arith.index_cast %parallel_loop3A_321 : i32 to index
          %parallel_loop3A_460 = arith.constant 48 : index
          %parallel_loop3A_461 = tpu.vector_load %arg11[%parallel_loop3A_458, %parallel_loop3A_459, %parallel_loop3A_460] {strides = array<i32>} : memref<2x56x192xf32, #tpu.memory_space<vmem>>, vector<16xf32>,
          %parallel_loop3A_462 = arith.mulf %parallel_loop3A_461, %parallel_loop3A_325 : vector<16xf32>
          %parallel_loop3A_463 = arith.constant 14 : i32
          %parallel_loop3A_464 = arith.addi %parallel_loop3A_463, %parallel_loop3A_321 : i32
          %parallel_loop3A_465 = arith.constant 1 : i32
          %parallel_loop3A_466 = arith.index_cast %parallel_loop3A_465 : i32 to index
          %parallel_loop3A_467 = arith.index_cast %parallel_loop3A_464 : i32 to index
          %parallel_loop3A_468 = arith.constant 48 : index
          %parallel_loop3A_469 = tpu.vector_load %arg11[%parallel_loop3A_466, %parallel_loop3A_467, %parallel_loop3A_468] {strides = array<i32>} : memref<2x56x192xf32, #tpu.memory_space<vmem>>, vector<16xf32>,
          %parallel_loop3A_470 = arith.mulf %parallel_loop3A_469, %parallel_loop3A_329 : vector<16xf32>
          %parallel_loop3A_471 = arith.addf %parallel_loop3A_462, %parallel_loop3A_470 : vector<16xf32>
          %parallel_loop3A_472 = arith.constant 28 : i32
          %parallel_loop3A_473 = arith.addi %parallel_loop3A_472, %parallel_loop3A_321 : i32
          %parallel_loop3A_474 = arith.constant 1 : i32
          %parallel_loop3A_475 = arith.index_cast %parallel_loop3A_474 : i32 to index
          %parallel_loop3A_476 = arith.index_cast %parallel_loop3A_473 : i32 to index
          %parallel_loop3A_477 = arith.constant 48 : index
          %parallel_loop3A_478 = tpu.vector_load %arg11[%parallel_loop3A_475, %parallel_loop3A_476, %parallel_loop3A_477] {strides = array<i32>} : memref<2x56x192xf32, #tpu.memory_space<vmem>>, vector<16xf32>,
          %parallel_loop3A_479 = arith.mulf %parallel_loop3A_478, %parallel_loop3A_333 : vector<16xf32>
          %parallel_loop3A_480 = arith.addf %parallel_loop3A_471, %parallel_loop3A_479 : vector<16xf32>
          %parallel_loop3A_481 = arith.constant 42 : i32
          %parallel_loop3A_482 = arith.addi %parallel_loop3A_481, %parallel_loop3A_321 : i32
          %parallel_loop3A_483 = arith.constant 1 : i32
          %parallel_loop3A_484 = arith.index_cast %parallel_loop3A_483 : i32 to index
          %parallel_loop3A_485 = arith.index_cast %parallel_loop3A_482 : i32 to index
          %parallel_loop3A_486 = arith.constant 48 : index
          %parallel_loop3A_487 = tpu.vector_load %arg11[%parallel_loop3A_484, %parallel_loop3A_485, %parallel_loop3A_486] {strides = array<i32>} : memref<2x56x192xf32, #tpu.memory_space<vmem>>, vector<16xf32>,
          %parallel_loop3A_488 = arith.mulf %parallel_loop3A_487, %parallel_loop3A_337 : vector<16xf32>
          %parallel_loop3A_489 = arith.addf %parallel_loop3A_480, %parallel_loop3A_488 : vector<16xf32>
          %parallel_loop3A_490 = arith.constant 48 : i32
          %parallel_loop3A_491 = arith.addi %parallel_loop3A_342, %parallel_loop3A_490 : i32
          %parallel_loop3A_492 = arith.index_cast %rem3A_46 : i32 to index
          %parallel_loop3A_493 = arith.index_cast %parallel_loop3A_491 : i32 to index
          %parallel_loop3A_494 = tpu.vector_load %arg12[%parallel_loop3A_492, %parallel_loop3A_493] {strides = array<i32>} : memref<2x37632xf32, #tpu.memory_space<vmem>>, vector<16xf32>,
          tpu.vector_store %arg12[%parallel_loop3A_492, %parallel_loop3A_493], %parallel_loop3A_489 {strides = array<i32>} : memref<2x37632xf32, #tpu.memory_space<vmem>>, vector<16xf32>,
          %parallel_loop3A_495 = arith.constant 1 : i32
          %parallel_loop3A_496 = arith.index_cast %parallel_loop3A_495 : i32 to index
          %parallel_loop3A_497 = arith.index_cast %parallel_loop3A_321 : i32 to index
          %parallel_loop3A_498 = arith.constant 64 : index
          %parallel_loop3A_499 = tpu.vector_load %arg11[%parallel_loop3A_496, %parallel_loop3A_497, %parallel_loop3A_498] {strides = array<i32>} : memref<2x56x192xf32, #tpu.memory_space<vmem>>, vector<16xf32>,
          %parallel_loop3A_500 = arith.mulf %parallel_loop3A_499, %parallel_loop3A_325 : vector<16xf32>
          %parallel_loop3A_501 = arith.constant 14 : i32
          %parallel_loop3A_502 = arith.addi %parallel_loop3A_501, %parallel_loop3A_321 : i32
          %parallel_loop3A_503 = arith.constant 1 : i32
          %parallel_loop3A_504 = arith.index_cast %parallel_loop3A_503 : i32 to index
          %parallel_loop3A_505 = arith.index_cast %parallel_loop3A_502 : i32 to index
          %parallel_loop3A_506 = arith.constant 64 : index
          %parallel_loop3A_507 = tpu.vector_load %arg11[%parallel_loop3A_504, %parallel_loop3A_505, %parallel_loop3A_506] {strides = array<i32>} : memref<2x56x192xf32, #tpu.memory_space<vmem>>, vector<16xf32>,
          %parallel_loop3A_508 = arith.mulf %parallel_loop3A_507, %parallel_loop3A_329 : vector<16xf32>
          %parallel_loop3A_509 = arith.addf %parallel_loop3A_500, %parallel_loop3A_508 : vector<16xf32>
          %parallel_loop3A_510 = arith.constant 28 : i32
          %parallel_loop3A_511 = arith.addi %parallel_loop3A_510, %parallel_loop3A_321 : i32
          %parallel_loop3A_512 = arith.constant 1 : i32
          %parallel_loop3A_513 = arith.index_cast %parallel_loop3A_512 : i32 to index
          %parallel_loop3A_514 = arith.index_cast %parallel_loop3A_511 : i32 to index
          %parallel_loop3A_515 = arith.constant 64 : index
          %parallel_loop3A_516 = tpu.vector_load %arg11[%parallel_loop3A_513, %parallel_loop3A_514, %parallel_loop3A_515] {strides = array<i32>} : memref<2x56x192xf32, #tpu.memory_space<vmem>>, vector<16xf32>,
          %parallel_loop3A_517 = arith.mulf %parallel_loop3A_516, %parallel_loop3A_333 : vector<16xf32>
          %parallel_loop3A_518 = arith.addf %parallel_loop3A_509, %parallel_loop3A_517 : vector<16xf32>
          %parallel_loop3A_519 = arith.constant 42 : i32
          %parallel_loop3A_520 = arith.addi %parallel_loop3A_519, %parallel_loop3A_321 : i32
          %parallel_loop3A_521 = arith.constant 1 : i32
          %parallel_loop3A_522 = arith.index_cast %parallel_loop3A_521 : i32 to index
          %parallel_loop3A_523 = arith.index_cast %parallel_loop3A_520 : i32 to index
          %parallel_loop3A_524 = arith.constant 64 : index
          %parallel_loop3A_525 = tpu.vector_load %arg11[%parallel_loop3A_522, %parallel_loop3A_523, %parallel_loop3A_524] {strides = array<i32>} : memref<2x56x192xf32, #tpu.memory_space<vmem>>, vector<16xf32>,
          %parallel_loop3A_526 = arith.mulf %parallel_loop3A_525, %parallel_loop3A_337 : vector<16xf32>
          %parallel_loop3A_527 = arith.addf %parallel_loop3A_518, %parallel_loop3A_526 : vector<16xf32>
          %parallel_loop3A_528 = arith.constant 64 : i32
          %parallel_loop3A_529 = arith.addi %parallel_loop3A_342, %parallel_loop3A_528 : i32
          %parallel_loop3A_530 = arith.index_cast %rem3A_46 : i32 to index
          %parallel_loop3A_531 = arith.index_cast %parallel_loop3A_529 : i32 to index
          %parallel_loop3A_532 = tpu.vector_load %arg12[%parallel_loop3A_530, %parallel_loop3A_531] {strides = array<i32>} : memref<2x37632xf32, #tpu.memory_space<vmem>>, vector<16xf32>,
          tpu.vector_store %arg12[%parallel_loop3A_530, %parallel_loop3A_531], %parallel_loop3A_527 {strides = array<i32>} : memref<2x37632xf32, #tpu.memory_space<vmem>>, vector<16xf32>,
          %parallel_loop3A_533 = arith.constant 1 : i32
          %parallel_loop3A_534 = arith.index_cast %parallel_loop3A_533 : i32 to index
          %parallel_loop3A_535 = arith.index_cast %parallel_loop3A_321 : i32 to index
          %parallel_loop3A_536 = arith.constant 80 : index
          %parallel_loop3A_537 = tpu.vector_load %arg11[%parallel_loop3A_534, %parallel_loop3A_535, %parallel_loop3A_536] {strides = array<i32>} : memref<2x56x192xf32, #tpu.memory_space<vmem>>, vector<16xf32>,
          %parallel_loop3A_538 = arith.mulf %parallel_loop3A_537, %parallel_loop3A_325 : vector<16xf32>
          %parallel_loop3A_539 = arith.constant 14 : i32
          %parallel_loop3A_540 = arith.addi %parallel_loop3A_539, %parallel_loop3A_321 : i32
          %parallel_loop3A_541 = arith.constant 1 : i32
          %parallel_loop3A_542 = arith.index_cast %parallel_loop3A_541 : i32 to index
          %parallel_loop3A_543 = arith.index_cast %parallel_loop3A_540 : i32 to index
          %parallel_loop3A_544 = arith.constant 80 : index
          %parallel_loop3A_545 = tpu.vector_load %arg11[%parallel_loop3A_542, %parallel_loop3A_543, %parallel_loop3A_544] {strides = array<i32>} : memref<2x56x192xf32, #tpu.memory_space<vmem>>, vector<16xf32>,
          %parallel_loop3A_546 = arith.mulf %parallel_loop3A_545, %parallel_loop3A_329 : vector<16xf32>
          %parallel_loop3A_547 = arith.addf %parallel_loop3A_538, %parallel_loop3A_546 : vector<16xf32>
          %parallel_loop3A_548 = arith.constant 28 : i32
          %parallel_loop3A_549 = arith.addi %parallel_loop3A_548, %parallel_loop3A_321 : i32
          %parallel_loop3A_550 = arith.constant 1 : i32
          %parallel_loop3A_551 = arith.index_cast %parallel_loop3A_550 : i32 to index
          %parallel_loop3A_552 = arith.index_cast %parallel_loop3A_549 : i32 to index
          %parallel_loop3A_553 = arith.constant 80 : index
          %parallel_loop3A_554 = tpu.vector_load %arg11[%parallel_loop3A_551, %parallel_loop3A_552, %parallel_loop3A_553] {strides = array<i32>} : memref<2x56x192xf32, #tpu.memory_space<vmem>>, vector<16xf32>,
          %parallel_loop3A_555 = arith.mulf %parallel_loop3A_554, %parallel_loop3A_333 : vector<16xf32>
          %parallel_loop3A_556 = arith.addf %parallel_loop3A_547, %parallel_loop3A_555 : vector<16xf32>
          %parallel_loop3A_557 = arith.constant 42 : i32
          %parallel_loop3A_558 = arith.addi %parallel_loop3A_557, %parallel_loop3A_321 : i32
          %parallel_loop3A_559 = arith.constant 1 : i32
          %parallel_loop3A_560 = arith.index_cast %parallel_loop3A_559 : i32 to index
          %parallel_loop3A_561 = arith.index_cast %parallel_loop3A_558 : i32 to index
          %parallel_loop3A_562 = arith.constant 80 : index
          %parallel_loop3A_563 = tpu.vector_load %arg11[%parallel_loop3A_560, %parallel_loop3A_561, %parallel_loop3A_562] {strides = array<i32>} : memref<2x56x192xf32, #tpu.memory_space<vmem>>, vector<16xf32>,
          %parallel_loop3A_564 = arith.mulf %parallel_loop3A_563, %parallel_loop3A_337 : vector<16xf32>
          %parallel_loop3A_565 = arith.addf %parallel_loop3A_556, %parallel_loop3A_564 : vector<16xf32>
          %parallel_loop3A_566 = arith.constant 80 : i32
          %parallel_loop3A_567 = arith.addi %parallel_loop3A_342, %parallel_loop3A_566 : i32
          %parallel_loop3A_568 = arith.index_cast %rem3A_46 : i32 to index
          %parallel_loop3A_569 = arith.index_cast %parallel_loop3A_567 : i32 to index
          %parallel_loop3A_570 = tpu.vector_load %arg12[%parallel_loop3A_568, %parallel_loop3A_569] {strides = array<i32>} : memref<2x37632xf32, #tpu.memory_space<vmem>>, vector<16xf32>,
          tpu.vector_store %arg12[%parallel_loop3A_568, %parallel_loop3A_569], %parallel_loop3A_565 {strides = array<i32>} : memref<2x37632xf32, #tpu.memory_space<vmem>>, vector<16xf32>,
          %parallel_loop3A_571 = arith.constant 1 : i32
          %parallel_loop3A_572 = arith.index_cast %parallel_loop3A_571 : i32 to index
          %parallel_loop3A_573 = arith.index_cast %parallel_loop3A_321 : i32 to index
          %parallel_loop3A_574 = arith.constant 96 : index
          %parallel_loop3A_575 = tpu.vector_load %arg11[%parallel_loop3A_572, %parallel_loop3A_573, %parallel_loop3A_574] {strides = array<i32>} : memref<2x56x192xf32, #tpu.memory_space<vmem>>, vector<16xf32>,
          %parallel_loop3A_576 = arith.mulf %parallel_loop3A_575, %parallel_loop3A_325 : vector<16xf32>
          %parallel_loop3A_577 = arith.constant 14 : i32
          %parallel_loop3A_578 = arith.addi %parallel_loop3A_577, %parallel_loop3A_321 : i32
          %parallel_loop3A_579 = arith.constant 1 : i32
          %parallel_loop3A_580 = arith.index_cast %parallel_loop3A_579 : i32 to index
          %parallel_loop3A_581 = arith.index_cast %parallel_loop3A_578 : i32 to index
          %parallel_loop3A_582 = arith.constant 96 : index
          %parallel_loop3A_583 = tpu.vector_load %arg11[%parallel_loop3A_580, %parallel_loop3A_581, %parallel_loop3A_582] {strides = array<i32>} : memref<2x56x192xf32, #tpu.memory_space<vmem>>, vector<16xf32>,
          %parallel_loop3A_584 = arith.mulf %parallel_loop3A_583, %parallel_loop3A_329 : vector<16xf32>
          %parallel_loop3A_585 = arith.addf %parallel_loop3A_576, %parallel_loop3A_584 : vector<16xf32>
          %parallel_loop3A_586 = arith.constant 28 : i32
          %parallel_loop3A_587 = arith.addi %parallel_loop3A_586, %parallel_loop3A_321 : i32
          %parallel_loop3A_588 = arith.constant 1 : i32
          %parallel_loop3A_589 = arith.index_cast %parallel_loop3A_588 : i32 to index
          %parallel_loop3A_590 = arith.index_cast %parallel_loop3A_587 : i32 to index
          %parallel_loop3A_591 = arith.constant 96 : index
          %parallel_loop3A_592 = tpu.vector_load %arg11[%parallel_loop3A_589, %parallel_loop3A_590, %parallel_loop3A_591] {strides = array<i32>} : memref<2x56x192xf32, #tpu.memory_space<vmem>>, vector<16xf32>,
          %parallel_loop3A_593 = arith.mulf %parallel_loop3A_592, %parallel_loop3A_333 : vector<16xf32>
          %parallel_loop3A_594 = arith.addf %parallel_loop3A_585, %parallel_loop3A_593 : vector<16xf32>
          %parallel_loop3A_595 = arith.constant 42 : i32
          %parallel_loop3A_596 = arith.addi %parallel_loop3A_595, %parallel_loop3A_321 : i32
          %parallel_loop3A_597 = arith.constant 1 : i32
          %parallel_loop3A_598 = arith.index_cast %parallel_loop3A_597 : i32 to index
          %parallel_loop3A_599 = arith.index_cast %parallel_loop3A_596 : i32 to index
          %parallel_loop3A_600 = arith.constant 96 : index
          %parallel_loop3A_601 = tpu.vector_load %arg11[%parallel_loop3A_598, %parallel_loop3A_599, %parallel_loop3A_600] {strides = array<i32>} : memref<2x56x192xf32, #tpu.memory_space<vmem>>, vector<16xf32>,
          %parallel_loop3A_602 = arith.mulf %parallel_loop3A_601, %parallel_loop3A_337 : vector<16xf32>
          %parallel_loop3A_603 = arith.addf %parallel_loop3A_594, %parallel_loop3A_602 : vector<16xf32>
          %parallel_loop3A_604 = arith.constant 96 : i32
          %parallel_loop3A_605 = arith.addi %parallel_loop3A_342, %parallel_loop3A_604 : i32
          %parallel_loop3A_606 = arith.index_cast %rem3A_46 : i32 to index
          %parallel_loop3A_607 = arith.index_cast %parallel_loop3A_605 : i32 to index
          %parallel_loop3A_608 = tpu.vector_load %arg12[%parallel_loop3A_606, %parallel_loop3A_607] {strides = array<i32>} : memref<2x37632xf32, #tpu.memory_space<vmem>>, vector<16xf32>,
          tpu.vector_store %arg12[%parallel_loop3A_606, %parallel_loop3A_607], %parallel_loop3A_603 {strides = array<i32>} : memref<2x37632xf32, #tpu.memory_space<vmem>>, vector<16xf32>,
          %parallel_loop3A_609 = arith.constant 1 : i32
          %parallel_loop3A_610 = arith.index_cast %parallel_loop3A_609 : i32 to index
          %parallel_loop3A_611 = arith.index_cast %parallel_loop3A_321 : i32 to index
          %parallel_loop3A_612 = arith.constant 112 : index
          %parallel_loop3A_613 = tpu.vector_load %arg11[%parallel_loop3A_610, %parallel_loop3A_611, %parallel_loop3A_612] {strides = array<i32>} : memref<2x56x192xf32, #tpu.memory_space<vmem>>, vector<16xf32>,
          %parallel_loop3A_614 = arith.mulf %parallel_loop3A_613, %parallel_loop3A_325 : vector<16xf32>
          %parallel_loop3A_615 = arith.constant 14 : i32
          %parallel_loop3A_616 = arith.addi %parallel_loop3A_615, %parallel_loop3A_321 : i32
          %parallel_loop3A_617 = arith.constant 1 : i32
          %parallel_loop3A_618 = arith.index_cast %parallel_loop3A_617 : i32 to index
          %parallel_loop3A_619 = arith.index_cast %parallel_loop3A_616 : i32 to index
          %parallel_loop3A_620 = arith.constant 112 : index
          %parallel_loop3A_621 = tpu.vector_load %arg11[%parallel_loop3A_618, %parallel_loop3A_619, %parallel_loop3A_620] {strides = array<i32>} : memref<2x56x192xf32, #tpu.memory_space<vmem>>, vector<16xf32>,
          %parallel_loop3A_622 = arith.mulf %parallel_loop3A_621, %parallel_loop3A_329 : vector<16xf32>
          %parallel_loop3A_623 = arith.addf %parallel_loop3A_614, %parallel_loop3A_622 : vector<16xf32>
          %parallel_loop3A_624 = arith.constant 28 : i32
          %parallel_loop3A_625 = arith.addi %parallel_loop3A_624, %parallel_loop3A_321 : i32
          %parallel_loop3A_626 = arith.constant 1 : i32
          %parallel_loop3A_627 = arith.index_cast %parallel_loop3A_626 : i32 to index
          %parallel_loop3A_628 = arith.index_cast %parallel_loop3A_625 : i32 to index
          %parallel_loop3A_629 = arith.constant 112 : index
          %parallel_loop3A_630 = tpu.vector_load %arg11[%parallel_loop3A_627, %parallel_loop3A_628, %parallel_loop3A_629] {strides = array<i32>} : memref<2x56x192xf32, #tpu.memory_space<vmem>>, vector<16xf32>,
          %parallel_loop3A_631 = arith.mulf %parallel_loop3A_630, %parallel_loop3A_333 : vector<16xf32>
          %parallel_loop3A_632 = arith.addf %parallel_loop3A_623, %parallel_loop3A_631 : vector<16xf32>
          %parallel_loop3A_633 = arith.constant 42 : i32
          %parallel_loop3A_634 = arith.addi %parallel_loop3A_633, %parallel_loop3A_321 : i32
          %parallel_loop3A_635 = arith.constant 1 : i32
          %parallel_loop3A_636 = arith.index_cast %parallel_loop3A_635 : i32 to index
          %parallel_loop3A_637 = arith.index_cast %parallel_loop3A_634 : i32 to index
          %parallel_loop3A_638 = arith.constant 112 : index
          %parallel_loop3A_639 = tpu.vector_load %arg11[%parallel_loop3A_636, %parallel_loop3A_637, %parallel_loop3A_638] {strides = array<i32>} : memref<2x56x192xf32, #tpu.memory_space<vmem>>, vector<16xf32>,
          %parallel_loop3A_640 = arith.mulf %parallel_loop3A_639, %parallel_loop3A_337 : vector<16xf32>
          %parallel_loop3A_641 = arith.addf %parallel_loop3A_632, %parallel_loop3A_640 : vector<16xf32>
          %parallel_loop3A_642 = arith.constant 112 : i32
          %parallel_loop3A_643 = arith.addi %parallel_loop3A_342, %parallel_loop3A_642 : i32
          %parallel_loop3A_644 = arith.index_cast %rem3A_46 : i32 to index
          %parallel_loop3A_645 = arith.index_cast %parallel_loop3A_643 : i32 to index
          %parallel_loop3A_646 = tpu.vector_load %arg12[%parallel_loop3A_644, %parallel_loop3A_645] {strides = array<i32>} : memref<2x37632xf32, #tpu.memory_space<vmem>>, vector<16xf32>,
          tpu.vector_store %arg12[%parallel_loop3A_644, %parallel_loop3A_645], %parallel_loop3A_641 {strides = array<i32>} : memref<2x37632xf32, #tpu.memory_space<vmem>>, vector<16xf32>,
          %parallel_loop3A_647 = arith.constant 1 : i32
          %parallel_loop3A_648 = arith.index_cast %parallel_loop3A_647 : i32 to index
          %parallel_loop3A_649 = arith.index_cast %parallel_loop3A_321 : i32 to index
          %parallel_loop3A_650 = arith.constant 128 : index
          %parallel_loop3A_651 = tpu.vector_load %arg11[%parallel_loop3A_648, %parallel_loop3A_649, %parallel_loop3A_650] {strides = array<i32>} : memref<2x56x192xf32, #tpu.memory_space<vmem>>, vector<16xf32>,
          %parallel_loop3A_652 = arith.mulf %parallel_loop3A_651, %parallel_loop3A_325 : vector<16xf32>
          %parallel_loop3A_653 = arith.constant 14 : i32
          %parallel_loop3A_654 = arith.addi %parallel_loop3A_653, %parallel_loop3A_321 : i32
          %parallel_loop3A_655 = arith.constant 1 : i32
          %parallel_loop3A_656 = arith.index_cast %parallel_loop3A_655 : i32 to index
          %parallel_loop3A_657 = arith.index_cast %parallel_loop3A_654 : i32 to index
          %parallel_loop3A_658 = arith.constant 128 : index
          %parallel_loop3A_659 = tpu.vector_load %arg11[%parallel_loop3A_656, %parallel_loop3A_657, %parallel_loop3A_658] {strides = array<i32>} : memref<2x56x192xf32, #tpu.memory_space<vmem>>, vector<16xf32>,
          %parallel_loop3A_660 = arith.mulf %parallel_loop3A_659, %parallel_loop3A_329 : vector<16xf32>
          %parallel_loop3A_661 = arith.addf %parallel_loop3A_652, %parallel_loop3A_660 : vector<16xf32>
          %parallel_loop3A_662 = arith.constant 28 : i32
          %parallel_loop3A_663 = arith.addi %parallel_loop3A_662, %parallel_loop3A_321 : i32
          %parallel_loop3A_664 = arith.constant 1 : i32
          %parallel_loop3A_665 = arith.index_cast %parallel_loop3A_664 : i32 to index
          %parallel_loop3A_666 = arith.index_cast %parallel_loop3A_663 : i32 to index
          %parallel_loop3A_667 = arith.constant 128 : index
          %parallel_loop3A_668 = tpu.vector_load %arg11[%parallel_loop3A_665, %parallel_loop3A_666, %parallel_loop3A_667] {strides = array<i32>} : memref<2x56x192xf32, #tpu.memory_space<vmem>>, vector<16xf32>,
          %parallel_loop3A_669 = arith.mulf %parallel_loop3A_668, %parallel_loop3A_333 : vector<16xf32>
          %parallel_loop3A_670 = arith.addf %parallel_loop3A_661, %parallel_loop3A_669 : vector<16xf32>
          %parallel_loop3A_671 = arith.constant 42 : i32
          %parallel_loop3A_672 = arith.addi %parallel_loop3A_671, %parallel_loop3A_321 : i32
          %parallel_loop3A_673 = arith.constant 1 : i32
          %parallel_loop3A_674 = arith.index_cast %parallel_loop3A_673 : i32 to index
          %parallel_loop3A_675 = arith.index_cast %parallel_loop3A_672 : i32 to index
          %parallel_loop3A_676 = arith.constant 128 : index
          %parallel_loop3A_677 = tpu.vector_load %arg11[%parallel_loop3A_674, %parallel_loop3A_675, %parallel_loop3A_676] {strides = array<i32>} : memref<2x56x192xf32, #tpu.memory_space<vmem>>, vector<16xf32>,
          %parallel_loop3A_678 = arith.mulf %parallel_loop3A_677, %parallel_loop3A_337 : vector<16xf32>
          %parallel_loop3A_679 = arith.addf %parallel_loop3A_670, %parallel_loop3A_678 : vector<16xf32>
          %parallel_loop3A_680 = arith.constant 128 : i32
          %parallel_loop3A_681 = arith.addi %parallel_loop3A_342, %parallel_loop3A_680 : i32
          %parallel_loop3A_682 = arith.index_cast %rem3A_46 : i32 to index
          %parallel_loop3A_683 = arith.index_cast %parallel_loop3A_681 : i32 to index
          %parallel_loop3A_684 = tpu.vector_load %arg12[%parallel_loop3A_682, %parallel_loop3A_683] {strides = array<i32>} : memref<2x37632xf32, #tpu.memory_space<vmem>>, vector<16xf32>,
          tpu.vector_store %arg12[%parallel_loop3A_682, %parallel_loop3A_683], %parallel_loop3A_679 {strides = array<i32>} : memref<2x37632xf32, #tpu.memory_space<vmem>>, vector<16xf32>,
          %parallel_loop3A_685 = arith.constant 1 : i32
          %parallel_loop3A_686 = arith.index_cast %parallel_loop3A_685 : i32 to index
          %parallel_loop3A_687 = arith.index_cast %parallel_loop3A_321 : i32 to index
          %parallel_loop3A_688 = arith.constant 144 : index
          %parallel_loop3A_689 = tpu.vector_load %arg11[%parallel_loop3A_686, %parallel_loop3A_687, %parallel_loop3A_688] {strides = array<i32>} : memref<2x56x192xf32, #tpu.memory_space<vmem>>, vector<16xf32>,
          %parallel_loop3A_690 = arith.mulf %parallel_loop3A_689, %parallel_loop3A_325 : vector<16xf32>
          %parallel_loop3A_691 = arith.constant 14 : i32
          %parallel_loop3A_692 = arith.addi %parallel_loop3A_691, %parallel_loop3A_321 : i32
          %parallel_loop3A_693 = arith.constant 1 : i32
          %parallel_loop3A_694 = arith.index_cast %parallel_loop3A_693 : i32 to index
          %parallel_loop3A_695 = arith.index_cast %parallel_loop3A_692 : i32 to index
          %parallel_loop3A_696 = arith.constant 144 : index
          %parallel_loop3A_697 = tpu.vector_load %arg11[%parallel_loop3A_694, %parallel_loop3A_695, %parallel_loop3A_696] {strides = array<i32>} : memref<2x56x192xf32, #tpu.memory_space<vmem>>, vector<16xf32>,
          %parallel_loop3A_698 = arith.mulf %parallel_loop3A_697, %parallel_loop3A_329 : vector<16xf32>
          %parallel_loop3A_699 = arith.addf %parallel_loop3A_690, %parallel_loop3A_698 : vector<16xf32>
          %parallel_loop3A_700 = arith.constant 28 : i32
          %parallel_loop3A_701 = arith.addi %parallel_loop3A_700, %parallel_loop3A_321 : i32
          %parallel_loop3A_702 = arith.constant 1 : i32
          %parallel_loop3A_703 = arith.index_cast %parallel_loop3A_702 : i32 to index
          %parallel_loop3A_704 = arith.index_cast %parallel_loop3A_701 : i32 to index
          %parallel_loop3A_705 = arith.constant 144 : index
          %parallel_loop3A_706 = tpu.vector_load %arg11[%parallel_loop3A_703, %parallel_loop3A_704, %parallel_loop3A_705] {strides = array<i32>} : memref<2x56x192xf32, #tpu.memory_space<vmem>>, vector<16xf32>,
          %parallel_loop3A_707 = arith.mulf %parallel_loop3A_706, %parallel_loop3A_333 : vector<16xf32>
          %parallel_loop3A_708 = arith.addf %parallel_loop3A_699, %parallel_loop3A_707 : vector<16xf32>
          %parallel_loop3A_709 = arith.constant 42 : i32
          %parallel_loop3A_710 = arith.addi %parallel_loop3A_709, %parallel_loop3A_321 : i32
          %parallel_loop3A_711 = arith.constant 1 : i32
          %parallel_loop3A_712 = arith.index_cast %parallel_loop3A_711 : i32 to index
          %parallel_loop3A_713 = arith.index_cast %parallel_loop3A_710 : i32 to index
          %parallel_loop3A_714 = arith.constant 144 : index
          %parallel_loop3A_715 = tpu.vector_load %arg11[%parallel_loop3A_712, %parallel_loop3A_713, %parallel_loop3A_714] {strides = array<i32>} : memref<2x56x192xf32, #tpu.memory_space<vmem>>, vector<16xf32>,
          %parallel_loop3A_716 = arith.mulf %parallel_loop3A_715, %parallel_loop3A_337 : vector<16xf32>
          %parallel_loop3A_717 = arith.addf %parallel_loop3A_708, %parallel_loop3A_716 : vector<16xf32>
          %parallel_loop3A_718 = arith.constant 144 : i32
          %parallel_loop3A_719 = arith.addi %parallel_loop3A_342, %parallel_loop3A_718 : i32
          %parallel_loop3A_720 = arith.index_cast %rem3A_46 : i32 to index
          %parallel_loop3A_721 = arith.index_cast %parallel_loop3A_719 : i32 to index
          %parallel_loop3A_722 = tpu.vector_load %arg12[%parallel_loop3A_720, %parallel_loop3A_721] {strides = array<i32>} : memref<2x37632xf32, #tpu.memory_space<vmem>>, vector<16xf32>,
          tpu.vector_store %arg12[%parallel_loop3A_720, %parallel_loop3A_721], %parallel_loop3A_717 {strides = array<i32>} : memref<2x37632xf32, #tpu.memory_space<vmem>>, vector<16xf32>,
          %parallel_loop3A_723 = arith.constant 1 : i32
          %parallel_loop3A_724 = arith.index_cast %parallel_loop3A_723 : i32 to index
          %parallel_loop3A_725 = arith.index_cast %parallel_loop3A_321 : i32 to index
          %parallel_loop3A_726 = arith.constant 160 : index
          %parallel_loop3A_727 = tpu.vector_load %arg11[%parallel_loop3A_724, %parallel_loop3A_725, %parallel_loop3A_726] {strides = array<i32>} : memref<2x56x192xf32, #tpu.memory_space<vmem>>, vector<16xf32>,
          %parallel_loop3A_728 = arith.mulf %parallel_loop3A_727, %parallel_loop3A_325 : vector<16xf32>
          %parallel_loop3A_729 = arith.constant 14 : i32
          %parallel_loop3A_730 = arith.addi %parallel_loop3A_729, %parallel_loop3A_321 : i32
          %parallel_loop3A_731 = arith.constant 1 : i32
          %parallel_loop3A_732 = arith.index_cast %parallel_loop3A_731 : i32 to index
          %parallel_loop3A_733 = arith.index_cast %parallel_loop3A_730 : i32 to index
          %parallel_loop3A_734 = arith.constant 160 : index
          %parallel_loop3A_735 = tpu.vector_load %arg11[%parallel_loop3A_732, %parallel_loop3A_733, %parallel_loop3A_734] {strides = array<i32>} : memref<2x56x192xf32, #tpu.memory_space<vmem>>, vector<16xf32>,
          %parallel_loop3A_736 = arith.mulf %parallel_loop3A_735, %parallel_loop3A_329 : vector<16xf32>
          %parallel_loop3A_737 = arith.addf %parallel_loop3A_728, %parallel_loop3A_736 : vector<16xf32>
          %parallel_loop3A_738 = arith.constant 28 : i32
          %parallel_loop3A_739 = arith.addi %parallel_loop3A_738, %parallel_loop3A_321 : i32
          %parallel_loop3A_740 = arith.constant 1 : i32
          %parallel_loop3A_741 = arith.index_cast %parallel_loop3A_740 : i32 to index
          %parallel_loop3A_742 = arith.index_cast %parallel_loop3A_739 : i32 to index
          %parallel_loop3A_743 = arith.constant 160 : index
          %parallel_loop3A_744 = tpu.vector_load %arg11[%parallel_loop3A_741, %parallel_loop3A_742, %parallel_loop3A_743] {strides = array<i32>} : memref<2x56x192xf32, #tpu.memory_space<vmem>>, vector<16xf32>,
          %parallel_loop3A_745 = arith.mulf %parallel_loop3A_744, %parallel_loop3A_333 : vector<16xf32>
          %parallel_loop3A_746 = arith.addf %parallel_loop3A_737, %parallel_loop3A_745 : vector<16xf32>
          %parallel_loop3A_747 = arith.constant 42 : i32
          %parallel_loop3A_748 = arith.addi %parallel_loop3A_747, %parallel_loop3A_321 : i32
          %parallel_loop3A_749 = arith.constant 1 : i32
          %parallel_loop3A_750 = arith.index_cast %parallel_loop3A_749 : i32 to index
          %parallel_loop3A_751 = arith.index_cast %parallel_loop3A_748 : i32 to index
          %parallel_loop3A_752 = arith.constant 160 : index
          %parallel_loop3A_753 = tpu.vector_load %arg11[%parallel_loop3A_750, %parallel_loop3A_751, %parallel_loop3A_752] {strides = array<i32>} : memref<2x56x192xf32, #tpu.memory_space<vmem>>, vector<16xf32>,
          %parallel_loop3A_754 = arith.mulf %parallel_loop3A_753, %parallel_loop3A_337 : vector<16xf32>
          %parallel_loop3A_755 = arith.addf %parallel_loop3A_746, %parallel_loop3A_754 : vector<16xf32>
          %parallel_loop3A_756 = arith.constant 160 : i32
          %parallel_loop3A_757 = arith.addi %parallel_loop3A_342, %parallel_loop3A_756 : i32
          %parallel_loop3A_758 = arith.index_cast %rem3A_46 : i32 to index
          %parallel_loop3A_759 = arith.index_cast %parallel_loop3A_757 : i32 to index
          %parallel_loop3A_760 = tpu.vector_load %arg12[%parallel_loop3A_758, %parallel_loop3A_759] {strides = array<i32>} : memref<2x37632xf32, #tpu.memory_space<vmem>>, vector<16xf32>,
          tpu.vector_store %arg12[%parallel_loop3A_758, %parallel_loop3A_759], %parallel_loop3A_755 {strides = array<i32>} : memref<2x37632xf32, #tpu.memory_space<vmem>>, vector<16xf32>,
          %parallel_loop3A_761 = arith.constant 1 : i32
          %parallel_loop3A_762 = arith.index_cast %parallel_loop3A_761 : i32 to index
          %parallel_loop3A_763 = arith.index_cast %parallel_loop3A_321 : i32 to index
          %parallel_loop3A_764 = arith.constant 176 : index
          %parallel_loop3A_765 = tpu.vector_load %arg11[%parallel_loop3A_762, %parallel_loop3A_763, %parallel_loop3A_764] {strides = array<i32>} : memref<2x56x192xf32, #tpu.memory_space<vmem>>, vector<16xf32>,
          %parallel_loop3A_766 = arith.mulf %parallel_loop3A_765, %parallel_loop3A_325 : vector<16xf32>
          %parallel_loop3A_767 = arith.constant 14 : i32
          %parallel_loop3A_768 = arith.addi %parallel_loop3A_767, %parallel_loop3A_321 : i32
          %parallel_loop3A_769 = arith.constant 1 : i32
          %parallel_loop3A_770 = arith.index_cast %parallel_loop3A_769 : i32 to index
          %parallel_loop3A_771 = arith.index_cast %parallel_loop3A_768 : i32 to index
          %parallel_loop3A_772 = arith.constant 176 : index
          %parallel_loop3A_773 = tpu.vector_load %arg11[%parallel_loop3A_770, %parallel_loop3A_771, %parallel_loop3A_772] {strides = array<i32>} : memref<2x56x192xf32, #tpu.memory_space<vmem>>, vector<16xf32>,
          %parallel_loop3A_774 = arith.mulf %parallel_loop3A_773, %parallel_loop3A_329 : vector<16xf32>
          %parallel_loop3A_775 = arith.addf %parallel_loop3A_766, %parallel_loop3A_774 : vector<16xf32>
          %parallel_loop3A_776 = arith.constant 28 : i32
          %parallel_loop3A_777 = arith.addi %parallel_loop3A_776, %parallel_loop3A_321 : i32
          %parallel_loop3A_778 = arith.constant 1 : i32
          %parallel_loop3A_779 = arith.index_cast %parallel_loop3A_778 : i32 to index
          %parallel_loop3A_780 = arith.index_cast %parallel_loop3A_777 : i32 to index
          %parallel_loop3A_781 = arith.constant 176 : index
          %parallel_loop3A_782 = tpu.vector_load %arg11[%parallel_loop3A_779, %parallel_loop3A_780, %parallel_loop3A_781] {strides = array<i32>} : memref<2x56x192xf32, #tpu.memory_space<vmem>>, vector<16xf32>,
          %parallel_loop3A_783 = arith.mulf %parallel_loop3A_782, %parallel_loop3A_333 : vector<16xf32>
          %parallel_loop3A_784 = arith.addf %parallel_loop3A_775, %parallel_loop3A_783 : vector<16xf32>
          %parallel_loop3A_785 = arith.constant 42 : i32
          %parallel_loop3A_786 = arith.addi %parallel_loop3A_785, %parallel_loop3A_321 : i32
          %parallel_loop3A_787 = arith.constant 1 : i32
          %parallel_loop3A_788 = arith.index_cast %parallel_loop3A_787 : i32 to index
          %parallel_loop3A_789 = arith.index_cast %parallel_loop3A_786 : i32 to index
          %parallel_loop3A_790 = arith.constant 176 : index
          %parallel_loop3A_791 = tpu.vector_load %arg11[%parallel_loop3A_788, %parallel_loop3A_789, %parallel_loop3A_790] {strides = array<i32>} : memref<2x56x192xf32, #tpu.memory_space<vmem>>, vector<16xf32>,
          %parallel_loop3A_792 = arith.mulf %parallel_loop3A_791, %parallel_loop3A_337 : vector<16xf32>
          %parallel_loop3A_793 = arith.addf %parallel_loop3A_784, %parallel_loop3A_792 : vector<16xf32>
          %parallel_loop3A_794 = arith.constant 176 : i32
          %parallel_loop3A_795 = arith.addi %parallel_loop3A_342, %parallel_loop3A_794 : i32
          %parallel_loop3A_796 = arith.index_cast %rem3A_46 : i32 to index
          %parallel_loop3A_797 = arith.index_cast %parallel_loop3A_795 : i32 to index
          %parallel_loop3A_798 = tpu.vector_load %arg12[%parallel_loop3A_796, %parallel_loop3A_797] {strides = array<i32>} : memref<2x37632xf32, #tpu.memory_space<vmem>>, vector<16xf32>,
          tpu.vector_store %arg12[%parallel_loop3A_796, %parallel_loop3A_797], %parallel_loop3A_793 {strides = array<i32>} : memref<2x37632xf32, #tpu.memory_space<vmem>>, vector<16xf32>,
        } {sc.loop_unroll_factor = 2 : i64, sc.parallel_access}
        %scan3A_320 = arith.constant 0 : i32
        scf.yield %scan3A_320 : i32
      }
      %scan3A_169 = arith.constant 7 : i32
      %dma_start3A = arith.constant 0 : i32
      %dma_start3A_170 = tpu.memref_slice %arg12[%rem3A_46, %dma_start3A] : memref<2x37632xf32, #tpu.memory_space<vmem>> -> memref<1x37632xf32, #tpu.memory_space<vmem>>
      %dma_start3A_171 = tpu.memref_squeeze %dma_start3A_170 : memref<1x37632xf32, #tpu.memory_space<vmem>> -> memref<37632xf32, #tpu.memory_space<vmem>>
      %dma_start3A_172 = arith.constant 0 : i32
      %dma_start3A_173 = tpu.memref_slice %arg5[%add3A_45, %dma_start3A_172] : memref<1000x37632xf32, #tpu.memory_space<hbm>> -> memref<1x37632xf32, #tpu.memory_space<hbm>>
      %dma_start3A_174 = tpu.memref_squeeze %dma_start3A_173 : memref<1x37632xf32, #tpu.memory_space<hbm>> -> memref<37632xf32, #tpu.memory_space<hbm>>
      %dma_start3A_175 = arith.constant 0 : i32
      %dma_start3A_176 = tpu.memref_slice %arg5[%add3A_45, %dma_start3A_175] : memref<1000x37632xf32, #tpu.memory_space<hbm>> -> memref<1x37632xf32, #tpu.memory_space<hbm>>
      %dma_start3A_177 = tpu.memref_squeeze %dma_start3A_176 : memref<1x37632xf32, #tpu.memory_space<hbm>> -> memref<37632xf32, #tpu.memory_space<hbm>>
      %dma_start3A_178 = arith.constant 0 : i32
      %dma_start3A_179 = tpu.memref_slice %arg12[%rem3A_46, %dma_start3A_178] : memref<2x37632xf32, #tpu.memory_space<vmem>> -> memref<1x37632xf32, #tpu.memory_space<vmem>>
      %dma_start3A_180 = tpu.memref_squeeze %dma_start3A_179 : memref<1x37632xf32, #tpu.memory_space<vmem>> -> memref<37632xf32, #tpu.memory_space<vmem>>
      tpu.enqueue_dma source(%dma_start3A_180 : memref<37632xf32, #tpu.memory_space<vmem>>) target(%dma_start3A_177 : memref<37632xf32, #tpu.memory_space<hbm>>) target_semaphore(%arg15 : memref<!tpu.dma_semaphore, #tpu.memory_space<semaphore_mem>>)
      %while3A_181 = arith.constant 0 : i32
      scf.yield %while3A_181 : i32
    }
    %while3A_12 = arith.constant 1 : i32
    %while3A_13 = scf.for %while3A_41 = %while3A_9 to %while3A_5 step %while3A_12 iter_args(%while3A_42 = %while3A_11) -> (i32)  : i32 {
      %mul3A_43 = arith.constant 32 : i32
      %mul3A_44 = arith.muli %mul3A_43, %while3A_41 : i32
      %add3A_45 = arith.addi %add3A, %mul3A_44 : i32
      %rem3A = arith.constant 2 : i32
      %rem3A_46 = arith.remsi %while3A_41, %rem3A : i32
      %ge3A = arith.constant 2 : i32
      %ge3A_47 = arith.cmpi sge, %while3A_41, %ge3A : i32
      %convert_element_type3A_48 = arith.extui %ge3A_47 : i1 to i32
      %cond3A = arith.constant 0 : i32
      %cond3A_49 = arith.cmpi ne, %convert_element_type3A_48, %cond3A : i32
      scf.if %cond3A_49 {
        %dma_wait3A_182 = arith.constant 0 : i32
        %dma_wait3A_183 = arith.constant 0 : i32
        %dma_wait3A_184 = arith.constant 0 : i32
        %dma_wait3A_185 = tpu.memref_slice %arg12[%dma_wait3A_182, %dma_wait3A_184] : memref<2x37632xf32, #tpu.memory_space<vmem>> -> memref<1x37632xf32, #tpu.memory_space<vmem>>
        %dma_wait3A_186 = tpu.memref_squeeze %dma_wait3A_185 : memref<1x37632xf32, #tpu.memory_space<vmem>> -> memref<37632xf32, #tpu.memory_space<vmem>>
        %dma_wait3A_187 = arith.constant 0 : i32
        %dma_wait3A_188 = tpu.memref_slice %arg5[%dma_wait3A_183, %dma_wait3A_187] : memref<1000x37632xf32, #tpu.memory_space<hbm>> -> memref<1x37632xf32, #tpu.memory_space<hbm>>
        %dma_wait3A_189 = tpu.memref_squeeze %dma_wait3A_188 : memref<1x37632xf32, #tpu.memory_space<hbm>> -> memref<37632xf32, #tpu.memory_space<hbm>>
        %dma_wait3A_190 = arith.constant 0 : i32
        %dma_wait3A_191 = tpu.memref_slice %arg5[%dma_wait3A_183, %dma_wait3A_190] : memref<1000x37632xf32, #tpu.memory_space<hbm>> -> memref<1x37632xf32, #tpu.memory_space<hbm>>
        %dma_wait3A_192 = tpu.memref_squeeze %dma_wait3A_191 : memref<1x37632xf32, #tpu.memory_space<hbm>> -> memref<37632xf32, #tpu.memory_space<hbm>>
        %dma_wait3A_193 = arith.constant 0 : i32
        %dma_wait3A_194 = tpu.memref_slice %arg12[%dma_wait3A_182, %dma_wait3A_193] : memref<2x37632xf32, #tpu.memory_space<vmem>> -> memref<1x37632xf32, #tpu.memory_space<vmem>>
        %dma_wait3A_195 = tpu.memref_squeeze %dma_wait3A_194 : memref<1x37632xf32, #tpu.memory_space<vmem>> -> memref<37632xf32, #tpu.memory_space<vmem>>
        tpu.wait_dma2 semaphore(%arg15 : memref<!tpu.dma_semaphore, #tpu.memory_space<semaphore_mem>>) src(%dma_wait3A_195 : memref<37632xf32, #tpu.memory_space<vmem>>) dst(%dma_wait3A_192 : memref<37632xf32, #tpu.memory_space<hbm>>)
      } else {
      }
      %mul3A_50 = arith.constant 4 : i32
      %mul3A_51 = arith.muli %mul3A_50, %add3A_45 : i32
      %add3A_52 = arith.constant 0 : i32
      %add3A_53 = arith.addi %mul3A_51, %add3A_52 : i32
      %broadcast_in_dim3A = vector.broadcast %add3A_53 : i32 to vector<16xi32>
      %gather3A = tpu.vector_load_idx %arg6[%broadcast_in_dim3A] : memref<4000xf32, #tpu.memory_space<vmem>>[vector<16xi32>], vector<16xf32>,
      %mul3A_54 = arith.constant 4 : i32
      %mul3A_55 = arith.muli %mul3A_54, %add3A_45 : i32
      %add3A_56 = arith.constant 1 : i32
      %add3A_57 = arith.addi %mul3A_55, %add3A_56 : i32
      %broadcast_in_dim3A_58 = vector.broadcast %add3A_57 : i32 to vector<16xi32>
      %gather3A_59 = tpu.vector_load_idx %arg6[%broadcast_in_dim3A_58] : memref<4000xf32, #tpu.memory_space<vmem>>[vector<16xi32>], vector<16xf32>,
      %mul3A_60 = arith.constant 4 : i32
      %mul3A_61 = arith.muli %mul3A_60, %add3A_45 : i32
      %add3A_62 = arith.constant 2 : i32
      %add3A_63 = arith.addi %mul3A_61, %add3A_62 : i32
      %broadcast_in_dim3A_64 = vector.broadcast %add3A_63 : i32 to vector<16xi32>
      %gather3A_65 = tpu.vector_load_idx %arg6[%broadcast_in_dim3A_64] : memref<4000xf32, #tpu.memory_space<vmem>>[vector<16xi32>], vector<16xf32>,
      %mul3A_66 = arith.constant 4 : i32
      %mul3A_67 = arith.muli %mul3A_66, %add3A_45 : i32
      %add3A_68 = arith.constant 3 : i32
      %add3A_69 = arith.addi %mul3A_67, %add3A_68 : i32
      %broadcast_in_dim3A_70 = vector.broadcast %add3A_69 : i32 to vector<16xi32>
      %gather3A_71 = tpu.vector_load_idx %arg6[%broadcast_in_dim3A_70] : memref<4000xf32, #tpu.memory_space<vmem>>[vector<16xi32>], vector<16xf32>,
      %broadcast_in_dim3A_72 = vector.broadcast %add3A_45 : i32 to vector<16xi32>
      %gather3A_73 = tpu.vector_load_idx %arg7[%broadcast_in_dim3A_72] : memref<1000xi32, #tpu.memory_space<vmem>>[vector<16xi32>], vector<16xi32>,
      %sub3A = arith.subf %gather3A_65, %gather3A : vector<16xf32>
      %mul3A_74 = arith.constant 2.230000e+02 : f32
      %mul3A_75 = vector.broadcast %mul3A_74 : f32 to vector<16xf32>
      %mul3A_76 = arith.mulf %sub3A, %mul3A_75 : vector<16xf32>
      %div3A = arith.constant 1.300000e+01 : f32
      %div3A_77 = vector.broadcast %div3A : f32 to vector<16xf32>
      %div3A_78 = arith.divf %mul3A_76, %div3A_77 : vector<16xf32>
      %sub3A_79 = arith.subf %gather3A_71, %gather3A_59 : vector<16xf32>
      %mul3A_80 = arith.constant 2.230000e+02 : f32
      %mul3A_81 = vector.broadcast %mul3A_80 : f32 to vector<16xf32>
      %mul3A_82 = arith.mulf %sub3A_79, %mul3A_81 : vector<16xf32>
      %div3A_83 = arith.constant 1.300000e+01 : f32
      %div3A_84 = vector.broadcast %div3A_83 : f32 to vector<16xf32>
      %div3A_85 = arith.divf %mul3A_82, %div3A_84 : vector<16xf32>
      %mul3A_86 = arith.constant 2.230000e+02 : f32
      %mul3A_87 = vector.broadcast %mul3A_86 : f32 to vector<16xf32>
      %mul3A_88 = arith.mulf %gather3A, %mul3A_87 : vector<16xf32>
      %mul3A_89 = arith.mulf %convert_element_type3A, %div3A_78 : vector<16xf32>
      %add3A_90 = arith.addf %mul3A_88, %mul3A_89 : vector<16xf32>
      %mul3A_91 = arith.constant 2.230000e+02 : f32
      %mul3A_92 = vector.broadcast %mul3A_91 : f32 to vector<16xf32>
      %mul3A_93 = arith.mulf %gather3A_59, %mul3A_92 : vector<16xf32>
      %mul3A_94 = arith.mulf %convert_element_type3A, %div3A_85 : vector<16xf32>
      %add3A_95 = arith.addf %mul3A_93, %mul3A_94 : vector<16xf32>
      %convert_element_type3A_96 = arith.fptosi %add3A_90 : vector<16xf32> to vector<16xi32>
      %max3A = arith.constant 0 : i32
      %max3A_97 = vector.broadcast %max3A : i32 to vector<16xi32>
      %max3A_98 = arith.maxsi %convert_element_type3A_96, %max3A_97 : vector<16xi32>
      %min3A = arith.constant 223 : i32
      %min3A_99 = vector.broadcast %min3A : i32 to vector<16xi32>
      %min3A_100 = arith.minsi %max3A_98, %min3A_99 : vector<16xi32>
      %add3A_101 = arith.constant 1 : i32
      %add3A_102 = vector.broadcast %add3A_101 : i32 to vector<16xi32>
      %add3A_103 = arith.addi %min3A_100, %add3A_102 : vector<16xi32>
      %min3A_104 = arith.constant 223 : i32
      %min3A_105 = vector.broadcast %min3A_104 : i32 to vector<16xi32>
      %min3A_106 = arith.minsi %add3A_103, %min3A_105 : vector<16xi32>
      %convert_element_type3A_107 = arith.sitofp %min3A_100 : vector<16xi32> to vector<16xf32>
      %sub3A_108 = arith.subf %add3A_90, %convert_element_type3A_107 : vector<16xf32>
      %ge3A_109 = arith.constant 0.000000e+00 : f32
      %ge3A_110 = vector.broadcast %ge3A_109 : f32 to vector<16xf32>
      %ge3A_111 = arith.cmpf oge, %add3A_90, %ge3A_110 : vector<16xf32>
      %le3A = arith.constant 2.230000e+02 : f32
      %le3A_112 = vector.broadcast %le3A : f32 to vector<16xf32>
      %le3A_113 = arith.cmpf ole, %add3A_90, %le3A_112 : vector<16xf32>
      %and3A = arith.andi %ge3A_111, %le3A_113 : vector<16xi1>
      %jit3A_114 = arith.constant 1.000000e+00 : f32
      %jit3A_115 = arith.constant 0.000000e+00 : f32
      %broadcast_in_dim3A_116 = vector.broadcast %jit3A_114 : f32 to vector<16xf32>
      %broadcast_in_dim3A_117 = vector.broadcast %jit3A_115 : f32 to vector<16xf32>
      %select_n3A_118 = arith.select %and3A, %broadcast_in_dim3A_116, %broadcast_in_dim3A_117 : vector<16xi1>, vector<16xf32>
      %convert_element_type3A_119 = arith.fptosi %add3A_95 : vector<16xf32> to vector<16xi32>
      %max3A_120 = arith.constant 0 : i32
      %max3A_121 = vector.broadcast %max3A_120 : i32 to vector<16xi32>
      %max3A_122 = arith.maxsi %convert_element_type3A_119, %max3A_121 : vector<16xi32>
      %min3A_123 = arith.constant 223 : i32
      %min3A_124 = vector.broadcast %min3A_123 : i32 to vector<16xi32>
      %min3A_125 = arith.minsi %max3A_122, %min3A_124 : vector<16xi32>
      %add3A_126 = arith.constant 1 : i32
      %add3A_127 = vector.broadcast %add3A_126 : i32 to vector<16xi32>
      %add3A_128 = arith.addi %min3A_125, %add3A_127 : vector<16xi32>
      %min3A_129 = arith.constant 223 : i32
      %min3A_130 = vector.broadcast %min3A_129 : i32 to vector<16xi32>
      %min3A_131 = arith.minsi %add3A_128, %min3A_130 : vector<16xi32>
      %convert_element_type3A_132 = arith.sitofp %min3A_125 : vector<16xi32> to vector<16xf32>
      %sub3A_133 = arith.subf %add3A_95, %convert_element_type3A_132 : vector<16xf32>
      %ge3A_134 = arith.constant 0.000000e+00 : f32
      %ge3A_135 = vector.broadcast %ge3A_134 : f32 to vector<16xf32>
      %ge3A_136 = arith.cmpf oge, %add3A_95, %ge3A_135 : vector<16xf32>
      %le3A_137 = arith.constant 2.230000e+02 : f32
      %le3A_138 = vector.broadcast %le3A_137 : f32 to vector<16xf32>
      %le3A_139 = arith.cmpf ole, %add3A_95, %le3A_138 : vector<16xf32>
      %and3A_140 = arith.andi %ge3A_136, %le3A_139 : vector<16xi1>
      %jit3A_141 = arith.constant 1.000000e+00 : f32
      %jit3A_142 = arith.constant 0.000000e+00 : f32
      %broadcast_in_dim3A_143 = vector.broadcast %jit3A_141 : f32 to vector<16xf32>
      %broadcast_in_dim3A_144 = vector.broadcast %jit3A_142 : f32 to vector<16xf32>
      %select_n3A_145 = arith.select %and3A_140, %broadcast_in_dim3A_143, %broadcast_in_dim3A_144 : vector<16xi1>, vector<16xf32>
      %swap3A = arith.constant 0 : index
      %swap3A_146 = tpu.vector_load %arg8[%swap3A] {strides = array<i32>} : memref<128xf32, #tpu.memory_space<vmem>>, vector<16xf32>,
      tpu.vector_store %arg8[%swap3A], %sub3A_108 {strides = array<i32>} : memref<128xf32, #tpu.memory_space<vmem>>, vector<16xf32>,
      %swap3A_147 = arith.constant 16 : index
      %swap3A_148 = tpu.vector_load %arg8[%swap3A_147] {strides = array<i32>} : memref<128xf32, #tpu.memory_space<vmem>>, vector<16xf32>,
      tpu.vector_store %arg8[%swap3A_147], %select_n3A_118 {strides = array<i32>} : memref<128xf32, #tpu.memory_space<vmem>>, vector<16xf32>,
      %mul3A_149 = arith.constant 50176 : i32
      %mul3A_150 = vector.broadcast %mul3A_149 : i32 to vector<16xi32>
      %mul3A_151 = arith.muli %gather3A_73, %mul3A_150 : vector<16xi32>
      %mul3A_152 = arith.constant 224 : i32
      %mul3A_153 = vector.broadcast %mul3A_152 : i32 to vector<16xi32>
      %mul3A_154 = arith.muli %min3A_100, %mul3A_153 : vector<16xi32>
      %add3A_155 = arith.addi %mul3A_151, %mul3A_154 : vector<16xi32>
      %swap3A_156 = arith.constant 0 : index
      %swap3A_157 = tpu.vector_load %arg9[%swap3A_156] {strides = array<i32>} : memref<32xi32, #tpu.memory_space<vmem>>, vector<16xi32>,
      tpu.vector_store %arg9[%swap3A_156], %add3A_155 {strides = array<i32>} : memref<32xi32, #tpu.memory_space<vmem>>, vector<16xi32>,
      %mul3A_158 = arith.constant 224 : i32
      %mul3A_159 = vector.broadcast %mul3A_158 : i32 to vector<16xi32>
      %mul3A_160 = arith.muli %min3A_106, %mul3A_159 : vector<16xi32>
      %add3A_161 = arith.addi %mul3A_151, %mul3A_160 : vector<16xi32>
      %swap3A_162 = arith.constant 16 : index
      %swap3A_163 = tpu.vector_load %arg9[%swap3A_162] {strides = array<i32>} : memref<32xi32, #tpu.memory_space<vmem>>, vector<16xi32>,
      tpu.vector_store %arg9[%swap3A_162], %add3A_161 {strides = array<i32>} : memref<32xi32, #tpu.memory_space<vmem>>, vector<16xi32>,
      %scan3A = arith.constant 0 : i32
      %scan3A_164 = arith.constant 0 : i32
      %scan3A_165 = arith.constant 7 : i32
      %scan3A_166 = arith.addi %scan3A_164, %scan3A_165 : i32
      %scan3A_167 = arith.constant 1 : i32
      %scan3A_168 = scf.for %scan3A_182 = %scan3A_164 to %scan3A_166 step %scan3A_167 iter_args(%scan3A_183 = %scan3A) -> (i32)  : i32 {
        %mul3A_184 = arith.constant 2 : i32
        %mul3A_185 = arith.muli %mul3A_184, %scan3A_182 : i32
        %eq3A = arith.constant 0 : i32
        %eq3A_186 = arith.cmpi eq, %scan3A_182, %eq3A : i32
        %convert_element_type3A_187 = arith.extui %eq3A_186 : i1 to i32
        %cond3A_188 = arith.constant 0 : i32
        %cond3A_189 = arith.cmpi ne, %convert_element_type3A_187, %cond3A_188 : i32
        scf.if %cond3A_189 {
          %add3A_321 = arith.constant 0 : i32
          %add3A_322 = arith.addi %add3A_321, %mul3A_185 : i32
          %broadcast_in_dim3A_323 = vector.broadcast %add3A_322 : i32 to vector<16xi32>
          %gather3A_324 = tpu.vector_load_idx %arg9[%broadcast_in_dim3A_323] : memref<32xi32, #tpu.memory_space<vmem>>[vector<16xi32>], vector<16xi32>,
          %add3A_325 = arith.constant 16 : i32
          %add3A_326 = arith.addi %add3A_325, %mul3A_185 : i32
          %broadcast_in_dim3A_327 = vector.broadcast %add3A_326 : i32 to vector<16xi32>
          %gather3A_328 = tpu.vector_load_idx %arg9[%broadcast_in_dim3A_327] : memref<32xi32, #tpu.memory_space<vmem>>[vector<16xi32>], vector<16xi32>,
          %add3A_329 = arith.addi %gather3A_324, %min3A_125 : vector<16xi32>
          %swap3A_330 = arith.constant 0 : i32
          %swap3A_331 = arith.index_cast %swap3A_330 : i32 to index
          %swap3A_332 = arith.constant 0 : index
          %swap3A_333 = tpu.vector_load %arg10[%swap3A_331, %swap3A_332] {strides = array<i32>} : memref<2x64xi32, #tpu.memory_space<vmem>>, vector<16xi32>,
          tpu.vector_store %arg10[%swap3A_331, %swap3A_332], %add3A_329 {strides = array<i32>} : memref<2x64xi32, #tpu.memory_space<vmem>>, vector<16xi32>,
          %add3A_334 = arith.addi %gather3A_324, %min3A_131 : vector<16xi32>
          %swap3A_335 = arith.constant 0 : i32
          %swap3A_336 = arith.index_cast %swap3A_335 : i32 to index
          %swap3A_337 = arith.constant 14 : index
          %swap3A_338 = tpu.vector_load %arg10[%swap3A_336, %swap3A_337] {strides = array<i32>} : memref<2x64xi32, #tpu.memory_space<vmem>>, vector<16xi32>,
          tpu.vector_store %arg10[%swap3A_336, %swap3A_337], %add3A_334 {strides = array<i32>} : memref<2x64xi32, #tpu.memory_space<vmem>>, vector<16xi32>,
          %add3A_339 = arith.addi %gather3A_328, %min3A_125 : vector<16xi32>
          %swap3A_340 = arith.constant 0 : i32
          %swap3A_341 = arith.index_cast %swap3A_340 : i32 to index
          %swap3A_342 = arith.constant 28 : index
          %swap3A_343 = tpu.vector_load %arg10[%swap3A_341, %swap3A_342] {strides = array<i32>} : memref<2x64xi32, #tpu.memory_space<vmem>>, vector<16xi32>,
          tpu.vector_store %arg10[%swap3A_341, %swap3A_342], %add3A_339 {strides = array<i32>} : memref<2x64xi32, #tpu.memory_space<vmem>>, vector<16xi32>,
          %add3A_344 = arith.addi %gather3A_328, %min3A_131 : vector<16xi32>
          %swap3A_345 = arith.constant 0 : i32
          %swap3A_346 = arith.index_cast %swap3A_345 : i32 to index
          %swap3A_347 = arith.constant 42 : index
          %swap3A_348 = tpu.vector_load %arg10[%swap3A_346, %swap3A_347] {strides = array<i32>} : memref<2x64xi32, #tpu.memory_space<vmem>>, vector<16xi32>,
          tpu.vector_store %arg10[%swap3A_346, %swap3A_347], %add3A_344 {strides = array<i32>} : memref<2x64xi32, #tpu.memory_space<vmem>>, vector<16xi32>,
          %dma_start3A_349 = arith.constant 0 : i32
          %dma_start3A_350 = arith.constant 0 : i32
          %dma_start3A_351 = arith.constant 0 : i32
          %dma_start3A_352 = arith.constant 0 : i32
          %dma_start3A_353 = tpu.memref_slice %arg11[%dma_start3A_350, %dma_start3A_351, %dma_start3A_352] : memref<2x56x192xf32, #tpu.memory_space<vmem>> -> memref<1x56x192xf32, #tpu.memory_space<vmem>>
          %dma_start3A_354 = tpu.memref_squeeze %dma_start3A_353 : memref<1x56x192xf32, #tpu.memory_space<vmem>> -> memref<56x192xf32, #tpu.memory_space<vmem>>
          %dma_start3A_355 = arith.constant 0 : i32
          %dma_start3A_356 = tpu.memref_slice %arg10[%dma_start3A_349, %dma_start3A_355] : memref<2x64xi32, #tpu.memory_space<vmem>> -> memref<1x56xi32, #tpu.memory_space<vmem>>
          %dma_start3A_357 = tpu.memref_squeeze %dma_start3A_356 : memref<1x56xi32, #tpu.memory_space<vmem>> -> memref<56xi32, #tpu.memory_space<vmem>>
          %dma_start3A_358 = arith.constant 0 : i32
          %dma_start3A_359 = arith.constant 0 : i32
          %dma_start3A_360 = tpu.memref_slice %arg2[%dma_start3A_358, %dma_start3A_359] : memref<401408x192xf32, #tpu.memory_space<hbm>> -> memref<401408x192xf32, #tpu.memory_space<hbm>>
          tpu.enqueue_indirect_dma source(%dma_start3A_360 : memref<401408x192xf32, #tpu.memory_space<hbm>>) target(%dma_start3A_354 : memref<56x192xf32, #tpu.memory_space<vmem>>) offsets(%dma_start3A_357 : memref<56xi32, #tpu.memory_space<vmem>>) semaphore(%arg13 : memref<!tpu.dma_semaphore, #tpu.memory_space<semaphore_mem>>)
        } else {
        }
        %add3A_190 = arith.constant 1 : i32
        %add3A_191 = arith.addi %mul3A_185, %add3A_190 : i32
        %add3A_192 = arith.constant 0 : i32
        %add3A_193 = arith.addi %add3A_192, %add3A_191 : i32
        %broadcast_in_dim3A_194 = vector.broadcast %add3A_193 : i32 to vector<16xi32>
        %gather3A_195 = tpu.vector_load_idx %arg9[%broadcast_in_dim3A_194] : memref<32xi32, #tpu.memory_space<vmem>>[vector<16xi32>], vector<16xi32>,
        %add3A_196 = arith.constant 16 : i32
        %add3A_197 = arith.addi %add3A_196, %add3A_191 : i32
        %broadcast_in_dim3A_198 = vector.broadcast %add3A_197 : i32 to vector<16xi32>
        %gather3A_199 = tpu.vector_load_idx %arg9[%broadcast_in_dim3A_198] : memref<32xi32, #tpu.memory_space<vmem>>[vector<16xi32>], vector<16xi32>,
        %add3A_200 = arith.addi %gather3A_195, %min3A_125 : vector<16xi32>
        %swap3A_201 = arith.constant 1 : i32
        %swap3A_202 = arith.index_cast %swap3A_201 : i32 to index
        %swap3A_203 = arith.constant 0 : index
        %swap3A_204 = tpu.vector_load %arg10[%swap3A_202, %swap3A_203] {strides = array<i32>} : memref<2x64xi32, #tpu.memory_space<vmem>>, vector<16xi32>,
        tpu.vector_store %arg10[%swap3A_202, %swap3A_203], %add3A_200 {strides = array<i32>} : memref<2x64xi32, #tpu.memory_space<vmem>>, vector<16xi32>,
        %add3A_205 = arith.addi %gather3A_195, %min3A_131 : vector<16xi32>
        %swap3A_206 = arith.constant 1 : i32
        %swap3A_207 = arith.index_cast %swap3A_206 : i32 to index
        %swap3A_208 = arith.constant 14 : index
        %swap3A_209 = tpu.vector_load %arg10[%swap3A_207, %swap3A_208] {strides = array<i32>} : memref<2x64xi32, #tpu.memory_space<vmem>>, vector<16xi32>,
        tpu.vector_store %arg10[%swap3A_207, %swap3A_208], %add3A_205 {strides = array<i32>} : memref<2x64xi32, #tpu.memory_space<vmem>>, vector<16xi32>,
        %add3A_210 = arith.addi %gather3A_199, %min3A_125 : vector<16xi32>
        %swap3A_211 = arith.constant 1 : i32
        %swap3A_212 = arith.index_cast %swap3A_211 : i32 to index
        %swap3A_213 = arith.constant 28 : index
        %swap3A_214 = tpu.vector_load %arg10[%swap3A_212, %swap3A_213] {strides = array<i32>} : memref<2x64xi32, #tpu.memory_space<vmem>>, vector<16xi32>,
        tpu.vector_store %arg10[%swap3A_212, %swap3A_213], %add3A_210 {strides = array<i32>} : memref<2x64xi32, #tpu.memory_space<vmem>>, vector<16xi32>,
        %add3A_215 = arith.addi %gather3A_199, %min3A_131 : vector<16xi32>
        %swap3A_216 = arith.constant 1 : i32
        %swap3A_217 = arith.index_cast %swap3A_216 : i32 to index
        %swap3A_218 = arith.constant 42 : index
        %swap3A_219 = tpu.vector_load %arg10[%swap3A_217, %swap3A_218] {strides = array<i32>} : memref<2x64xi32, #tpu.memory_space<vmem>>, vector<16xi32>,
        tpu.vector_store %arg10[%swap3A_217, %swap3A_218], %add3A_215 {strides = array<i32>} : memref<2x64xi32, #tpu.memory_space<vmem>>, vector<16xi32>,
        %dma_start3A_220 = arith.constant 1 : i32
        %dma_start3A_221 = arith.constant 1 : i32
        %dma_start3A_222 = arith.constant 0 : i32
        %dma_start3A_223 = arith.constant 0 : i32
        %dma_start3A_224 = tpu.memref_slice %arg11[%dma_start3A_221, %dma_start3A_222, %dma_start3A_223] : memref<2x56x192xf32, #tpu.memory_space<vmem>> -> memref<1x56x192xf32, #tpu.memory_space<vmem>>
        %dma_start3A_225 = tpu.memref_squeeze %dma_start3A_224 : memref<1x56x192xf32, #tpu.memory_space<vmem>> -> memref<56x192xf32, #tpu.memory_space<vmem>>
        %dma_start3A_226 = arith.constant 0 : i32
        %dma_start3A_227 = tpu.memref_slice %arg10[%dma_start3A_220, %dma_start3A_226] : memref<2x64xi32, #tpu.memory_space<vmem>> -> memref<1x56xi32, #tpu.memory_space<vmem>>
        %dma_start3A_228 = tpu.memref_squeeze %dma_start3A_227 : memref<1x56xi32, #tpu.memory_space<vmem>> -> memref<56xi32, #tpu.memory_space<vmem>>
        %dma_start3A_229 = arith.constant 0 : i32
        %dma_start3A_230 = arith.constant 0 : i32
        %dma_start3A_231 = tpu.memref_slice %arg2[%dma_start3A_229, %dma_start3A_230] : memref<401408x192xf32, #tpu.memory_space<hbm>> -> memref<401408x192xf32, #tpu.memory_space<hbm>>
        tpu.enqueue_indirect_dma source(%dma_start3A_231 : memref<401408x192xf32, #tpu.memory_space<hbm>>) target(%dma_start3A_225 : memref<56x192xf32, #tpu.memory_space<vmem>>) offsets(%dma_start3A_228 : memref<56xi32, #tpu.memory_space<vmem>>) semaphore(%arg14 : memref<!tpu.dma_semaphore, #tpu.memory_space<semaphore_mem>>)
        %dma_wait3A_232 = arith.constant 0 : i32
        %dma_wait3A_233 = arith.constant 0 : i32
        %dma_wait3A_234 = arith.constant 0 : i32
        %dma_wait3A_235 = arith.constant 0 : i32
        %dma_wait3A_236 = tpu.memref_slice %arg11[%dma_wait3A_233, %dma_wait3A_234, %dma_wait3A_235] : memref<2x56x192xf32, #tpu.memory_space<vmem>> -> memref<1x56x192xf32, #tpu.memory_space<vmem>>
        %dma_wait3A_237 = tpu.memref_squeeze %dma_wait3A_236 : memref<1x56x192xf32, #tpu.memory_space<vmem>> -> memref<56x192xf32, #tpu.memory_space<vmem>>
        %dma_wait3A_238 = arith.constant 0 : i32
        %dma_wait3A_239 = tpu.memref_slice %arg10[%dma_wait3A_232, %dma_wait3A_238] : memref<2x64xi32, #tpu.memory_space<vmem>> -> memref<1x56xi32, #tpu.memory_space<vmem>>
        %dma_wait3A_240 = tpu.memref_squeeze %dma_wait3A_239 : memref<1x56xi32, #tpu.memory_space<vmem>> -> memref<56xi32, #tpu.memory_space<vmem>>
        %dma_wait3A_241 = arith.constant 0 : i32
        %dma_wait3A_242 = arith.constant 0 : i32
        %dma_wait3A_243 = tpu.memref_slice %arg2[%dma_wait3A_241, %dma_wait3A_242] : memref<401408x192xf32, #tpu.memory_space<hbm>> -> memref<401408x192xf32, #tpu.memory_space<hbm>>
        tpu.wait_indirect_dma semaphore(%arg13 : memref<!tpu.dma_semaphore, #tpu.memory_space<semaphore_mem>>) src(%dma_wait3A_243 : memref<401408x192xf32, #tpu.memory_space<hbm>>) dst(%dma_wait3A_237 : memref<56x192xf32, #tpu.memory_space<vmem>>)
        %add3A_244 = arith.constant 0 : i32
        %add3A_245 = arith.addi %add3A_244, %mul3A_185 : i32
        %broadcast_in_dim3A_246 = vector.broadcast %add3A_245 : i32 to vector<16xi32>
        %gather3A_247 = tpu.vector_load_idx %arg8[%broadcast_in_dim3A_246] : memref<128xf32, #tpu.memory_space<vmem>>[vector<16xi32>], vector<16xf32>,
        %add3A_248 = arith.constant 16 : i32
        %add3A_249 = arith.addi %add3A_248, %mul3A_185 : i32
        %broadcast_in_dim3A_250 = vector.broadcast %add3A_249 : i32 to vector<16xi32>
        %gather3A_251 = tpu.vector_load_idx %arg8[%broadcast_in_dim3A_250] : memref<128xf32, #tpu.memory_space<vmem>>[vector<16xi32>], vector<16xf32>,
        %mul3A_252 = arith.mulf %gather3A_251, %select_n3A_145 : vector<16xf32>
        %mul3A_253 = arith.mulf %gather3A_247, %mul3A_252 : vector<16xf32>
        %sub3A_254 = arith.subf %mul3A_252, %mul3A_253 : vector<16xf32>
        %sub3A_255 = arith.constant 1.000000e+00 : f32
        %sub3A_256 = vector.broadcast %sub3A_255 : f32 to vector<16xf32>
        %sub3A_257 = arith.subf %sub3A_256, %sub3A_133 : vector<16xf32>
        %mul3A_258 = arith.mulf %sub3A_257, %sub3A_254 : vector<16xf32>
        %swap3A_259 = arith.constant 64 : index
        %swap3A_260 = tpu.vector_load %arg8[%swap3A_259] {strides = array<i32>} : memref<128xf32, #tpu.memory_space<vmem>>, vector<16xf32>,
        tpu.vector_store %arg8[%swap3A_259], %mul3A_258 {strides = array<i32>} : memref<128xf32, #tpu.memory_space<vmem>>, vector<16xf32>,
        %mul3A_261 = arith.mulf %sub3A_133, %sub3A_254 : vector<16xf32>
        %swap3A_262 = arith.constant 80 : index
        %swap3A_263 = tpu.vector_load %arg8[%swap3A_262] {strides = array<i32>} : memref<128xf32, #tpu.memory_space<vmem>>, vector<16xf32>,
        tpu.vector_store %arg8[%swap3A_262], %mul3A_261 {strides = array<i32>} : memref<128xf32, #tpu.memory_space<vmem>>, vector<16xf32>,
        %mul3A_264 = arith.mulf %sub3A_257, %mul3A_253 : vector<16xf32>
        %swap3A_265 = arith.constant 96 : index
        %swap3A_266 = tpu.vector_load %arg8[%swap3A_265] {strides = array<i32>} : memref<128xf32, #tpu.memory_space<vmem>>, vector<16xf32>,
        tpu.vector_store %arg8[%swap3A_265], %mul3A_264 {strides = array<i32>} : memref<128xf32, #tpu.memory_space<vmem>>, vector<16xf32>,
        %mul3A_267 = arith.mulf %sub3A_133, %mul3A_253 : vector<16xf32>
        %swap3A_268 = arith.constant 112 : index
        %swap3A_269 = tpu.vector_load %arg8[%swap3A_268] {strides = array<i32>} : memref<128xf32, #tpu.memory_space<vmem>>, vector<16xf32>,
        tpu.vector_store %arg8[%swap3A_268], %mul3A_267 {strides = array<i32>} : memref<128xf32, #tpu.memory_space<vmem>>, vector<16xf32>,
        %parallel_loop3A = arith.constant 0 : i32
        %parallel_loop3A_270 = arith.constant 14 : i32
        %parallel_loop3A_271 = arith.constant 1 : i32
        scf.for %parallel_loop3A_321 = %parallel_loop3A to %parallel_loop3A_270 step %parallel_loop3A_271  : i32 {
          %parallel_loop3A_322 = arith.constant 64 : i32
          %parallel_loop3A_323 = arith.addi %parallel_loop3A_322, %parallel_loop3A_321 : i32
          %parallel_loop3A_324 = vector.broadcast %parallel_loop3A_323 : i32 to vector<16xi32>
          %parallel_loop3A_325 = tpu.vector_load_idx %arg8[%parallel_loop3A_324] : memref<128xf32, #tpu.memory_space<vmem>>[vector<16xi32>], vector<16xf32>,
          %parallel_loop3A_326 = arith.constant 80 : i32
          %parallel_loop3A_327 = arith.addi %parallel_loop3A_326, %parallel_loop3A_321 : i32
          %parallel_loop3A_328 = vector.broadcast %parallel_loop3A_327 : i32 to vector<16xi32>
          %parallel_loop3A_329 = tpu.vector_load_idx %arg8[%parallel_loop3A_328] : memref<128xf32, #tpu.memory_space<vmem>>[vector<16xi32>], vector<16xf32>,
          %parallel_loop3A_330 = arith.constant 96 : i32
          %parallel_loop3A_331 = arith.addi %parallel_loop3A_330, %parallel_loop3A_321 : i32
          %parallel_loop3A_332 = vector.broadcast %parallel_loop3A_331 : i32 to vector<16xi32>
          %parallel_loop3A_333 = tpu.vector_load_idx %arg8[%parallel_loop3A_332] : memref<128xf32, #tpu.memory_space<vmem>>[vector<16xi32>], vector<16xf32>,
          %parallel_loop3A_334 = arith.constant 112 : i32
          %parallel_loop3A_335 = arith.addi %parallel_loop3A_334, %parallel_loop3A_321 : i32
          %parallel_loop3A_336 = vector.broadcast %parallel_loop3A_335 : i32 to vector<16xi32>
          %parallel_loop3A_337 = tpu.vector_load_idx %arg8[%parallel_loop3A_336] : memref<128xf32, #tpu.memory_space<vmem>>[vector<16xi32>], vector<16xf32>,
          %parallel_loop3A_338 = arith.constant 14 : i32
          %parallel_loop3A_339 = arith.muli %mul3A_185, %parallel_loop3A_338 : i32
          %parallel_loop3A_340 = arith.addi %parallel_loop3A_339, %parallel_loop3A_321 : i32
          %parallel_loop3A_341 = arith.constant 192 : i32
          %parallel_loop3A_342 = arith.muli %parallel_loop3A_340, %parallel_loop3A_341 : i32
          %parallel_loop3A_343 = arith.constant 0 : i32
          %parallel_loop3A_344 = arith.index_cast %parallel_loop3A_343 : i32 to index
          %parallel_loop3A_345 = arith.index_cast %parallel_loop3A_321 : i32 to index
          %parallel_loop3A_346 = arith.constant 0 : index
          %parallel_loop3A_347 = tpu.vector_load %arg11[%parallel_loop3A_344, %parallel_loop3A_345, %parallel_loop3A_346] {strides = array<i32>} : memref<2x56x192xf32, #tpu.memory_space<vmem>>, vector<16xf32>,
          %parallel_loop3A_348 = arith.mulf %parallel_loop3A_347, %parallel_loop3A_325 : vector<16xf32>
          %parallel_loop3A_349 = arith.constant 14 : i32
          %parallel_loop3A_350 = arith.addi %parallel_loop3A_349, %parallel_loop3A_321 : i32
          %parallel_loop3A_351 = arith.constant 0 : i32
          %parallel_loop3A_352 = arith.index_cast %parallel_loop3A_351 : i32 to index
          %parallel_loop3A_353 = arith.index_cast %parallel_loop3A_350 : i32 to index
          %parallel_loop3A_354 = arith.constant 0 : index
          %parallel_loop3A_355 = tpu.vector_load %arg11[%parallel_loop3A_352, %parallel_loop3A_353, %parallel_loop3A_354] {strides = array<i32>} : memref<2x56x192xf32, #tpu.memory_space<vmem>>, vector<16xf32>,
          %parallel_loop3A_356 = arith.mulf %parallel_loop3A_355, %parallel_loop3A_329 : vector<16xf32>
          %parallel_loop3A_357 = arith.addf %parallel_loop3A_348, %parallel_loop3A_356 : vector<16xf32>
          %parallel_loop3A_358 = arith.constant 28 : i32
          %parallel_loop3A_359 = arith.addi %parallel_loop3A_358, %parallel_loop3A_321 : i32
          %parallel_loop3A_360 = arith.constant 0 : i32
          %parallel_loop3A_361 = arith.index_cast %parallel_loop3A_360 : i32 to index
          %parallel_loop3A_362 = arith.index_cast %parallel_loop3A_359 : i32 to index
          %parallel_loop3A_363 = arith.constant 0 : index
          %parallel_loop3A_364 = tpu.vector_load %arg11[%parallel_loop3A_361, %parallel_loop3A_362, %parallel_loop3A_363] {strides = array<i32>} : memref<2x56x192xf32, #tpu.memory_space<vmem>>, vector<16xf32>,
          %parallel_loop3A_365 = arith.mulf %parallel_loop3A_364, %parallel_loop3A_333 : vector<16xf32>
          %parallel_loop3A_366 = arith.addf %parallel_loop3A_357, %parallel_loop3A_365 : vector<16xf32>
          %parallel_loop3A_367 = arith.constant 42 : i32
          %parallel_loop3A_368 = arith.addi %parallel_loop3A_367, %parallel_loop3A_321 : i32
          %parallel_loop3A_369 = arith.constant 0 : i32
          %parallel_loop3A_370 = arith.index_cast %parallel_loop3A_369 : i32 to index
          %parallel_loop3A_371 = arith.index_cast %parallel_loop3A_368 : i32 to index
          %parallel_loop3A_372 = arith.constant 0 : index
          %parallel_loop3A_373 = tpu.vector_load %arg11[%parallel_loop3A_370, %parallel_loop3A_371, %parallel_loop3A_372] {strides = array<i32>} : memref<2x56x192xf32, #tpu.memory_space<vmem>>, vector<16xf32>,
          %parallel_loop3A_374 = arith.mulf %parallel_loop3A_373, %parallel_loop3A_337 : vector<16xf32>
          %parallel_loop3A_375 = arith.addf %parallel_loop3A_366, %parallel_loop3A_374 : vector<16xf32>
          %parallel_loop3A_376 = arith.constant 0 : i32
          %parallel_loop3A_377 = arith.addi %parallel_loop3A_342, %parallel_loop3A_376 : i32
          %parallel_loop3A_378 = arith.index_cast %rem3A_46 : i32 to index
          %parallel_loop3A_379 = arith.index_cast %parallel_loop3A_377 : i32 to index
          %parallel_loop3A_380 = tpu.vector_load %arg12[%parallel_loop3A_378, %parallel_loop3A_379] {strides = array<i32>} : memref<2x37632xf32, #tpu.memory_space<vmem>>, vector<16xf32>,
          tpu.vector_store %arg12[%parallel_loop3A_378, %parallel_loop3A_379], %parallel_loop3A_375 {strides = array<i32>} : memref<2x37632xf32, #tpu.memory_space<vmem>>, vector<16xf32>,
          %parallel_loop3A_381 = arith.constant 0 : i32
          %parallel_loop3A_382 = arith.index_cast %parallel_loop3A_381 : i32 to index
          %parallel_loop3A_383 = arith.index_cast %parallel_loop3A_321 : i32 to index
          %parallel_loop3A_384 = arith.constant 16 : index
          %parallel_loop3A_385 = tpu.vector_load %arg11[%parallel_loop3A_382, %parallel_loop3A_383, %parallel_loop3A_384] {strides = array<i32>} : memref<2x56x192xf32, #tpu.memory_space<vmem>>, vector<16xf32>,
          %parallel_loop3A_386 = arith.mulf %parallel_loop3A_385, %parallel_loop3A_325 : vector<16xf32>
          %parallel_loop3A_387 = arith.constant 14 : i32
          %parallel_loop3A_388 = arith.addi %parallel_loop3A_387, %parallel_loop3A_321 : i32
          %parallel_loop3A_389 = arith.constant 0 : i32
          %parallel_loop3A_390 = arith.index_cast %parallel_loop3A_389 : i32 to index
          %parallel_loop3A_391 = arith.index_cast %parallel_loop3A_388 : i32 to index
          %parallel_loop3A_392 = arith.constant 16 : index
          %parallel_loop3A_393 = tpu.vector_load %arg11[%parallel_loop3A_390, %parallel_loop3A_391, %parallel_loop3A_392] {strides = array<i32>} : memref<2x56x192xf32, #tpu.memory_space<vmem>>, vector<16xf32>,
          %parallel_loop3A_394 = arith.mulf %parallel_loop3A_393, %parallel_loop3A_329 : vector<16xf32>
          %parallel_loop3A_395 = arith.addf %parallel_loop3A_386, %parallel_loop3A_394 : vector<16xf32>
          %parallel_loop3A_396 = arith.constant 28 : i32
          %parallel_loop3A_397 = arith.addi %parallel_loop3A_396, %parallel_loop3A_321 : i32
          %parallel_loop3A_398 = arith.constant 0 : i32
          %parallel_loop3A_399 = arith.index_cast %parallel_loop3A_398 : i32 to index
          %parallel_loop3A_400 = arith.index_cast %parallel_loop3A_397 : i32 to index
          %parallel_loop3A_401 = arith.constant 16 : index
          %parallel_loop3A_402 = tpu.vector_load %arg11[%parallel_loop3A_399, %parallel_loop3A_400, %parallel_loop3A_401] {strides = array<i32>} : memref<2x56x192xf32, #tpu.memory_space<vmem>>, vector<16xf32>,
          %parallel_loop3A_403 = arith.mulf %parallel_loop3A_402, %parallel_loop3A_333 : vector<16xf32>
          %parallel_loop3A_404 = arith.addf %parallel_loop3A_395, %parallel_loop3A_403 : vector<16xf32>
          %parallel_loop3A_405 = arith.constant 42 : i32
          %parallel_loop3A_406 = arith.addi %parallel_loop3A_405, %parallel_loop3A_321 : i32
          %parallel_loop3A_407 = arith.constant 0 : i32
          %parallel_loop3A_408 = arith.index_cast %parallel_loop3A_407 : i32 to index
          %parallel_loop3A_409 = arith.index_cast %parallel_loop3A_406 : i32 to index
          %parallel_loop3A_410 = arith.constant 16 : index
          %parallel_loop3A_411 = tpu.vector_load %arg11[%parallel_loop3A_408, %parallel_loop3A_409, %parallel_loop3A_410] {strides = array<i32>} : memref<2x56x192xf32, #tpu.memory_space<vmem>>, vector<16xf32>,
          %parallel_loop3A_412 = arith.mulf %parallel_loop3A_411, %parallel_loop3A_337 : vector<16xf32>
          %parallel_loop3A_413 = arith.addf %parallel_loop3A_404, %parallel_loop3A_412 : vector<16xf32>
          %parallel_loop3A_414 = arith.constant 16 : i32
          %parallel_loop3A_415 = arith.addi %parallel_loop3A_342, %parallel_loop3A_414 : i32
          %parallel_loop3A_416 = arith.index_cast %rem3A_46 : i32 to index
          %parallel_loop3A_417 = arith.index_cast %parallel_loop3A_415 : i32 to index
          %parallel_loop3A_418 = tpu.vector_load %arg12[%parallel_loop3A_416, %parallel_loop3A_417] {strides = array<i32>} : memref<2x37632xf32, #tpu.memory_space<vmem>>, vector<16xf32>,
          tpu.vector_store %arg12[%parallel_loop3A_416, %parallel_loop3A_417], %parallel_loop3A_413 {strides = array<i32>} : memref<2x37632xf32, #tpu.memory_space<vmem>>, vector<16xf32>,
          %parallel_loop3A_419 = arith.constant 0 : i32
          %parallel_loop3A_420 = arith.index_cast %parallel_loop3A_419 : i32 to index
          %parallel_loop3A_421 = arith.index_cast %parallel_loop3A_321 : i32 to index
          %parallel_loop3A_422 = arith.constant 32 : index
          %parallel_loop3A_423 = tpu.vector_load %arg11[%parallel_loop3A_420, %parallel_loop3A_421, %parallel_loop3A_422] {strides = array<i32>} : memref<2x56x192xf32, #tpu.memory_space<vmem>>, vector<16xf32>,
          %parallel_loop3A_424 = arith.mulf %parallel_loop3A_423, %parallel_loop3A_325 : vector<16xf32>
          %parallel_loop3A_425 = arith.constant 14 : i32
          %parallel_loop3A_426 = arith.addi %parallel_loop3A_425, %parallel_loop3A_321 : i32
          %parallel_loop3A_427 = arith.constant 0 : i32
          %parallel_loop3A_428 = arith.index_cast %parallel_loop3A_427 : i32 to index
          %parallel_loop3A_429 = arith.index_cast %parallel_loop3A_426 : i32 to index
          %parallel_loop3A_430 = arith.constant 32 : index
          %parallel_loop3A_431 = tpu.vector_load %arg11[%parallel_loop3A_428, %parallel_loop3A_429, %parallel_loop3A_430] {strides = array<i32>} : memref<2x56x192xf32, #tpu.memory_space<vmem>>, vector<16xf32>,
          %parallel_loop3A_432 = arith.mulf %parallel_loop3A_431, %parallel_loop3A_329 : vector<16xf32>
          %parallel_loop3A_433 = arith.addf %parallel_loop3A_424, %parallel_loop3A_432 : vector<16xf32>
          %parallel_loop3A_434 = arith.constant 28 : i32
          %parallel_loop3A_435 = arith.addi %parallel_loop3A_434, %parallel_loop3A_321 : i32
          %parallel_loop3A_436 = arith.constant 0 : i32
          %parallel_loop3A_437 = arith.index_cast %parallel_loop3A_436 : i32 to index
          %parallel_loop3A_438 = arith.index_cast %parallel_loop3A_435 : i32 to index
          %parallel_loop3A_439 = arith.constant 32 : index
          %parallel_loop3A_440 = tpu.vector_load %arg11[%parallel_loop3A_437, %parallel_loop3A_438, %parallel_loop3A_439] {strides = array<i32>} : memref<2x56x192xf32, #tpu.memory_space<vmem>>, vector<16xf32>,
          %parallel_loop3A_441 = arith.mulf %parallel_loop3A_440, %parallel_loop3A_333 : vector<16xf32>
          %parallel_loop3A_442 = arith.addf %parallel_loop3A_433, %parallel_loop3A_441 : vector<16xf32>
          %parallel_loop3A_443 = arith.constant 42 : i32
          %parallel_loop3A_444 = arith.addi %parallel_loop3A_443, %parallel_loop3A_321 : i32
          %parallel_loop3A_445 = arith.constant 0 : i32
          %parallel_loop3A_446 = arith.index_cast %parallel_loop3A_445 : i32 to index
          %parallel_loop3A_447 = arith.index_cast %parallel_loop3A_444 : i32 to index
          %parallel_loop3A_448 = arith.constant 32 : index
          %parallel_loop3A_449 = tpu.vector_load %arg11[%parallel_loop3A_446, %parallel_loop3A_447, %parallel_loop3A_448] {strides = array<i32>} : memref<2x56x192xf32, #tpu.memory_space<vmem>>, vector<16xf32>,
          %parallel_loop3A_450 = arith.mulf %parallel_loop3A_449, %parallel_loop3A_337 : vector<16xf32>
          %parallel_loop3A_451 = arith.addf %parallel_loop3A_442, %parallel_loop3A_450 : vector<16xf32>
          %parallel_loop3A_452 = arith.constant 32 : i32
          %parallel_loop3A_453 = arith.addi %parallel_loop3A_342, %parallel_loop3A_452 : i32
          %parallel_loop3A_454 = arith.index_cast %rem3A_46 : i32 to index
          %parallel_loop3A_455 = arith.index_cast %parallel_loop3A_453 : i32 to index
          %parallel_loop3A_456 = tpu.vector_load %arg12[%parallel_loop3A_454, %parallel_loop3A_455] {strides = array<i32>} : memref<2x37632xf32, #tpu.memory_space<vmem>>, vector<16xf32>,
          tpu.vector_store %arg12[%parallel_loop3A_454, %parallel_loop3A_455], %parallel_loop3A_451 {strides = array<i32>} : memref<2x37632xf32, #tpu.memory_space<vmem>>, vector<16xf32>,
          %parallel_loop3A_457 = arith.constant 0 : i32
          %parallel_loop3A_458 = arith.index_cast %parallel_loop3A_457 : i32 to index
          %parallel_loop3A_459 = arith.index_cast %parallel_loop3A_321 : i32 to index
          %parallel_loop3A_460 = arith.constant 48 : index
          %parallel_loop3A_461 = tpu.vector_load %arg11[%parallel_loop3A_458, %parallel_loop3A_459, %parallel_loop3A_460] {strides = array<i32>} : memref<2x56x192xf32, #tpu.memory_space<vmem>>, vector<16xf32>,
          %parallel_loop3A_462 = arith.mulf %parallel_loop3A_461, %parallel_loop3A_325 : vector<16xf32>
          %parallel_loop3A_463 = arith.constant 14 : i32
          %parallel_loop3A_464 = arith.addi %parallel_loop3A_463, %parallel_loop3A_321 : i32
          %parallel_loop3A_465 = arith.constant 0 : i32
          %parallel_loop3A_466 = arith.index_cast %parallel_loop3A_465 : i32 to index
          %parallel_loop3A_467 = arith.index_cast %parallel_loop3A_464 : i32 to index
          %parallel_loop3A_468 = arith.constant 48 : index
          %parallel_loop3A_469 = tpu.vector_load %arg11[%parallel_loop3A_466, %parallel_loop3A_467, %parallel_loop3A_468] {strides = array<i32>} : memref<2x56x192xf32, #tpu.memory_space<vmem>>, vector<16xf32>,
          %parallel_loop3A_470 = arith.mulf %parallel_loop3A_469, %parallel_loop3A_329 : vector<16xf32>
          %parallel_loop3A_471 = arith.addf %parallel_loop3A_462, %parallel_loop3A_470 : vector<16xf32>
          %parallel_loop3A_472 = arith.constant 28 : i32
          %parallel_loop3A_473 = arith.addi %parallel_loop3A_472, %parallel_loop3A_321 : i32
          %parallel_loop3A_474 = arith.constant 0 : i32
          %parallel_loop3A_475 = arith.index_cast %parallel_loop3A_474 : i32 to index
          %parallel_loop3A_476 = arith.index_cast %parallel_loop3A_473 : i32 to index
          %parallel_loop3A_477 = arith.constant 48 : index
          %parallel_loop3A_478 = tpu.vector_load %arg11[%parallel_loop3A_475, %parallel_loop3A_476, %parallel_loop3A_477] {strides = array<i32>} : memref<2x56x192xf32, #tpu.memory_space<vmem>>, vector<16xf32>,
          %parallel_loop3A_479 = arith.mulf %parallel_loop3A_478, %parallel_loop3A_333 : vector<16xf32>
          %parallel_loop3A_480 = arith.addf %parallel_loop3A_471, %parallel_loop3A_479 : vector<16xf32>
          %parallel_loop3A_481 = arith.constant 42 : i32
          %parallel_loop3A_482 = arith.addi %parallel_loop3A_481, %parallel_loop3A_321 : i32
          %parallel_loop3A_483 = arith.constant 0 : i32
          %parallel_loop3A_484 = arith.index_cast %parallel_loop3A_483 : i32 to index
          %parallel_loop3A_485 = arith.index_cast %parallel_loop3A_482 : i32 to index
          %parallel_loop3A_486 = arith.constant 48 : index
          %parallel_loop3A_487 = tpu.vector_load %arg11[%parallel_loop3A_484, %parallel_loop3A_485, %parallel_loop3A_486] {strides = array<i32>} : memref<2x56x192xf32, #tpu.memory_space<vmem>>, vector<16xf32>,
          %parallel_loop3A_488 = arith.mulf %parallel_loop3A_487, %parallel_loop3A_337 : vector<16xf32>
          %parallel_loop3A_489 = arith.addf %parallel_loop3A_480, %parallel_loop3A_488 : vector<16xf32>
          %parallel_loop3A_490 = arith.constant 48 : i32
          %parallel_loop3A_491 = arith.addi %parallel_loop3A_342, %parallel_loop3A_490 : i32
          %parallel_loop3A_492 = arith.index_cast %rem3A_46 : i32 to index
          %parallel_loop3A_493 = arith.index_cast %parallel_loop3A_491 : i32 to index
          %parallel_loop3A_494 = tpu.vector_load %arg12[%parallel_loop3A_492, %parallel_loop3A_493] {strides = array<i32>} : memref<2x37632xf32, #tpu.memory_space<vmem>>, vector<16xf32>,
          tpu.vector_store %arg12[%parallel_loop3A_492, %parallel_loop3A_493], %parallel_loop3A_489 {strides = array<i32>} : memref<2x37632xf32, #tpu.memory_space<vmem>>, vector<16xf32>,
          %parallel_loop3A_495 = arith.constant 0 : i32
          %parallel_loop3A_496 = arith.index_cast %parallel_loop3A_495 : i32 to index
          %parallel_loop3A_497 = arith.index_cast %parallel_loop3A_321 : i32 to index
          %parallel_loop3A_498 = arith.constant 64 : index
          %parallel_loop3A_499 = tpu.vector_load %arg11[%parallel_loop3A_496, %parallel_loop3A_497, %parallel_loop3A_498] {strides = array<i32>} : memref<2x56x192xf32, #tpu.memory_space<vmem>>, vector<16xf32>,
          %parallel_loop3A_500 = arith.mulf %parallel_loop3A_499, %parallel_loop3A_325 : vector<16xf32>
          %parallel_loop3A_501 = arith.constant 14 : i32
          %parallel_loop3A_502 = arith.addi %parallel_loop3A_501, %parallel_loop3A_321 : i32
          %parallel_loop3A_503 = arith.constant 0 : i32
          %parallel_loop3A_504 = arith.index_cast %parallel_loop3A_503 : i32 to index
          %parallel_loop3A_505 = arith.index_cast %parallel_loop3A_502 : i32 to index
          %parallel_loop3A_506 = arith.constant 64 : index
          %parallel_loop3A_507 = tpu.vector_load %arg11[%parallel_loop3A_504, %parallel_loop3A_505, %parallel_loop3A_506] {strides = array<i32>} : memref<2x56x192xf32, #tpu.memory_space<vmem>>, vector<16xf32>,
          %parallel_loop3A_508 = arith.mulf %parallel_loop3A_507, %parallel_loop3A_329 : vector<16xf32>
          %parallel_loop3A_509 = arith.addf %parallel_loop3A_500, %parallel_loop3A_508 : vector<16xf32>
          %parallel_loop3A_510 = arith.constant 28 : i32
          %parallel_loop3A_511 = arith.addi %parallel_loop3A_510, %parallel_loop3A_321 : i32
          %parallel_loop3A_512 = arith.constant 0 : i32
          %parallel_loop3A_513 = arith.index_cast %parallel_loop3A_512 : i32 to index
          %parallel_loop3A_514 = arith.index_cast %parallel_loop3A_511 : i32 to index
          %parallel_loop3A_515 = arith.constant 64 : index
          %parallel_loop3A_516 = tpu.vector_load %arg11[%parallel_loop3A_513, %parallel_loop3A_514, %parallel_loop3A_515] {strides = array<i32>} : memref<2x56x192xf32, #tpu.memory_space<vmem>>, vector<16xf32>,
          %parallel_loop3A_517 = arith.mulf %parallel_loop3A_516, %parallel_loop3A_333 : vector<16xf32>
          %parallel_loop3A_518 = arith.addf %parallel_loop3A_509, %parallel_loop3A_517 : vector<16xf32>
          %parallel_loop3A_519 = arith.constant 42 : i32
          %parallel_loop3A_520 = arith.addi %parallel_loop3A_519, %parallel_loop3A_321 : i32
          %parallel_loop3A_521 = arith.constant 0 : i32
          %parallel_loop3A_522 = arith.index_cast %parallel_loop3A_521 : i32 to index
          %parallel_loop3A_523 = arith.index_cast %parallel_loop3A_520 : i32 to index
          %parallel_loop3A_524 = arith.constant 64 : index
          %parallel_loop3A_525 = tpu.vector_load %arg11[%parallel_loop3A_522, %parallel_loop3A_523, %parallel_loop3A_524] {strides = array<i32>} : memref<2x56x192xf32, #tpu.memory_space<vmem>>, vector<16xf32>,
          %parallel_loop3A_526 = arith.mulf %parallel_loop3A_525, %parallel_loop3A_337 : vector<16xf32>
          %parallel_loop3A_527 = arith.addf %parallel_loop3A_518, %parallel_loop3A_526 : vector<16xf32>
          %parallel_loop3A_528 = arith.constant 64 : i32
          %parallel_loop3A_529 = arith.addi %parallel_loop3A_342, %parallel_loop3A_528 : i32
          %parallel_loop3A_530 = arith.index_cast %rem3A_46 : i32 to index
          %parallel_loop3A_531 = arith.index_cast %parallel_loop3A_529 : i32 to index
          %parallel_loop3A_532 = tpu.vector_load %arg12[%parallel_loop3A_530, %parallel_loop3A_531] {strides = array<i32>} : memref<2x37632xf32, #tpu.memory_space<vmem>>, vector<16xf32>,
          tpu.vector_store %arg12[%parallel_loop3A_530, %parallel_loop3A_531], %parallel_loop3A_527 {strides = array<i32>} : memref<2x37632xf32, #tpu.memory_space<vmem>>, vector<16xf32>,
          %parallel_loop3A_533 = arith.constant 0 : i32
          %parallel_loop3A_534 = arith.index_cast %parallel_loop3A_533 : i32 to index
          %parallel_loop3A_535 = arith.index_cast %parallel_loop3A_321 : i32 to index
          %parallel_loop3A_536 = arith.constant 80 : index
          %parallel_loop3A_537 = tpu.vector_load %arg11[%parallel_loop3A_534, %parallel_loop3A_535, %parallel_loop3A_536] {strides = array<i32>} : memref<2x56x192xf32, #tpu.memory_space<vmem>>, vector<16xf32>,
          %parallel_loop3A_538 = arith.mulf %parallel_loop3A_537, %parallel_loop3A_325 : vector<16xf32>
          %parallel_loop3A_539 = arith.constant 14 : i32
          %parallel_loop3A_540 = arith.addi %parallel_loop3A_539, %parallel_loop3A_321 : i32
          %parallel_loop3A_541 = arith.constant 0 : i32
          %parallel_loop3A_542 = arith.index_cast %parallel_loop3A_541 : i32 to index
          %parallel_loop3A_543 = arith.index_cast %parallel_loop3A_540 : i32 to index
          %parallel_loop3A_544 = arith.constant 80 : index
          %parallel_loop3A_545 = tpu.vector_load %arg11[%parallel_loop3A_542, %parallel_loop3A_543, %parallel_loop3A_544] {strides = array<i32>} : memref<2x56x192xf32, #tpu.memory_space<vmem>>, vector<16xf32>,
          %parallel_loop3A_546 = arith.mulf %parallel_loop3A_545, %parallel_loop3A_329 : vector<16xf32>
          %parallel_loop3A_547 = arith.addf %parallel_loop3A_538, %parallel_loop3A_546 : vector<16xf32>
          %parallel_loop3A_548 = arith.constant 28 : i32
          %parallel_loop3A_549 = arith.addi %parallel_loop3A_548, %parallel_loop3A_321 : i32
          %parallel_loop3A_550 = arith.constant 0 : i32
          %parallel_loop3A_551 = arith.index_cast %parallel_loop3A_550 : i32 to index
          %parallel_loop3A_552 = arith.index_cast %parallel_loop3A_549 : i32 to index
          %parallel_loop3A_553 = arith.constant 80 : index
          %parallel_loop3A_554 = tpu.vector_load %arg11[%parallel_loop3A_551, %parallel_loop3A_552, %parallel_loop3A_553] {strides = array<i32>} : memref<2x56x192xf32, #tpu.memory_space<vmem>>, vector<16xf32>,
          %parallel_loop3A_555 = arith.mulf %parallel_loop3A_554, %parallel_loop3A_333 : vector<16xf32>
          %parallel_loop3A_556 = arith.addf %parallel_loop3A_547, %parallel_loop3A_555 : vector<16xf32>
          %parallel_loop3A_557 = arith.constant 42 : i32
          %parallel_loop3A_558 = arith.addi %parallel_loop3A_557, %parallel_loop3A_321 : i32
          %parallel_loop3A_559 = arith.constant 0 : i32
          %parallel_loop3A_560 = arith.index_cast %parallel_loop3A_559 : i32 to index
          %parallel_loop3A_561 = arith.index_cast %parallel_loop3A_558 : i32 to index
          %parallel_loop3A_562 = arith.constant 80 : index
          %parallel_loop3A_563 = tpu.vector_load %arg11[%parallel_loop3A_560, %parallel_loop3A_561, %parallel_loop3A_562] {strides = array<i32>} : memref<2x56x192xf32, #tpu.memory_space<vmem>>, vector<16xf32>,
          %parallel_loop3A_564 = arith.mulf %parallel_loop3A_563, %parallel_loop3A_337 : vector<16xf32>
          %parallel_loop3A_565 = arith.addf %parallel_loop3A_556, %parallel_loop3A_564 : vector<16xf32>
          %parallel_loop3A_566 = arith.constant 80 : i32
          %parallel_loop3A_567 = arith.addi %parallel_loop3A_342, %parallel_loop3A_566 : i32
          %parallel_loop3A_568 = arith.index_cast %rem3A_46 : i32 to index
          %parallel_loop3A_569 = arith.index_cast %parallel_loop3A_567 : i32 to index
          %parallel_loop3A_570 = tpu.vector_load %arg12[%parallel_loop3A_568, %parallel_loop3A_569] {strides = array<i32>} : memref<2x37632xf32, #tpu.memory_space<vmem>>, vector<16xf32>,
          tpu.vector_store %arg12[%parallel_loop3A_568, %parallel_loop3A_569], %parallel_loop3A_565 {strides = array<i32>} : memref<2x37632xf32, #tpu.memory_space<vmem>>, vector<16xf32>,
          %parallel_loop3A_571 = arith.constant 0 : i32
          %parallel_loop3A_572 = arith.index_cast %parallel_loop3A_571 : i32 to index
          %parallel_loop3A_573 = arith.index_cast %parallel_loop3A_321 : i32 to index
          %parallel_loop3A_574 = arith.constant 96 : index
          %parallel_loop3A_575 = tpu.vector_load %arg11[%parallel_loop3A_572, %parallel_loop3A_573, %parallel_loop3A_574] {strides = array<i32>} : memref<2x56x192xf32, #tpu.memory_space<vmem>>, vector<16xf32>,
          %parallel_loop3A_576 = arith.mulf %parallel_loop3A_575, %parallel_loop3A_325 : vector<16xf32>
          %parallel_loop3A_577 = arith.constant 14 : i32
          %parallel_loop3A_578 = arith.addi %parallel_loop3A_577, %parallel_loop3A_321 : i32
          %parallel_loop3A_579 = arith.constant 0 : i32
          %parallel_loop3A_580 = arith.index_cast %parallel_loop3A_579 : i32 to index
          %parallel_loop3A_581 = arith.index_cast %parallel_loop3A_578 : i32 to index
          %parallel_loop3A_582 = arith.constant 96 : index
          %parallel_loop3A_583 = tpu.vector_load %arg11[%parallel_loop3A_580, %parallel_loop3A_581, %parallel_loop3A_582] {strides = array<i32>} : memref<2x56x192xf32, #tpu.memory_space<vmem>>, vector<16xf32>,
          %parallel_loop3A_584 = arith.mulf %parallel_loop3A_583, %parallel_loop3A_329 : vector<16xf32>
          %parallel_loop3A_585 = arith.addf %parallel_loop3A_576, %parallel_loop3A_584 : vector<16xf32>
          %parallel_loop3A_586 = arith.constant 28 : i32
          %parallel_loop3A_587 = arith.addi %parallel_loop3A_586, %parallel_loop3A_321 : i32
          %parallel_loop3A_588 = arith.constant 0 : i32
          %parallel_loop3A_589 = arith.index_cast %parallel_loop3A_588 : i32 to index
          %parallel_loop3A_590 = arith.index_cast %parallel_loop3A_587 : i32 to index
          %parallel_loop3A_591 = arith.constant 96 : index
          %parallel_loop3A_592 = tpu.vector_load %arg11[%parallel_loop3A_589, %parallel_loop3A_590, %parallel_loop3A_591] {strides = array<i32>} : memref<2x56x192xf32, #tpu.memory_space<vmem>>, vector<16xf32>,
          %parallel_loop3A_593 = arith.mulf %parallel_loop3A_592, %parallel_loop3A_333 : vector<16xf32>
          %parallel_loop3A_594 = arith.addf %parallel_loop3A_585, %parallel_loop3A_593 : vector<16xf32>
          %parallel_loop3A_595 = arith.constant 42 : i32
          %parallel_loop3A_596 = arith.addi %parallel_loop3A_595, %parallel_loop3A_321 : i32
          %parallel_loop3A_597 = arith.constant 0 : i32
          %parallel_loop3A_598 = arith.index_cast %parallel_loop3A_597 : i32 to index
          %parallel_loop3A_599 = arith.index_cast %parallel_loop3A_596 : i32 to index
          %parallel_loop3A_600 = arith.constant 96 : index
          %parallel_loop3A_601 = tpu.vector_load %arg11[%parallel_loop3A_598, %parallel_loop3A_599, %parallel_loop3A_600] {strides = array<i32>} : memref<2x56x192xf32, #tpu.memory_space<vmem>>, vector<16xf32>,
          %parallel_loop3A_602 = arith.mulf %parallel_loop3A_601, %parallel_loop3A_337 : vector<16xf32>
          %parallel_loop3A_603 = arith.addf %parallel_loop3A_594, %parallel_loop3A_602 : vector<16xf32>
          %parallel_loop3A_604 = arith.constant 96 : i32
          %parallel_loop3A_605 = arith.addi %parallel_loop3A_342, %parallel_loop3A_604 : i32
          %parallel_loop3A_606 = arith.index_cast %rem3A_46 : i32 to index
          %parallel_loop3A_607 = arith.index_cast %parallel_loop3A_605 : i32 to index
          %parallel_loop3A_608 = tpu.vector_load %arg12[%parallel_loop3A_606, %parallel_loop3A_607] {strides = array<i32>} : memref<2x37632xf32, #tpu.memory_space<vmem>>, vector<16xf32>,
          tpu.vector_store %arg12[%parallel_loop3A_606, %parallel_loop3A_607], %parallel_loop3A_603 {strides = array<i32>} : memref<2x37632xf32, #tpu.memory_space<vmem>>, vector<16xf32>,
          %parallel_loop3A_609 = arith.constant 0 : i32
          %parallel_loop3A_610 = arith.index_cast %parallel_loop3A_609 : i32 to index
          %parallel_loop3A_611 = arith.index_cast %parallel_loop3A_321 : i32 to index
          %parallel_loop3A_612 = arith.constant 112 : index
          %parallel_loop3A_613 = tpu.vector_load %arg11[%parallel_loop3A_610, %parallel_loop3A_611, %parallel_loop3A_612] {strides = array<i32>} : memref<2x56x192xf32, #tpu.memory_space<vmem>>, vector<16xf32>,
          %parallel_loop3A_614 = arith.mulf %parallel_loop3A_613, %parallel_loop3A_325 : vector<16xf32>
          %parallel_loop3A_615 = arith.constant 14 : i32
          %parallel_loop3A_616 = arith.addi %parallel_loop3A_615, %parallel_loop3A_321 : i32
          %parallel_loop3A_617 = arith.constant 0 : i32
          %parallel_loop3A_618 = arith.index_cast %parallel_loop3A_617 : i32 to index
          %parallel_loop3A_619 = arith.index_cast %parallel_loop3A_616 : i32 to index
          %parallel_loop3A_620 = arith.constant 112 : index
          %parallel_loop3A_621 = tpu.vector_load %arg11[%parallel_loop3A_618, %parallel_loop3A_619, %parallel_loop3A_620] {strides = array<i32>} : memref<2x56x192xf32, #tpu.memory_space<vmem>>, vector<16xf32>,
          %parallel_loop3A_622 = arith.mulf %parallel_loop3A_621, %parallel_loop3A_329 : vector<16xf32>
          %parallel_loop3A_623 = arith.addf %parallel_loop3A_614, %parallel_loop3A_622 : vector<16xf32>
          %parallel_loop3A_624 = arith.constant 28 : i32
          %parallel_loop3A_625 = arith.addi %parallel_loop3A_624, %parallel_loop3A_321 : i32
          %parallel_loop3A_626 = arith.constant 0 : i32
          %parallel_loop3A_627 = arith.index_cast %parallel_loop3A_626 : i32 to index
          %parallel_loop3A_628 = arith.index_cast %parallel_loop3A_625 : i32 to index
          %parallel_loop3A_629 = arith.constant 112 : index
          %parallel_loop3A_630 = tpu.vector_load %arg11[%parallel_loop3A_627, %parallel_loop3A_628, %parallel_loop3A_629] {strides = array<i32>} : memref<2x56x192xf32, #tpu.memory_space<vmem>>, vector<16xf32>,
          %parallel_loop3A_631 = arith.mulf %parallel_loop3A_630, %parallel_loop3A_333 : vector<16xf32>
          %parallel_loop3A_632 = arith.addf %parallel_loop3A_623, %parallel_loop3A_631 : vector<16xf32>
          %parallel_loop3A_633 = arith.constant 42 : i32
          %parallel_loop3A_634 = arith.addi %parallel_loop3A_633, %parallel_loop3A_321 : i32
          %parallel_loop3A_635 = arith.constant 0 : i32
          %parallel_loop3A_636 = arith.index_cast %parallel_loop3A_635 : i32 to index
          %parallel_loop3A_637 = arith.index_cast %parallel_loop3A_634 : i32 to index
          %parallel_loop3A_638 = arith.constant 112 : index
          %parallel_loop3A_639 = tpu.vector_load %arg11[%parallel_loop3A_636, %parallel_loop3A_637, %parallel_loop3A_638] {strides = array<i32>} : memref<2x56x192xf32, #tpu.memory_space<vmem>>, vector<16xf32>,
          %parallel_loop3A_640 = arith.mulf %parallel_loop3A_639, %parallel_loop3A_337 : vector<16xf32>
          %parallel_loop3A_641 = arith.addf %parallel_loop3A_632, %parallel_loop3A_640 : vector<16xf32>
          %parallel_loop3A_642 = arith.constant 112 : i32
          %parallel_loop3A_643 = arith.addi %parallel_loop3A_342, %parallel_loop3A_642 : i32
          %parallel_loop3A_644 = arith.index_cast %rem3A_46 : i32 to index
          %parallel_loop3A_645 = arith.index_cast %parallel_loop3A_643 : i32 to index
          %parallel_loop3A_646 = tpu.vector_load %arg12[%parallel_loop3A_644, %parallel_loop3A_645] {strides = array<i32>} : memref<2x37632xf32, #tpu.memory_space<vmem>>, vector<16xf32>,
          tpu.vector_store %arg12[%parallel_loop3A_644, %parallel_loop3A_645], %parallel_loop3A_641 {strides = array<i32>} : memref<2x37632xf32, #tpu.memory_space<vmem>>, vector<16xf32>,
          %parallel_loop3A_647 = arith.constant 0 : i32
          %parallel_loop3A_648 = arith.index_cast %parallel_loop3A_647 : i32 to index
          %parallel_loop3A_649 = arith.index_cast %parallel_loop3A_321 : i32 to index
          %parallel_loop3A_650 = arith.constant 128 : index
          %parallel_loop3A_651 = tpu.vector_load %arg11[%parallel_loop3A_648, %parallel_loop3A_649, %parallel_loop3A_650] {strides = array<i32>} : memref<2x56x192xf32, #tpu.memory_space<vmem>>, vector<16xf32>,
          %parallel_loop3A_652 = arith.mulf %parallel_loop3A_651, %parallel_loop3A_325 : vector<16xf32>
          %parallel_loop3A_653 = arith.constant 14 : i32
          %parallel_loop3A_654 = arith.addi %parallel_loop3A_653, %parallel_loop3A_321 : i32
          %parallel_loop3A_655 = arith.constant 0 : i32
          %parallel_loop3A_656 = arith.index_cast %parallel_loop3A_655 : i32 to index
          %parallel_loop3A_657 = arith.index_cast %parallel_loop3A_654 : i32 to index
          %parallel_loop3A_658 = arith.constant 128 : index
          %parallel_loop3A_659 = tpu.vector_load %arg11[%parallel_loop3A_656, %parallel_loop3A_657, %parallel_loop3A_658] {strides = array<i32>} : memref<2x56x192xf32, #tpu.memory_space<vmem>>, vector<16xf32>,
          %parallel_loop3A_660 = arith.mulf %parallel_loop3A_659, %parallel_loop3A_329 : vector<16xf32>
          %parallel_loop3A_661 = arith.addf %parallel_loop3A_652, %parallel_loop3A_660 : vector<16xf32>
          %parallel_loop3A_662 = arith.constant 28 : i32
          %parallel_loop3A_663 = arith.addi %parallel_loop3A_662, %parallel_loop3A_321 : i32
          %parallel_loop3A_664 = arith.constant 0 : i32
          %parallel_loop3A_665 = arith.index_cast %parallel_loop3A_664 : i32 to index
          %parallel_loop3A_666 = arith.index_cast %parallel_loop3A_663 : i32 to index
          %parallel_loop3A_667 = arith.constant 128 : index
          %parallel_loop3A_668 = tpu.vector_load %arg11[%parallel_loop3A_665, %parallel_loop3A_666, %parallel_loop3A_667] {strides = array<i32>} : memref<2x56x192xf32, #tpu.memory_space<vmem>>, vector<16xf32>,
          %parallel_loop3A_669 = arith.mulf %parallel_loop3A_668, %parallel_loop3A_333 : vector<16xf32>
          %parallel_loop3A_670 = arith.addf %parallel_loop3A_661, %parallel_loop3A_669 : vector<16xf32>
          %parallel_loop3A_671 = arith.constant 42 : i32
          %parallel_loop3A_672 = arith.addi %parallel_loop3A_671, %parallel_loop3A_321 : i32
          %parallel_loop3A_673 = arith.constant 0 : i32
          %parallel_loop3A_674 = arith.index_cast %parallel_loop3A_673 : i32 to index
          %parallel_loop3A_675 = arith.index_cast %parallel_loop3A_672 : i32 to index
          %parallel_loop3A_676 = arith.constant 128 : index
          %parallel_loop3A_677 = tpu.vector_load %arg11[%parallel_loop3A_674, %parallel_loop3A_675, %parallel_loop3A_676] {strides = array<i32>} : memref<2x56x192xf32, #tpu.memory_space<vmem>>, vector<16xf32>,
          %parallel_loop3A_678 = arith.mulf %parallel_loop3A_677, %parallel_loop3A_337 : vector<16xf32>
          %parallel_loop3A_679 = arith.addf %parallel_loop3A_670, %parallel_loop3A_678 : vector<16xf32>
          %parallel_loop3A_680 = arith.constant 128 : i32
          %parallel_loop3A_681 = arith.addi %parallel_loop3A_342, %parallel_loop3A_680 : i32
          %parallel_loop3A_682 = arith.index_cast %rem3A_46 : i32 to index
          %parallel_loop3A_683 = arith.index_cast %parallel_loop3A_681 : i32 to index
          %parallel_loop3A_684 = tpu.vector_load %arg12[%parallel_loop3A_682, %parallel_loop3A_683] {strides = array<i32>} : memref<2x37632xf32, #tpu.memory_space<vmem>>, vector<16xf32>,
          tpu.vector_store %arg12[%parallel_loop3A_682, %parallel_loop3A_683], %parallel_loop3A_679 {strides = array<i32>} : memref<2x37632xf32, #tpu.memory_space<vmem>>, vector<16xf32>,
          %parallel_loop3A_685 = arith.constant 0 : i32
          %parallel_loop3A_686 = arith.index_cast %parallel_loop3A_685 : i32 to index
          %parallel_loop3A_687 = arith.index_cast %parallel_loop3A_321 : i32 to index
          %parallel_loop3A_688 = arith.constant 144 : index
          %parallel_loop3A_689 = tpu.vector_load %arg11[%parallel_loop3A_686, %parallel_loop3A_687, %parallel_loop3A_688] {strides = array<i32>} : memref<2x56x192xf32, #tpu.memory_space<vmem>>, vector<16xf32>,
          %parallel_loop3A_690 = arith.mulf %parallel_loop3A_689, %parallel_loop3A_325 : vector<16xf32>
          %parallel_loop3A_691 = arith.constant 14 : i32
          %parallel_loop3A_692 = arith.addi %parallel_loop3A_691, %parallel_loop3A_321 : i32
          %parallel_loop3A_693 = arith.constant 0 : i32
          %parallel_loop3A_694 = arith.index_cast %parallel_loop3A_693 : i32 to index
          %parallel_loop3A_695 = arith.index_cast %parallel_loop3A_692 : i32 to index
          %parallel_loop3A_696 = arith.constant 144 : index
          %parallel_loop3A_697 = tpu.vector_load %arg11[%parallel_loop3A_694, %parallel_loop3A_695, %parallel_loop3A_696] {strides = array<i32>} : memref<2x56x192xf32, #tpu.memory_space<vmem>>, vector<16xf32>,
          %parallel_loop3A_698 = arith.mulf %parallel_loop3A_697, %parallel_loop3A_329 : vector<16xf32>
          %parallel_loop3A_699 = arith.addf %parallel_loop3A_690, %parallel_loop3A_698 : vector<16xf32>
          %parallel_loop3A_700 = arith.constant 28 : i32
          %parallel_loop3A_701 = arith.addi %parallel_loop3A_700, %parallel_loop3A_321 : i32
          %parallel_loop3A_702 = arith.constant 0 : i32
          %parallel_loop3A_703 = arith.index_cast %parallel_loop3A_702 : i32 to index
          %parallel_loop3A_704 = arith.index_cast %parallel_loop3A_701 : i32 to index
          %parallel_loop3A_705 = arith.constant 144 : index
          %parallel_loop3A_706 = tpu.vector_load %arg11[%parallel_loop3A_703, %parallel_loop3A_704, %parallel_loop3A_705] {strides = array<i32>} : memref<2x56x192xf32, #tpu.memory_space<vmem>>, vector<16xf32>,
          %parallel_loop3A_707 = arith.mulf %parallel_loop3A_706, %parallel_loop3A_333 : vector<16xf32>
          %parallel_loop3A_708 = arith.addf %parallel_loop3A_699, %parallel_loop3A_707 : vector<16xf32>
          %parallel_loop3A_709 = arith.constant 42 : i32
          %parallel_loop3A_710 = arith.addi %parallel_loop3A_709, %parallel_loop3A_321 : i32
          %parallel_loop3A_711 = arith.constant 0 : i32
          %parallel_loop3A_712 = arith.index_cast %parallel_loop3A_711 : i32 to index
          %parallel_loop3A_713 = arith.index_cast %parallel_loop3A_710 : i32 to index
          %parallel_loop3A_714 = arith.constant 144 : index
          %parallel_loop3A_715 = tpu.vector_load %arg11[%parallel_loop3A_712, %parallel_loop3A_713, %parallel_loop3A_714] {strides = array<i32>} : memref<2x56x192xf32, #tpu.memory_space<vmem>>, vector<16xf32>,
          %parallel_loop3A_716 = arith.mulf %parallel_loop3A_715, %parallel_loop3A_337 : vector<16xf32>
          %parallel_loop3A_717 = arith.addf %parallel_loop3A_708, %parallel_loop3A_716 : vector<16xf32>
          %parallel_loop3A_718 = arith.constant 144 : i32
          %parallel_loop3A_719 = arith.addi %parallel_loop3A_342, %parallel_loop3A_718 : i32
          %parallel_loop3A_720 = arith.index_cast %rem3A_46 : i32 to index
          %parallel_loop3A_721 = arith.index_cast %parallel_loop3A_719 : i32 to index
          %parallel_loop3A_722 = tpu.vector_load %arg12[%parallel_loop3A_720, %parallel_loop3A_721] {strides = array<i32>} : memref<2x37632xf32, #tpu.memory_space<vmem>>, vector<16xf32>,
          tpu.vector_store %arg12[%parallel_loop3A_720, %parallel_loop3A_721], %parallel_loop3A_717 {strides = array<i32>} : memref<2x37632xf32, #tpu.memory_space<vmem>>, vector<16xf32>,
          %parallel_loop3A_723 = arith.constant 0 : i32
          %parallel_loop3A_724 = arith.index_cast %parallel_loop3A_723 : i32 to index
          %parallel_loop3A_725 = arith.index_cast %parallel_loop3A_321 : i32 to index
          %parallel_loop3A_726 = arith.constant 160 : index
          %parallel_loop3A_727 = tpu.vector_load %arg11[%parallel_loop3A_724, %parallel_loop3A_725, %parallel_loop3A_726] {strides = array<i32>} : memref<2x56x192xf32, #tpu.memory_space<vmem>>, vector<16xf32>,
          %parallel_loop3A_728 = arith.mulf %parallel_loop3A_727, %parallel_loop3A_325 : vector<16xf32>
          %parallel_loop3A_729 = arith.constant 14 : i32
          %parallel_loop3A_730 = arith.addi %parallel_loop3A_729, %parallel_loop3A_321 : i32
          %parallel_loop3A_731 = arith.constant 0 : i32
          %parallel_loop3A_732 = arith.index_cast %parallel_loop3A_731 : i32 to index
          %parallel_loop3A_733 = arith.index_cast %parallel_loop3A_730 : i32 to index
          %parallel_loop3A_734 = arith.constant 160 : index
          %parallel_loop3A_735 = tpu.vector_load %arg11[%parallel_loop3A_732, %parallel_loop3A_733, %parallel_loop3A_734] {strides = array<i32>} : memref<2x56x192xf32, #tpu.memory_space<vmem>>, vector<16xf32>,
          %parallel_loop3A_736 = arith.mulf %parallel_loop3A_735, %parallel_loop3A_329 : vector<16xf32>
          %parallel_loop3A_737 = arith.addf %parallel_loop3A_728, %parallel_loop3A_736 : vector<16xf32>
          %parallel_loop3A_738 = arith.constant 28 : i32
          %parallel_loop3A_739 = arith.addi %parallel_loop3A_738, %parallel_loop3A_321 : i32
          %parallel_loop3A_740 = arith.constant 0 : i32
          %parallel_loop3A_741 = arith.index_cast %parallel_loop3A_740 : i32 to index
          %parallel_loop3A_742 = arith.index_cast %parallel_loop3A_739 : i32 to index
          %parallel_loop3A_743 = arith.constant 160 : index
          %parallel_loop3A_744 = tpu.vector_load %arg11[%parallel_loop3A_741, %parallel_loop3A_742, %parallel_loop3A_743] {strides = array<i32>} : memref<2x56x192xf32, #tpu.memory_space<vmem>>, vector<16xf32>,
          %parallel_loop3A_745 = arith.mulf %parallel_loop3A_744, %parallel_loop3A_333 : vector<16xf32>
          %parallel_loop3A_746 = arith.addf %parallel_loop3A_737, %parallel_loop3A_745 : vector<16xf32>
          %parallel_loop3A_747 = arith.constant 42 : i32
          %parallel_loop3A_748 = arith.addi %parallel_loop3A_747, %parallel_loop3A_321 : i32
          %parallel_loop3A_749 = arith.constant 0 : i32
          %parallel_loop3A_750 = arith.index_cast %parallel_loop3A_749 : i32 to index
          %parallel_loop3A_751 = arith.index_cast %parallel_loop3A_748 : i32 to index
          %parallel_loop3A_752 = arith.constant 160 : index
          %parallel_loop3A_753 = tpu.vector_load %arg11[%parallel_loop3A_750, %parallel_loop3A_751, %parallel_loop3A_752] {strides = array<i32>} : memref<2x56x192xf32, #tpu.memory_space<vmem>>, vector<16xf32>,
          %parallel_loop3A_754 = arith.mulf %parallel_loop3A_753, %parallel_loop3A_337 : vector<16xf32>
          %parallel_loop3A_755 = arith.addf %parallel_loop3A_746, %parallel_loop3A_754 : vector<16xf32>
          %parallel_loop3A_756 = arith.constant 160 : i32
          %parallel_loop3A_757 = arith.addi %parallel_loop3A_342, %parallel_loop3A_756 : i32
          %parallel_loop3A_758 = arith.index_cast %rem3A_46 : i32 to index
          %parallel_loop3A_759 = arith.index_cast %parallel_loop3A_757 : i32 to index
          %parallel_loop3A_760 = tpu.vector_load %arg12[%parallel_loop3A_758, %parallel_loop3A_759] {strides = array<i32>} : memref<2x37632xf32, #tpu.memory_space<vmem>>, vector<16xf32>,
          tpu.vector_store %arg12[%parallel_loop3A_758, %parallel_loop3A_759], %parallel_loop3A_755 {strides = array<i32>} : memref<2x37632xf32, #tpu.memory_space<vmem>>, vector<16xf32>,
          %parallel_loop3A_761 = arith.constant 0 : i32
          %parallel_loop3A_762 = arith.index_cast %parallel_loop3A_761 : i32 to index
          %parallel_loop3A_763 = arith.index_cast %parallel_loop3A_321 : i32 to index
          %parallel_loop3A_764 = arith.constant 176 : index
          %parallel_loop3A_765 = tpu.vector_load %arg11[%parallel_loop3A_762, %parallel_loop3A_763, %parallel_loop3A_764] {strides = array<i32>} : memref<2x56x192xf32, #tpu.memory_space<vmem>>, vector<16xf32>,
          %parallel_loop3A_766 = arith.mulf %parallel_loop3A_765, %parallel_loop3A_325 : vector<16xf32>
          %parallel_loop3A_767 = arith.constant 14 : i32
          %parallel_loop3A_768 = arith.addi %parallel_loop3A_767, %parallel_loop3A_321 : i32
          %parallel_loop3A_769 = arith.constant 0 : i32
          %parallel_loop3A_770 = arith.index_cast %parallel_loop3A_769 : i32 to index
          %parallel_loop3A_771 = arith.index_cast %parallel_loop3A_768 : i32 to index
          %parallel_loop3A_772 = arith.constant 176 : index
          %parallel_loop3A_773 = tpu.vector_load %arg11[%parallel_loop3A_770, %parallel_loop3A_771, %parallel_loop3A_772] {strides = array<i32>} : memref<2x56x192xf32, #tpu.memory_space<vmem>>, vector<16xf32>,
          %parallel_loop3A_774 = arith.mulf %parallel_loop3A_773, %parallel_loop3A_329 : vector<16xf32>
          %parallel_loop3A_775 = arith.addf %parallel_loop3A_766, %parallel_loop3A_774 : vector<16xf32>
          %parallel_loop3A_776 = arith.constant 28 : i32
          %parallel_loop3A_777 = arith.addi %parallel_loop3A_776, %parallel_loop3A_321 : i32
          %parallel_loop3A_778 = arith.constant 0 : i32
          %parallel_loop3A_779 = arith.index_cast %parallel_loop3A_778 : i32 to index
          %parallel_loop3A_780 = arith.index_cast %parallel_loop3A_777 : i32 to index
          %parallel_loop3A_781 = arith.constant 176 : index
          %parallel_loop3A_782 = tpu.vector_load %arg11[%parallel_loop3A_779, %parallel_loop3A_780, %parallel_loop3A_781] {strides = array<i32>} : memref<2x56x192xf32, #tpu.memory_space<vmem>>, vector<16xf32>,
          %parallel_loop3A_783 = arith.mulf %parallel_loop3A_782, %parallel_loop3A_333 : vector<16xf32>
          %parallel_loop3A_784 = arith.addf %parallel_loop3A_775, %parallel_loop3A_783 : vector<16xf32>
          %parallel_loop3A_785 = arith.constant 42 : i32
          %parallel_loop3A_786 = arith.addi %parallel_loop3A_785, %parallel_loop3A_321 : i32
          %parallel_loop3A_787 = arith.constant 0 : i32
          %parallel_loop3A_788 = arith.index_cast %parallel_loop3A_787 : i32 to index
          %parallel_loop3A_789 = arith.index_cast %parallel_loop3A_786 : i32 to index
          %parallel_loop3A_790 = arith.constant 176 : index
          %parallel_loop3A_791 = tpu.vector_load %arg11[%parallel_loop3A_788, %parallel_loop3A_789, %parallel_loop3A_790] {strides = array<i32>} : memref<2x56x192xf32, #tpu.memory_space<vmem>>, vector<16xf32>,
          %parallel_loop3A_792 = arith.mulf %parallel_loop3A_791, %parallel_loop3A_337 : vector<16xf32>
          %parallel_loop3A_793 = arith.addf %parallel_loop3A_784, %parallel_loop3A_792 : vector<16xf32>
          %parallel_loop3A_794 = arith.constant 176 : i32
          %parallel_loop3A_795 = arith.addi %parallel_loop3A_342, %parallel_loop3A_794 : i32
          %parallel_loop3A_796 = arith.index_cast %rem3A_46 : i32 to index
          %parallel_loop3A_797 = arith.index_cast %parallel_loop3A_795 : i32 to index
          %parallel_loop3A_798 = tpu.vector_load %arg12[%parallel_loop3A_796, %parallel_loop3A_797] {strides = array<i32>} : memref<2x37632xf32, #tpu.memory_space<vmem>>, vector<16xf32>,
          tpu.vector_store %arg12[%parallel_loop3A_796, %parallel_loop3A_797], %parallel_loop3A_793 {strides = array<i32>} : memref<2x37632xf32, #tpu.memory_space<vmem>>, vector<16xf32>,
        } {sc.loop_unroll_factor = 2 : i64, sc.parallel_access}
        %lt3A_272 = arith.constant 6 : i32
        %lt3A_273 = arith.cmpi slt, %scan3A_182, %lt3A_272 : i32
        %convert_element_type3A_274 = arith.extui %lt3A_273 : i1 to i32
        %cond3A_275 = arith.constant 0 : i32
        %cond3A_276 = arith.cmpi ne, %convert_element_type3A_274, %cond3A_275 : i32
        scf.if %cond3A_276 {
          %add3A_321 = arith.constant 2 : i32
          %add3A_322 = arith.addi %mul3A_185, %add3A_321 : i32
          %add3A_323 = arith.constant 0 : i32
          %add3A_324 = arith.addi %add3A_323, %add3A_322 : i32
          %broadcast_in_dim3A_325 = vector.broadcast %add3A_324 : i32 to vector<16xi32>
          %gather3A_326 = tpu.vector_load_idx %arg9[%broadcast_in_dim3A_325] : memref<32xi32, #tpu.memory_space<vmem>>[vector<16xi32>], vector<16xi32>,
          %add3A_327 = arith.constant 16 : i32
          %add3A_328 = arith.addi %add3A_327, %add3A_322 : i32
          %broadcast_in_dim3A_329 = vector.broadcast %add3A_328 : i32 to vector<16xi32>
          %gather3A_330 = tpu.vector_load_idx %arg9[%broadcast_in_dim3A_329] : memref<32xi32, #tpu.memory_space<vmem>>[vector<16xi32>], vector<16xi32>,
          %add3A_331 = arith.addi %gather3A_326, %min3A_125 : vector<16xi32>
          %swap3A_332 = arith.constant 0 : i32
          %swap3A_333 = arith.index_cast %swap3A_332 : i32 to index
          %swap3A_334 = arith.constant 0 : index
          %swap3A_335 = tpu.vector_load %arg10[%swap3A_333, %swap3A_334] {strides = array<i32>} : memref<2x64xi32, #tpu.memory_space<vmem>>, vector<16xi32>,
          tpu.vector_store %arg10[%swap3A_333, %swap3A_334], %add3A_331 {strides = array<i32>} : memref<2x64xi32, #tpu.memory_space<vmem>>, vector<16xi32>,
          %add3A_336 = arith.addi %gather3A_326, %min3A_131 : vector<16xi32>
          %swap3A_337 = arith.constant 0 : i32
          %swap3A_338 = arith.index_cast %swap3A_337 : i32 to index
          %swap3A_339 = arith.constant 14 : index
          %swap3A_340 = tpu.vector_load %arg10[%swap3A_338, %swap3A_339] {strides = array<i32>} : memref<2x64xi32, #tpu.memory_space<vmem>>, vector<16xi32>,
          tpu.vector_store %arg10[%swap3A_338, %swap3A_339], %add3A_336 {strides = array<i32>} : memref<2x64xi32, #tpu.memory_space<vmem>>, vector<16xi32>,
          %add3A_341 = arith.addi %gather3A_330, %min3A_125 : vector<16xi32>
          %swap3A_342 = arith.constant 0 : i32
          %swap3A_343 = arith.index_cast %swap3A_342 : i32 to index
          %swap3A_344 = arith.constant 28 : index
          %swap3A_345 = tpu.vector_load %arg10[%swap3A_343, %swap3A_344] {strides = array<i32>} : memref<2x64xi32, #tpu.memory_space<vmem>>, vector<16xi32>,
          tpu.vector_store %arg10[%swap3A_343, %swap3A_344], %add3A_341 {strides = array<i32>} : memref<2x64xi32, #tpu.memory_space<vmem>>, vector<16xi32>,
          %add3A_346 = arith.addi %gather3A_330, %min3A_131 : vector<16xi32>
          %swap3A_347 = arith.constant 0 : i32
          %swap3A_348 = arith.index_cast %swap3A_347 : i32 to index
          %swap3A_349 = arith.constant 42 : index
          %swap3A_350 = tpu.vector_load %arg10[%swap3A_348, %swap3A_349] {strides = array<i32>} : memref<2x64xi32, #tpu.memory_space<vmem>>, vector<16xi32>,
          tpu.vector_store %arg10[%swap3A_348, %swap3A_349], %add3A_346 {strides = array<i32>} : memref<2x64xi32, #tpu.memory_space<vmem>>, vector<16xi32>,
          %dma_start3A_351 = arith.constant 0 : i32
          %dma_start3A_352 = arith.constant 0 : i32
          %dma_start3A_353 = arith.constant 0 : i32
          %dma_start3A_354 = arith.constant 0 : i32
          %dma_start3A_355 = tpu.memref_slice %arg11[%dma_start3A_352, %dma_start3A_353, %dma_start3A_354] : memref<2x56x192xf32, #tpu.memory_space<vmem>> -> memref<1x56x192xf32, #tpu.memory_space<vmem>>
          %dma_start3A_356 = tpu.memref_squeeze %dma_start3A_355 : memref<1x56x192xf32, #tpu.memory_space<vmem>> -> memref<56x192xf32, #tpu.memory_space<vmem>>
          %dma_start3A_357 = arith.constant 0 : i32
          %dma_start3A_358 = tpu.memref_slice %arg10[%dma_start3A_351, %dma_start3A_357] : memref<2x64xi32, #tpu.memory_space<vmem>> -> memref<1x56xi32, #tpu.memory_space<vmem>>
          %dma_start3A_359 = tpu.memref_squeeze %dma_start3A_358 : memref<1x56xi32, #tpu.memory_space<vmem>> -> memref<56xi32, #tpu.memory_space<vmem>>
          %dma_start3A_360 = arith.constant 0 : i32
          %dma_start3A_361 = arith.constant 0 : i32
          %dma_start3A_362 = tpu.memref_slice %arg2[%dma_start3A_360, %dma_start3A_361] : memref<401408x192xf32, #tpu.memory_space<hbm>> -> memref<401408x192xf32, #tpu.memory_space<hbm>>
          tpu.enqueue_indirect_dma source(%dma_start3A_362 : memref<401408x192xf32, #tpu.memory_space<hbm>>) target(%dma_start3A_356 : memref<56x192xf32, #tpu.memory_space<vmem>>) offsets(%dma_start3A_359 : memref<56xi32, #tpu.memory_space<vmem>>) semaphore(%arg13 : memref<!tpu.dma_semaphore, #tpu.memory_space<semaphore_mem>>)
        } else {
        }
        %dma_wait3A_277 = arith.constant 1 : i32
        %dma_wait3A_278 = arith.constant 1 : i32
        %dma_wait3A_279 = arith.constant 0 : i32
        %dma_wait3A_280 = arith.constant 0 : i32
        %dma_wait3A_281 = tpu.memref_slice %arg11[%dma_wait3A_278, %dma_wait3A_279, %dma_wait3A_280] : memref<2x56x192xf32, #tpu.memory_space<vmem>> -> memref<1x56x192xf32, #tpu.memory_space<vmem>>
        %dma_wait3A_282 = tpu.memref_squeeze %dma_wait3A_281 : memref<1x56x192xf32, #tpu.memory_space<vmem>> -> memref<56x192xf32, #tpu.memory_space<vmem>>
        %dma_wait3A_283 = arith.constant 0 : i32
        %dma_wait3A_284 = tpu.memref_slice %arg10[%dma_wait3A_277, %dma_wait3A_283] : memref<2x64xi32, #tpu.memory_space<vmem>> -> memref<1x56xi32, #tpu.memory_space<vmem>>
        %dma_wait3A_285 = tpu.memref_squeeze %dma_wait3A_284 : memref<1x56xi32, #tpu.memory_space<vmem>> -> memref<56xi32, #tpu.memory_space<vmem>>
        %dma_wait3A_286 = arith.constant 0 : i32
        %dma_wait3A_287 = arith.constant 0 : i32
        %dma_wait3A_288 = tpu.memref_slice %arg2[%dma_wait3A_286, %dma_wait3A_287] : memref<401408x192xf32, #tpu.memory_space<hbm>> -> memref<401408x192xf32, #tpu.memory_space<hbm>>
        tpu.wait_indirect_dma semaphore(%arg14 : memref<!tpu.dma_semaphore, #tpu.memory_space<semaphore_mem>>) src(%dma_wait3A_288 : memref<401408x192xf32, #tpu.memory_space<hbm>>) dst(%dma_wait3A_282 : memref<56x192xf32, #tpu.memory_space<vmem>>)
        %add3A_289 = arith.constant 1 : i32
        %add3A_290 = arith.addi %mul3A_185, %add3A_289 : i32
        %add3A_291 = arith.constant 0 : i32
        %add3A_292 = arith.addi %add3A_291, %add3A_290 : i32
        %broadcast_in_dim3A_293 = vector.broadcast %add3A_292 : i32 to vector<16xi32>
        %gather3A_294 = tpu.vector_load_idx %arg8[%broadcast_in_dim3A_293] : memref<128xf32, #tpu.memory_space<vmem>>[vector<16xi32>], vector<16xf32>,
        %add3A_295 = arith.constant 16 : i32
        %add3A_296 = arith.addi %add3A_295, %add3A_290 : i32
        %broadcast_in_dim3A_297 = vector.broadcast %add3A_296 : i32 to vector<16xi32>
        %gather3A_298 = tpu.vector_load_idx %arg8[%broadcast_in_dim3A_297] : memref<128xf32, #tpu.memory_space<vmem>>[vector<16xi32>], vector<16xf32>,
        %mul3A_299 = arith.mulf %gather3A_298, %select_n3A_145 : vector<16xf32>
        %mul3A_300 = arith.mulf %gather3A_294, %mul3A_299 : vector<16xf32>
        %sub3A_301 = arith.subf %mul3A_299, %mul3A_300 : vector<16xf32>
        %sub3A_302 = arith.constant 1.000000e+00 : f32
        %sub3A_303 = vector.broadcast %sub3A_302 : f32 to vector<16xf32>
        %sub3A_304 = arith.subf %sub3A_303, %sub3A_133 : vector<16xf32>
        %mul3A_305 = arith.mulf %sub3A_304, %sub3A_301 : vector<16xf32>
        %swap3A_306 = arith.constant 64 : index
        %swap3A_307 = tpu.vector_load %arg8[%swap3A_306] {strides = array<i32>} : memref<128xf32, #tpu.memory_space<vmem>>, vector<16xf32>,
        tpu.vector_store %arg8[%swap3A_306], %mul3A_305 {strides = array<i32>} : memref<128xf32, #tpu.memory_space<vmem>>, vector<16xf32>,
        %mul3A_308 = arith.mulf %sub3A_133, %sub3A_301 : vector<16xf32>
        %swap3A_309 = arith.constant 80 : index
        %swap3A_310 = tpu.vector_load %arg8[%swap3A_309] {strides = array<i32>} : memref<128xf32, #tpu.memory_space<vmem>>, vector<16xf32>,
        tpu.vector_store %arg8[%swap3A_309], %mul3A_308 {strides = array<i32>} : memref<128xf32, #tpu.memory_space<vmem>>, vector<16xf32>,
        %mul3A_311 = arith.mulf %sub3A_304, %mul3A_300 : vector<16xf32>
        %swap3A_312 = arith.constant 96 : index
        %swap3A_313 = tpu.vector_load %arg8[%swap3A_312] {strides = array<i32>} : memref<128xf32, #tpu.memory_space<vmem>>, vector<16xf32>,
        tpu.vector_store %arg8[%swap3A_312], %mul3A_311 {strides = array<i32>} : memref<128xf32, #tpu.memory_space<vmem>>, vector<16xf32>,
        %mul3A_314 = arith.mulf %sub3A_133, %mul3A_300 : vector<16xf32>
        %swap3A_315 = arith.constant 112 : index
        %swap3A_316 = tpu.vector_load %arg8[%swap3A_315] {strides = array<i32>} : memref<128xf32, #tpu.memory_space<vmem>>, vector<16xf32>,
        tpu.vector_store %arg8[%swap3A_315], %mul3A_314 {strides = array<i32>} : memref<128xf32, #tpu.memory_space<vmem>>, vector<16xf32>,
        %parallel_loop3A_317 = arith.constant 0 : i32
        %parallel_loop3A_318 = arith.constant 14 : i32
        %parallel_loop3A_319 = arith.constant 1 : i32
        scf.for %parallel_loop3A_321 = %parallel_loop3A_317 to %parallel_loop3A_318 step %parallel_loop3A_319  : i32 {
          %parallel_loop3A_322 = arith.constant 64 : i32
          %parallel_loop3A_323 = arith.addi %parallel_loop3A_322, %parallel_loop3A_321 : i32
          %parallel_loop3A_324 = vector.broadcast %parallel_loop3A_323 : i32 to vector<16xi32>
          %parallel_loop3A_325 = tpu.vector_load_idx %arg8[%parallel_loop3A_324] : memref<128xf32, #tpu.memory_space<vmem>>[vector<16xi32>], vector<16xf32>,
          %parallel_loop3A_326 = arith.constant 80 : i32
          %parallel_loop3A_327 = arith.addi %parallel_loop3A_326, %parallel_loop3A_321 : i32
          %parallel_loop3A_328 = vector.broadcast %parallel_loop3A_327 : i32 to vector<16xi32>
          %parallel_loop3A_329 = tpu.vector_load_idx %arg8[%parallel_loop3A_328] : memref<128xf32, #tpu.memory_space<vmem>>[vector<16xi32>], vector<16xf32>,
          %parallel_loop3A_330 = arith.constant 96 : i32
          %parallel_loop3A_331 = arith.addi %parallel_loop3A_330, %parallel_loop3A_321 : i32
          %parallel_loop3A_332 = vector.broadcast %parallel_loop3A_331 : i32 to vector<16xi32>
          %parallel_loop3A_333 = tpu.vector_load_idx %arg8[%parallel_loop3A_332] : memref<128xf32, #tpu.memory_space<vmem>>[vector<16xi32>], vector<16xf32>,
          %parallel_loop3A_334 = arith.constant 112 : i32
          %parallel_loop3A_335 = arith.addi %parallel_loop3A_334, %parallel_loop3A_321 : i32
          %parallel_loop3A_336 = vector.broadcast %parallel_loop3A_335 : i32 to vector<16xi32>
          %parallel_loop3A_337 = tpu.vector_load_idx %arg8[%parallel_loop3A_336] : memref<128xf32, #tpu.memory_space<vmem>>[vector<16xi32>], vector<16xf32>,
          %parallel_loop3A_338 = arith.constant 14 : i32
          %parallel_loop3A_339 = arith.muli %add3A_290, %parallel_loop3A_338 : i32
          %parallel_loop3A_340 = arith.addi %parallel_loop3A_339, %parallel_loop3A_321 : i32
          %parallel_loop3A_341 = arith.constant 192 : i32
          %parallel_loop3A_342 = arith.muli %parallel_loop3A_340, %parallel_loop3A_341 : i32
          %parallel_loop3A_343 = arith.constant 1 : i32
          %parallel_loop3A_344 = arith.index_cast %parallel_loop3A_343 : i32 to index
          %parallel_loop3A_345 = arith.index_cast %parallel_loop3A_321 : i32 to index
          %parallel_loop3A_346 = arith.constant 0 : index
          %parallel_loop3A_347 = tpu.vector_load %arg11[%parallel_loop3A_344, %parallel_loop3A_345, %parallel_loop3A_346] {strides = array<i32>} : memref<2x56x192xf32, #tpu.memory_space<vmem>>, vector<16xf32>,
          %parallel_loop3A_348 = arith.mulf %parallel_loop3A_347, %parallel_loop3A_325 : vector<16xf32>
          %parallel_loop3A_349 = arith.constant 14 : i32
          %parallel_loop3A_350 = arith.addi %parallel_loop3A_349, %parallel_loop3A_321 : i32
          %parallel_loop3A_351 = arith.constant 1 : i32
          %parallel_loop3A_352 = arith.index_cast %parallel_loop3A_351 : i32 to index
          %parallel_loop3A_353 = arith.index_cast %parallel_loop3A_350 : i32 to index
          %parallel_loop3A_354 = arith.constant 0 : index
          %parallel_loop3A_355 = tpu.vector_load %arg11[%parallel_loop3A_352, %parallel_loop3A_353, %parallel_loop3A_354] {strides = array<i32>} : memref<2x56x192xf32, #tpu.memory_space<vmem>>, vector<16xf32>,
          %parallel_loop3A_356 = arith.mulf %parallel_loop3A_355, %parallel_loop3A_329 : vector<16xf32>
          %parallel_loop3A_357 = arith.addf %parallel_loop3A_348, %parallel_loop3A_356 : vector<16xf32>
          %parallel_loop3A_358 = arith.constant 28 : i32
          %parallel_loop3A_359 = arith.addi %parallel_loop3A_358, %parallel_loop3A_321 : i32
          %parallel_loop3A_360 = arith.constant 1 : i32
          %parallel_loop3A_361 = arith.index_cast %parallel_loop3A_360 : i32 to index
          %parallel_loop3A_362 = arith.index_cast %parallel_loop3A_359 : i32 to index
          %parallel_loop3A_363 = arith.constant 0 : index
          %parallel_loop3A_364 = tpu.vector_load %arg11[%parallel_loop3A_361, %parallel_loop3A_362, %parallel_loop3A_363] {strides = array<i32>} : memref<2x56x192xf32, #tpu.memory_space<vmem>>, vector<16xf32>,
          %parallel_loop3A_365 = arith.mulf %parallel_loop3A_364, %parallel_loop3A_333 : vector<16xf32>
          %parallel_loop3A_366 = arith.addf %parallel_loop3A_357, %parallel_loop3A_365 : vector<16xf32>
          %parallel_loop3A_367 = arith.constant 42 : i32
          %parallel_loop3A_368 = arith.addi %parallel_loop3A_367, %parallel_loop3A_321 : i32
          %parallel_loop3A_369 = arith.constant 1 : i32
          %parallel_loop3A_370 = arith.index_cast %parallel_loop3A_369 : i32 to index
          %parallel_loop3A_371 = arith.index_cast %parallel_loop3A_368 : i32 to index
          %parallel_loop3A_372 = arith.constant 0 : index
          %parallel_loop3A_373 = tpu.vector_load %arg11[%parallel_loop3A_370, %parallel_loop3A_371, %parallel_loop3A_372] {strides = array<i32>} : memref<2x56x192xf32, #tpu.memory_space<vmem>>, vector<16xf32>,
          %parallel_loop3A_374 = arith.mulf %parallel_loop3A_373, %parallel_loop3A_337 : vector<16xf32>
          %parallel_loop3A_375 = arith.addf %parallel_loop3A_366, %parallel_loop3A_374 : vector<16xf32>
          %parallel_loop3A_376 = arith.constant 0 : i32
          %parallel_loop3A_377 = arith.addi %parallel_loop3A_342, %parallel_loop3A_376 : i32
          %parallel_loop3A_378 = arith.index_cast %rem3A_46 : i32 to index
          %parallel_loop3A_379 = arith.index_cast %parallel_loop3A_377 : i32 to index
          %parallel_loop3A_380 = tpu.vector_load %arg12[%parallel_loop3A_378, %parallel_loop3A_379] {strides = array<i32>} : memref<2x37632xf32, #tpu.memory_space<vmem>>, vector<16xf32>,
          tpu.vector_store %arg12[%parallel_loop3A_378, %parallel_loop3A_379], %parallel_loop3A_375 {strides = array<i32>} : memref<2x37632xf32, #tpu.memory_space<vmem>>, vector<16xf32>,
          %parallel_loop3A_381 = arith.constant 1 : i32
          %parallel_loop3A_382 = arith.index_cast %parallel_loop3A_381 : i32 to index
          %parallel_loop3A_383 = arith.index_cast %parallel_loop3A_321 : i32 to index
          %parallel_loop3A_384 = arith.constant 16 : index
          %parallel_loop3A_385 = tpu.vector_load %arg11[%parallel_loop3A_382, %parallel_loop3A_383, %parallel_loop3A_384] {strides = array<i32>} : memref<2x56x192xf32, #tpu.memory_space<vmem>>, vector<16xf32>,
          %parallel_loop3A_386 = arith.mulf %parallel_loop3A_385, %parallel_loop3A_325 : vector<16xf32>
          %parallel_loop3A_387 = arith.constant 14 : i32
          %parallel_loop3A_388 = arith.addi %parallel_loop3A_387, %parallel_loop3A_321 : i32
          %parallel_loop3A_389 = arith.constant 1 : i32
          %parallel_loop3A_390 = arith.index_cast %parallel_loop3A_389 : i32 to index
          %parallel_loop3A_391 = arith.index_cast %parallel_loop3A_388 : i32 to index
          %parallel_loop3A_392 = arith.constant 16 : index
          %parallel_loop3A_393 = tpu.vector_load %arg11[%parallel_loop3A_390, %parallel_loop3A_391, %parallel_loop3A_392] {strides = array<i32>} : memref<2x56x192xf32, #tpu.memory_space<vmem>>, vector<16xf32>,
          %parallel_loop3A_394 = arith.mulf %parallel_loop3A_393, %parallel_loop3A_329 : vector<16xf32>
          %parallel_loop3A_395 = arith.addf %parallel_loop3A_386, %parallel_loop3A_394 : vector<16xf32>
          %parallel_loop3A_396 = arith.constant 28 : i32
          %parallel_loop3A_397 = arith.addi %parallel_loop3A_396, %parallel_loop3A_321 : i32
          %parallel_loop3A_398 = arith.constant 1 : i32
          %parallel_loop3A_399 = arith.index_cast %parallel_loop3A_398 : i32 to index
          %parallel_loop3A_400 = arith.index_cast %parallel_loop3A_397 : i32 to index
          %parallel_loop3A_401 = arith.constant 16 : index
          %parallel_loop3A_402 = tpu.vector_load %arg11[%parallel_loop3A_399, %parallel_loop3A_400, %parallel_loop3A_401] {strides = array<i32>} : memref<2x56x192xf32, #tpu.memory_space<vmem>>, vector<16xf32>,
          %parallel_loop3A_403 = arith.mulf %parallel_loop3A_402, %parallel_loop3A_333 : vector<16xf32>
          %parallel_loop3A_404 = arith.addf %parallel_loop3A_395, %parallel_loop3A_403 : vector<16xf32>
          %parallel_loop3A_405 = arith.constant 42 : i32
          %parallel_loop3A_406 = arith.addi %parallel_loop3A_405, %parallel_loop3A_321 : i32
          %parallel_loop3A_407 = arith.constant 1 : i32
          %parallel_loop3A_408 = arith.index_cast %parallel_loop3A_407 : i32 to index
          %parallel_loop3A_409 = arith.index_cast %parallel_loop3A_406 : i32 to index
          %parallel_loop3A_410 = arith.constant 16 : index
          %parallel_loop3A_411 = tpu.vector_load %arg11[%parallel_loop3A_408, %parallel_loop3A_409, %parallel_loop3A_410] {strides = array<i32>} : memref<2x56x192xf32, #tpu.memory_space<vmem>>, vector<16xf32>,
          %parallel_loop3A_412 = arith.mulf %parallel_loop3A_411, %parallel_loop3A_337 : vector<16xf32>
          %parallel_loop3A_413 = arith.addf %parallel_loop3A_404, %parallel_loop3A_412 : vector<16xf32>
          %parallel_loop3A_414 = arith.constant 16 : i32
          %parallel_loop3A_415 = arith.addi %parallel_loop3A_342, %parallel_loop3A_414 : i32
          %parallel_loop3A_416 = arith.index_cast %rem3A_46 : i32 to index
          %parallel_loop3A_417 = arith.index_cast %parallel_loop3A_415 : i32 to index
          %parallel_loop3A_418 = tpu.vector_load %arg12[%parallel_loop3A_416, %parallel_loop3A_417] {strides = array<i32>} : memref<2x37632xf32, #tpu.memory_space<vmem>>, vector<16xf32>,
          tpu.vector_store %arg12[%parallel_loop3A_416, %parallel_loop3A_417], %parallel_loop3A_413 {strides = array<i32>} : memref<2x37632xf32, #tpu.memory_space<vmem>>, vector<16xf32>,
          %parallel_loop3A_419 = arith.constant 1 : i32
          %parallel_loop3A_420 = arith.index_cast %parallel_loop3A_419 : i32 to index
          %parallel_loop3A_421 = arith.index_cast %parallel_loop3A_321 : i32 to index
          %parallel_loop3A_422 = arith.constant 32 : index
          %parallel_loop3A_423 = tpu.vector_load %arg11[%parallel_loop3A_420, %parallel_loop3A_421, %parallel_loop3A_422] {strides = array<i32>} : memref<2x56x192xf32, #tpu.memory_space<vmem>>, vector<16xf32>,
          %parallel_loop3A_424 = arith.mulf %parallel_loop3A_423, %parallel_loop3A_325 : vector<16xf32>
          %parallel_loop3A_425 = arith.constant 14 : i32
          %parallel_loop3A_426 = arith.addi %parallel_loop3A_425, %parallel_loop3A_321 : i32
          %parallel_loop3A_427 = arith.constant 1 : i32
          %parallel_loop3A_428 = arith.index_cast %parallel_loop3A_427 : i32 to index
          %parallel_loop3A_429 = arith.index_cast %parallel_loop3A_426 : i32 to index
          %parallel_loop3A_430 = arith.constant 32 : index
          %parallel_loop3A_431 = tpu.vector_load %arg11[%parallel_loop3A_428, %parallel_loop3A_429, %parallel_loop3A_430] {strides = array<i32>} : memref<2x56x192xf32, #tpu.memory_space<vmem>>, vector<16xf32>,
          %parallel_loop3A_432 = arith.mulf %parallel_loop3A_431, %parallel_loop3A_329 : vector<16xf32>
          %parallel_loop3A_433 = arith.addf %parallel_loop3A_424, %parallel_loop3A_432 : vector<16xf32>
          %parallel_loop3A_434 = arith.constant 28 : i32
          %parallel_loop3A_435 = arith.addi %parallel_loop3A_434, %parallel_loop3A_321 : i32
          %parallel_loop3A_436 = arith.constant 1 : i32
          %parallel_loop3A_437 = arith.index_cast %parallel_loop3A_436 : i32 to index
          %parallel_loop3A_438 = arith.index_cast %parallel_loop3A_435 : i32 to index
          %parallel_loop3A_439 = arith.constant 32 : index
          %parallel_loop3A_440 = tpu.vector_load %arg11[%parallel_loop3A_437, %parallel_loop3A_438, %parallel_loop3A_439] {strides = array<i32>} : memref<2x56x192xf32, #tpu.memory_space<vmem>>, vector<16xf32>,
          %parallel_loop3A_441 = arith.mulf %parallel_loop3A_440, %parallel_loop3A_333 : vector<16xf32>
          %parallel_loop3A_442 = arith.addf %parallel_loop3A_433, %parallel_loop3A_441 : vector<16xf32>
          %parallel_loop3A_443 = arith.constant 42 : i32
          %parallel_loop3A_444 = arith.addi %parallel_loop3A_443, %parallel_loop3A_321 : i32
          %parallel_loop3A_445 = arith.constant 1 : i32
          %parallel_loop3A_446 = arith.index_cast %parallel_loop3A_445 : i32 to index
          %parallel_loop3A_447 = arith.index_cast %parallel_loop3A_444 : i32 to index
          %parallel_loop3A_448 = arith.constant 32 : index
          %parallel_loop3A_449 = tpu.vector_load %arg11[%parallel_loop3A_446, %parallel_loop3A_447, %parallel_loop3A_448] {strides = array<i32>} : memref<2x56x192xf32, #tpu.memory_space<vmem>>, vector<16xf32>,
          %parallel_loop3A_450 = arith.mulf %parallel_loop3A_449, %parallel_loop3A_337 : vector<16xf32>
          %parallel_loop3A_451 = arith.addf %parallel_loop3A_442, %parallel_loop3A_450 : vector<16xf32>
          %parallel_loop3A_452 = arith.constant 32 : i32
          %parallel_loop3A_453 = arith.addi %parallel_loop3A_342, %parallel_loop3A_452 : i32
          %parallel_loop3A_454 = arith.index_cast %rem3A_46 : i32 to index
          %parallel_loop3A_455 = arith.index_cast %parallel_loop3A_453 : i32 to index
          %parallel_loop3A_456 = tpu.vector_load %arg12[%parallel_loop3A_454, %parallel_loop3A_455] {strides = array<i32>} : memref<2x37632xf32, #tpu.memory_space<vmem>>, vector<16xf32>,
          tpu.vector_store %arg12[%parallel_loop3A_454, %parallel_loop3A_455], %parallel_loop3A_451 {strides = array<i32>} : memref<2x37632xf32, #tpu.memory_space<vmem>>, vector<16xf32>,
          %parallel_loop3A_457 = arith.constant 1 : i32
          %parallel_loop3A_458 = arith.index_cast %parallel_loop3A_457 : i32 to index
          %parallel_loop3A_459 = arith.index_cast %parallel_loop3A_321 : i32 to index
          %parallel_loop3A_460 = arith.constant 48 : index
          %parallel_loop3A_461 = tpu.vector_load %arg11[%parallel_loop3A_458, %parallel_loop3A_459, %parallel_loop3A_460] {strides = array<i32>} : memref<2x56x192xf32, #tpu.memory_space<vmem>>, vector<16xf32>,
          %parallel_loop3A_462 = arith.mulf %parallel_loop3A_461, %parallel_loop3A_325 : vector<16xf32>
          %parallel_loop3A_463 = arith.constant 14 : i32
          %parallel_loop3A_464 = arith.addi %parallel_loop3A_463, %parallel_loop3A_321 : i32
          %parallel_loop3A_465 = arith.constant 1 : i32
          %parallel_loop3A_466 = arith.index_cast %parallel_loop3A_465 : i32 to index
          %parallel_loop3A_467 = arith.index_cast %parallel_loop3A_464 : i32 to index
          %parallel_loop3A_468 = arith.constant 48 : index
          %parallel_loop3A_469 = tpu.vector_load %arg11[%parallel_loop3A_466, %parallel_loop3A_467, %parallel_loop3A_468] {strides = array<i32>} : memref<2x56x192xf32, #tpu.memory_space<vmem>>, vector<16xf32>,
          %parallel_loop3A_470 = arith.mulf %parallel_loop3A_469, %parallel_loop3A_329 : vector<16xf32>
          %parallel_loop3A_471 = arith.addf %parallel_loop3A_462, %parallel_loop3A_470 : vector<16xf32>
          %parallel_loop3A_472 = arith.constant 28 : i32
          %parallel_loop3A_473 = arith.addi %parallel_loop3A_472, %parallel_loop3A_321 : i32
          %parallel_loop3A_474 = arith.constant 1 : i32
          %parallel_loop3A_475 = arith.index_cast %parallel_loop3A_474 : i32 to index
          %parallel_loop3A_476 = arith.index_cast %parallel_loop3A_473 : i32 to index
          %parallel_loop3A_477 = arith.constant 48 : index
          %parallel_loop3A_478 = tpu.vector_load %arg11[%parallel_loop3A_475, %parallel_loop3A_476, %parallel_loop3A_477] {strides = array<i32>} : memref<2x56x192xf32, #tpu.memory_space<vmem>>, vector<16xf32>,
          %parallel_loop3A_479 = arith.mulf %parallel_loop3A_478, %parallel_loop3A_333 : vector<16xf32>
          %parallel_loop3A_480 = arith.addf %parallel_loop3A_471, %parallel_loop3A_479 : vector<16xf32>
          %parallel_loop3A_481 = arith.constant 42 : i32
          %parallel_loop3A_482 = arith.addi %parallel_loop3A_481, %parallel_loop3A_321 : i32
          %parallel_loop3A_483 = arith.constant 1 : i32
          %parallel_loop3A_484 = arith.index_cast %parallel_loop3A_483 : i32 to index
          %parallel_loop3A_485 = arith.index_cast %parallel_loop3A_482 : i32 to index
          %parallel_loop3A_486 = arith.constant 48 : index
          %parallel_loop3A_487 = tpu.vector_load %arg11[%parallel_loop3A_484, %parallel_loop3A_485, %parallel_loop3A_486] {strides = array<i32>} : memref<2x56x192xf32, #tpu.memory_space<vmem>>, vector<16xf32>,
          %parallel_loop3A_488 = arith.mulf %parallel_loop3A_487, %parallel_loop3A_337 : vector<16xf32>
          %parallel_loop3A_489 = arith.addf %parallel_loop3A_480, %parallel_loop3A_488 : vector<16xf32>
          %parallel_loop3A_490 = arith.constant 48 : i32
          %parallel_loop3A_491 = arith.addi %parallel_loop3A_342, %parallel_loop3A_490 : i32
          %parallel_loop3A_492 = arith.index_cast %rem3A_46 : i32 to index
          %parallel_loop3A_493 = arith.index_cast %parallel_loop3A_491 : i32 to index
          %parallel_loop3A_494 = tpu.vector_load %arg12[%parallel_loop3A_492, %parallel_loop3A_493] {strides = array<i32>} : memref<2x37632xf32, #tpu.memory_space<vmem>>, vector<16xf32>,
          tpu.vector_store %arg12[%parallel_loop3A_492, %parallel_loop3A_493], %parallel_loop3A_489 {strides = array<i32>} : memref<2x37632xf32, #tpu.memory_space<vmem>>, vector<16xf32>,
          %parallel_loop3A_495 = arith.constant 1 : i32
          %parallel_loop3A_496 = arith.index_cast %parallel_loop3A_495 : i32 to index
          %parallel_loop3A_497 = arith.index_cast %parallel_loop3A_321 : i32 to index
          %parallel_loop3A_498 = arith.constant 64 : index
          %parallel_loop3A_499 = tpu.vector_load %arg11[%parallel_loop3A_496, %parallel_loop3A_497, %parallel_loop3A_498] {strides = array<i32>} : memref<2x56x192xf32, #tpu.memory_space<vmem>>, vector<16xf32>,
          %parallel_loop3A_500 = arith.mulf %parallel_loop3A_499, %parallel_loop3A_325 : vector<16xf32>
          %parallel_loop3A_501 = arith.constant 14 : i32
          %parallel_loop3A_502 = arith.addi %parallel_loop3A_501, %parallel_loop3A_321 : i32
          %parallel_loop3A_503 = arith.constant 1 : i32
          %parallel_loop3A_504 = arith.index_cast %parallel_loop3A_503 : i32 to index
          %parallel_loop3A_505 = arith.index_cast %parallel_loop3A_502 : i32 to index
          %parallel_loop3A_506 = arith.constant 64 : index
          %parallel_loop3A_507 = tpu.vector_load %arg11[%parallel_loop3A_504, %parallel_loop3A_505, %parallel_loop3A_506] {strides = array<i32>} : memref<2x56x192xf32, #tpu.memory_space<vmem>>, vector<16xf32>,
          %parallel_loop3A_508 = arith.mulf %parallel_loop3A_507, %parallel_loop3A_329 : vector<16xf32>
          %parallel_loop3A_509 = arith.addf %parallel_loop3A_500, %parallel_loop3A_508 : vector<16xf32>
          %parallel_loop3A_510 = arith.constant 28 : i32
          %parallel_loop3A_511 = arith.addi %parallel_loop3A_510, %parallel_loop3A_321 : i32
          %parallel_loop3A_512 = arith.constant 1 : i32
          %parallel_loop3A_513 = arith.index_cast %parallel_loop3A_512 : i32 to index
          %parallel_loop3A_514 = arith.index_cast %parallel_loop3A_511 : i32 to index
          %parallel_loop3A_515 = arith.constant 64 : index
          %parallel_loop3A_516 = tpu.vector_load %arg11[%parallel_loop3A_513, %parallel_loop3A_514, %parallel_loop3A_515] {strides = array<i32>} : memref<2x56x192xf32, #tpu.memory_space<vmem>>, vector<16xf32>,
          %parallel_loop3A_517 = arith.mulf %parallel_loop3A_516, %parallel_loop3A_333 : vector<16xf32>
          %parallel_loop3A_518 = arith.addf %parallel_loop3A_509, %parallel_loop3A_517 : vector<16xf32>
          %parallel_loop3A_519 = arith.constant 42 : i32
          %parallel_loop3A_520 = arith.addi %parallel_loop3A_519, %parallel_loop3A_321 : i32
          %parallel_loop3A_521 = arith.constant 1 : i32
          %parallel_loop3A_522 = arith.index_cast %parallel_loop3A_521 : i32 to index
          %parallel_loop3A_523 = arith.index_cast %parallel_loop3A_520 : i32 to index
          %parallel_loop3A_524 = arith.constant 64 : index
          %parallel_loop3A_525 = tpu.vector_load %arg11[%parallel_loop3A_522, %parallel_loop3A_523, %parallel_loop3A_524] {strides = array<i32>} : memref<2x56x192xf32, #tpu.memory_space<vmem>>, vector<16xf32>,
          %parallel_loop3A_526 = arith.mulf %parallel_loop3A_525, %parallel_loop3A_337 : vector<16xf32>
          %parallel_loop3A_527 = arith.addf %parallel_loop3A_518, %parallel_loop3A_526 : vector<16xf32>
          %parallel_loop3A_528 = arith.constant 64 : i32
          %parallel_loop3A_529 = arith.addi %parallel_loop3A_342, %parallel_loop3A_528 : i32
          %parallel_loop3A_530 = arith.index_cast %rem3A_46 : i32 to index
          %parallel_loop3A_531 = arith.index_cast %parallel_loop3A_529 : i32 to index
          %parallel_loop3A_532 = tpu.vector_load %arg12[%parallel_loop3A_530, %parallel_loop3A_531] {strides = array<i32>} : memref<2x37632xf32, #tpu.memory_space<vmem>>, vector<16xf32>,
          tpu.vector_store %arg12[%parallel_loop3A_530, %parallel_loop3A_531], %parallel_loop3A_527 {strides = array<i32>} : memref<2x37632xf32, #tpu.memory_space<vmem>>, vector<16xf32>,
          %parallel_loop3A_533 = arith.constant 1 : i32
          %parallel_loop3A_534 = arith.index_cast %parallel_loop3A_533 : i32 to index
          %parallel_loop3A_535 = arith.index_cast %parallel_loop3A_321 : i32 to index
          %parallel_loop3A_536 = arith.constant 80 : index
          %parallel_loop3A_537 = tpu.vector_load %arg11[%parallel_loop3A_534, %parallel_loop3A_535, %parallel_loop3A_536] {strides = array<i32>} : memref<2x56x192xf32, #tpu.memory_space<vmem>>, vector<16xf32>,
          %parallel_loop3A_538 = arith.mulf %parallel_loop3A_537, %parallel_loop3A_325 : vector<16xf32>
          %parallel_loop3A_539 = arith.constant 14 : i32
          %parallel_loop3A_540 = arith.addi %parallel_loop3A_539, %parallel_loop3A_321 : i32
          %parallel_loop3A_541 = arith.constant 1 : i32
          %parallel_loop3A_542 = arith.index_cast %parallel_loop3A_541 : i32 to index
          %parallel_loop3A_543 = arith.index_cast %parallel_loop3A_540 : i32 to index
          %parallel_loop3A_544 = arith.constant 80 : index
          %parallel_loop3A_545 = tpu.vector_load %arg11[%parallel_loop3A_542, %parallel_loop3A_543, %parallel_loop3A_544] {strides = array<i32>} : memref<2x56x192xf32, #tpu.memory_space<vmem>>, vector<16xf32>,
          %parallel_loop3A_546 = arith.mulf %parallel_loop3A_545, %parallel_loop3A_329 : vector<16xf32>
          %parallel_loop3A_547 = arith.addf %parallel_loop3A_538, %parallel_loop3A_546 : vector<16xf32>
          %parallel_loop3A_548 = arith.constant 28 : i32
          %parallel_loop3A_549 = arith.addi %parallel_loop3A_548, %parallel_loop3A_321 : i32
          %parallel_loop3A_550 = arith.constant 1 : i32
          %parallel_loop3A_551 = arith.index_cast %parallel_loop3A_550 : i32 to index
          %parallel_loop3A_552 = arith.index_cast %parallel_loop3A_549 : i32 to index
          %parallel_loop3A_553 = arith.constant 80 : index
          %parallel_loop3A_554 = tpu.vector_load %arg11[%parallel_loop3A_551, %parallel_loop3A_552, %parallel_loop3A_553] {strides = array<i32>} : memref<2x56x192xf32, #tpu.memory_space<vmem>>, vector<16xf32>,
          %parallel_loop3A_555 = arith.mulf %parallel_loop3A_554, %parallel_loop3A_333 : vector<16xf32>
          %parallel_loop3A_556 = arith.addf %parallel_loop3A_547, %parallel_loop3A_555 : vector<16xf32>
          %parallel_loop3A_557 = arith.constant 42 : i32
          %parallel_loop3A_558 = arith.addi %parallel_loop3A_557, %parallel_loop3A_321 : i32
          %parallel_loop3A_559 = arith.constant 1 : i32
          %parallel_loop3A_560 = arith.index_cast %parallel_loop3A_559 : i32 to index
          %parallel_loop3A_561 = arith.index_cast %parallel_loop3A_558 : i32 to index
          %parallel_loop3A_562 = arith.constant 80 : index
          %parallel_loop3A_563 = tpu.vector_load %arg11[%parallel_loop3A_560, %parallel_loop3A_561, %parallel_loop3A_562] {strides = array<i32>} : memref<2x56x192xf32, #tpu.memory_space<vmem>>, vector<16xf32>,
          %parallel_loop3A_564 = arith.mulf %parallel_loop3A_563, %parallel_loop3A_337 : vector<16xf32>
          %parallel_loop3A_565 = arith.addf %parallel_loop3A_556, %parallel_loop3A_564 : vector<16xf32>
          %parallel_loop3A_566 = arith.constant 80 : i32
          %parallel_loop3A_567 = arith.addi %parallel_loop3A_342, %parallel_loop3A_566 : i32
          %parallel_loop3A_568 = arith.index_cast %rem3A_46 : i32 to index
          %parallel_loop3A_569 = arith.index_cast %parallel_loop3A_567 : i32 to index
          %parallel_loop3A_570 = tpu.vector_load %arg12[%parallel_loop3A_568, %parallel_loop3A_569] {strides = array<i32>} : memref<2x37632xf32, #tpu.memory_space<vmem>>, vector<16xf32>,
          tpu.vector_store %arg12[%parallel_loop3A_568, %parallel_loop3A_569], %parallel_loop3A_565 {strides = array<i32>} : memref<2x37632xf32, #tpu.memory_space<vmem>>, vector<16xf32>,
          %parallel_loop3A_571 = arith.constant 1 : i32
          %parallel_loop3A_572 = arith.index_cast %parallel_loop3A_571 : i32 to index
          %parallel_loop3A_573 = arith.index_cast %parallel_loop3A_321 : i32 to index
          %parallel_loop3A_574 = arith.constant 96 : index
          %parallel_loop3A_575 = tpu.vector_load %arg11[%parallel_loop3A_572, %parallel_loop3A_573, %parallel_loop3A_574] {strides = array<i32>} : memref<2x56x192xf32, #tpu.memory_space<vmem>>, vector<16xf32>,
          %parallel_loop3A_576 = arith.mulf %parallel_loop3A_575, %parallel_loop3A_325 : vector<16xf32>
          %parallel_loop3A_577 = arith.constant 14 : i32
          %parallel_loop3A_578 = arith.addi %parallel_loop3A_577, %parallel_loop3A_321 : i32
          %parallel_loop3A_579 = arith.constant 1 : i32
          %parallel_loop3A_580 = arith.index_cast %parallel_loop3A_579 : i32 to index
          %parallel_loop3A_581 = arith.index_cast %parallel_loop3A_578 : i32 to index
          %parallel_loop3A_582 = arith.constant 96 : index
          %parallel_loop3A_583 = tpu.vector_load %arg11[%parallel_loop3A_580, %parallel_loop3A_581, %parallel_loop3A_582] {strides = array<i32>} : memref<2x56x192xf32, #tpu.memory_space<vmem>>, vector<16xf32>,
          %parallel_loop3A_584 = arith.mulf %parallel_loop3A_583, %parallel_loop3A_329 : vector<16xf32>
          %parallel_loop3A_585 = arith.addf %parallel_loop3A_576, %parallel_loop3A_584 : vector<16xf32>
          %parallel_loop3A_586 = arith.constant 28 : i32
          %parallel_loop3A_587 = arith.addi %parallel_loop3A_586, %parallel_loop3A_321 : i32
          %parallel_loop3A_588 = arith.constant 1 : i32
          %parallel_loop3A_589 = arith.index_cast %parallel_loop3A_588 : i32 to index
          %parallel_loop3A_590 = arith.index_cast %parallel_loop3A_587 : i32 to index
          %parallel_loop3A_591 = arith.constant 96 : index
          %parallel_loop3A_592 = tpu.vector_load %arg11[%parallel_loop3A_589, %parallel_loop3A_590, %parallel_loop3A_591] {strides = array<i32>} : memref<2x56x192xf32, #tpu.memory_space<vmem>>, vector<16xf32>,
          %parallel_loop3A_593 = arith.mulf %parallel_loop3A_592, %parallel_loop3A_333 : vector<16xf32>
          %parallel_loop3A_594 = arith.addf %parallel_loop3A_585, %parallel_loop3A_593 : vector<16xf32>
          %parallel_loop3A_595 = arith.constant 42 : i32
          %parallel_loop3A_596 = arith.addi %parallel_loop3A_595, %parallel_loop3A_321 : i32
          %parallel_loop3A_597 = arith.constant 1 : i32
          %parallel_loop3A_598 = arith.index_cast %parallel_loop3A_597 : i32 to index
          %parallel_loop3A_599 = arith.index_cast %parallel_loop3A_596 : i32 to index
          %parallel_loop3A_600 = arith.constant 96 : index
          %parallel_loop3A_601 = tpu.vector_load %arg11[%parallel_loop3A_598, %parallel_loop3A_599, %parallel_loop3A_600] {strides = array<i32>} : memref<2x56x192xf32, #tpu.memory_space<vmem>>, vector<16xf32>,
          %parallel_loop3A_602 = arith.mulf %parallel_loop3A_601, %parallel_loop3A_337 : vector<16xf32>
          %parallel_loop3A_603 = arith.addf %parallel_loop3A_594, %parallel_loop3A_602 : vector<16xf32>
          %parallel_loop3A_604 = arith.constant 96 : i32
          %parallel_loop3A_605 = arith.addi %parallel_loop3A_342, %parallel_loop3A_604 : i32
          %parallel_loop3A_606 = arith.index_cast %rem3A_46 : i32 to index
          %parallel_loop3A_607 = arith.index_cast %parallel_loop3A_605 : i32 to index
          %parallel_loop3A_608 = tpu.vector_load %arg12[%parallel_loop3A_606, %parallel_loop3A_607] {strides = array<i32>} : memref<2x37632xf32, #tpu.memory_space<vmem>>, vector<16xf32>,
          tpu.vector_store %arg12[%parallel_loop3A_606, %parallel_loop3A_607], %parallel_loop3A_603 {strides = array<i32>} : memref<2x37632xf32, #tpu.memory_space<vmem>>, vector<16xf32>,
          %parallel_loop3A_609 = arith.constant 1 : i32
          %parallel_loop3A_610 = arith.index_cast %parallel_loop3A_609 : i32 to index
          %parallel_loop3A_611 = arith.index_cast %parallel_loop3A_321 : i32 to index
          %parallel_loop3A_612 = arith.constant 112 : index
          %parallel_loop3A_613 = tpu.vector_load %arg11[%parallel_loop3A_610, %parallel_loop3A_611, %parallel_loop3A_612] {strides = array<i32>} : memref<2x56x192xf32, #tpu.memory_space<vmem>>, vector<16xf32>,
          %parallel_loop3A_614 = arith.mulf %parallel_loop3A_613, %parallel_loop3A_325 : vector<16xf32>
          %parallel_loop3A_615 = arith.constant 14 : i32
          %parallel_loop3A_616 = arith.addi %parallel_loop3A_615, %parallel_loop3A_321 : i32
          %parallel_loop3A_617 = arith.constant 1 : i32
          %parallel_loop3A_618 = arith.index_cast %parallel_loop3A_617 : i32 to index
          %parallel_loop3A_619 = arith.index_cast %parallel_loop3A_616 : i32 to index
          %parallel_loop3A_620 = arith.constant 112 : index
          %parallel_loop3A_621 = tpu.vector_load %arg11[%parallel_loop3A_618, %parallel_loop3A_619, %parallel_loop3A_620] {strides = array<i32>} : memref<2x56x192xf32, #tpu.memory_space<vmem>>, vector<16xf32>,
          %parallel_loop3A_622 = arith.mulf %parallel_loop3A_621, %parallel_loop3A_329 : vector<16xf32>
          %parallel_loop3A_623 = arith.addf %parallel_loop3A_614, %parallel_loop3A_622 : vector<16xf32>
          %parallel_loop3A_624 = arith.constant 28 : i32
          %parallel_loop3A_625 = arith.addi %parallel_loop3A_624, %parallel_loop3A_321 : i32
          %parallel_loop3A_626 = arith.constant 1 : i32
          %parallel_loop3A_627 = arith.index_cast %parallel_loop3A_626 : i32 to index
          %parallel_loop3A_628 = arith.index_cast %parallel_loop3A_625 : i32 to index
          %parallel_loop3A_629 = arith.constant 112 : index
          %parallel_loop3A_630 = tpu.vector_load %arg11[%parallel_loop3A_627, %parallel_loop3A_628, %parallel_loop3A_629] {strides = array<i32>} : memref<2x56x192xf32, #tpu.memory_space<vmem>>, vector<16xf32>,
          %parallel_loop3A_631 = arith.mulf %parallel_loop3A_630, %parallel_loop3A_333 : vector<16xf32>
          %parallel_loop3A_632 = arith.addf %parallel_loop3A_623, %parallel_loop3A_631 : vector<16xf32>
          %parallel_loop3A_633 = arith.constant 42 : i32
          %parallel_loop3A_634 = arith.addi %parallel_loop3A_633, %parallel_loop3A_321 : i32
          %parallel_loop3A_635 = arith.constant 1 : i32
          %parallel_loop3A_636 = arith.index_cast %parallel_loop3A_635 : i32 to index
          %parallel_loop3A_637 = arith.index_cast %parallel_loop3A_634 : i32 to index
          %parallel_loop3A_638 = arith.constant 112 : index
          %parallel_loop3A_639 = tpu.vector_load %arg11[%parallel_loop3A_636, %parallel_loop3A_637, %parallel_loop3A_638] {strides = array<i32>} : memref<2x56x192xf32, #tpu.memory_space<vmem>>, vector<16xf32>,
          %parallel_loop3A_640 = arith.mulf %parallel_loop3A_639, %parallel_loop3A_337 : vector<16xf32>
          %parallel_loop3A_641 = arith.addf %parallel_loop3A_632, %parallel_loop3A_640 : vector<16xf32>
          %parallel_loop3A_642 = arith.constant 112 : i32
          %parallel_loop3A_643 = arith.addi %parallel_loop3A_342, %parallel_loop3A_642 : i32
          %parallel_loop3A_644 = arith.index_cast %rem3A_46 : i32 to index
          %parallel_loop3A_645 = arith.index_cast %parallel_loop3A_643 : i32 to index
          %parallel_loop3A_646 = tpu.vector_load %arg12[%parallel_loop3A_644, %parallel_loop3A_645] {strides = array<i32>} : memref<2x37632xf32, #tpu.memory_space<vmem>>, vector<16xf32>,
          tpu.vector_store %arg12[%parallel_loop3A_644, %parallel_loop3A_645], %parallel_loop3A_641 {strides = array<i32>} : memref<2x37632xf32, #tpu.memory_space<vmem>>, vector<16xf32>,
          %parallel_loop3A_647 = arith.constant 1 : i32
          %parallel_loop3A_648 = arith.index_cast %parallel_loop3A_647 : i32 to index
          %parallel_loop3A_649 = arith.index_cast %parallel_loop3A_321 : i32 to index
          %parallel_loop3A_650 = arith.constant 128 : index
          %parallel_loop3A_651 = tpu.vector_load %arg11[%parallel_loop3A_648, %parallel_loop3A_649, %parallel_loop3A_650] {strides = array<i32>} : memref<2x56x192xf32, #tpu.memory_space<vmem>>, vector<16xf32>,
          %parallel_loop3A_652 = arith.mulf %parallel_loop3A_651, %parallel_loop3A_325 : vector<16xf32>
          %parallel_loop3A_653 = arith.constant 14 : i32
          %parallel_loop3A_654 = arith.addi %parallel_loop3A_653, %parallel_loop3A_321 : i32
          %parallel_loop3A_655 = arith.constant 1 : i32
          %parallel_loop3A_656 = arith.index_cast %parallel_loop3A_655 : i32 to index
          %parallel_loop3A_657 = arith.index_cast %parallel_loop3A_654 : i32 to index
          %parallel_loop3A_658 = arith.constant 128 : index
          %parallel_loop3A_659 = tpu.vector_load %arg11[%parallel_loop3A_656, %parallel_loop3A_657, %parallel_loop3A_658] {strides = array<i32>} : memref<2x56x192xf32, #tpu.memory_space<vmem>>, vector<16xf32>,
          %parallel_loop3A_660 = arith.mulf %parallel_loop3A_659, %parallel_loop3A_329 : vector<16xf32>
          %parallel_loop3A_661 = arith.addf %parallel_loop3A_652, %parallel_loop3A_660 : vector<16xf32>
          %parallel_loop3A_662 = arith.constant 28 : i32
          %parallel_loop3A_663 = arith.addi %parallel_loop3A_662, %parallel_loop3A_321 : i32
          %parallel_loop3A_664 = arith.constant 1 : i32
          %parallel_loop3A_665 = arith.index_cast %parallel_loop3A_664 : i32 to index
          %parallel_loop3A_666 = arith.index_cast %parallel_loop3A_663 : i32 to index
          %parallel_loop3A_667 = arith.constant 128 : index
          %parallel_loop3A_668 = tpu.vector_load %arg11[%parallel_loop3A_665, %parallel_loop3A_666, %parallel_loop3A_667] {strides = array<i32>} : memref<2x56x192xf32, #tpu.memory_space<vmem>>, vector<16xf32>,
          %parallel_loop3A_669 = arith.mulf %parallel_loop3A_668, %parallel_loop3A_333 : vector<16xf32>
          %parallel_loop3A_670 = arith.addf %parallel_loop3A_661, %parallel_loop3A_669 : vector<16xf32>
          %parallel_loop3A_671 = arith.constant 42 : i32
          %parallel_loop3A_672 = arith.addi %parallel_loop3A_671, %parallel_loop3A_321 : i32
          %parallel_loop3A_673 = arith.constant 1 : i32
          %parallel_loop3A_674 = arith.index_cast %parallel_loop3A_673 : i32 to index
          %parallel_loop3A_675 = arith.index_cast %parallel_loop3A_672 : i32 to index
          %parallel_loop3A_676 = arith.constant 128 : index
          %parallel_loop3A_677 = tpu.vector_load %arg11[%parallel_loop3A_674, %parallel_loop3A_675, %parallel_loop3A_676] {strides = array<i32>} : memref<2x56x192xf32, #tpu.memory_space<vmem>>, vector<16xf32>,
          %parallel_loop3A_678 = arith.mulf %parallel_loop3A_677, %parallel_loop3A_337 : vector<16xf32>
          %parallel_loop3A_679 = arith.addf %parallel_loop3A_670, %parallel_loop3A_678 : vector<16xf32>
          %parallel_loop3A_680 = arith.constant 128 : i32
          %parallel_loop3A_681 = arith.addi %parallel_loop3A_342, %parallel_loop3A_680 : i32
          %parallel_loop3A_682 = arith.index_cast %rem3A_46 : i32 to index
          %parallel_loop3A_683 = arith.index_cast %parallel_loop3A_681 : i32 to index
          %parallel_loop3A_684 = tpu.vector_load %arg12[%parallel_loop3A_682, %parallel_loop3A_683] {strides = array<i32>} : memref<2x37632xf32, #tpu.memory_space<vmem>>, vector<16xf32>,
          tpu.vector_store %arg12[%parallel_loop3A_682, %parallel_loop3A_683], %parallel_loop3A_679 {strides = array<i32>} : memref<2x37632xf32, #tpu.memory_space<vmem>>, vector<16xf32>,
          %parallel_loop3A_685 = arith.constant 1 : i32
          %parallel_loop3A_686 = arith.index_cast %parallel_loop3A_685 : i32 to index
          %parallel_loop3A_687 = arith.index_cast %parallel_loop3A_321 : i32 to index
          %parallel_loop3A_688 = arith.constant 144 : index
          %parallel_loop3A_689 = tpu.vector_load %arg11[%parallel_loop3A_686, %parallel_loop3A_687, %parallel_loop3A_688] {strides = array<i32>} : memref<2x56x192xf32, #tpu.memory_space<vmem>>, vector<16xf32>,
          %parallel_loop3A_690 = arith.mulf %parallel_loop3A_689, %parallel_loop3A_325 : vector<16xf32>
          %parallel_loop3A_691 = arith.constant 14 : i32
          %parallel_loop3A_692 = arith.addi %parallel_loop3A_691, %parallel_loop3A_321 : i32
          %parallel_loop3A_693 = arith.constant 1 : i32
          %parallel_loop3A_694 = arith.index_cast %parallel_loop3A_693 : i32 to index
          %parallel_loop3A_695 = arith.index_cast %parallel_loop3A_692 : i32 to index
          %parallel_loop3A_696 = arith.constant 144 : index
          %parallel_loop3A_697 = tpu.vector_load %arg11[%parallel_loop3A_694, %parallel_loop3A_695, %parallel_loop3A_696] {strides = array<i32>} : memref<2x56x192xf32, #tpu.memory_space<vmem>>, vector<16xf32>,
          %parallel_loop3A_698 = arith.mulf %parallel_loop3A_697, %parallel_loop3A_329 : vector<16xf32>
          %parallel_loop3A_699 = arith.addf %parallel_loop3A_690, %parallel_loop3A_698 : vector<16xf32>
          %parallel_loop3A_700 = arith.constant 28 : i32
          %parallel_loop3A_701 = arith.addi %parallel_loop3A_700, %parallel_loop3A_321 : i32
          %parallel_loop3A_702 = arith.constant 1 : i32
          %parallel_loop3A_703 = arith.index_cast %parallel_loop3A_702 : i32 to index
          %parallel_loop3A_704 = arith.index_cast %parallel_loop3A_701 : i32 to index
          %parallel_loop3A_705 = arith.constant 144 : index
          %parallel_loop3A_706 = tpu.vector_load %arg11[%parallel_loop3A_703, %parallel_loop3A_704, %parallel_loop3A_705] {strides = array<i32>} : memref<2x56x192xf32, #tpu.memory_space<vmem>>, vector<16xf32>,
          %parallel_loop3A_707 = arith.mulf %parallel_loop3A_706, %parallel_loop3A_333 : vector<16xf32>
          %parallel_loop3A_708 = arith.addf %parallel_loop3A_699, %parallel_loop3A_707 : vector<16xf32>
          %parallel_loop3A_709 = arith.constant 42 : i32
          %parallel_loop3A_710 = arith.addi %parallel_loop3A_709, %parallel_loop3A_321 : i32
          %parallel_loop3A_711 = arith.constant 1 : i32
          %parallel_loop3A_712 = arith.index_cast %parallel_loop3A_711 : i32 to index
          %parallel_loop3A_713 = arith.index_cast %parallel_loop3A_710 : i32 to index
          %parallel_loop3A_714 = arith.constant 144 : index
          %parallel_loop3A_715 = tpu.vector_load %arg11[%parallel_loop3A_712, %parallel_loop3A_713, %parallel_loop3A_714] {strides = array<i32>} : memref<2x56x192xf32, #tpu.memory_space<vmem>>, vector<16xf32>,
          %parallel_loop3A_716 = arith.mulf %parallel_loop3A_715, %parallel_loop3A_337 : vector<16xf32>
          %parallel_loop3A_717 = arith.addf %parallel_loop3A_708, %parallel_loop3A_716 : vector<16xf32>
          %parallel_loop3A_718 = arith.constant 144 : i32
          %parallel_loop3A_719 = arith.addi %parallel_loop3A_342, %parallel_loop3A_718 : i32
          %parallel_loop3A_720 = arith.index_cast %rem3A_46 : i32 to index
          %parallel_loop3A_721 = arith.index_cast %parallel_loop3A_719 : i32 to index
          %parallel_loop3A_722 = tpu.vector_load %arg12[%parallel_loop3A_720, %parallel_loop3A_721] {strides = array<i32>} : memref<2x37632xf32, #tpu.memory_space<vmem>>, vector<16xf32>,
          tpu.vector_store %arg12[%parallel_loop3A_720, %parallel_loop3A_721], %parallel_loop3A_717 {strides = array<i32>} : memref<2x37632xf32, #tpu.memory_space<vmem>>, vector<16xf32>,
          %parallel_loop3A_723 = arith.constant 1 : i32
          %parallel_loop3A_724 = arith.index_cast %parallel_loop3A_723 : i32 to index
          %parallel_loop3A_725 = arith.index_cast %parallel_loop3A_321 : i32 to index
          %parallel_loop3A_726 = arith.constant 160 : index
          %parallel_loop3A_727 = tpu.vector_load %arg11[%parallel_loop3A_724, %parallel_loop3A_725, %parallel_loop3A_726] {strides = array<i32>} : memref<2x56x192xf32, #tpu.memory_space<vmem>>, vector<16xf32>,
          %parallel_loop3A_728 = arith.mulf %parallel_loop3A_727, %parallel_loop3A_325 : vector<16xf32>
          %parallel_loop3A_729 = arith.constant 14 : i32
          %parallel_loop3A_730 = arith.addi %parallel_loop3A_729, %parallel_loop3A_321 : i32
          %parallel_loop3A_731 = arith.constant 1 : i32
          %parallel_loop3A_732 = arith.index_cast %parallel_loop3A_731 : i32 to index
          %parallel_loop3A_733 = arith.index_cast %parallel_loop3A_730 : i32 to index
          %parallel_loop3A_734 = arith.constant 160 : index
          %parallel_loop3A_735 = tpu.vector_load %arg11[%parallel_loop3A_732, %parallel_loop3A_733, %parallel_loop3A_734] {strides = array<i32>} : memref<2x56x192xf32, #tpu.memory_space<vmem>>, vector<16xf32>,
          %parallel_loop3A_736 = arith.mulf %parallel_loop3A_735, %parallel_loop3A_329 : vector<16xf32>
          %parallel_loop3A_737 = arith.addf %parallel_loop3A_728, %parallel_loop3A_736 : vector<16xf32>
          %parallel_loop3A_738 = arith.constant 28 : i32
          %parallel_loop3A_739 = arith.addi %parallel_loop3A_738, %parallel_loop3A_321 : i32
          %parallel_loop3A_740 = arith.constant 1 : i32
          %parallel_loop3A_741 = arith.index_cast %parallel_loop3A_740 : i32 to index
          %parallel_loop3A_742 = arith.index_cast %parallel_loop3A_739 : i32 to index
          %parallel_loop3A_743 = arith.constant 160 : index
          %parallel_loop3A_744 = tpu.vector_load %arg11[%parallel_loop3A_741, %parallel_loop3A_742, %parallel_loop3A_743] {strides = array<i32>} : memref<2x56x192xf32, #tpu.memory_space<vmem>>, vector<16xf32>,
          %parallel_loop3A_745 = arith.mulf %parallel_loop3A_744, %parallel_loop3A_333 : vector<16xf32>
          %parallel_loop3A_746 = arith.addf %parallel_loop3A_737, %parallel_loop3A_745 : vector<16xf32>
          %parallel_loop3A_747 = arith.constant 42 : i32
          %parallel_loop3A_748 = arith.addi %parallel_loop3A_747, %parallel_loop3A_321 : i32
          %parallel_loop3A_749 = arith.constant 1 : i32
          %parallel_loop3A_750 = arith.index_cast %parallel_loop3A_749 : i32 to index
          %parallel_loop3A_751 = arith.index_cast %parallel_loop3A_748 : i32 to index
          %parallel_loop3A_752 = arith.constant 160 : index
          %parallel_loop3A_753 = tpu.vector_load %arg11[%parallel_loop3A_750, %parallel_loop3A_751, %parallel_loop3A_752] {strides = array<i32>} : memref<2x56x192xf32, #tpu.memory_space<vmem>>, vector<16xf32>,
          %parallel_loop3A_754 = arith.mulf %parallel_loop3A_753, %parallel_loop3A_337 : vector<16xf32>
          %parallel_loop3A_755 = arith.addf %parallel_loop3A_746, %parallel_loop3A_754 : vector<16xf32>
          %parallel_loop3A_756 = arith.constant 160 : i32
          %parallel_loop3A_757 = arith.addi %parallel_loop3A_342, %parallel_loop3A_756 : i32
          %parallel_loop3A_758 = arith.index_cast %rem3A_46 : i32 to index
          %parallel_loop3A_759 = arith.index_cast %parallel_loop3A_757 : i32 to index
          %parallel_loop3A_760 = tpu.vector_load %arg12[%parallel_loop3A_758, %parallel_loop3A_759] {strides = array<i32>} : memref<2x37632xf32, #tpu.memory_space<vmem>>, vector<16xf32>,
          tpu.vector_store %arg12[%parallel_loop3A_758, %parallel_loop3A_759], %parallel_loop3A_755 {strides = array<i32>} : memref<2x37632xf32, #tpu.memory_space<vmem>>, vector<16xf32>,
          %parallel_loop3A_761 = arith.constant 1 : i32
          %parallel_loop3A_762 = arith.index_cast %parallel_loop3A_761 : i32 to index
          %parallel_loop3A_763 = arith.index_cast %parallel_loop3A_321 : i32 to index
          %parallel_loop3A_764 = arith.constant 176 : index
          %parallel_loop3A_765 = tpu.vector_load %arg11[%parallel_loop3A_762, %parallel_loop3A_763, %parallel_loop3A_764] {strides = array<i32>} : memref<2x56x192xf32, #tpu.memory_space<vmem>>, vector<16xf32>,
          %parallel_loop3A_766 = arith.mulf %parallel_loop3A_765, %parallel_loop3A_325 : vector<16xf32>
          %parallel_loop3A_767 = arith.constant 14 : i32
          %parallel_loop3A_768 = arith.addi %parallel_loop3A_767, %parallel_loop3A_321 : i32
          %parallel_loop3A_769 = arith.constant 1 : i32
          %parallel_loop3A_770 = arith.index_cast %parallel_loop3A_769 : i32 to index
          %parallel_loop3A_771 = arith.index_cast %parallel_loop3A_768 : i32 to index
          %parallel_loop3A_772 = arith.constant 176 : index
          %parallel_loop3A_773 = tpu.vector_load %arg11[%parallel_loop3A_770, %parallel_loop3A_771, %parallel_loop3A_772] {strides = array<i32>} : memref<2x56x192xf32, #tpu.memory_space<vmem>>, vector<16xf32>,
          %parallel_loop3A_774 = arith.mulf %parallel_loop3A_773, %parallel_loop3A_329 : vector<16xf32>
          %parallel_loop3A_775 = arith.addf %parallel_loop3A_766, %parallel_loop3A_774 : vector<16xf32>
          %parallel_loop3A_776 = arith.constant 28 : i32
          %parallel_loop3A_777 = arith.addi %parallel_loop3A_776, %parallel_loop3A_321 : i32
          %parallel_loop3A_778 = arith.constant 1 : i32
          %parallel_loop3A_779 = arith.index_cast %parallel_loop3A_778 : i32 to index
          %parallel_loop3A_780 = arith.index_cast %parallel_loop3A_777 : i32 to index
          %parallel_loop3A_781 = arith.constant 176 : index
          %parallel_loop3A_782 = tpu.vector_load %arg11[%parallel_loop3A_779, %parallel_loop3A_780, %parallel_loop3A_781] {strides = array<i32>} : memref<2x56x192xf32, #tpu.memory_space<vmem>>, vector<16xf32>,
          %parallel_loop3A_783 = arith.mulf %parallel_loop3A_782, %parallel_loop3A_333 : vector<16xf32>
          %parallel_loop3A_784 = arith.addf %parallel_loop3A_775, %parallel_loop3A_783 : vector<16xf32>
          %parallel_loop3A_785 = arith.constant 42 : i32
          %parallel_loop3A_786 = arith.addi %parallel_loop3A_785, %parallel_loop3A_321 : i32
          %parallel_loop3A_787 = arith.constant 1 : i32
          %parallel_loop3A_788 = arith.index_cast %parallel_loop3A_787 : i32 to index
          %parallel_loop3A_789 = arith.index_cast %parallel_loop3A_786 : i32 to index
          %parallel_loop3A_790 = arith.constant 176 : index
          %parallel_loop3A_791 = tpu.vector_load %arg11[%parallel_loop3A_788, %parallel_loop3A_789, %parallel_loop3A_790] {strides = array<i32>} : memref<2x56x192xf32, #tpu.memory_space<vmem>>, vector<16xf32>,
          %parallel_loop3A_792 = arith.mulf %parallel_loop3A_791, %parallel_loop3A_337 : vector<16xf32>
          %parallel_loop3A_793 = arith.addf %parallel_loop3A_784, %parallel_loop3A_792 : vector<16xf32>
          %parallel_loop3A_794 = arith.constant 176 : i32
          %parallel_loop3A_795 = arith.addi %parallel_loop3A_342, %parallel_loop3A_794 : i32
          %parallel_loop3A_796 = arith.index_cast %rem3A_46 : i32 to index
          %parallel_loop3A_797 = arith.index_cast %parallel_loop3A_795 : i32 to index
          %parallel_loop3A_798 = tpu.vector_load %arg12[%parallel_loop3A_796, %parallel_loop3A_797] {strides = array<i32>} : memref<2x37632xf32, #tpu.memory_space<vmem>>, vector<16xf32>,
          tpu.vector_store %arg12[%parallel_loop3A_796, %parallel_loop3A_797], %parallel_loop3A_793 {strides = array<i32>} : memref<2x37632xf32, #tpu.memory_space<vmem>>, vector<16xf32>,
        } {sc.loop_unroll_factor = 2 : i64, sc.parallel_access}
        %scan3A_320 = arith.constant 0 : i32
        scf.yield %scan3A_320 : i32
      }
      %scan3A_169 = arith.constant 7 : i32
      %dma_start3A = arith.constant 0 : i32
      %dma_start3A_170 = tpu.memref_slice %arg12[%rem3A_46, %dma_start3A] : memref<2x37632xf32, #tpu.memory_space<vmem>> -> memref<1x37632xf32, #tpu.memory_space<vmem>>
      %dma_start3A_171 = tpu.memref_squeeze %dma_start3A_170 : memref<1x37632xf32, #tpu.memory_space<vmem>> -> memref<37632xf32, #tpu.memory_space<vmem>>
      %dma_start3A_172 = arith.constant 0 : i32
      %dma_start3A_173 = tpu.memref_slice %arg5[%add3A_45, %dma_start3A_172] : memref<1000x37632xf32, #tpu.memory_space<hbm>> -> memref<1x37632xf32, #tpu.memory_space<hbm>>
      %dma_start3A_174 = tpu.memref_squeeze %dma_start3A_173 : memref<1x37632xf32, #tpu.memory_space<hbm>> -> memref<37632xf32, #tpu.memory_space<hbm>>
      %dma_start3A_175 = arith.constant 0 : i32
      %dma_start3A_176 = tpu.memref_slice %arg5[%add3A_45, %dma_start3A_175] : memref<1000x37632xf32, #tpu.memory_space<hbm>> -> memref<1x37632xf32, #tpu.memory_space<hbm>>
      %dma_start3A_177 = tpu.memref_squeeze %dma_start3A_176 : memref<1x37632xf32, #tpu.memory_space<hbm>> -> memref<37632xf32, #tpu.memory_space<hbm>>
      %dma_start3A_178 = arith.constant 0 : i32
      %dma_start3A_179 = tpu.memref_slice %arg12[%rem3A_46, %dma_start3A_178] : memref<2x37632xf32, #tpu.memory_space<vmem>> -> memref<1x37632xf32, #tpu.memory_space<vmem>>
      %dma_start3A_180 = tpu.memref_squeeze %dma_start3A_179 : memref<1x37632xf32, #tpu.memory_space<vmem>> -> memref<37632xf32, #tpu.memory_space<vmem>>
      tpu.enqueue_dma source(%dma_start3A_180 : memref<37632xf32, #tpu.memory_space<vmem>>) target(%dma_start3A_177 : memref<37632xf32, #tpu.memory_space<hbm>>) target_semaphore(%arg15 : memref<!tpu.dma_semaphore, #tpu.memory_space<semaphore_mem>>)
      %while3A_181 = arith.constant 0 : i32
      scf.yield %while3A_181 : i32
    }
    %dma_wait3A = arith.constant 0 : i32
    %dma_wait3A_14 = arith.constant 0 : i32
    %dma_wait3A_15 = arith.constant 0 : i32
    %dma_wait3A_16 = tpu.memref_slice %arg12[%dma_wait3A, %dma_wait3A_15] : memref<2x37632xf32, #tpu.memory_space<vmem>> -> memref<1x37632xf32, #tpu.memory_space<vmem>>
    %dma_wait3A_17 = tpu.memref_squeeze %dma_wait3A_16 : memref<1x37632xf32, #tpu.memory_space<vmem>> -> memref<37632xf32, #tpu.memory_space<vmem>>
    %dma_wait3A_18 = arith.constant 0 : i32
    %dma_wait3A_19 = tpu.memref_slice %arg5[%dma_wait3A_14, %dma_wait3A_18] : memref<1000x37632xf32, #tpu.memory_space<hbm>> -> memref<1x37632xf32, #tpu.memory_space<hbm>>
    %dma_wait3A_20 = tpu.memref_squeeze %dma_wait3A_19 : memref<1x37632xf32, #tpu.memory_space<hbm>> -> memref<37632xf32, #tpu.memory_space<hbm>>
    %dma_wait3A_21 = arith.constant 0 : i32
    %dma_wait3A_22 = tpu.memref_slice %arg5[%dma_wait3A_14, %dma_wait3A_21] : memref<1000x37632xf32, #tpu.memory_space<hbm>> -> memref<1x37632xf32, #tpu.memory_space<hbm>>
    %dma_wait3A_23 = tpu.memref_squeeze %dma_wait3A_22 : memref<1x37632xf32, #tpu.memory_space<hbm>> -> memref<37632xf32, #tpu.memory_space<hbm>>
    %dma_wait3A_24 = arith.constant 0 : i32
    %dma_wait3A_25 = tpu.memref_slice %arg12[%dma_wait3A, %dma_wait3A_24] : memref<2x37632xf32, #tpu.memory_space<vmem>> -> memref<1x37632xf32, #tpu.memory_space<vmem>>
    %dma_wait3A_26 = tpu.memref_squeeze %dma_wait3A_25 : memref<1x37632xf32, #tpu.memory_space<vmem>> -> memref<37632xf32, #tpu.memory_space<vmem>>
    tpu.wait_dma2 semaphore(%arg15 : memref<!tpu.dma_semaphore, #tpu.memory_space<semaphore_mem>>) src(%dma_wait3A_26 : memref<37632xf32, #tpu.memory_space<vmem>>) dst(%dma_wait3A_23 : memref<37632xf32, #tpu.memory_space<hbm>>)
    %dma_wait3A_27 = arith.constant 0 : i32
    %dma_wait3A_28 = arith.constant 0 : i32
    %dma_wait3A_29 = arith.constant 0 : i32
    %dma_wait3A_30 = tpu.memref_slice %arg12[%dma_wait3A_27, %dma_wait3A_29] : memref<2x37632xf32, #tpu.memory_space<vmem>> -> memref<1x37632xf32, #tpu.memory_space<vmem>>
    %dma_wait3A_31 = tpu.memref_squeeze %dma_wait3A_30 : memref<1x37632xf32, #tpu.memory_space<vmem>> -> memref<37632xf32, #tpu.memory_space<vmem>>
    %dma_wait3A_32 = arith.constant 0 : i32
    %dma_wait3A_33 = tpu.memref_slice %arg5[%dma_wait3A_28, %dma_wait3A_32] : memref<1000x37632xf32, #tpu.memory_space<hbm>> -> memref<1x37632xf32, #tpu.memory_space<hbm>>
    %dma_wait3A_34 = tpu.memref_squeeze %dma_wait3A_33 : memref<1x37632xf32, #tpu.memory_space<hbm>> -> memref<37632xf32, #tpu.memory_space<hbm>>
    %dma_wait3A_35 = arith.constant 0 : i32
    %dma_wait3A_36 = tpu.memref_slice %arg5[%dma_wait3A_28, %dma_wait3A_35] : memref<1000x37632xf32, #tpu.memory_space<hbm>> -> memref<1x37632xf32, #tpu.memory_space<hbm>>
    %dma_wait3A_37 = tpu.memref_squeeze %dma_wait3A_36 : memref<1x37632xf32, #tpu.memory_space<hbm>> -> memref<37632xf32, #tpu.memory_space<hbm>>
    %dma_wait3A_38 = arith.constant 0 : i32
    %dma_wait3A_39 = tpu.memref_slice %arg12[%dma_wait3A_27, %dma_wait3A_38] : memref<2x37632xf32, #tpu.memory_space<vmem>> -> memref<1x37632xf32, #tpu.memory_space<vmem>>
    %dma_wait3A_40 = tpu.memref_squeeze %dma_wait3A_39 : memref<1x37632xf32, #tpu.memory_space<vmem>> -> memref<37632xf32, #tpu.memory_space<vmem>>
    tpu.wait_dma2 semaphore(%arg15 : memref<!tpu.dma_semaphore, #tpu.memory_space<semaphore_mem>>) src(%dma_wait3A_40 : memref<37632xf32, #tpu.memory_space<vmem>>) dst(%dma_wait3A_37 : memref<37632xf32, #tpu.memory_space<hbm>>)
    return
  }
}

module attributes {stable_mosaic.version = 14 : i64} {
  func.func @_transpose_body(%arg0: i32, %arg1: i32, %arg2: memref<1x192x8x224xf32, #tpu.memory_space<vmem>>, %arg3: memref<2688x128xf32, #tpu.memory_space<vmem>>) attributes {dimension_semantics = [#tpu.dimension_semantics<arbitrary>, #tpu.dimension_semantics<arbitrary>], iteration_bounds = array<i64: 8, 28>, scalar_prefetch = 0 : i64, scratch_operands = 0 : i64, tpu.core_type = #tpu.core_type<tc>, window_params = [{transform_indices = @transform_0, window_bounds = array<i64: 1, 192, 8, 224>}, {transform_indices = @transform_1, window_bounds = array<i64: 2688, 128>}]} {
    %get3A = arith.constant 0 : index
    %get3A_0 = arith.constant 0 : index
    %get3A_1 = arith.constant 0 : index
    %get3A_2 = arith.constant 0 : index
    %get3A_3 = vector.load %arg2[%get3A, %get3A_0, %get3A_1, %get3A_2] : memref<1x192x8x224xf32, #tpu.memory_space<vmem>>, vector<1x192x1x224xf32>
    %get3A_4 = vector.shape_cast %get3A_3 : vector<1x192x1x224xf32> to vector<192x224xf32>
    %transpose3A = tpu.transpose %get3A_4, [1, 0] : vector<192x224xf32> -> vector<224x192xf32>
    %reshape3A = vector.shape_cast %transpose3A : vector<224x192xf32> to vector<112x2x192xf32>
    %slice3A = vector.extract_strided_slice %reshape3A {offsets = [0, 0, 0], sizes = [112, 1, 128], strides = [1, 1, 1]} : vector<112x2x192xf32> to vector<112x1x128xf32>
    %squeeze3A = vector.shape_cast %slice3A : vector<112x1x128xf32> to vector<112x128xf32>
    %slice3A_5 = vector.extract_strided_slice %reshape3A {offsets = [0, 0, 128], sizes = [112, 1, 64], strides = [1, 1, 1]} : vector<112x2x192xf32> to vector<112x1x64xf32>
    %squeeze3A_6 = vector.shape_cast %slice3A_5 : vector<112x1x64xf32> to vector<112x64xf32>
    %slice3A_7 = vector.extract_strided_slice %reshape3A {offsets = [0, 1, 0], sizes = [112, 1, 64], strides = [1, 1, 1]} : vector<112x2x192xf32> to vector<112x1x64xf32>
    %squeeze3A_8 = vector.shape_cast %slice3A_7 : vector<112x1x64xf32> to vector<112x64xf32>
    %concatenate3A = tpu.concatenate %squeeze3A_6, %squeeze3A_8 in 1 : vector<112x64xf32>, vector<112x64xf32> -> vector<112x128xf32>
    %slice3A_9 = vector.extract_strided_slice %reshape3A {offsets = [0, 1, 64], sizes = [112, 1, 128], strides = [1, 1, 1]} : vector<112x2x192xf32> to vector<112x1x128xf32>
    %squeeze3A_10 = vector.shape_cast %slice3A_9 : vector<112x1x128xf32> to vector<112x128xf32>
    %swap3A = arith.constant 0 : index
    %swap3A_11 = arith.constant 0 : index
    %swap3A_12 = tpu.strided_load %arg3[%swap3A, %swap3A_11] {strides = array<i32: 3, 1>} : memref<2688x128xf32, #tpu.memory_space<vmem>>, vector<112x128xf32>
    tpu.strided_store %arg3[%swap3A, %swap3A_11], %squeeze3A {strides = array<i32: 3, 1>} : memref<2688x128xf32, #tpu.memory_space<vmem>>, vector<112x128xf32>
    %swap3A_13 = arith.constant 1 : index
    %swap3A_14 = arith.constant 0 : index
    %swap3A_15 = tpu.strided_load %arg3[%swap3A_13, %swap3A_14] {strides = array<i32: 3, 1>} : memref<2688x128xf32, #tpu.memory_space<vmem>>, vector<112x128xf32>
    tpu.strided_store %arg3[%swap3A_13, %swap3A_14], %concatenate3A {strides = array<i32: 3, 1>} : memref<2688x128xf32, #tpu.memory_space<vmem>>, vector<112x128xf32>
    %swap3A_16 = arith.constant 2 : index
    %swap3A_17 = arith.constant 0 : index
    %swap3A_18 = tpu.strided_load %arg3[%swap3A_16, %swap3A_17] {strides = array<i32: 3, 1>} : memref<2688x128xf32, #tpu.memory_space<vmem>>, vector<112x128xf32>
    tpu.strided_store %arg3[%swap3A_16, %swap3A_17], %squeeze3A_10 {strides = array<i32: 3, 1>} : memref<2688x128xf32, #tpu.memory_space<vmem>>, vector<112x128xf32>
    %get3A_19 = arith.constant 0 : index
    %get3A_20 = arith.constant 0 : index
    %get3A_21 = arith.constant 1 : index
    %get3A_22 = arith.constant 0 : index
    %get3A_23 = vector.load %arg2[%get3A_19, %get3A_20, %get3A_21, %get3A_22] : memref<1x192x8x224xf32, #tpu.memory_space<vmem>>, vector<1x192x1x224xf32>
    %get3A_24 = vector.shape_cast %get3A_23 : vector<1x192x1x224xf32> to vector<192x224xf32>
    %transpose3A_25 = tpu.transpose %get3A_24, [1, 0] : vector<192x224xf32> -> vector<224x192xf32>
    %reshape3A_26 = vector.shape_cast %transpose3A_25 : vector<224x192xf32> to vector<112x2x192xf32>
    %slice3A_27 = vector.extract_strided_slice %reshape3A_26 {offsets = [0, 0, 0], sizes = [112, 1, 128], strides = [1, 1, 1]} : vector<112x2x192xf32> to vector<112x1x128xf32>
    %squeeze3A_28 = vector.shape_cast %slice3A_27 : vector<112x1x128xf32> to vector<112x128xf32>
    %slice3A_29 = vector.extract_strided_slice %reshape3A_26 {offsets = [0, 0, 128], sizes = [112, 1, 64], strides = [1, 1, 1]} : vector<112x2x192xf32> to vector<112x1x64xf32>
    %squeeze3A_30 = vector.shape_cast %slice3A_29 : vector<112x1x64xf32> to vector<112x64xf32>
    %slice3A_31 = vector.extract_strided_slice %reshape3A_26 {offsets = [0, 1, 0], sizes = [112, 1, 64], strides = [1, 1, 1]} : vector<112x2x192xf32> to vector<112x1x64xf32>
    %squeeze3A_32 = vector.shape_cast %slice3A_31 : vector<112x1x64xf32> to vector<112x64xf32>
    %concatenate3A_33 = tpu.concatenate %squeeze3A_30, %squeeze3A_32 in 1 : vector<112x64xf32>, vector<112x64xf32> -> vector<112x128xf32>
    %slice3A_34 = vector.extract_strided_slice %reshape3A_26 {offsets = [0, 1, 64], sizes = [112, 1, 128], strides = [1, 1, 1]} : vector<112x2x192xf32> to vector<112x1x128xf32>
    %squeeze3A_35 = vector.shape_cast %slice3A_34 : vector<112x1x128xf32> to vector<112x128xf32>
    %swap3A_36 = arith.constant 336 : index
    %swap3A_37 = arith.constant 0 : index
    %swap3A_38 = tpu.strided_load %arg3[%swap3A_36, %swap3A_37] {strides = array<i32: 3, 1>} : memref<2688x128xf32, #tpu.memory_space<vmem>>, vector<112x128xf32>
    tpu.strided_store %arg3[%swap3A_36, %swap3A_37], %squeeze3A_28 {strides = array<i32: 3, 1>} : memref<2688x128xf32, #tpu.memory_space<vmem>>, vector<112x128xf32>
    %swap3A_39 = arith.constant 337 : index
    %swap3A_40 = arith.constant 0 : index
    %swap3A_41 = tpu.strided_load %arg3[%swap3A_39, %swap3A_40] {strides = array<i32: 3, 1>} : memref<2688x128xf32, #tpu.memory_space<vmem>>, vector<112x128xf32>
    tpu.strided_store %arg3[%swap3A_39, %swap3A_40], %concatenate3A_33 {strides = array<i32: 3, 1>} : memref<2688x128xf32, #tpu.memory_space<vmem>>, vector<112x128xf32>
    %swap3A_42 = arith.constant 338 : index
    %swap3A_43 = arith.constant 0 : index
    %swap3A_44 = tpu.strided_load %arg3[%swap3A_42, %swap3A_43] {strides = array<i32: 3, 1>} : memref<2688x128xf32, #tpu.memory_space<vmem>>, vector<112x128xf32>
    tpu.strided_store %arg3[%swap3A_42, %swap3A_43], %squeeze3A_35 {strides = array<i32: 3, 1>} : memref<2688x128xf32, #tpu.memory_space<vmem>>, vector<112x128xf32>
    %get3A_45 = arith.constant 0 : index
    %get3A_46 = arith.constant 0 : index
    %get3A_47 = arith.constant 2 : index
    %get3A_48 = arith.constant 0 : index
    %get3A_49 = vector.load %arg2[%get3A_45, %get3A_46, %get3A_47, %get3A_48] : memref<1x192x8x224xf32, #tpu.memory_space<vmem>>, vector<1x192x1x224xf32>
    %get3A_50 = vector.shape_cast %get3A_49 : vector<1x192x1x224xf32> to vector<192x224xf32>
    %transpose3A_51 = tpu.transpose %get3A_50, [1, 0] : vector<192x224xf32> -> vector<224x192xf32>
    %reshape3A_52 = vector.shape_cast %transpose3A_51 : vector<224x192xf32> to vector<112x2x192xf32>
    %slice3A_53 = vector.extract_strided_slice %reshape3A_52 {offsets = [0, 0, 0], sizes = [112, 1, 128], strides = [1, 1, 1]} : vector<112x2x192xf32> to vector<112x1x128xf32>
    %squeeze3A_54 = vector.shape_cast %slice3A_53 : vector<112x1x128xf32> to vector<112x128xf32>
    %slice3A_55 = vector.extract_strided_slice %reshape3A_52 {offsets = [0, 0, 128], sizes = [112, 1, 64], strides = [1, 1, 1]} : vector<112x2x192xf32> to vector<112x1x64xf32>
    %squeeze3A_56 = vector.shape_cast %slice3A_55 : vector<112x1x64xf32> to vector<112x64xf32>
    %slice3A_57 = vector.extract_strided_slice %reshape3A_52 {offsets = [0, 1, 0], sizes = [112, 1, 64], strides = [1, 1, 1]} : vector<112x2x192xf32> to vector<112x1x64xf32>
    %squeeze3A_58 = vector.shape_cast %slice3A_57 : vector<112x1x64xf32> to vector<112x64xf32>
    %concatenate3A_59 = tpu.concatenate %squeeze3A_56, %squeeze3A_58 in 1 : vector<112x64xf32>, vector<112x64xf32> -> vector<112x128xf32>
    %slice3A_60 = vector.extract_strided_slice %reshape3A_52 {offsets = [0, 1, 64], sizes = [112, 1, 128], strides = [1, 1, 1]} : vector<112x2x192xf32> to vector<112x1x128xf32>
    %squeeze3A_61 = vector.shape_cast %slice3A_60 : vector<112x1x128xf32> to vector<112x128xf32>
    %swap3A_62 = arith.constant 672 : index
    %swap3A_63 = arith.constant 0 : index
    %swap3A_64 = tpu.strided_load %arg3[%swap3A_62, %swap3A_63] {strides = array<i32: 3, 1>} : memref<2688x128xf32, #tpu.memory_space<vmem>>, vector<112x128xf32>
    tpu.strided_store %arg3[%swap3A_62, %swap3A_63], %squeeze3A_54 {strides = array<i32: 3, 1>} : memref<2688x128xf32, #tpu.memory_space<vmem>>, vector<112x128xf32>
    %swap3A_65 = arith.constant 673 : index
    %swap3A_66 = arith.constant 0 : index
    %swap3A_67 = tpu.strided_load %arg3[%swap3A_65, %swap3A_66] {strides = array<i32: 3, 1>} : memref<2688x128xf32, #tpu.memory_space<vmem>>, vector<112x128xf32>
    tpu.strided_store %arg3[%swap3A_65, %swap3A_66], %concatenate3A_59 {strides = array<i32: 3, 1>} : memref<2688x128xf32, #tpu.memory_space<vmem>>, vector<112x128xf32>
    %swap3A_68 = arith.constant 674 : index
    %swap3A_69 = arith.constant 0 : index
    %swap3A_70 = tpu.strided_load %arg3[%swap3A_68, %swap3A_69] {strides = array<i32: 3, 1>} : memref<2688x128xf32, #tpu.memory_space<vmem>>, vector<112x128xf32>
    tpu.strided_store %arg3[%swap3A_68, %swap3A_69], %squeeze3A_61 {strides = array<i32: 3, 1>} : memref<2688x128xf32, #tpu.memory_space<vmem>>, vector<112x128xf32>
    %get3A_71 = arith.constant 0 : index
    %get3A_72 = arith.constant 0 : index
    %get3A_73 = arith.constant 3 : index
    %get3A_74 = arith.constant 0 : index
    %get3A_75 = vector.load %arg2[%get3A_71, %get3A_72, %get3A_73, %get3A_74] : memref<1x192x8x224xf32, #tpu.memory_space<vmem>>, vector<1x192x1x224xf32>
    %get3A_76 = vector.shape_cast %get3A_75 : vector<1x192x1x224xf32> to vector<192x224xf32>
    %transpose3A_77 = tpu.transpose %get3A_76, [1, 0] : vector<192x224xf32> -> vector<224x192xf32>
    %reshape3A_78 = vector.shape_cast %transpose3A_77 : vector<224x192xf32> to vector<112x2x192xf32>
    %slice3A_79 = vector.extract_strided_slice %reshape3A_78 {offsets = [0, 0, 0], sizes = [112, 1, 128], strides = [1, 1, 1]} : vector<112x2x192xf32> to vector<112x1x128xf32>
    %squeeze3A_80 = vector.shape_cast %slice3A_79 : vector<112x1x128xf32> to vector<112x128xf32>
    %slice3A_81 = vector.extract_strided_slice %reshape3A_78 {offsets = [0, 0, 128], sizes = [112, 1, 64], strides = [1, 1, 1]} : vector<112x2x192xf32> to vector<112x1x64xf32>
    %squeeze3A_82 = vector.shape_cast %slice3A_81 : vector<112x1x64xf32> to vector<112x64xf32>
    %slice3A_83 = vector.extract_strided_slice %reshape3A_78 {offsets = [0, 1, 0], sizes = [112, 1, 64], strides = [1, 1, 1]} : vector<112x2x192xf32> to vector<112x1x64xf32>
    %squeeze3A_84 = vector.shape_cast %slice3A_83 : vector<112x1x64xf32> to vector<112x64xf32>
    %concatenate3A_85 = tpu.concatenate %squeeze3A_82, %squeeze3A_84 in 1 : vector<112x64xf32>, vector<112x64xf32> -> vector<112x128xf32>
    %slice3A_86 = vector.extract_strided_slice %reshape3A_78 {offsets = [0, 1, 64], sizes = [112, 1, 128], strides = [1, 1, 1]} : vector<112x2x192xf32> to vector<112x1x128xf32>
    %squeeze3A_87 = vector.shape_cast %slice3A_86 : vector<112x1x128xf32> to vector<112x128xf32>
    %swap3A_88 = arith.constant 1008 : index
    %swap3A_89 = arith.constant 0 : index
    %swap3A_90 = tpu.strided_load %arg3[%swap3A_88, %swap3A_89] {strides = array<i32: 3, 1>} : memref<2688x128xf32, #tpu.memory_space<vmem>>, vector<112x128xf32>
    tpu.strided_store %arg3[%swap3A_88, %swap3A_89], %squeeze3A_80 {strides = array<i32: 3, 1>} : memref<2688x128xf32, #tpu.memory_space<vmem>>, vector<112x128xf32>
    %swap3A_91 = arith.constant 1009 : index
    %swap3A_92 = arith.constant 0 : index
    %swap3A_93 = tpu.strided_load %arg3[%swap3A_91, %swap3A_92] {strides = array<i32: 3, 1>} : memref<2688x128xf32, #tpu.memory_space<vmem>>, vector<112x128xf32>
    tpu.strided_store %arg3[%swap3A_91, %swap3A_92], %concatenate3A_85 {strides = array<i32: 3, 1>} : memref<2688x128xf32, #tpu.memory_space<vmem>>, vector<112x128xf32>
    %swap3A_94 = arith.constant 1010 : index
    %swap3A_95 = arith.constant 0 : index
    %swap3A_96 = tpu.strided_load %arg3[%swap3A_94, %swap3A_95] {strides = array<i32: 3, 1>} : memref<2688x128xf32, #tpu.memory_space<vmem>>, vector<112x128xf32>
    tpu.strided_store %arg3[%swap3A_94, %swap3A_95], %squeeze3A_87 {strides = array<i32: 3, 1>} : memref<2688x128xf32, #tpu.memory_space<vmem>>, vector<112x128xf32>
    %get3A_97 = arith.constant 0 : index
    %get3A_98 = arith.constant 0 : index
    %get3A_99 = arith.constant 4 : index
    %get3A_100 = arith.constant 0 : index
    %get3A_101 = vector.load %arg2[%get3A_97, %get3A_98, %get3A_99, %get3A_100] : memref<1x192x8x224xf32, #tpu.memory_space<vmem>>, vector<1x192x1x224xf32>
    %get3A_102 = vector.shape_cast %get3A_101 : vector<1x192x1x224xf32> to vector<192x224xf32>
    %transpose3A_103 = tpu.transpose %get3A_102, [1, 0] : vector<192x224xf32> -> vector<224x192xf32>
    %reshape3A_104 = vector.shape_cast %transpose3A_103 : vector<224x192xf32> to vector<112x2x192xf32>
    %slice3A_105 = vector.extract_strided_slice %reshape3A_104 {offsets = [0, 0, 0], sizes = [112, 1, 128], strides = [1, 1, 1]} : vector<112x2x192xf32> to vector<112x1x128xf32>
    %squeeze3A_106 = vector.shape_cast %slice3A_105 : vector<112x1x128xf32> to vector<112x128xf32>
    %slice3A_107 = vector.extract_strided_slice %reshape3A_104 {offsets = [0, 0, 128], sizes = [112, 1, 64], strides = [1, 1, 1]} : vector<112x2x192xf32> to vector<112x1x64xf32>
    %squeeze3A_108 = vector.shape_cast %slice3A_107 : vector<112x1x64xf32> to vector<112x64xf32>
    %slice3A_109 = vector.extract_strided_slice %reshape3A_104 {offsets = [0, 1, 0], sizes = [112, 1, 64], strides = [1, 1, 1]} : vector<112x2x192xf32> to vector<112x1x64xf32>
    %squeeze3A_110 = vector.shape_cast %slice3A_109 : vector<112x1x64xf32> to vector<112x64xf32>
    %concatenate3A_111 = tpu.concatenate %squeeze3A_108, %squeeze3A_110 in 1 : vector<112x64xf32>, vector<112x64xf32> -> vector<112x128xf32>
    %slice3A_112 = vector.extract_strided_slice %reshape3A_104 {offsets = [0, 1, 64], sizes = [112, 1, 128], strides = [1, 1, 1]} : vector<112x2x192xf32> to vector<112x1x128xf32>
    %squeeze3A_113 = vector.shape_cast %slice3A_112 : vector<112x1x128xf32> to vector<112x128xf32>
    %swap3A_114 = arith.constant 1344 : index
    %swap3A_115 = arith.constant 0 : index
    %swap3A_116 = tpu.strided_load %arg3[%swap3A_114, %swap3A_115] {strides = array<i32: 3, 1>} : memref<2688x128xf32, #tpu.memory_space<vmem>>, vector<112x128xf32>
    tpu.strided_store %arg3[%swap3A_114, %swap3A_115], %squeeze3A_106 {strides = array<i32: 3, 1>} : memref<2688x128xf32, #tpu.memory_space<vmem>>, vector<112x128xf32>
    %swap3A_117 = arith.constant 1345 : index
    %swap3A_118 = arith.constant 0 : index
    %swap3A_119 = tpu.strided_load %arg3[%swap3A_117, %swap3A_118] {strides = array<i32: 3, 1>} : memref<2688x128xf32, #tpu.memory_space<vmem>>, vector<112x128xf32>
    tpu.strided_store %arg3[%swap3A_117, %swap3A_118], %concatenate3A_111 {strides = array<i32: 3, 1>} : memref<2688x128xf32, #tpu.memory_space<vmem>>, vector<112x128xf32>
    %swap3A_120 = arith.constant 1346 : index
    %swap3A_121 = arith.constant 0 : index
    %swap3A_122 = tpu.strided_load %arg3[%swap3A_120, %swap3A_121] {strides = array<i32: 3, 1>} : memref<2688x128xf32, #tpu.memory_space<vmem>>, vector<112x128xf32>
    tpu.strided_store %arg3[%swap3A_120, %swap3A_121], %squeeze3A_113 {strides = array<i32: 3, 1>} : memref<2688x128xf32, #tpu.memory_space<vmem>>, vector<112x128xf32>
    %get3A_123 = arith.constant 0 : index
    %get3A_124 = arith.constant 0 : index
    %get3A_125 = arith.constant 5 : index
    %get3A_126 = arith.constant 0 : index
    %get3A_127 = vector.load %arg2[%get3A_123, %get3A_124, %get3A_125, %get3A_126] : memref<1x192x8x224xf32, #tpu.memory_space<vmem>>, vector<1x192x1x224xf32>
    %get3A_128 = vector.shape_cast %get3A_127 : vector<1x192x1x224xf32> to vector<192x224xf32>
    %transpose3A_129 = tpu.transpose %get3A_128, [1, 0] : vector<192x224xf32> -> vector<224x192xf32>
    %reshape3A_130 = vector.shape_cast %transpose3A_129 : vector<224x192xf32> to vector<112x2x192xf32>
    %slice3A_131 = vector.extract_strided_slice %reshape3A_130 {offsets = [0, 0, 0], sizes = [112, 1, 128], strides = [1, 1, 1]} : vector<112x2x192xf32> to vector<112x1x128xf32>
    %squeeze3A_132 = vector.shape_cast %slice3A_131 : vector<112x1x128xf32> to vector<112x128xf32>
    %slice3A_133 = vector.extract_strided_slice %reshape3A_130 {offsets = [0, 0, 128], sizes = [112, 1, 64], strides = [1, 1, 1]} : vector<112x2x192xf32> to vector<112x1x64xf32>
    %squeeze3A_134 = vector.shape_cast %slice3A_133 : vector<112x1x64xf32> to vector<112x64xf32>
    %slice3A_135 = vector.extract_strided_slice %reshape3A_130 {offsets = [0, 1, 0], sizes = [112, 1, 64], strides = [1, 1, 1]} : vector<112x2x192xf32> to vector<112x1x64xf32>
    %squeeze3A_136 = vector.shape_cast %slice3A_135 : vector<112x1x64xf32> to vector<112x64xf32>
    %concatenate3A_137 = tpu.concatenate %squeeze3A_134, %squeeze3A_136 in 1 : vector<112x64xf32>, vector<112x64xf32> -> vector<112x128xf32>
    %slice3A_138 = vector.extract_strided_slice %reshape3A_130 {offsets = [0, 1, 64], sizes = [112, 1, 128], strides = [1, 1, 1]} : vector<112x2x192xf32> to vector<112x1x128xf32>
    %squeeze3A_139 = vector.shape_cast %slice3A_138 : vector<112x1x128xf32> to vector<112x128xf32>
    %swap3A_140 = arith.constant 1680 : index
    %swap3A_141 = arith.constant 0 : index
    %swap3A_142 = tpu.strided_load %arg3[%swap3A_140, %swap3A_141] {strides = array<i32: 3, 1>} : memref<2688x128xf32, #tpu.memory_space<vmem>>, vector<112x128xf32>
    tpu.strided_store %arg3[%swap3A_140, %swap3A_141], %squeeze3A_132 {strides = array<i32: 3, 1>} : memref<2688x128xf32, #tpu.memory_space<vmem>>, vector<112x128xf32>
    %swap3A_143 = arith.constant 1681 : index
    %swap3A_144 = arith.constant 0 : index
    %swap3A_145 = tpu.strided_load %arg3[%swap3A_143, %swap3A_144] {strides = array<i32: 3, 1>} : memref<2688x128xf32, #tpu.memory_space<vmem>>, vector<112x128xf32>
    tpu.strided_store %arg3[%swap3A_143, %swap3A_144], %concatenate3A_137 {strides = array<i32: 3, 1>} : memref<2688x128xf32, #tpu.memory_space<vmem>>, vector<112x128xf32>
    %swap3A_146 = arith.constant 1682 : index
    %swap3A_147 = arith.constant 0 : index
    %swap3A_148 = tpu.strided_load %arg3[%swap3A_146, %swap3A_147] {strides = array<i32: 3, 1>} : memref<2688x128xf32, #tpu.memory_space<vmem>>, vector<112x128xf32>
    tpu.strided_store %arg3[%swap3A_146, %swap3A_147], %squeeze3A_139 {strides = array<i32: 3, 1>} : memref<2688x128xf32, #tpu.memory_space<vmem>>, vector<112x128xf32>
    %get3A_149 = arith.constant 0 : index
    %get3A_150 = arith.constant 0 : index
    %get3A_151 = arith.constant 6 : index
    %get3A_152 = arith.constant 0 : index
    %get3A_153 = vector.load %arg2[%get3A_149, %get3A_150, %get3A_151, %get3A_152] : memref<1x192x8x224xf32, #tpu.memory_space<vmem>>, vector<1x192x1x224xf32>
    %get3A_154 = vector.shape_cast %get3A_153 : vector<1x192x1x224xf32> to vector<192x224xf32>
    %transpose3A_155 = tpu.transpose %get3A_154, [1, 0] : vector<192x224xf32> -> vector<224x192xf32>
    %reshape3A_156 = vector.shape_cast %transpose3A_155 : vector<224x192xf32> to vector<112x2x192xf32>
    %slice3A_157 = vector.extract_strided_slice %reshape3A_156 {offsets = [0, 0, 0], sizes = [112, 1, 128], strides = [1, 1, 1]} : vector<112x2x192xf32> to vector<112x1x128xf32>
    %squeeze3A_158 = vector.shape_cast %slice3A_157 : vector<112x1x128xf32> to vector<112x128xf32>
    %slice3A_159 = vector.extract_strided_slice %reshape3A_156 {offsets = [0, 0, 128], sizes = [112, 1, 64], strides = [1, 1, 1]} : vector<112x2x192xf32> to vector<112x1x64xf32>
    %squeeze3A_160 = vector.shape_cast %slice3A_159 : vector<112x1x64xf32> to vector<112x64xf32>
    %slice3A_161 = vector.extract_strided_slice %reshape3A_156 {offsets = [0, 1, 0], sizes = [112, 1, 64], strides = [1, 1, 1]} : vector<112x2x192xf32> to vector<112x1x64xf32>
    %squeeze3A_162 = vector.shape_cast %slice3A_161 : vector<112x1x64xf32> to vector<112x64xf32>
    %concatenate3A_163 = tpu.concatenate %squeeze3A_160, %squeeze3A_162 in 1 : vector<112x64xf32>, vector<112x64xf32> -> vector<112x128xf32>
    %slice3A_164 = vector.extract_strided_slice %reshape3A_156 {offsets = [0, 1, 64], sizes = [112, 1, 128], strides = [1, 1, 1]} : vector<112x2x192xf32> to vector<112x1x128xf32>
    %squeeze3A_165 = vector.shape_cast %slice3A_164 : vector<112x1x128xf32> to vector<112x128xf32>
    %swap3A_166 = arith.constant 2016 : index
    %swap3A_167 = arith.constant 0 : index
    %swap3A_168 = tpu.strided_load %arg3[%swap3A_166, %swap3A_167] {strides = array<i32: 3, 1>} : memref<2688x128xf32, #tpu.memory_space<vmem>>, vector<112x128xf32>
    tpu.strided_store %arg3[%swap3A_166, %swap3A_167], %squeeze3A_158 {strides = array<i32: 3, 1>} : memref<2688x128xf32, #tpu.memory_space<vmem>>, vector<112x128xf32>
    %swap3A_169 = arith.constant 2017 : index
    %swap3A_170 = arith.constant 0 : index
    %swap3A_171 = tpu.strided_load %arg3[%swap3A_169, %swap3A_170] {strides = array<i32: 3, 1>} : memref<2688x128xf32, #tpu.memory_space<vmem>>, vector<112x128xf32>
    tpu.strided_store %arg3[%swap3A_169, %swap3A_170], %concatenate3A_163 {strides = array<i32: 3, 1>} : memref<2688x128xf32, #tpu.memory_space<vmem>>, vector<112x128xf32>
    %swap3A_172 = arith.constant 2018 : index
    %swap3A_173 = arith.constant 0 : index
    %swap3A_174 = tpu.strided_load %arg3[%swap3A_172, %swap3A_173] {strides = array<i32: 3, 1>} : memref<2688x128xf32, #tpu.memory_space<vmem>>, vector<112x128xf32>
    tpu.strided_store %arg3[%swap3A_172, %swap3A_173], %squeeze3A_165 {strides = array<i32: 3, 1>} : memref<2688x128xf32, #tpu.memory_space<vmem>>, vector<112x128xf32>
    %get3A_175 = arith.constant 0 : index
    %get3A_176 = arith.constant 0 : index
    %get3A_177 = arith.constant 7 : index
    %get3A_178 = arith.constant 0 : index
    %get3A_179 = vector.load %arg2[%get3A_175, %get3A_176, %get3A_177, %get3A_178] : memref<1x192x8x224xf32, #tpu.memory_space<vmem>>, vector<1x192x1x224xf32>
    %get3A_180 = vector.shape_cast %get3A_179 : vector<1x192x1x224xf32> to vector<192x224xf32>
    %transpose3A_181 = tpu.transpose %get3A_180, [1, 0] : vector<192x224xf32> -> vector<224x192xf32>
    %reshape3A_182 = vector.shape_cast %transpose3A_181 : vector<224x192xf32> to vector<112x2x192xf32>
    %slice3A_183 = vector.extract_strided_slice %reshape3A_182 {offsets = [0, 0, 0], sizes = [112, 1, 128], strides = [1, 1, 1]} : vector<112x2x192xf32> to vector<112x1x128xf32>
    %squeeze3A_184 = vector.shape_cast %slice3A_183 : vector<112x1x128xf32> to vector<112x128xf32>
    %slice3A_185 = vector.extract_strided_slice %reshape3A_182 {offsets = [0, 0, 128], sizes = [112, 1, 64], strides = [1, 1, 1]} : vector<112x2x192xf32> to vector<112x1x64xf32>
    %squeeze3A_186 = vector.shape_cast %slice3A_185 : vector<112x1x64xf32> to vector<112x64xf32>
    %slice3A_187 = vector.extract_strided_slice %reshape3A_182 {offsets = [0, 1, 0], sizes = [112, 1, 64], strides = [1, 1, 1]} : vector<112x2x192xf32> to vector<112x1x64xf32>
    %squeeze3A_188 = vector.shape_cast %slice3A_187 : vector<112x1x64xf32> to vector<112x64xf32>
    %concatenate3A_189 = tpu.concatenate %squeeze3A_186, %squeeze3A_188 in 1 : vector<112x64xf32>, vector<112x64xf32> -> vector<112x128xf32>
    %slice3A_190 = vector.extract_strided_slice %reshape3A_182 {offsets = [0, 1, 64], sizes = [112, 1, 128], strides = [1, 1, 1]} : vector<112x2x192xf32> to vector<112x1x128xf32>
    %squeeze3A_191 = vector.shape_cast %slice3A_190 : vector<112x1x128xf32> to vector<112x128xf32>
    %swap3A_192 = arith.constant 2352 : index
    %swap3A_193 = arith.constant 0 : index
    %swap3A_194 = tpu.strided_load %arg3[%swap3A_192, %swap3A_193] {strides = array<i32: 3, 1>} : memref<2688x128xf32, #tpu.memory_space<vmem>>, vector<112x128xf32>
    tpu.strided_store %arg3[%swap3A_192, %swap3A_193], %squeeze3A_184 {strides = array<i32: 3, 1>} : memref<2688x128xf32, #tpu.memory_space<vmem>>, vector<112x128xf32>
    %swap3A_195 = arith.constant 2353 : index
    %swap3A_196 = arith.constant 0 : index
    %swap3A_197 = tpu.strided_load %arg3[%swap3A_195, %swap3A_196] {strides = array<i32: 3, 1>} : memref<2688x128xf32, #tpu.memory_space<vmem>>, vector<112x128xf32>
    tpu.strided_store %arg3[%swap3A_195, %swap3A_196], %concatenate3A_189 {strides = array<i32: 3, 1>} : memref<2688x128xf32, #tpu.memory_space<vmem>>, vector<112x128xf32>
    %swap3A_198 = arith.constant 2354 : index
    %swap3A_199 = arith.constant 0 : index
    %swap3A_200 = tpu.strided_load %arg3[%swap3A_198, %swap3A_199] {strides = array<i32: 3, 1>} : memref<2688x128xf32, #tpu.memory_space<vmem>>, vector<112x128xf32>
    tpu.strided_store %arg3[%swap3A_198, %swap3A_199], %squeeze3A_191 {strides = array<i32: 3, 1>} : memref<2688x128xf32, #tpu.memory_space<vmem>>, vector<112x128xf32>
    return
  }
  func.func @transform_0(%arg0: i32, %arg1: i32) -> (i32, i32, i32, i32) {
    %c0_i32 = arith.constant 0 : i32
    %c0_i32_0 = arith.constant 0 : i32
    %c0_i32_1 = arith.constant 0 : i32
    return %arg0, %c0_i32, %arg1, %c0_i32_0 : i32, i32, i32, i32
  }
  func.func @transform_1(%arg0: i32, %arg1: i32) -> (i32, i32) {
    %mul3A = arith.constant 28 : i32
    %mul3A_0 = arith.muli %arg0, %mul3A : i32
    %add3A = arith.addi %mul3A_0, %arg1 : i32
    %c0_i32 = arith.constant 0 : i32
    %c0_i32_1 = arith.constant 0 : i32
    return %add3A, %c0_i32 : i32, i32
  }
}

</mosaic_0001>

<sc_bundles>
// kernel: kernel.4.cloned.1.call-start
scs
__scs_entry_jumppad:
0x0: {  	(pc) =	sbr.rel $0x88, $3  }
0x1: {  	(tag) =	ssettag $0x0;
	lr =	simm.s32 $0x1  }
0x2: {  	[smem:$0x3F9E] =	sst lr;
	_ =	strace $0xD0000000  }
0x3: {  	_ = 	snop  }
0x4: {  	_ = 	snop  }
0x5: {  	_ = 	snop  }
0x6: {  	_ = 	snop  }
0x7: {  	_ = 	snop  }
__scs_overlays_trampoline_lowered:
0x8: {  	[smem:$0x3FAD] =	sst s0  }
0x9: {  	[smem:$0x3FAE] =	sst s1  }
0xa: {  	[smem:$0x3FAF] =	sst s2  }
0xb: {  	[smem:$0x3FB0] =	sst s3  }
0xc: {  	[smem:$0x3FB1] =	sst s4  }
0xd: {  	[smem:$0x3FB2] =	sst s5  }
0xe: {  	[smem:$0x3FB3] =	sst s6  }
0xf: {  	[smem:$0x3FB4] =	sst s7  }
0x10: {  	[smem:$0x3FB5] =	sst s8  }
0x11: {  	[smem:$0x3FB6] =	sst s9;
	s0 =	simm.s32 @!p0 $0x0  }
0x12: {  	s1 =	sld [smem:$0x3F9C];
	s0 =	simm.s32 @p0 $0x1  }
0x13: {  	[smem:$0x3FB7] =	sst s0;
	s0 =	simm.s32 @!p1 $0x0  }
0x14: {  	s2 =	sld [smem:$0x3F9B];
	s0 =	simm.s32 @p1 $0x1  }
0x15: {  	[smem:$0x3FB8] =	sst s0;
	s0 =	simm.s32 @!p2 $0x0  }
0x16: {  	s3 =	sld [smem:$0x3FDB];
	s0 =	simm.s32 @p2 $0x1  }
0x17: {  	s4 =	simm.s32 $0x1BF5;
	[smem:$0x3FBA] =	sst s0  }
0x18: {  	s0 =	sld [smem:$0x3F9D];
	_ =	swait.ge [sflag:s4], $0x0  }
0x19: {  	s7 =	sld [smem:$0x3F9E]  }
0x1a: {  	s8 =	sadd.s32 $0xFFFFE003, lr  }
0x1b: {  	s9 =	sadd.s32 $0xFFFFFEF7, lr;
	s5 =	simm.s32 $0xFFFFFFFF;
	p2 =	slt.u32 s8, $0xFFFFF086  }
0x1c: {  	p1 =	slt.u32 s9, $0xF7A;
	s5 =	simm.s32 @!p2 $0x0  }
0x1d: {  	s5 =	simm.s32 @p1 $0x1;
	p0 =	seq.s32 s7, s2  }
0x1e: {  	s7 =	smul.u32 @!p0 $0xF7A, s2;
	p2 =	seq.s32 @!p0 s5, $0x0  }
0x1f: {  	s9 =	smul.u32 $0xF7A, s1;
	s8 =	simm.s32 @!p0 $0x1BF5;
	p2 =	por !p2, p0  }
0x20: {  	[sflag:s8] =	ssyncset.s32 @!p0 $0xFFFFF086;
	s6 =	sadd.s32 @!p0 s3, s7;
	s7 =	simm.s32 @!p0 $0x108  }
0x21: {  	s3 =	sadd.s32 s3, s9;
	s6 =	sadd.s32 @!p0 $0x88, s6;
	s7 =	simm.s32 @p2 $0x1082  }
0x22: {  	[simem:s7], [sflag:s8] =	dma.local @!p0 [hbm:s6], $0xF7A  }
0x23: {  	s9 =	sor.u32 $0xD0000000, s2;
	s6 =	simm.s32 $0x108;
	_ =	swait.ge @!p0 [sflag:s8], $0x0  }
0x24: {  	s3 =	sadd.s32 $0x88, s3;
	s6 =	simm.s32 @!p1 $0x1082;
	[sflag:s4] =	ssyncset.s32 $0xFFFFF086  }
0x25: {  	[simem:s6], [sflag:s4] =	dma.local [hbm:s3], $0xF7A  }
0x26: {  	[smem:$0x3F9E] =	sst s1;
	(tag) =	ssettag s2;
	_ =	strace s9  }
0x27: {  	s1 =	sld [smem:$0x3FAE]  }
0x28: {  	s2 =	sld [smem:$0x3FAF]  }
0x29: {  	s4 =	sld [smem:$0x3FB1]  }
0x2a: {  	p0 =	seq.s32 s5, $0x0;
	s5 =	sld [smem:$0x3FB2]  }
0x2b: {  	s6 =	sld [smem:$0x3FB3]  }
0x2c: {  	s7 =	sld [smem:$0x3FB4]  }
0x2d: {  	s3 =	simm.s32 $0x108;
	s8 =	sld [smem:$0x3FB5]  }
0x2e: {  	s3 =	simm.s32 @!p0 $0x1082;
	s9 =	sld [smem:$0x3FB6]  }
0x2f: {  	lr =	sadd.s32 s0, s3;
	s0 =	sld [smem:$0x3FAD]  }
0x30: {  	s3 =	sld [smem:$0x3FB0]  }
0x31: {  	[smem:$0x3FB9] =	sst s10  }
0x32: {  	s10 =	sld [smem:$0x3FB7];
	_ =	sdelay $0x3  }
0x33: {  	p0 =	seq.s32 s10, $0x1;
	s10 =	sld [smem:$0x3FB9];
	_ =	sdelay $0x3  }
0x34: {  	[smem:$0x3FB9] =	sst s10  }
0x35: {  	s10 =	sld [smem:$0x3FB8];
	_ =	sdelay $0x3  }
0x36: {  	p1 =	seq.s32 s10, $0x1;
	s10 =	sld [smem:$0x3FB9];
	_ =	sdelay $0x3  }
0x37: {  	[smem:$0x3FB9] =	sst s10  }
0x38: {  	s10 =	sld [smem:$0x3FBA]  }
0x39: {  	_ = 	snop;
	(pc) =	sbr.ind lr, $3  }
0x3a: {  	_ = 	snop  }
0x3b: {  	_ = 	snop  }
0x3c: {  	p2 =	seq.s32 s10, $0x1;
	s10 =	sld [smem:$0x3FB9]  }
0x3d: {  	_ =	shalt  }
0x3e: {  	_ =	shalt  }
0x3f: {  	_ =	shalt  }
0x40: {  	_ =	shalt  }
0x41: {  	_ =	shalt  }
0x42: {  	_ =	shalt  }
0x43: {  	_ =	shalt  }
0x44: {  	_ =	shalt  }
0x45: {  	_ =	shalt  }
0x46: {  	_ =	shalt  }
0x47: {  	_ =	shalt  }
0x48: {  	_ =	shalt  }
0x49: {  	_ =	shalt  }
0x4a: {  	_ =	shalt  }
0x4b: {  	_ =	shalt  }
0x4c: {  	_ =	shalt  }
0x4d: {  	_ =	shalt  }
0x4e: {  	_ =	shalt  }
0x4f: {  	_ =	shalt  }
0x50: {  	_ =	shalt  }
0x51: {  	_ =	shalt  }
0x52: {  	_ =	shalt  }
0x53: {  	_ =	shalt  }
0x54: {  	_ =	shalt  }
0x55: {  	_ =	shalt  }
0x56: {  	_ =	shalt  }
0x57: {  	_ =	shalt  }
0x58: {  	_ =	shalt  }
0x59: {  	_ =	shalt  }
0x5a: {  	_ =	shalt  }
0x5b: {  	_ =	shalt  }
0x5c: {  	_ =	shalt  }
0x5d: {  	_ =	shalt  }
0x5e: {  	_ =	shalt  }
0x5f: {  	_ =	shalt  }
0x60: {  	_ =	shalt  }
0x61: {  	_ =	shalt  }
0x62: {  	_ =	shalt  }
0x63: {  	_ =	shalt  }
0x64: {  	_ =	shalt  }
0x65: {  	_ =	shalt  }
0x66: {  	_ =	shalt  }
0x67: {  	_ =	shalt  }
0x68: {  	_ =	shalt  }
0x69: {  	_ =	shalt  }
0x6a: {  	_ =	shalt  }
0x6b: {  	_ =	shalt  }
0x6c: {  	_ =	shalt  }
0x6d: {  	_ =	shalt  }
0x6e: {  	_ =	shalt  }
0x6f: {  	_ =	shalt  }
0x70: {  	_ =	shalt  }
0x71: {  	_ =	shalt  }
0x72: {  	_ =	shalt  }
0x73: {  	_ =	shalt  }
0x74: {  	_ =	shalt  }
0x75: {  	_ =	shalt  }
0x76: {  	_ =	shalt  }
0x77: {  	_ =	shalt  }
0x78: {  	_ =	shalt  }
0x79: {  	_ =	shalt  }
0x7a: {  	_ =	shalt  }
0x7b: {  	_ =	shalt  }
0x7c: {  	_ =	shalt  }
0x7d: {  	_ =	shalt  }
0x7e: {  	_ =	shalt  }
0x7f: {  	_ =	shalt  }
0x80: {  	_ =	shalt  }
0x81: {  	_ =	shalt  }
0x82: {  	_ =	shalt  }
0x83: {  	_ =	shalt  }
0x84: {  	_ =	shalt  }
0x85: {  	_ =	shalt  }
0x86: {  	_ =	shalt  }
0x87: {  	_ =	shalt  }
.Lfunc_end0:
.L_simem_size_0:
called_computation.1_lowered:
.L_overlay_start_0:
0x88: {  	s2 =	sld [smem:$0x3FD9]  }
0x89: {  	s3 =	sld [smem:$0x3FFE];
	_ =	sdelay $0x1  }
0x8a: {  	s1 =	srdreg.scid  }
0x8b: {  	s0 =	sand.u32 $0x1, s1  }
0x8c: {  	s17 =	sshll.u32 s0, $0xA;
	s2 =	sadd.s32 s3, s2  }
0x8d: {  	s2 =	sadd.s32 s2, s17  }
0x8e: {  	[smem:$0x3FC5] =	sst s2  }
0x8f: {  	_ = 	snop  }
0x90: {  	s2 =	sld [smem:$0x3FC7]  }
0x91: {  	s18 =	sld [smem:$0x3FD0];
	(tm) =	ssettm $0x1  }
0x92: {  	s4 =	sld [smem:$0x3FFB];
	_ =	sdelay $0x3  }
0x93: {  	_ =	strace s4  }
0x94: {  	s4 =	sld [smem:$0x3FFC];
	_ =	sdelay $0x3  }
0x95: {  	_ =	strace s4  }
0x96: {  	s4 =	sld [smem:$0x3FFD];
	_ =	sdelay $0x3  }
0x97: {  	_ =	strace s4  }
0x98: {  	_ =	strace $0x8FFFFFFF  }
0x99: {  	s19 =	sld [smem:$0x3FDB];
	_ =	sdelay $0x1  }
0x9a: {  	s5 =	simm.s32 $_scs_section_size  }
0x9b: {  	s6 =	simm.s32 $_size__tile_overlayer_lowered;
	s7 =	simm.s32 $_tile_overlayer_lowered  }
0x9c: {  	s22 =	simm.s32 $0x1BFF;
	s21 =	sshll.u32 s7, $0x1;
	s4 =	sadd.s32 s5, s19  }
0x9d: {  	s8 =	simm.s32 $0x0;
	s20 =	sshll.u32 s6, $0x1;
	s6 =	sadd.s32 s21, s4  }
0x9e: {  	[timem:s8], [sflag:s22] =	dma.local [hbm:s6], s20  }
0x9f: {  	_ =	swait.ge [sflag:s22], s20  }
0xa0: {  	s5 =	ssub.s32 $0x0, s20;
	[sflag:s22] =	ssyncset.done $0x0  }
0xa1: {  	[sflag:s22] =	ssyncadd.s32 s5;
	_ =	sdelay $0x1  }
0xa2: {  	s23 =	simm.s32 $0x1B8B  }
0xa3: {  	_ =	swait.ge [sflag:s23], $0x1  }
0xa4: {  	[sflag:s23] =	ssyncset.done $0x0  }
0xa5: {  	s25 =	simm.s32 $0x1B8E;
	s24 =	sld [smem:$0x3FFE];
	[sflag:s23] =	ssyncadd.s32 $0xFFFFFFFF  }
0xa6: {  	s26 =	simm.s32 $execute0_lowered;
	[smem:$0x3FD2] =	sst s25  }
0xa7: {  	s6 =	sshll.u32 s26, $0x1;
	_ =	strace $0x80000046;
	[dreg:$0x1] =	wrdreg $0xFFFFFFFF  }
0xa8: {  	s28 =	simm.s32 $_size_execute0_lowered;
	s4 =	sadd.s32 s4, s6;
	[dreg:$0x0] =	wrdreg $0x0  }
0xa9: {  	s6 =	sshll.u32 s28, $0x1;
	[dreg:$0x2] =	wrdreg s4  }
0xaa: {  	[dreg:$0x3] =	wrdreg s6  }
0xab: {  	[dreg:$0x4] =	wrdreg $0xC0  }
0xac: {  	_ =	task [dreg:s8], $0x5FFFF  }
0xad: {  	[dreg:$0x1] =	wrdreg $0xFFFFFFFF  }
0xae: {  	[dreg:$0x0] =	wrdreg $0x60  }
0xaf: {  	[dreg:$0x2] =	wrdreg s24  }
0xb0: {  	[dreg:$0x3] =	wrdreg s2  }
0xb1: {  	[dreg:$0x4] =	wrdreg s18  }
0xb2: {  	[dreg:$0x5] =	wrdreg $0x9  }
0xb3: {  	_ =	task.clear_ibuf [dreg:s8], $0x6FFFF;
	_ =	strace $0x90000046  }
0xb4: {  	s29 =	simm.s32 $0x9;
	_ =	strace $0x80000048  }
0xb5: {  	_ =	swait.ge [sflag:s29], $0x1  }
0xb6: {  	[sflag:s29] =	ssyncadd.s32 $0xFFFFFFFF  }
0xb7: {  	_ =	strace $0x90000048  }
0xb8: {  	_ =	sfence  }
0xb9: {  	s30 =	sld [smem:$0x0];
	_ =	sdelay $0x2  }
0xba: {  	s31 =	sshll.u32 s1, $0xD;
	s1 =	sshrl.u32 s1, $0x2  }
0xbb: {  	s3 =	sand.u32 $0x4000, s31;
	s1 =	sadd.s32 s1, s30  }
0xbc: {  	s0 =	sor.u32 s3, s0;
	s1 =	sshll.u32 s1, $0x11  }
0xbd: {  	s0 =	sor.u32 s1, s0  }
0xbe: {  	s0 =	sadd.s32 $0x8F2B, s0  }
0xbf: {  	[sflag:s0] =	ssyncadd.remote.s32 $0x1  }
0xc0: {  	_ =	sfence.sel $0xFFFF  }
0xc1: {  	[dreg:$0x0] =	wrdreg $0xFFFFFFFF;
	(pc) =	sbr.abs _section_cstart, $3  }
0xc2: {  	[dreg:$0x1] =	wrdreg $0xFFFFFFFF  }
0xc3: {  	_ =	task.clear_ibuf [dreg:s8], $0x2FFFF;
	_ =	strace $0x9FFFFFFF  }
0xc4: {  	(tm) =	ssettm $0x7FFFFFFF  }
0xc5: {  	_ =	shalt  }
tec
execute0_lowered:
.L_overlay_start_1:
0x0: {  	(tag) =	ssettag $0x1  }
0x1: {  	v0 =	vimm.f32 $1.500000000e+01;
	vm0 =	vcmask $0x300  }
0x2: {  	vm14 =	vcmask $0x704;
	v0 =	vsel vm0, $0x0, v0  }
0x3: {  	vm15 =	vcmask $0xB08;
	v0 =	vsel vm14, $0x3F800000, v0  }
0x4: {  	vm4 =	vcmask $0xF0C;
	v0 =	vsel vm15, $0x40000000, v0  }
0x5: {  	s0 =	rddreg [dreg:$0x0];
	s3 =	simm.s32 $0x0;
	vm5 =	vcmask $0x1310;
	v0 =	vsel vm4, $0x40400000, v0  }
0x6: {  	vm6 =	vcmask $0x1714;
	[smem:$0x7FF] =	sst s3;
	v0 =	vsel vm5, $0x40800000, v0  }
0x7: {  	s2 =	rddreg [dreg:$0x2];
	v1 =	vimm.f32 $1.300000000e+01;
	vm7 =	vcmask $0x1B18;
	_ =	strace $0x80000047;
	v0 =	vsel vm6, $0x40A00000, v0  }
0x8: {  	vm8 =	vcmask $0x1F1C;
	(erf) = vrcp.f32 v1;
	v0 =	vsel vm7, $0x40C00000, v0  }
0x9: {  	vm9 =	vcmask $0x2320;
	v0 =	vsel vm8, $0x40E00000, v0  }
0xa: {  	s1 =	srdreg.scid;
	s5 =	stileid.u32;
	vm10 =	vcmask $0x2724;
	s8 =	simm.s32 $0x20;
	v0 =	vsel vm9, $0x41000000, v0  }
0xb: {  	vm11 =	vcmask $0x2B28;
	s12 =	simm.s32 $0xFA0;
	s13 =	simm.s32 $0x1408;
	s14 =	simm.s32 $0x38;
	v0 =	vsel vm10, $0x41100000, v0  }
0xc: {  	vm12 =	vcmask $0x2F2C;
	s15 =	simm.s32 $0x1468;
	s16 =	simm.s32 $0x3EA8;
	s6 =	sand.u32 $0x1, s1;
	v0 =	vsel vm11, $0x41200000, v0  }
0xd: {  	vm13 =	vcmask $0x3330;
	s17 =	simm.s32 $0x1;
	s18 =	simm.s32 $0x1388;
	s30 =	ssub.s32 $0x2, s6;
	v0 =	vsel vm12, $0x41300000, v0  }
0xe: {  	s4 =	sadd.s32 $0xA00, s0;
	s0 =	sadd.s32 $0x800, s0;
	s31 =	sshrl.u32 s30, $0x1;
	v0 =	vsel vm13, $0x41400000, v0  }
0xf: {  	s19 =	simm.s32 $0x2;
	[dreg:$0x4] =	wrdreg s0;
	vm14 =	vcmask $0x3734;
	s0 =	ssub.s32 s30, s31  }
0x10: {  	p0 =	slt.u32 s5, $0x4;
	s9 =	sshll.u32 s5, $0x1;
	vm15 =	vcmask $0x3B38;
	s0 =	smax.u32 s0, $0x1;
	v1 =	vsel vm14, $0x41500000, v0  }
0x11: {  	v2 =	vimm.f32 $0.0e+00;
	s5 =	simm.s32 $0x0;
	s8 =	simm.s32 @!p0 $0x1F;
	[dreg:$0x5] =	wrdreg s0;
	v1 =	vsel vm15, $0x41600000, v1;
	v0 =	vpop (erf)  }
.LBB2_1:
0x12: {  	[dreg:$0x6] =	wrdreg s5  }
0x13: {  	s0 =	rddreg [dreg:$0x4];
	s1 =	simm.s32 $0x4  }
0x14: {  	[tilespmem:s3], [sflag:$0x4] =	stream.linear.gather [hbm4b:s0+s3], $0xFA0, $0x38;
	[tilespmem:$0x18EA8] =	vst v63  }
0x15: {  	_ =	swait.ge [sflag:s1], $0xFA0  }
0x16: {  	[sflag:s1] =	ssyncset.done $0x0  }
0x17: {  	[sflag:s1] =	ssyncadd.s32 $0xFFFFF060  }
0x18: {  	s31 =	rddreg [dreg:$0x1]  }
0x19: {  	[tilespmem:s12], [sflag:$0x4] =	stream.linear.gather [hbm4b:s31+s3], $0x3E8, $0x38;
	[tilespmem:$0x18EA8] =	vst v63  }
0x1a: {  	_ =	swait.ge [sflag:s1], $0x3E8  }
0x1b: {  	[sflag:s1] =	ssyncset.done $0x0  }
0x1c: {  	s22 =	simm.s32 $0x0;
	[sflag:s1] =	ssyncadd.s32 $0xFFFFFC18  }
.LBB2_2:
0x1d: {  	s0 =	sshll.u32 s22, $0x5  }
0x1e: {  	s0 =	sor.u32 s0, s9  }
0x1f: {  	s23 =	sor.u32 s6, s0  }
0x20: {  	s0 =	sshll.u32 s23, $0x2  }
0x21: {  	v3 =	vmov s0;
	s1 =	sor.u32 $0x1, s0;
	s0 =	sor.u32 $0x2, s0  }
0x22: {  	v3 =	vbroadcast v3, $0x0;
	v5 =	vmov s0  }
0x23: {  	p0 =	slt.u32 s22, $0x2;
	v5 =	vbroadcast v5, $0x0  }
0x24: {  	s0 =	simm.s32 @!p0 $0x3  }
0x25: {  	s30 =	sshllo.u32 s23, $0x2;
	v4 =	vmov s1;
	_ =	swait.ge @!p0 [sflag:s0], $0x9300  }
0x26: {  	v6 =	vmov s30;
	v4 =	vbroadcast v4, $0x0;
	[sflag:s0] =	ssyncset.done @!p0 $0x0  }
0x27: {  	s24 =	simm.s32 $0x0;
	[sflag:s0] =	ssyncadd.s32 @!p0 $0xFFFF6D00  }
0x28: {  	v3 =	vld.idx.msk [tilespmem:v3+s24+$0x0], $0xffff  }
0x29: {  	v5 =	vld.idx.msk [tilespmem:v5+s24+$0x0], $0xffff;
	_ =	sdelay $0x1  }
0x2a: {  	v6 =	vld.idx.msk [tilespmem:v6+s24+$0x0], $0xffff  }
0x2b: {  	v4 =	vld.idx.msk [tilespmem:v4+s24+$0x0], $0xffff;
	_ =	sdelay $0x1  }
0x2c: {  	v5 =	vsub.f32 v5, v3;
	_ =	sdelay $0x1  }
0x2d: {  	v5 =	vmul.f32 $2.230000000e+02, v5  }
0x2e: {  	v6 =	vsub.f32 v6, v4  }
0x2f: {  	v5 =	vmul.f32 v5, v0  }
0x30: {  	v6 =	vmul.f32 $2.230000000e+02, v6  }
0x31: {  	v3 =	vmul.f32 $2.230000000e+02, v3;
	v5 =	vmul.f32 v1, v5  }
0x32: {  	v6 =	vmul.f32 v6, v0  }
0x33: {  	v5 =	vadd.f32 v5, v3  }
0x34: {  	v3 =	vmul.f32 $2.230000000e+02, v4;
	v4 =	vmul.f32 v1, v6;
	v6 =	vmov s23;
	_ =	sdelay $0x1  }
0x35: {  	v7 =	vadd.f32 v4, v3;
	v3 =	vtrunc.f32 v5  }
0x36: {  	v3 =	vcvt.f32.s32 v3  }
0x37: {  	vm13 =	vge.f32 v5, $0.0e+00;
	v4 =	vtrunc.f32 v7  }
0x38: {  	vm1 =	vle.f32 v5, $2.230000000e+02;
	vm0 =	vgt.s32 v3, $0x0;
	v4 =	vcvt.f32.s32 v4;
	v6 =	vld.idx.msk [tilespmem:v6+s12+$0x0], $0xffff  }
0x39: {  	v3 =	vnsel vm0, $0x0, v3;
	vm0 =	vmand vm13, vm1  }
0x3a: {  	v8 =	vmin.u32 v3, $0xDF;
	vm12 =	vgt.s32 v4, $0x0;
	v9 =	vmin.u32 v3, $0xDE  }
0x3b: {  	v63 =	vsel vm0, $0x3F800000, v2;
	v10 =	vcvt.s32.f32 v8;
	v11 =	vnsel vm12, $0x0, v4  }
0x3c: {  	v8 =	vmul.u32 $0xE0, v8;
	v9 =	vmul.u32 $0xE0, v9;
	v3 =	vmin.u32 v11, $0xDF  }
0x3d: {  	v5 =	vsub.f32 v5, v10;
	v4 =	vcvt.s32.f32 v3;
	v6 =	vmul.u32 $0xC400, v6  }
0x3e: {  	s31 =	sand.u32 $0x1, s22;
	vm14 =	vge.f32 v7, $0.0e+00;
	vm15 =	vle.f32 v7, $2.230000000e+02;
	[tilespmem:$0x1398] =	vst v63  }
0x3f: {  	p0 =	seq.s32 s31, $0x1;
	s0 =	simm.s32 $0x9300;
	v4 =	vsub.f32 v7, v4;
	[tilespmem:$0x1388] =	vst v5;
	v5 =	vadd.s32 v6, v8;
	v6 =	vadd.s32 v6, v9  }
0x40: {  	s0 =	simm.s32 @!p0 $0x0;
	vm0 =	vmand vm14, vm15;
	v7 =	vmin.u32 v11, $0xDE;
	[tilespmem:$0x1408] =	vst v5;
	v8 =	vadd.s32 $0xE0, v6  }
0x41: {  	s25 =	sor.u32 $0x68A8, s0;
	s7 =	sadd.s32 $0x6968, s0;
	s28 =	sadd.s32 $0x7328, s0;
	v5 =	vadd.s32 $0x1, v7;
	v6 =	vsel vm0, $0x3F800000, v2;
	[tilespmem:$0x1418] =	vst v8;
	v7 =	vsub.f32 $1.000000000e+00, v4  }
.LBB2_3:
0x42: {  	s29 =	sshll.u32 s24, $0x1  }
0x43: {  	p0 =	sne.s32 s24, $0x0;
	v10 =	vmov s29  }
0x44: {  	v8 =	vbroadcast @!p0 v10, $0x0;
	_ =	sdelay $0x2  }
0x45: {  	v9 =	vimm.s32 @!p0 $0x10;
	_ =	sdelay $0x1  }
0x46: {  	s0 =	simm.s32 @!p0 $0x1408  }
0x47: {  	v8 =	vld.idx.msk @!p0 [tilespmem:v8+s0+$0x0], $0xffff;
	_ =	sdelay $0x1  }
0x48: {  	v9 =	vld.idx.msk @!p0 [tilespmem:v9+s0+$0x0], $0xffff;
	_ =	sdelay $0x2  }
0x49: {  	s1 =	sor.u32 $0x1, s29;
	v11 =	vadd.s32 @!p0 v3, v8  }
0x4a: {  	[tilespmem:$0x1428] =	vst @!p0 v11;
	v11 =	vadd.s32 @!p0 v5, v8;
	v8 =	vmov s1  }
0x4b: {  	s5 =	sor.u32 $0x11, s29;
	[tilespmem:$0x1436] =	vst @!p0 v11;
	v11 =	vadd.s32 @!p0 v3, v9  }
0x4c: {  	[tilespmem:$0x1444] =	vst @!p0 v11;
	v11 =	vadd.s32 @!p0 v5, v9;
	v9 =	vmov s5  }
0x4d: {  	s0 =	simm.s32 @!p0 $0x38;
	s1 =	simm.s32 @!p0 $0x1428;
	s5 =	simm.s32 @!p0 $0x14A8;
	[tilespmem:$0x1452] =	vst @!p0 v11  }
0x4e: {  	[tilespmem:s5], [sflag:$0x1] =	stream.indirect.gather @!p0 [hbm4b:s4+s0], $0xC0, s1, s0, $0xb8;
	[tilespmem:$0x18EA8] =	vst v63  }
0x4f: {  	v11 =	vld.idx.msk [tilespmem:v8+s13+$0x0], $0xffff;
	_ =	sdelay $0x1  }
0x50: {  	v12 =	vld.idx.msk [tilespmem:v9+s13+$0x0], $0xffff;
	_ =	sdelay $0x2  }
0x51: {  	s10 =	sor.u32 $0x10, s29;
	v13 =	vadd.s32 v3, v11  }
0x52: {  	v11 =	vadd.s32 v5, v11;
	[tilespmem:$0x1468] =	vst v13;
	v13 =	vmov s10  }
0x53: {  	[tilespmem:$0x1476] =	vst v11;
	v11 =	vadd.s32 v3, v12;
	v13 =	vand.u32 $0xFFFFFFFE, v13  }
0x54: {  	v10 =	vpsel !p0, $0x0, v10;
	[tilespmem:$0x1484] =	vst v11;
	v11 =	vadd.s32 v5, v12;
	v12 =	vbroadcast v13, $0x0  }
0x55: {  	v10 =	vand.u32 $0xFFFFFFFE, v10;
	[tilespmem:$0x1492] =	vst v11  }
0x56: {  	v10 =	vbroadcast v10, $0x0;
	[tilespmem:s16], [sflag:$0x2] =	stream.indirect.gather [hbm4b:s4+s14], $0xC0, s15, s14, $0xb8;
	[tilespmem:$0x18EA8] =	vst v63  }
0x57: {  	_ =	swait.ge [sflag:s17], $0x2A00  }
0x58: {  	[sflag:s17] =	ssyncset.done $0x0  }
0x59: {  	[sflag:s17] =	ssyncadd.s32 $0xFFFFD600  }
0x5a: {  	v11 =	vld.idx.msk [tilespmem:v12+s18+$0x0], $0xffff;
	_ =	sdelay $0x1  }
0x5b: {  	v10 =	vld.idx.msk [tilespmem:v10+s18+$0x0], $0xffff;
	_ =	sdelay $0x2  }
0x5c: {  	v11 =	vmul.f32 v11, v6;
	_ =	sdelay $0x1  }
0x5d: {  	v10 =	vmul.f32 v11, v10;
	_ =	sdelay $0x1  }
0x5e: {  	v11 =	vsub.f32 v11, v10  }
0x5f: {  	s11 =	simm.s32 $0x40  }
0x60: {  	s20 =	simm.s32 $0x50;
	v13 =	vmov s11;
	v12 =	vmul.f32 v11, v7  }
0x61: {  	v14 =	vmov s20;
	v13 =	vand.u32 $0xFFFFFFFE, v13;
	v11 =	vmul.f32 v11, v4  }
0x62: {  	s21 =	simm.s32 $0x60;
	v14 =	vand.u32 $0xFFFFFFFE, v14;
	v13 =	vbroadcast v13, $0x0;
	[tilespmem:$0x13C8] =	vst v12;
	v12 =	vmul.f32 v10, v7  }
0x63: {  	s26 =	simm.s32 $0x70;
	[tilespmem:$0x13D8] =	vst v11;
	v10 =	vmul.f32 v10, v4;
	v11 =	vbroadcast v14, $0x0;
	v14 =	vmov s21  }
0x64: {  	v14 =	vand.u32 $0xFFFFFFFE, v14;
	[tilespmem:$0x13E8] =	vst v12;
	v12 =	vmov s26  }
0x65: {  	s30 =	simm.s32 $0x29A8;
	[tilespmem:$0x13F8] =	vst v10;
	v10 =	vand.u32 $0xFFFFFFFE, v12;
	v12 =	vbroadcast v14, $0x0  }
0x66: {  	v14 =	vld [tilespmem:s30+$0xFFFFEB00]  }
0x67: {  	v15 =	vld [tilespmem:s30+$0xFFFFF580];
	v10 =	vbroadcast v10, $0x0  }
0x68: {  	v32 =	vld.idx.msk [tilespmem:v13+s18+$0x0], $0xffff  }
0x69: {  	v33 =	vld.idx.msk [tilespmem:v11+s18+$0x0], $0xffff  }
0x6a: {  	s5 =	simm.s32 $0x71;
	v11 =	vld [tilespmem:s30+$0x0]  }
0x6b: {  	s10 =	simm.s32 $0x61;
	v13 =	vmov s5;
	v31 =	vld.idx.msk [tilespmem:v12+s18+$0x0], $0xffff  }
0x6c: {  	s11 =	simm.s32 $0x41;
	v17 =	vld [tilespmem:s30+$0xA80];
	v12 =	vmov s10  }
0x6d: {  	v16 =	vmov s11;
	v30 =	vld.idx.msk [tilespmem:v10+s18+$0x0], $0xffff  }
0x6e: {  	s20 =	simm.s32 $0x51;
	v14 =	vmul.f32 v14, v32;
	v15 =	vmul.f32 v15, v33  }
0x6f: {  	v18 =	vmov s20  }
0x70: {  	v10 =	vld.idx.msk [tilespmem:v13+s18+$0x0], $0xffff;
	v13 =	vadd.f32 v15, v14;
	v14 =	vmul.f32 v11, v31  }
0x71: {  	v11 =	vld.idx.msk [tilespmem:v12+s18+$0x0], $0xffff  }
0x72: {  	v12 =	vld.idx.msk [tilespmem:v16+s18+$0x0], $0xffff;
	v15 =	vmul.f32 v17, v30;
	v14 =	vadd.f32 v14, v13  }
0x73: {  	v16 =	vld [tilespmem:s30+$0xFFFFEBC0]  }
0x74: {  	v13 =	vld.idx.msk [tilespmem:v18+s18+$0x0], $0xffff;
	v14 =	vadd.f32 v15, v14  }
0x75: {  	v15 =	vld [tilespmem:s30+$0xFFFFF640]  }
0x76: {  	v17 =	vld [tilespmem:s30+$0xC0];
	[tilespmem:s7+$0xFFFFFF40] =	vst v14  }
0x77: {  	v14 =	vld [tilespmem:s30+$0xFFFFEB10]  }
0x78: {  	v18 =	vld [tilespmem:s30+$0xFFFFF590]  }
0x79: {  	v19 =	vld [tilespmem:s30+$0xB40]  }
0x7a: {  	v16 =	vmul.f32 v16, v12;
	v20 =	vld [tilespmem:s30+$0x10];
	v15 =	vmul.f32 v15, v13;
	_ =	sdelay $0x1  }
0x7b: {  	v17 =	vmul.f32 v17, v11;
	v15 =	vadd.f32 v15, v16;
	v16 =	vld [tilespmem:s30+$0xA90]  }
0x7c: {  	v14 =	vmul.f32 v14, v32;
	v18 =	vmul.f32 v18, v33  }
0x7d: {  	v19 =	vmul.f32 v19, v10;
	v15 =	vadd.f32 v17, v15  }
0x7e: {  	v17 =	vmul.f32 v20, v31;
	v14 =	vadd.f32 v18, v14  }
0x7f: {  	v15 =	vadd.f32 v19, v15  }
0x80: {  	v14 =	vadd.f32 v17, v14;
	v16 =	vmul.f32 v16, v30  }
0x81: {  	[tilespmem:s7+$0x0] =	vst v15  }
0x82: {  	v15 =	vld [tilespmem:s30+$0xFFFFEBD0];
	v14 =	vadd.f32 v16, v14  }
0x83: {  	v16 =	vld [tilespmem:s30+$0xFFFFF650]  }
0x84: {  	v17 =	vld [tilespmem:s30+$0xD0];
	[tilespmem:s7+$0xFFFFFF50] =	vst v14  }
0x85: {  	v14 =	vld [tilespmem:s30+$0xFFFFEB20]  }
0x86: {  	v18 =	vld [tilespmem:s30+$0xFFFFF5A0]  }
0x87: {  	v19 =	vld [tilespmem:s30+$0xB50]  }
0x88: {  	v20 =	vld [tilespmem:s30+$0x20];
	v15 =	vmul.f32 v15, v12;
	v16 =	vmul.f32 v16, v13;
	_ =	sdelay $0x1  }
0x89: {  	v17 =	vmul.f32 v17, v11;
	v15 =	vadd.f32 v16, v15;
	v16 =	vld [tilespmem:s30+$0xAA0]  }
0x8a: {  	v14 =	vmul.f32 v14, v32;
	v18 =	vmul.f32 v18, v33  }
0x8b: {  	v19 =	vmul.f32 v19, v10;
	v15 =	vadd.f32 v17, v15  }
0x8c: {  	v17 =	vmul.f32 v20, v31;
	v14 =	vadd.f32 v18, v14  }
0x8d: {  	v15 =	vadd.f32 v19, v15  }
0x8e: {  	v14 =	vadd.f32 v17, v14;
	v16 =	vmul.f32 v16, v30  }
0x8f: {  	[tilespmem:s7+$0x10] =	vst v15  }
0x90: {  	v15 =	vld [tilespmem:s30+$0xFFFFEBE0];
	v14 =	vadd.f32 v16, v14  }
0x91: {  	v16 =	vld [tilespmem:s30+$0xFFFFF660]  }
0x92: {  	v17 =	vld [tilespmem:s30+$0xE0];
	[tilespmem:s7+$0xFFFFFF60] =	vst v14  }
0x93: {  	v14 =	vld [tilespmem:s30+$0xFFFFEB30]  }
0x94: {  	v18 =	vld [tilespmem:s30+$0xFFFFF5B0]  }
0x95: {  	v19 =	vld [tilespmem:s30+$0xB60]  }
0x96: {  	v20 =	vld [tilespmem:s30+$0x30]  }
0x97: {  	v15 =	vmul.f32 v15, v12;
	v16 =	vmul.f32 v16, v13  }
0x98: {  	v21 =	vld [tilespmem:s30+$0xAB0];
	v17 =	vmul.f32 v17, v11  }
0x99: {  	v15 =	vadd.f32 v16, v15;
	v14 =	vmul.f32 v14, v32;
	v16 =	vmul.f32 v18, v33  }
0x9a: {  	v18 =	vmul.f32 v19, v10  }
0x9b: {  	v15 =	vadd.f32 v17, v15;
	v17 =	vmul.f32 v20, v31;
	v14 =	vadd.f32 v16, v14;
	_ =	sdelay $0x1  }
0x9c: {  	v16 =	vmul.f32 v21, v30;
	v15 =	vadd.f32 v18, v15;
	v14 =	vadd.f32 v17, v14;
	_ =	sdelay $0x1  }
0x9d: {  	[tilespmem:s7+$0x20] =	vst v15;
	v14 =	vadd.f32 v16, v14  }
0x9e: {  	v15 =	vld [tilespmem:s30+$0xFFFFEBF0]  }
0x9f: {  	v16 =	vld [tilespmem:s30+$0xFFFFF670];
	[tilespmem:s7+$0xFFFFFF70] =	vst v14  }
0xa0: {  	v14 =	vld [tilespmem:s30+$0xFFFFEB40]  }
0xa1: {  	v17 =	vld [tilespmem:s30+$0xFFFFF5C0];
	_ =	sdelay $0x1  }
0xa2: {  	v19 =	vld [tilespmem:s30+$0x40]  }
0xa3: {  	v18 =	vld [tilespmem:s30+$0xF0]  }
0xa4: {  	v21 =	vld [tilespmem:s30+$0xAC0];
	v15 =	vmul.f32 v15, v12;
	v16 =	vmul.f32 v16, v13  }
0xa5: {  	v14 =	vmul.f32 v14, v32;
	v17 =	vmul.f32 v17, v33  }
0xa6: {  	v20 =	vld [tilespmem:s30+$0xB70]  }
0xa7: {  	v15 =	vadd.f32 v16, v15;
	v16 =	vmul.f32 v19, v31;
	v14 =	vadd.f32 v17, v14;
	_ =	sdelay $0x1  }
0xa8: {  	v18 =	vmul.f32 v18, v11;
	v14 =	vadd.f32 v16, v14;
	v16 =	vmul.f32 v21, v30;
	_ =	sdelay $0x1  }
0xa9: {  	v15 =	vadd.f32 v18, v15;
	v17 =	vmul.f32 v20, v10;
	v14 =	vadd.f32 v16, v14;
	_ =	sdelay $0x1  }
0xaa: {  	v15 =	vadd.f32 v17, v15;
	[tilespmem:s7+$0xFFFFFF80] =	vst v14  }
0xab: {  	v14 =	vld [tilespmem:s30+$0xFFFFEB50]  }
0xac: {  	[tilespmem:s7+$0x30] =	vst v15;
	v16 =	vld [tilespmem:s30+$0xFFFFF5D0]  }
0xad: {  	v15 =	vld [tilespmem:s30+$0xFFFFEC00]  }
0xae: {  	v18 =	vld [tilespmem:s30+$0x50]  }
0xaf: {  	v17 =	vld [tilespmem:s30+$0xFFFFF680]  }
0xb0: {  	v20 =	vld [tilespmem:s30+$0xAD0]  }
0xb1: {  	v19 =	vld [tilespmem:s30+$0x100];
	v14 =	vmul.f32 v14, v32;
	v16 =	vmul.f32 v16, v33;
	_ =	sdelay $0x1  }
0xb2: {  	v14 =	vadd.f32 v16, v14;
	v16 =	vmul.f32 v18, v31  }
0xb3: {  	v21 =	vld [tilespmem:s30+$0xB80];
	v15 =	vmul.f32 v15, v12  }
0xb4: {  	v17 =	vmul.f32 v17, v13;
	v14 =	vadd.f32 v16, v14;
	v16 =	vmul.f32 v20, v30  }
0xb5: {  	s21 =	simm.s32 $0x73;
	v19 =	vmul.f32 v19, v11  }
0xb6: {  	v15 =	vadd.f32 v17, v15;
	v18 =	vmov s21;
	v16 =	vadd.f32 v16, v14  }
0xb7: {  	s31 =	simm.s32 $0x2B28  }
0xb8: {  	v28 =	vld [tilespmem:s31+$0x0];
	v17 =	vmul.f32 v21, v10;
	v15 =	vadd.f32 v19, v15;
	[tilespmem:s7+$0xFFFFFF90] =	vst v16  }
0xb9: {  	v16 =	vld [tilespmem:s30+$0xFFFFEB60]  }
0xba: {  	s10 =	simm.s32 $0x52;
	v15 =	vadd.f32 v17, v15;
	v17 =	vld [tilespmem:s30+$0xFFFFF5E0]  }
0xbb: {  	s1 =	simm.s32 $0x53;
	s5 =	simm.s32 $0x42;
	v20 =	vmov s10;
	v14 =	vld.idx.msk [tilespmem:v18+s18+$0x0], $0xffff  }
0xbc: {  	s11 =	simm.s32 $0x72;
	v19 =	vmov s5;
	v20 =	vand.u32 $0xFFFFFFFE, v20;
	v18 =	vmov s1;
	v21 =	vld [tilespmem:s30+$0x60]  }
0xbd: {  	v24 =	vmov s11;
	v29 =	vld [tilespmem:s31+$0xFFFFF580];
	v19 =	vand.u32 $0xFFFFFFFE, v19;
	v25 =	vbroadcast v20, $0x0  }
0xbe: {  	s20 =	simm.s32 $0x62;
	v24 =	vand.u32 $0xFFFFFFFE, v24;
	v19 =	vbroadcast v19, $0x0;
	v26 =	vld [tilespmem:s30+$0xAE0]  }
0xbf: {  	v35 =	vld [tilespmem:s31+$0xFFFFEBC0];
	v20 =	vmov s20;
	v27 =	vmul.f32 v16, v32;
	v17 =	vmul.f32 v17, v33  }
0xc0: {  	v24 =	vbroadcast v24, $0x0;
	v36 =	vld [tilespmem:s31+$0xFFFFF640];
	v20 =	vand.u32 $0xFFFFFFFE, v20  }
0xc1: {  	[tilespmem:s7+$0x40] =	vst v15;
	v16 =	vld.idx.msk [tilespmem:v18+s18+$0x0], $0xffff;
	v18 =	vbroadcast v20, $0x0;
	v20 =	vmul.f32 v21, v31;
	v17 =	vadd.f32 v17, v27  }
0xc2: {  	v22 =	vld [tilespmem:s30+$0xFFFFEC10]  }
0xc3: {  	v26 =	vmul.f32 v26, v30;
	v21 =	vld.idx.msk [tilespmem:v25+s18+$0x0], $0xffff;
	v17 =	vadd.f32 v20, v17  }
0xc4: {  	v27 =	vld [tilespmem:s31+$0xFFFFEB00]  }
0xc5: {  	v20 =	vld.idx.msk [tilespmem:v19+s18+$0x0], $0xffff;
	v25 =	vadd.f32 v26, v17  }
0xc6: {  	v17 =	vld.idx.msk [tilespmem:v24+s18+$0x0], $0xffff  }
0xc7: {  	v19 =	vld.idx.msk [tilespmem:v18+s18+$0x0], $0xffff;
	[tilespmem:s7+$0xFFFFFFA0] =	vst v25  }
0xc8: {  	s26 =	simm.s32 $0x43;
	v18 =	vld [tilespmem:s30+$0xFFFFEB70]  }
0xc9: {  	s21 =	simm.s32 $0x63;
	v15 =	vmov s26;
	v24 =	vld [tilespmem:s30+$0xFFFFF5F0]  }
0xca: {  	v26 =	vld [tilespmem:s31+$0xA80];
	v25 =	vmov s21  }
0xcb: {  	v29 =	vmul.f32 v29, v21;
	v27 =	vmul.f32 v27, v20;
	v34 =	vld [tilespmem:s30+$0x70]  }
0xcc: {  	v23 =	vld [tilespmem:s30+$0xFFFFF690]  }
0xcd: {  	v27 =	vadd.f32 v29, v27;
	v28 =	vmul.f32 v28, v19;
	v29 =	vld [tilespmem:s30+$0xAF0]  }
0xce: {  	v15 =	vld.idx.msk [tilespmem:v15+s18+$0x0], $0xffff;
	v37 =	vmul.f32 v18, v32;
	v24 =	vmul.f32 v24, v33  }
0xcf: {  	v26 =	vmul.f32 v26, v17;
	v18 =	vld.idx.msk [tilespmem:v25+s18+$0x0], $0xffff;
	v25 =	vadd.f32 v28, v27  }
0xd0: {  	v27 =	vld [tilespmem:s31+$0xC0];
	v28 =	vmul.f32 v34, v31;
	v24 =	vadd.f32 v24, v37  }
0xd1: {  	v41 =	vld [tilespmem:s30+$0x110];
	v25 =	vadd.f32 v26, v25  }
0xd2: {  	s0 =	sadd.s32 $0x180, s7;
	v26 =	vld [tilespmem:s31+$0xB40];
	v24 =	vadd.f32 v28, v24;
	v28 =	vmul.f32 v29, v30  }
0xd3: {  	v35 =	vmul.f32 v35, v15;
	v29 =	vld [tilespmem:s30+$0xB90];
	[tilespmem:s0+$0xFFFFFF40] =	vst v25;
	v25 =	vmul.f32 v36, v16  }
0xd4: {  	v22 =	vmul.f32 v22, v12;
	v23 =	vmul.f32 v23, v13;
	v42 =	vld [tilespmem:s31+$0xFFFFEB10];
	v24 =	vadd.f32 v28, v24  }
0xd5: {  	v27 =	vmul.f32 v27, v18;
	v28 =	vld [tilespmem:s31+$0xFFFFF590];
	v25 =	vadd.f32 v25, v35  }
0xd6: {  	v22 =	vadd.f32 v23, v22;
	v43 =	vld [tilespmem:s31+$0x10];
	[tilespmem:s7+$0xFFFFFFB0] =	vst v24  }
0xd7: {  	v34 =	vmul.f32 v41, v11;
	v23 =	vmul.f32 v26, v14;
	v24 =	vadd.f32 v27, v25;
	v25 =	vld [tilespmem:s30+$0xFFFFEB80]  }
0xd8: {  	v26 =	vld [tilespmem:s30+$0xFFFFF600]  }
0xd9: {  	v22 =	vadd.f32 v34, v22;
	v27 =	vmul.f32 v29, v10;
	v29 =	vld [tilespmem:s31+$0xA90];
	v23 =	vadd.f32 v23, v24  }
0xda: {  	v44 =	vld [tilespmem:s30+$0x80];
	v24 =	vmul.f32 v42, v20;
	v28 =	vmul.f32 v28, v21  }
0xdb: {  	v22 =	vadd.f32 v27, v22;
	[tilespmem:s0+$0x0] =	vst v23;
	v23 =	vld [tilespmem:s30+$0xB00]  }
0xdc: {  	v27 =	vmul.f32 v43, v19;
	v24 =	vadd.f32 v28, v24;
	v28 =	vld [tilespmem:s31+$0xFFFFEBD0]  }
0xdd: {  	[tilespmem:s7+$0x50] =	vst v22;
	v22 =	vmul.f32 v25, v32;
	v25 =	vld [tilespmem:s31+$0xFFFFF650]  }
0xde: {  	v45 =	vld [tilespmem:s30+$0xFFFFEC20];
	v26 =	vmul.f32 v26, v33;
	v24 =	vadd.f32 v27, v24;
	v27 =	vmul.f32 v29, v17  }
0xdf: {  	v29 =	vld [tilespmem:s31+$0xD0]  }
0xe0: {  	v46 =	vld [tilespmem:s30+$0xFFFFF6A0];
	v22 =	vadd.f32 v26, v22;
	v26 =	vmul.f32 v44, v31;
	v24 =	vadd.f32 v27, v24  }
0xe1: {  	v27 =	vld [tilespmem:s31+$0xB50];
	v23 =	vmul.f32 v23, v30  }
0xe2: {  	v47 =	vld [tilespmem:s30+$0x120];
	v22 =	vadd.f32 v26, v22;
	[tilespmem:s0+$0xFFFFFF50] =	vst v24;
	v24 =	vmul.f32 v28, v15;
	v25 =	vmul.f32 v25, v16  }
0xe3: {  	v26 =	vld [tilespmem:s31+$0xFFFFEB20]  }
0xe4: {  	v22 =	vadd.f32 v23, v22;
	v23 =	vld [tilespmem:s31+$0xFFFFF5A0];
	v28 =	vmul.f32 v29, v18;
	v24 =	vadd.f32 v25, v24  }
0xe5: {  	v29 =	vld [tilespmem:s31+$0x20]  }
0xe6: {  	v25 =	vld [tilespmem:s30+$0xBA0];
	v27 =	vmul.f32 v27, v14;
	[tilespmem:s7+$0xFFFFFFC0] =	vst v22;
	v22 =	vadd.f32 v28, v24  }
0xe7: {  	v24 =	vld [tilespmem:s30+$0xFFFFEB90]  }
0xe8: {  	v28 =	vld [tilespmem:s31+$0xAA0];
	v22 =	vadd.f32 v27, v22  }
0xe9: {  	v27 =	vld [tilespmem:s30+$0xFFFFF610];
	v26 =	vmul.f32 v26, v20;
	v23 =	vmul.f32 v23, v21  }
0xea: {  	v35 =	vmul.f32 v45, v12;
	v48 =	vld [tilespmem:s30+$0x90];
	[tilespmem:s0+$0x10] =	vst v22  }
0xeb: {  	v22 =	vmul.f32 v46, v13;
	v23 =	vadd.f32 v23, v26;
	v26 =	vmul.f32 v29, v19;
	v29 =	vld [tilespmem:s31+$0xFFFFEBE0]  }
0xec: {  	v34 =	vmul.f32 v47, v11;
	v49 =	vld [tilespmem:s31+$0xFFFFF660]  }
0xed: {  	v50 =	vld [tilespmem:s30+$0xB10];
	v22 =	vadd.f32 v22, v35;
	v23 =	vadd.f32 v26, v23;
	v26 =	vmul.f32 v28, v17  }
0xee: {  	v24 =	vmul.f32 v24, v32;
	v28 =	vld [tilespmem:s31+$0xE0];
	v27 =	vmul.f32 v27, v33  }
0xef: {  	v25 =	vmul.f32 v25, v10;
	v22 =	vadd.f32 v34, v22;
	v23 =	vadd.f32 v26, v23  }
0xf0: {  	v26 =	vmul.f32 v48, v31;
	v24 =	vadd.f32 v27, v24;
	v27 =	vld [tilespmem:s31+$0xB60]  }
0xf1: {  	v22 =	vadd.f32 v25, v22;
	[tilespmem:s0+$0xFFFFFF60] =	vst v23;
	v23 =	vmul.f32 v29, v15;
	v25 =	vmul.f32 v49, v16  }
0xf2: {  	v24 =	vadd.f32 v26, v24;
	v26 =	vld [tilespmem:s31+$0xFFFFEB30]  }
0xf3: {  	v28 =	vmul.f32 v28, v18;
	v29 =	vld [tilespmem:s31+$0xFFFFF5B0];
	[tilespmem:s7+$0x60] =	vst v22;
	v22 =	vmul.f32 v50, v30;
	v23 =	vadd.f32 v25, v23  }
0xf4: {  	v51 =	vld [tilespmem:s31+$0x30]  }
0xf5: {  	v25 =	vld [tilespmem:s30+$0xFFFFEC30];
	v22 =	vadd.f32 v22, v24;
	v24 =	vmul.f32 v27, v14;
	v23 =	vadd.f32 v28, v23  }
0xf6: {  	v27 =	vld [tilespmem:s30+$0xFFFFF6B0]  }
0xf7: {  	[tilespmem:s7+$0xFFFFFFD0] =	vst v22;
	v22 =	vld [tilespmem:s31+$0xAB0];
	v23 =	vadd.f32 v24, v23  }
0xf8: {  	v26 =	vmul.f32 v26, v20;
	v28 =	vmul.f32 v29, v21;
	v24 =	vld [tilespmem:s30+$0xFFFFEBA0]  }
0xf9: {  	v29 =	vld [tilespmem:s30+$0xFFFFF620];
	[tilespmem:s0+$0x20] =	vst v23  }
0xfa: {  	v23 =	vmul.f32 v51, v19;
	v26 =	vadd.f32 v28, v26;
	v28 =	vld [tilespmem:s31+$0xFFFFEBF0]  }
0xfb: {  	v52 =	vld [tilespmem:s31+$0xFFFFF670]  }
0xfc: {  	v53 =	vld [tilespmem:s30+$0xA0];
	v23 =	vadd.f32 v23, v26;
	v22 =	vmul.f32 v22, v17  }
0xfd: {  	v26 =	vld [tilespmem:s31+$0xF0]  }
0xfe: {  	v54 =	vld [tilespmem:s30+$0xB20];
	v22 =	vadd.f32 v22, v23  }
0xff: {  	v23 =	vmul.f32 v24, v32;
	v24 =	vmul.f32 v29, v33;
	v29 =	vld [tilespmem:s31+$0xB70]  }
0x100: {  	v55 =	vld [tilespmem:s30+$0x130];
	v28 =	vmul.f32 v28, v15;
	[tilespmem:s0+$0xFFFFFF70] =	vst v22;
	v22 =	vmul.f32 v52, v16  }
0x101: {  	s26 =	simm.s32 $0x75;
	v23 =	vadd.f32 v24, v23;
	v24 =	vmul.f32 v53, v31;
	v56 =	vld [tilespmem:s31+$0xFFFFEB40]  }
0x102: {  	v57 =	vmov s26;
	v26 =	vmul.f32 v26, v18;
	v38 =	vld [tilespmem:s31+$0xFFFFF5C0];
	v22 =	vadd.f32 v22, v28  }
0x103: {  	v25 =	vmul.f32 v25, v12;
	v28 =	vld [tilespmem:s30+$0xBB0];
	v23 =	vadd.f32 v24, v23;
	v24 =	vmul.f32 v54, v30  }
0x104: {  	v27 =	vmul.f32 v27, v13;
	v29 =	vmul.f32 v29, v14;
	v22 =	vadd.f32 v26, v22;
	v26 =	vld [tilespmem:s31+$0x40]  }
0x105: {  	v23 =	vadd.f32 v24, v23  }
0x106: {  	v25 =	vadd.f32 v27, v25;
	v24 =	vmul.f32 v55, v11;
	v27 =	vadd.f32 v29, v22;
	v29 =	vld [tilespmem:s31+$0xAC0]  }
0x107: {  	v22 =	vld.idx.msk [tilespmem:v57+s18+$0x0], $0xffff;
	[tilespmem:s7+$0xFFFFFFE0] =	vst v23;
	v23 =	vmul.f32 v56, v20;
	v58 =	vmul.f32 v38, v21  }
0x108: {  	v24 =	vadd.f32 v24, v25;
	v25 =	vmul.f32 v28, v10;
	v34 =	vld [tilespmem:s30+$0xFFFFEBB0];
	[tilespmem:s0+$0x30] =	vst v27  }
0x109: {  	v23 =	vadd.f32 v58, v23;
	v27 =	vld [tilespmem:s31+$0xFFFFEC00];
	v26 =	vmul.f32 v26, v19  }
0x10a: {  	v24 =	vadd.f32 v25, v24;
	v25 =	vld [tilespmem:s31+$0xFFFFF680]  }
0x10b: {  	v28 =	vld [tilespmem:s31+$0x100];
	v23 =	vadd.f32 v26, v23;
	v26 =	vmul.f32 v29, v17  }
0x10c: {  	[tilespmem:s7+$0x70] =	vst v24;
	v24 =	vld [tilespmem:s31+$0xB80]  }
0x10d: {  	v29 =	vld [tilespmem:s30+$0xFFFFEC40];
	v23 =	vadd.f32 v26, v23  }
0x10e: {  	v26 =	vld [tilespmem:s30+$0xFFFFF6C0]  }
0x10f: {  	v59 =	vld [tilespmem:s30+$0x140];
	v27 =	vmul.f32 v27, v15;
	v25 =	vmul.f32 v25, v16;
	[tilespmem:s0+$0xFFFFFF80] =	vst v23  }
0x110: {  	v23 =	vld [tilespmem:s31+$0xFFFFEB50]  }
0x111: {  	v28 =	vmul.f32 v28, v18;
	v25 =	vadd.f32 v25, v27;
	v27 =	vld [tilespmem:s31+$0xFFFFF5D0]  }
0x112: {  	v60 =	vld [tilespmem:s30+$0xBC0];
	v24 =	vmul.f32 v24, v14  }
0x113: {  	v29 =	vmul.f32 v29, v12;
	v25 =	vadd.f32 v28, v25;
	v26 =	vmul.f32 v26, v13;
	v28 =	vld [tilespmem:s31+$0x50]  }
0x114: {  	v37 =	vld [tilespmem:s30+$0xFFFFF630]  }
0x115: {  	v39 =	vmul.f32 v59, v11;
	v24 =	vadd.f32 v24, v25;
	v25 =	vadd.f32 v26, v29;
	v26 =	vld [tilespmem:s31+$0xAD0]  }
0x116: {  	v36 =	vld [tilespmem:s30+$0xB0];
	v23 =	vmul.f32 v23, v20;
	v27 =	vmul.f32 v27, v21  }
0x117: {  	v35 =	vld [tilespmem:s30+$0xB30];
	v29 =	vmul.f32 v60, v10;
	[tilespmem:s0+$0x40] =	vst v24;
	v24 =	vadd.f32 v39, v25  }
0x118: {  	v61 =	vld [tilespmem:s31+$0xFFFFEC10];
	v23 =	vadd.f32 v27, v23;
	v25 =	vmul.f32 v28, v19  }
0x119: {  	v62 =	vld [tilespmem:s31+$0xFFFFF690];
	v24 =	vadd.f32 v29, v24  }
0x11a: {  	v40 =	vld [tilespmem:s31+$0x110];
	v23 =	vadd.f32 v25, v23;
	v25 =	vmul.f32 v26, v17  }
0x11b: {  	v41 =	vld [tilespmem:s31+$0xB90];
	[tilespmem:s7+$0x80] =	vst v24  }
0x11c: {  	v42 =	vld [tilespmem:s30+$0xFFFFEC50];
	v23 =	vadd.f32 v25, v23  }
0x11d: {  	v43 =	vld [tilespmem:s30+$0xFFFFF6D0]  }
0x11e: {  	s5 =	simm.s32 $0x65;
	v44 =	vld [tilespmem:s30+$0x150];
	[tilespmem:s0+$0xFFFFFF90] =	vst v23  }
0x11f: {  	s10 =	simm.s32 $0x45;
	v24 =	vmov s5;
	v25 =	vld [tilespmem:s31+$0xFFFFEB60]  }
0x120: {  	v26 =	vmov s10;
	v27 =	vld [tilespmem:s31+$0xFFFFF5E0]  }
0x121: {  	s10 =	simm.s32 $0x54;
	v45 =	vld [tilespmem:s30+$0xBD0]  }
0x122: {  	s20 =	simm.s32 $0x44;
	v29 =	vmov s10;
	v46 =	vld [tilespmem:s31+$0x60]  }
0x123: {  	v29 =	vand.u32 $0xFFFFFFFE, v29;
	v23 =	vmov s20;
	v50 =	vld [tilespmem:s31+$0xAE0]  }
0x124: {  	s26 =	simm.s32 $0x64;
	v29 =	vbroadcast v29, $0x0;
	v47 =	vand.u32 $0xFFFFFFFE, v23;
	v23 =	vld.idx.msk [tilespmem:v24+s18+$0x0], $0xffff  }
0x125: {  	s11 =	simm.s32 $0x55;
	v49 =	vmov s26;
	s5 =	simm.s32 $0x2CA8;
	v24 =	vld.idx.msk [tilespmem:v26+s18+$0x0], $0xffff;
	v26 =	vmul.f32 v25, v20;
	v27 =	vmul.f32 v27, v21  }
0x126: {  	v49 =	vand.u32 $0xFFFFFFFE, v49;
	v28 =	vmov s11;
	v51 =	vld [tilespmem:s5+$0x0];
	v47 =	vbroadcast v47, $0x0  }
0x127: {  	s21 =	simm.s32 $0x74;
	v49 =	vbroadcast v49, $0x0;
	v63 =	vld [tilespmem:s5+$0xFFFFEB00];
	v26 =	vadd.f32 v27, v26;
	v27 =	vmul.f32 v46, v19  }
0x128: {  	v48 =	vmov s21;
	v52 =	vld [tilespmem:s5+$0xFFFFF580]  }
0x129: {  	v48 =	vand.u32 $0xFFFFFFFE, v48;
	v56 =	vld [tilespmem:s5+$0xA80];
	v26 =	vadd.f32 v27, v26;
	v27 =	vmul.f32 v50, v17  }
0x12a: {  	v48 =	vbroadcast v48, $0x0;
	v29 =	vld.idx.msk [tilespmem:v29+s18+$0x0], $0xffff  }
0x12b: {  	v25 =	vld.idx.msk [tilespmem:v28+s18+$0x0], $0xffff;
	v54 =	vadd.f32 v27, v26  }
0x12c: {  	v38 =	vmul.f32 v61, v15;
	v39 =	vmul.f32 v62, v16;
	v28 =	vld.idx.msk [tilespmem:v47+s18+$0x0], $0xffff  }
0x12d: {  	v27 =	vld.idx.msk [tilespmem:v49+s18+$0x0], $0xffff;
	[tilespmem:s0+$0xFFFFFFA0] =	vst v54  }
0x12e: {  	v40 =	vmul.f32 v40, v18;
	v38 =	vadd.f32 v39, v38;
	v47 =	vld [tilespmem:s31+$0xFFFFEB70]  }
0x12f: {  	v41 =	vmul.f32 v41, v14;
	v55 =	vld [tilespmem:s31+$0xFFFFF5F0]  }
0x130: {  	v38 =	vadd.f32 v40, v38;
	v42 =	vmul.f32 v42, v12;
	v43 =	vmul.f32 v43, v13;
	v26 =	vld.idx.msk [tilespmem:v48+s18+$0x0], $0xffff  }
0x131: {  	v57 =	vmul.f32 v52, v29;
	v46 =	vmul.f32 v63, v28;
	v58 =	vld [tilespmem:s31+$0x70]  }
0x132: {  	v59 =	vld [tilespmem:s5+$0xFFFFEBC0];
	v44 =	vmul.f32 v44, v11;
	v38 =	vadd.f32 v41, v38  }
0x133: {  	v42 =	vadd.f32 v43, v42;
	v46 =	vadd.f32 v57, v46;
	v61 =	vld [tilespmem:s31+$0xAF0];
	v60 =	vmul.f32 v51, v27  }
0x134: {  	v62 =	vld [tilespmem:s5+$0xFFFFF640];
	[tilespmem:s0+$0x50] =	vst v38;
	v47 =	vmul.f32 v47, v20;
	v48 =	vmul.f32 v55, v21  }
0x135: {  	v42 =	vadd.f32 v44, v42;
	v44 =	vld [tilespmem:s31+$0xBA0];
	v39 =	vmul.f32 v56, v26;
	v46 =	vadd.f32 v60, v46  }
0x136: {  	v50 =	vld [tilespmem:s31+$0xFFFFF6A0];
	v55 =	vmul.f32 v58, v19;
	v47 =	vadd.f32 v48, v47  }
0x137: {  	v63 =	vld [tilespmem:s5+$0xC0];
	v39 =	vadd.f32 v39, v46  }
0x138: {  	s1 =	sadd.s32 $0x180, s0;
	v54 =	vld [tilespmem:s5+$0xB40];
	v56 =	vmul.f32 v61, v17;
	v47 =	vadd.f32 v55, v47  }
0x139: {  	v46 =	vld [tilespmem:s31+$0xFFFFEC20];
	[tilespmem:s1+$0xFFFFFF40] =	vst v39  }
0x13a: {  	v40 =	vmul.f32 v59, v24;
	v41 =	vmul.f32 v62, v25;
	v57 =	vld [tilespmem:s5+$0xFFFFEB10];
	v47 =	vadd.f32 v56, v47  }
0x13b: {  	v58 =	vld [tilespmem:s5+$0xFFFFF590]  }
0x13c: {  	v40 =	vadd.f32 v41, v40;
	v49 =	vmul.f32 v63, v23;
	v59 =	vld [tilespmem:s5+$0x10];
	[tilespmem:s0+$0xFFFFFFB0] =	vst v47  }
0x13d: {  	v47 =	vld [tilespmem:s31+$0xFFFFEB80]  }
0x13e: {  	v38 =	vmul.f32 v54, v22;
	v40 =	vadd.f32 v49, v40;
	v60 =	vld [tilespmem:s31+$0xFFFFF600]  }
0x13f: {  	v61 =	vld [tilespmem:s5+$0xA90]  }
0x140: {  	v38 =	vadd.f32 v38, v40;
	v62 =	vmul.f32 v57, v28;
	v48 =	vmul.f32 v58, v29;
	v63 =	vld [tilespmem:s31+$0x80]  }
0x141: {  	v39 =	vld [tilespmem:s31+$0x120]  }
0x142: {  	v45 =	vmul.f32 v45, v10;
	[tilespmem:s1+$0x0] =	vst v38;
	v53 =	vmul.f32 v59, v27;
	v54 =	vld [tilespmem:s31+$0xB00];
	v52 =	vadd.f32 v48, v62  }
0x143: {  	v55 =	vld [tilespmem:s5+$0xFFFFEBD0];
	v47 =	vmul.f32 v47, v20;
	v49 =	vmul.f32 v60, v21  }
0x144: {  	v42 =	vadd.f32 v45, v42;
	v56 =	vmul.f32 v61, v26;
	v57 =	vld [tilespmem:s5+$0xFFFFF650];
	v38 =	vadd.f32 v53, v52  }
0x145: {  	v59 =	vld [tilespmem:s5+$0xD0];
	v60 =	vmul.f32 v63, v19;
	v58 =	vadd.f32 v49, v47  }
0x146: {  	[tilespmem:s7+$0x90] =	vst v42;
	v61 =	vmul.f32 v46, v15;
	v63 =	vld [tilespmem:s5+$0xB50];
	v38 =	vadd.f32 v56, v38  }
0x147: {  	v62 =	vmul.f32 v50, v16;
	v41 =	vmul.f32 v54, v17;
	v49 =	vld [tilespmem:s30+$0xFFFFEC60];
	v45 =	vadd.f32 v60, v58  }
0x148: {  	v39 =	vmul.f32 v39, v18;
	v50 =	vmul.f32 v55, v24;
	[tilespmem:s1+$0xFFFFFF50] =	vst v38;
	v38 =	vld [tilespmem:s30+$0xFFFFF6E0]  }
0x149: {  	v42 =	vadd.f32 v62, v61;
	v43 =	vmul.f32 v57, v25;
	v51 =	vld [tilespmem:s5+$0xFFFFEB20];
	v41 =	vadd.f32 v41, v45  }
0x14a: {  	v44 =	vmul.f32 v44, v14;
	v52 =	vld [tilespmem:s5+$0xFFFFF5A0]  }
0x14b: {  	v39 =	vadd.f32 v39, v42;
	v47 =	vmul.f32 v59, v23;
	v43 =	vadd.f32 v43, v50;
	v53 =	vld [tilespmem:s5+$0x20];
	[tilespmem:s0+$0xFFFFFFC0] =	vst v41  }
0x14c: {  	v41 =	vld [tilespmem:s31+$0xFFFFEB90]  }
0x14d: {  	v39 =	vadd.f32 v44, v39;
	v43 =	vadd.f32 v47, v43;
	v40 =	vmul.f32 v63, v22;
	v54 =	vld [tilespmem:s31+$0xFFFFF610]  }
0x14e: {  	v55 =	vld [tilespmem:s5+$0xAA0]  }
0x14f: {  	[tilespmem:s0+$0x60] =	vst v39;
	v40 =	vadd.f32 v40, v43;
	v56 =	vmul.f32 v51, v28;
	v42 =	vmul.f32 v52, v29;
	v57 =	vld [tilespmem:s31+$0x90]  }
0x150: {  	v45 =	vld [tilespmem:s31+$0xFFFFEC30]  }
0x151: {  	v58 =	vmul.f32 v53, v27;
	[tilespmem:s1+$0x10] =	vst v40;
	v59 =	vld [tilespmem:s31+$0xB10];
	v39 =	vadd.f32 v42, v56  }
0x152: {  	v60 =	vld [tilespmem:s5+$0xFFFFEBE0];
	v41 =	vmul.f32 v41, v20;
	v44 =	vmul.f32 v54, v21  }
0x153: {  	v61 =	vmul.f32 v55, v26;
	v62 =	vld [tilespmem:s5+$0xFFFFF660];
	v39 =	vadd.f32 v58, v39  }
0x154: {  	v50 =	vld [tilespmem:s31+$0xFFFFF6B0];
	v43 =	vmul.f32 v57, v19;
	v41 =	vadd.f32 v44, v41  }
0x155: {  	v63 =	vld [tilespmem:s5+$0xE0];
	v39 =	vadd.f32 v61, v39  }
0x156: {  	v51 =	vld [tilespmem:s31+$0x130];
	v40 =	vmul.f32 v59, v17;
	v41 =	vadd.f32 v43, v41  }
0x157: {  	v32 =	vmul.f32 v34, v32;
	v33 =	vmul.f32 v37, v33;
	v48 =	vld [tilespmem:s5+$0xB60];
	[tilespmem:s1+$0xFFFFFF60] =	vst v39  }
0x158: {  	v52 =	vmul.f32 v60, v24;
	v55 =	vmul.f32 v62, v25;
	v54 =	vld [tilespmem:s5+$0x30];
	v53 =	vadd.f32 v40, v41  }
0x159: {  	v31 =	vmul.f32 v36, v31;
	v32 =	vadd.f32 v33, v32;
	v56 =	vld [tilespmem:s5+$0xFFFFEB30]  }
0x15a: {  	v58 =	vmul.f32 v63, v23;
	v57 =	vadd.f32 v55, v52;
	v59 =	vld [tilespmem:s5+$0xFFFFF5B0];
	[tilespmem:s0+$0xFFFFFFD0] =	vst v53  }
0x15b: {  	v30 =	vmul.f32 v35, v30;
	v60 =	vadd.f32 v31, v32;
	v61 =	vmul.f32 v45, v15;
	v31 =	vld [tilespmem:s31+$0xFFFFEBA0]  }
0x15c: {  	v42 =	vmul.f32 v48, v22;
	v43 =	vmul.f32 v50, v16;
	v36 =	vadd.f32 v58, v57;
	v32 =	vld [tilespmem:s31+$0xFFFFF620]  }
0x15d: {  	v38 =	vmul.f32 v38, v13;
	v62 =	vmul.f32 v49, v12;
	v30 =	vadd.f32 v30, v60;
	v37 =	vld [tilespmem:s5+$0xAB0]  }
0x15e: {  	v63 =	vmul.f32 v51, v18;
	v35 =	vadd.f32 v43, v61;
	v42 =	vadd.f32 v42, v36;
	v34 =	vld [tilespmem:s31+$0xA0]  }
0x15f: {  	[tilespmem:s7+$0xFFFFFFF0] =	vst v30;
	v36 =	vld [tilespmem:s31+$0xBB0];
	v39 =	vmul.f32 v56, v28;
	v40 =	vmul.f32 v59, v29  }
0x160: {  	s26 =	smov.u32 s7;
	s10 =	simm.s32 $0x4;
	v30 =	vadd.f32 v38, v62;
	v35 =	vadd.f32 v63, v35;
	v38 =	vmul.f32 v54, v27;
	[tilespmem:s1+$0x20] =	vst v42;
	v33 =	vld [tilespmem:s31+$0xB20]  }
.LBB2_4:
0x161: {  	s11 =	sadd.s32 $0x73, s10;
	v39 =	vadd.f32 v40, v39;
	v40 =	vld [tilespmem:s5+$0xFFFFEBF0];
	v31 =	vmul.f32 v31, v20;
	v32 =	vmul.f32 v32, v21  }
0x162: {  	v41 =	vmov s11;
	v37 =	vmul.f32 v37, v26;
	v42 =	vld [tilespmem:s5+$0xFFFFF670]  }
0x163: {  	v38 =	vadd.f32 v38, v39;
	v39 =	vld [tilespmem:s5+$0xF0];
	v31 =	vadd.f32 v32, v31;
	v32 =	vmul.f32 v34, v19  }
0x164: {  	v34 =	vld [tilespmem:s5+$0xB70];
	v36 =	vmul.f32 v36, v14  }
0x165: {  	v37 =	vadd.f32 v37, v38;
	v32 =	vadd.f32 v32, v31;
	v33 =	vmul.f32 v33, v17;
	v38 =	vld [tilespmem:s30+$0x160]  }
0x166: {  	v40 =	vmul.f32 v40, v24;
	v35 =	vadd.f32 v36, v35;
	v36 =	vld [tilespmem:s30+$0xBE0]  }
0x167: {  	v31 =	vld.idx.msk [tilespmem:v41+s18+$0x0], $0xffff;
	[tilespmem:s1+$0xFFFFFF70] =	vst v37;
	v37 =	vmul.f32 v42, v25;
	v32 =	vadd.f32 v33, v32  }
0x168: {  	v33 =	vld [tilespmem:s5+$0xFFFFEB40];
	v39 =	vmul.f32 v39, v23;
	[tilespmem:s0+$0x70] =	vst v35  }
0x169: {  	v35 =	vld [tilespmem:s5+$0xFFFFF5C0];
	v37 =	vadd.f32 v37, v40;
	v34 =	vmul.f32 v34, v22;
	[tilespmem:s0+$0xFFFFFFE0] =	vst v32  }
0x16a: {  	v32 =	vld [tilespmem:s31+$0xFFFFEBB0];
	v38 =	vmul.f32 v38, v11  }
0x16b: {  	v37 =	vadd.f32 v39, v37;
	v39 =	vld [tilespmem:s31+$0xFFFFF630];
	v36 =	vmul.f32 v36, v10  }
0x16c: {  	v40 =	vld [tilespmem:s5+$0x40];
	v30 =	vadd.f32 v38, v30  }
0x16d: {  	v34 =	vadd.f32 v34, v37;
	v37 =	vld [tilespmem:s31+$0xB0]  }
0x16e: {  	v38 =	vld [tilespmem:s5+$0xAC0];
	v30 =	vadd.f32 v36, v30  }
0x16f: {  	v33 =	vmul.f32 v33, v28;
	v35 =	vmul.f32 v35, v29;
	[tilespmem:s1+$0x30] =	vst v34;
	v34 =	vld [tilespmem:s31+$0xB30]  }
0x170: {  	v32 =	vmul.f32 v32, v20;
	v20 =	vmovc v28;
	v36 =	vld [tilespmem:s5+$0xFFFFEC00];
	v39 =	vmul.f32 v39, v21;
	[tilespmem:s26+$0xA0] =	vst v30;
	v21 =	vmov v29  }
0x171: {  	v28 =	vadd.f32 v35, v33;
	v29 =	vmul.f32 v40, v27;
	v30 =	vld [tilespmem:s5+$0xFFFFF680]  }
0x172: {  	v33 =	vld [tilespmem:s5+$0x100];
	v32 =	vadd.f32 v39, v32;
	v35 =	vmul.f32 v37, v19;
	v19 =	vmov v27  }
0x173: {  	v27 =	vadd.f32 v29, v28;
	v28 =	vmul.f32 v38, v26;
	v29 =	vld [tilespmem:s5+$0xB80]  }
0x174: {  	v32 =	vadd.f32 v35, v32;
	v34 =	vmul.f32 v34, v17;
	v35 =	vld [tilespmem:s31+$0xFFFFEC40];
	v17 =	vmov v26  }
0x175: {  	v26 =	vadd.f32 v28, v27;
	v27 =	vmul.f32 v36, v24;
	v28 =	vld [tilespmem:s31+$0xFFFFF6C0]  }
0x176: {  	v30 =	vmul.f32 v30, v25;
	v32 =	vadd.f32 v34, v32;
	v34 =	vld [tilespmem:s31+$0x140]  }
0x177: {  	[tilespmem:s1+$0xFFFFFF80] =	vst v26;
	v26 =	vmul.f32 v33, v23;
	v33 =	vld [tilespmem:s31+$0xBC0]  }
0x178: {  	v36 =	vld [tilespmem:s5+$0xFFFFEB50];
	v27 =	vadd.f32 v30, v27;
	v29 =	vmul.f32 v29, v22;
	[tilespmem:s0+$0xFFFFFFF0] =	vst v32  }
0x179: {  	v30 =	vld [tilespmem:s5+$0xFFFFF5D0];
	v32 =	vmul.f32 v35, v15  }
0x17a: {  	v26 =	vadd.f32 v26, v27;
	v27 =	vmul.f32 v28, v16;
	v28 =	vld [tilespmem:s30+$0xFFFFEC70]  }
0x17b: {  	v35 =	vld [tilespmem:s5+$0x50];
	v34 =	vmul.f32 v34, v18  }
0x17c: {  	v26 =	vadd.f32 v29, v26;
	v27 =	vadd.f32 v27, v32;
	v29 =	vmul.f32 v33, v14;
	v32 =	vld [tilespmem:s30+$0xFFFFF6F0]  }
0x17d: {  	v33 =	vld [tilespmem:s5+$0xAD0]  }
0x17e: {  	v36 =	vmul.f32 v36, v20;
	v30 =	vmul.f32 v30, v21;
	[tilespmem:s1+$0x40] =	vst v26;
	v26 =	vadd.f32 v34, v27;
	v27 =	vld [tilespmem:s30+$0x170]  }
0x17f: {  	v34 =	vld [tilespmem:s5+$0xFFFFEC10];
	v28 =	vmul.f32 v28, v12;
	v12 =	vmov v15;
	v15 =	vmov v24  }
0x180: {  	v24 =	vadd.f32 v30, v36;
	v30 =	vmul.f32 v35, v19;
	v35 =	vld [tilespmem:s5+$0xFFFFF690];
	v26 =	vadd.f32 v29, v26  }
0x181: {  	v29 =	vld [tilespmem:s5+$0x110];
	v32 =	vmul.f32 v32, v13;
	v13 =	vmov v16;
	v16 =	vmov v25  }
0x182: {  	v24 =	vadd.f32 v30, v24;
	v25 =	vmul.f32 v33, v17;
	v30 =	vld [tilespmem:s5+$0xB90];
	[tilespmem:s0+$0x80] =	vst v26  }
0x183: {  	v26 =	vld [tilespmem:s31+$0xFFFFEC50];
	v28 =	vadd.f32 v32, v28;
	v27 =	vmul.f32 v27, v11;
	v11 =	vmovc v18;
	v18 =	vmov v23  }
0x184: {  	v23 =	vadd.f32 v25, v24;
	v24 =	vmul.f32 v34, v15;
	v25 =	vld [tilespmem:s31+$0xFFFFF6D0]  }
0x185: {  	s11 =	sadd.s32 $0x63, s10;
	v32 =	vmul.f32 v35, v16;
	v33 =	vld [tilespmem:s31+$0x150];
	v27 =	vadd.f32 v27, v28  }
0x186: {  	v28 =	vmov s11;
	[tilespmem:s1+$0xFFFFFF90] =	vst v23;
	v23 =	vmul.f32 v29, v18;
	v29 =	vld [tilespmem:s31+$0xBD0]  }
0x187: {  	s11 =	sadd.s32 $0x43, s10;
	v34 =	vld [tilespmem:s5+$0xFFFFEB60];
	v24 =	vadd.f32 v32, v24;
	v30 =	vmul.f32 v30, v22  }
0x188: {  	v32 =	vmov s11;
	s11 =	sadd.s32 $0x53, s10;
	v35 =	vld [tilespmem:s5+$0xFFFFF5E0];
	v26 =	vmul.f32 v26, v12  }
0x189: {  	s20 =	sadd.s32 $0x42, s10;
	s21 =	sadd.s32 $0x52, s10;
	v36 =	vmov s11;
	v37 =	vadd.f32 v23, v24;
	v38 =	vmul.f32 v25, v13;
	v39 =	vld [tilespmem:s30+$0xBF0];
	s30 =	smov.u32 s31  }
0x18a: {  	s11 =	sadd.s32 $0x72, s10;
	v23 =	vmov s20;
	v24 =	vmov s21;
	s31 =	smov.u32 s5;
	v40 =	vld [tilespmem:s5+$0x60];
	v33 =	vmul.f32 v33, v11  }
0x18b: {  	s20 =	sadd.s32 $0x62, s10;
	v41 =	vmov s11;
	v25 =	vand.u32 $0xFFFFFFFE, v23;
	v24 =	vand.u32 $0xFFFFFFFE, v24;
	v23 =	vld.idx.msk [tilespmem:v28+s18+$0x0], $0xffff  }
0x18c: {  	v28 =	vbroadcast v25, $0x0;
	v42 =	vbroadcast v24, $0x0;
	v25 =	vmov s20;
	v43 =	vld [tilespmem:s5+$0xAE0]  }
0x18d: {  	v41 =	vand.u32 $0xFFFFFFFE, v41;
	v24 =	vld.idx.msk [tilespmem:v32+s18+$0x0], $0xffff;
	v32 =	vmul.f32 v34, v20;
	v34 =	vmul.f32 v35, v21  }
0x18e: {  	v41 =	vbroadcast v41, $0x0;
	v30 =	vadd.f32 v30, v37;
	s5 =	sadd.s32 $0x180, s5;
	v35 =	vand.u32 $0xFFFFFFFE, v25;
	v25 =	vld.idx.msk [tilespmem:v36+s18+$0x0], $0xffff  }
0x18f: {  	v35 =	vbroadcast v35, $0x0;
	v36 =	vld [tilespmem:s5+$0x0];
	v32 =	vadd.f32 v34, v32;
	v34 =	vmul.f32 v40, v19  }
0x190: {  	v26 =	vadd.f32 v38, v26;
	v37 =	vld [tilespmem:s5+$0xFFFFEB00];
	[tilespmem:s1+$0x50] =	vst v30;
	v30 =	vmul.f32 v29, v14;
	v29 =	vmul.f32 v39, v10  }
0x191: {  	v10 =	vmovc v14;
	v14 =	vmovc v22;
	v22 =	vmov v31;
	v38 =	vld [tilespmem:s5+$0xFFFFF580];
	v32 =	vadd.f32 v34, v32;
	v34 =	vmul.f32 v43, v17  }
0x192: {  	v31 =	vadd.f32 v33, v26;
	v28 =	vld.idx.msk [tilespmem:v28+s18+$0x0], $0xffff;
	v27 =	vadd.f32 v29, v27  }
0x193: {  	v29 =	vld.idx.msk [tilespmem:v42+s18+$0x0], $0xffff;
	v32 =	vadd.f32 v34, v32  }
0x194: {  	v30 =	vadd.f32 v30, v31;
	v26 =	vld.idx.msk [tilespmem:v41+s18+$0x0], $0xffff;
	[tilespmem:s26+$0xB0] =	vst v27;
	s26 =	smov.u32 s0;
	s0 =	smov.u32 s1  }
0x195: {  	v27 =	vld.idx.msk [tilespmem:v35+s18+$0x0], $0xffff;
	[tilespmem:s1+$0xFFFFFFA0] =	vst v32  }
0x196: {  	v31 =	vld [tilespmem:s31+$0xFFFFEB70];
	[tilespmem:s26+$0x90] =	vst v30  }
0x197: {  	s10 =	sadd.s32 $0x2, s10;
	v30 =	vld [tilespmem:s31+$0xFFFFF5F0]  }
0x198: {  	p0 =	slt.u32 s10, $0xC;
	v32 =	vld [tilespmem:s5+$0xA80]  }
0x199: {  	v33 =	vmul.f32 v37, v28;
	v34 =	vmul.f32 v38, v29;
	v35 =	vld [tilespmem:s31+$0x70]  }
0x19a: {  	v37 =	vld [tilespmem:s5+$0xFFFFEBC0]  }
0x19b: {  	v33 =	vadd.f32 v34, v33;
	v34 =	vmul.f32 v36, v27;
	v36 =	vld [tilespmem:s31+$0xAF0]  }
0x19c: {  	v31 =	vmul.f32 v31, v20;
	v38 =	vld [tilespmem:s5+$0xFFFFF640];
	v30 =	vmul.f32 v30, v21  }
0x19d: {  	v33 =	vadd.f32 v34, v33;
	v32 =	vmul.f32 v32, v26;
	v34 =	vld [tilespmem:s5+$0xC0]  }
0x19e: {  	v39 =	vld [tilespmem:s5+$0xB40];
	v30 =	vadd.f32 v30, v31;
	v31 =	vmul.f32 v35, v19  }
0x19f: {  	v32 =	vadd.f32 v32, v33;
	v33 =	vmul.f32 v37, v24;
	v35 =	vld [tilespmem:s31+$0xFFFFEC20]  }
0x1a0: {  	s1 =	sadd.s32 $0x180, s1;
	v30 =	vadd.f32 v31, v30;
	v31 =	vmul.f32 v36, v17;
	v36 =	vld [tilespmem:s31+$0xFFFFF6A0]  }
0x1a1: {  	[tilespmem:s1+$0xFFFFFF40] =	vst v32;
	v32 =	vmul.f32 v38, v25;
	v37 =	vld [tilespmem:s31+$0x120]  }
0x1a2: {  	v38 =	vld [tilespmem:s5+$0xFFFFEB10];
	v34 =	vmul.f32 v34, v23;
	v30 =	vadd.f32 v31, v30  }
0x1a3: {  	v31 =	vld [tilespmem:s5+$0xFFFFF590];
	v32 =	vadd.f32 v32, v33;
	v33 =	vmul.f32 v39, v22  }
0x1a4: {  	v39 =	vld [tilespmem:s5+$0x10];
	[tilespmem:s0+$0xFFFFFFB0] =	vst v30;
	v30 =	vmul.f32 v35, v15  }
0x1a5: {  	v32 =	vadd.f32 v34, v32;
	v34 =	vld [tilespmem:s31+$0xFFFFEB80];
	v35 =	vmul.f32 v36, v16  }
0x1a6: {  	v36 =	vld [tilespmem:s31+$0xFFFFF600];
	v37 =	vmul.f32 v37, v18  }
0x1a7: {  	v40 =	vld [tilespmem:s5+$0xA90];
	v32 =	vadd.f32 v33, v32;
	v30 =	vadd.f32 v35, v30  }
0x1a8: {  	v33 =	vmul.f32 v38, v28;
	v31 =	vmul.f32 v31, v29;
	v35 =	vld [tilespmem:s31+$0x80]  }
0x1a9: {  	[tilespmem:s1+$0x0] =	vst v32;
	v30 =	vadd.f32 v37, v30;
	v32 =	vld [tilespmem:s31+$0xBA0]  }
0x1aa: {  	v31 =	vadd.f32 v31, v33;
	v33 =	vmul.f32 v39, v27;
	v37 =	vld [tilespmem:s31+$0xB00]  }
0x1ab: {  	v34 =	vmul.f32 v34, v20;
	v38 =	vld [tilespmem:s5+$0xFFFFEBD0];
	v36 =	vmul.f32 v36, v21  }
0x1ac: {  	v31 =	vadd.f32 v33, v31;
	v33 =	vmul.f32 v40, v26;
	v39 =	vld [tilespmem:s5+$0xFFFFF650]  }
0x1ad: {  	v40 =	vld [tilespmem:s5+$0xD0];
	v34 =	vadd.f32 v36, v34;
	v35 =	vmul.f32 v35, v19  }
0x1ae: {  	v31 =	vadd.f32 v33, v31;
	v33 =	vld [tilespmem:s5+$0xB50];
	v32 =	vmul.f32 v32, v14  }
0x1af: {  	v34 =	vadd.f32 v35, v34;
	v35 =	vmul.f32 v37, v17;
	v36 =	vld [tilespmem:s30+$0xFFFFEC60]  }
0x1b0: {  	[tilespmem:s1+$0xFFFFFF50] =	vst v31;
	v31 =	vmul.f32 v38, v24;
	v30 =	vadd.f32 v32, v30;
	v32 =	vld [tilespmem:s30+$0xFFFFF6E0]  }
0x1b1: {  	v37 =	vld [tilespmem:s5+$0xFFFFEB20];
	v38 =	vmul.f32 v39, v25;
	v34 =	vadd.f32 v35, v34  }
0x1b2: {  	v35 =	vld [tilespmem:s5+$0xFFFFF5A0];
	v39 =	vmul.f32 v40, v23;
	[tilespmem:s0+$0x60] =	vst v30  }
0x1b3: {  	v40 =	vld [tilespmem:s5+$0x20];
	v30 =	vadd.f32 v38, v31;
	v31 =	vmul.f32 v33, v22;
	[tilespmem:s0+$0xFFFFFFC0] =	vst v34  }
0x1b4: {  	v33 =	vld [tilespmem:s31+$0xFFFFEB90];
	v34 =	vmul.f32 v36, v12  }
0x1b5: {  	v30 =	vadd.f32 v39, v30;
	v36 =	vld [tilespmem:s31+$0xFFFFF610];
	v32 =	vmul.f32 v32, v13  }
0x1b6: {  	v38 =	vld [tilespmem:s5+$0xAA0]  }
0x1b7: {  	v37 =	vmul.f32 v37, v28;
	v35 =	vmul.f32 v35, v29;
	v31 =	vadd.f32 v31, v30;
	v39 =	vld [tilespmem:s31+$0x90]  }
0x1b8: {  	v30 =	vadd.f32 v32, v34;
	v41 =	vld [tilespmem:s31+$0xFFFFEC30]  }
0x1b9: {  	v34 =	vmul.f32 v40, v27;
	v32 =	vadd.f32 v35, v37;
	[tilespmem:s1+$0x10] =	vst v31;
	v31 =	vld [tilespmem:s31+$0xB10]  }
0x1ba: {  	v33 =	vmul.f32 v33, v20;
	v35 =	vld [tilespmem:s5+$0xFFFFEBE0];
	v36 =	vmul.f32 v36, v21  }
0x1bb: {  	v32 =	vadd.f32 v34, v32;
	v34 =	vmul.f32 v38, v26;
	v37 =	vld [tilespmem:s5+$0xFFFFF660]  }
0x1bc: {  	v38 =	vld [tilespmem:s5+$0xE0];
	v33 =	vadd.f32 v36, v33;
	v36 =	vmul.f32 v39, v19  }
0x1bd: {  	v32 =	vadd.f32 v34, v32;
	v34 =	vld [tilespmem:s5+$0xB60];
	v39 =	vmul.f32 v41, v15  }
0x1be: {  	v33 =	vadd.f32 v36, v33;
	v31 =	vmul.f32 v31, v17;
	v36 =	vld [tilespmem:s31+$0xFFFFF6B0]  }
0x1bf: {  	[tilespmem:s1+$0xFFFFFF60] =	vst v32;
	v32 =	vmul.f32 v35, v24;
	v35 =	vld [tilespmem:s31+$0x130]  }
0x1c0: {  	v41 =	vld [tilespmem:s5+$0x30];
	v37 =	vmul.f32 v37, v25;
	v31 =	vadd.f32 v31, v33  }
0x1c1: {  	v33 =	vld [tilespmem:s5+$0xFFFFEB30];
	v38 =	vmul.f32 v38, v23  }
0x1c2: {  	v40 =	vld [tilespmem:s5+$0xFFFFF5B0];
	v32 =	vadd.f32 v37, v32;
	v34 =	vmul.f32 v34, v22;
	[tilespmem:s0+$0xFFFFFFD0] =	vst v31  }
0x1c3: {  	v31 =	vld [tilespmem:s31+$0xFFFFEBA0];
	v36 =	vmul.f32 v36, v16  }
.Ltmp0:
0x1c4: {  	v38 =	vadd.f32 v38, v32;
	v32 =	vld [tilespmem:s31+$0xFFFFF620];
	v35 =	vmul.f32 v35, v18;
	(pc) =	sbr.rel @p0 .LBB2_4-.Ltmp0, $4  }
0x1c5: {  	v37 =	vld [tilespmem:s5+$0xAB0];
	v36 =	vadd.f32 v36, v39  }
0x1c6: {  	v42 =	vadd.f32 v34, v38;
	v34 =	vld [tilespmem:s31+$0xA0]  }
0x1c7: {  	v39 =	vmul.f32 v33, v28;
	v40 =	vmul.f32 v40, v29;
	v35 =	vadd.f32 v35, v36;
	v36 =	vld [tilespmem:s31+$0xBB0]  }
0x1c8: {  	v38 =	vmul.f32 v41, v27;
	[tilespmem:s1+$0x20] =	vst v42;
	v33 =	vld [tilespmem:s31+$0xB20]  }
0x1c9: {  	v41 =	vld [tilespmem:s5+$0xFFFFEBF0]  }
0x1ca: {  	v39 =	vadd.f32 v40, v39;
	v57 =	vld [tilespmem:s5+$0xFFFFF670];
	_ =	sdelay $0x1  }
0x1cb: {  	v58 =	vld [tilespmem:s5+$0xF0];
	v37 =	vmul.f32 v37, v26;
	v38 =	vadd.f32 v38, v39;
	_ =	sdelay $0x1  }
0x1cc: {  	v42 =	vld [tilespmem:s5+$0xB70];
	v37 =	vadd.f32 v37, v38  }
0x1cd: {  	v59 =	vmul.f32 v41, v24;
	v40 =	vmul.f32 v57, v25  }
0x1ce: {  	[tilespmem:s1+$0xFFFFFF70] =	vst v37  }
0x1cf: {  	v39 =	vmul.f32 v58, v23;
	v37 =	vld [tilespmem:s5+$0xFFFFEB40];
	v38 =	vadd.f32 v40, v59  }
0x1d0: {  	v60 =	vld [tilespmem:s5+$0xFFFFF5C0]  }
0x1d1: {  	v61 =	vmul.f32 v42, v22;
	v38 =	vadd.f32 v39, v38  }
0x1d2: {  	v62 =	vld [tilespmem:s5+$0x40]  }
0x1d3: {  	v38 =	vadd.f32 v61, v38  }
0x1d4: {  	v63 =	vld [tilespmem:s5+$0xAC0]  }
0x1d5: {  	v37 =	vmul.f32 v37, v28;
	v40 =	vmul.f32 v60, v29;
	[tilespmem:s1+$0x30] =	vst v38  }
0x1d6: {  	v38 =	vld [tilespmem:s5+$0xFFFFEC00]  }
0x1d7: {  	v39 =	vmul.f32 v62, v27;
	v37 =	vadd.f32 v40, v37;
	v45 =	vld [tilespmem:s5+$0xFFFFF680];
	_ =	sdelay $0x1  }
0x1d8: {  	v47 =	vmul.f32 v63, v26;
	v46 =	vld [tilespmem:s5+$0x100];
	v37 =	vadd.f32 v39, v37;
	_ =	sdelay $0x1  }
0x1d9: {  	v48 =	vld [tilespmem:s5+$0xB80];
	v37 =	vadd.f32 v47, v37  }
0x1da: {  	v38 =	vmul.f32 v38, v24;
	v49 =	vmul.f32 v45, v25  }
0x1db: {  	[tilespmem:s1+$0xFFFFFF80] =	vst v37  }
0x1dc: {  	v50 =	vmul.f32 v46, v23;
	v51 =	vld [tilespmem:s5+$0xFFFFEB50];
	v38 =	vadd.f32 v49, v38  }
0x1dd: {  	v52 =	vld [tilespmem:s5+$0xFFFFF5D0]  }
0x1de: {  	v41 =	vmul.f32 v48, v22;
	v37 =	vadd.f32 v50, v38  }
0x1df: {  	v53 =	vld [tilespmem:s5+$0x50]  }
0x1e0: {  	v37 =	vadd.f32 v41, v37  }
0x1e1: {  	v54 =	vld [tilespmem:s5+$0xAD0]  }
0x1e2: {  	v40 =	vmul.f32 v51, v28;
	v39 =	vmul.f32 v52, v29;
	[tilespmem:s1+$0x40] =	vst v37  }
0x1e3: {  	v37 =	vld [tilespmem:s5+$0xFFFFEC10]  }
0x1e4: {  	v38 =	vmul.f32 v53, v27;
	v39 =	vadd.f32 v39, v40;
	v55 =	vld [tilespmem:s5+$0xFFFFF690];
	_ =	sdelay $0x1  }
0x1e5: {  	v57 =	vmul.f32 v54, v26;
	v56 =	vld [tilespmem:s5+$0x110];
	v38 =	vadd.f32 v38, v39;
	_ =	sdelay $0x1  }
0x1e6: {  	v58 =	vld [tilespmem:s5+$0xB90];
	v38 =	vadd.f32 v57, v38  }
0x1e7: {  	v37 =	vmul.f32 v37, v24;
	v59 =	vmul.f32 v55, v25  }
0x1e8: {  	[tilespmem:s1+$0xFFFFFF90] =	vst v38  }
0x1e9: {  	v60 =	vmul.f32 v56, v23;
	v61 =	vld [tilespmem:s5+$0xFFFFEB60];
	v37 =	vadd.f32 v59, v37  }
0x1ea: {  	v62 =	vld [tilespmem:s5+$0xFFFFF5E0]  }
0x1eb: {  	v41 =	vmul.f32 v58, v22;
	v37 =	vadd.f32 v60, v37  }
0x1ec: {  	v63 =	vld [tilespmem:s5+$0x60]  }
0x1ed: {  	v37 =	vadd.f32 v41, v37  }
0x1ee: {  	v44 =	vld [tilespmem:s5+$0xAE0]  }
0x1ef: {  	v40 =	vmul.f32 v61, v28;
	v39 =	vmul.f32 v62, v29;
	[tilespmem:s1+$0x50] =	vst v37  }
0x1f0: {  	v37 =	vld [tilespmem:s5+$0xFFFFEC20]  }
0x1f1: {  	v38 =	vmul.f32 v63, v27;
	v39 =	vadd.f32 v39, v40;
	v45 =	vld [tilespmem:s5+$0xFFFFF6A0];
	_ =	sdelay $0x1  }
0x1f2: {  	v46 =	vmul.f32 v44, v26;
	v47 =	vld [tilespmem:s5+$0x120];
	v38 =	vadd.f32 v38, v39;
	_ =	sdelay $0x1  }
0x1f3: {  	v48 =	vld [tilespmem:s5+$0xBA0];
	v38 =	vadd.f32 v46, v38  }
0x1f4: {  	v37 =	vmul.f32 v37, v24;
	v40 =	vmul.f32 v45, v25  }
0x1f5: {  	[tilespmem:s1+$0xFFFFFFA0] =	vst v38  }
0x1f6: {  	v41 =	vmul.f32 v47, v23;
	v38 =	vld [tilespmem:s5+$0xFFFFEB70];
	v37 =	vadd.f32 v40, v37  }
0x1f7: {  	v49 =	vld [tilespmem:s5+$0xFFFFF5F0]  }
0x1f8: {  	v39 =	vmul.f32 v48, v22;
	v37 =	vadd.f32 v41, v37  }
0x1f9: {  	v50 =	vld [tilespmem:s5+$0x70]  }
0x1fa: {  	v37 =	vadd.f32 v39, v37  }
0x1fb: {  	v51 =	vld [tilespmem:s5+$0xAF0]  }
0x1fc: {  	v38 =	vmul.f32 v38, v28;
	v40 =	vmul.f32 v49, v29;
	[tilespmem:s1+$0x60] =	vst v37  }
0x1fd: {  	v37 =	vld [tilespmem:s5+$0xFFFFEC30]  }
0x1fe: {  	v36 =	vmul.f32 v36, v14;
	v52 =	vmul.f32 v50, v27;
	v38 =	vadd.f32 v40, v38;
	v53 =	vld [tilespmem:s5+$0xFFFFF6B0];
	_ =	sdelay $0x1  }
0x1ff: {  	v35 =	vadd.f32 v36, v35;
	v55 =	vmul.f32 v51, v26;
	v56 =	vld [tilespmem:s5+$0x130];
	v54 =	vadd.f32 v52, v38;
	_ =	sdelay $0x1  }
0x200: {  	[tilespmem:s0+$0x70] =	vst v35;
	v58 =	vld [tilespmem:s5+$0xBB0];
	v57 =	vadd.f32 v55, v54  }
0x201: {  	v59 =	vld [tilespmem:s31+$0xFFFFEC40];
	v37 =	vmul.f32 v37, v24;
	v60 =	vmul.f32 v53, v25  }
0x202: {  	v31 =	vmul.f32 v31, v20;
	v61 =	vld [tilespmem:s31+$0xFFFFF6C0];
	[tilespmem:s1+$0xFFFFFFB0] =	vst v57  }
0x203: {  	v32 =	vmul.f32 v32, v21;
	v39 =	vmul.f32 v56, v23;
	v35 =	vld [tilespmem:s5+$0xFFFFEB80];
	v37 =	vadd.f32 v60, v37  }
0x204: {  	v34 =	vmul.f32 v34, v19;
	v62 =	vld [tilespmem:s5+$0xFFFFF600]  }
0x205: {  	v31 =	vadd.f32 v32, v31;
	v63 =	vld [tilespmem:s31+$0x140];
	v36 =	vmul.f32 v58, v22;
	v37 =	vadd.f32 v39, v37  }
0x206: {  	v45 =	vld [tilespmem:s5+$0x80]  }
0x207: {  	v31 =	vadd.f32 v34, v31;
	v33 =	vmul.f32 v33, v17;
	v43 =	vld [tilespmem:s31+$0xBC0];
	v36 =	vadd.f32 v36, v37  }
0x208: {  	v46 =	vmul.f32 v59, v15;
	v47 =	vmul.f32 v61, v16;
	v48 =	vld [tilespmem:s5+$0xB00]  }
0x209: {  	v31 =	vadd.f32 v33, v31;
	v35 =	vmul.f32 v35, v28;
	v40 =	vmul.f32 v62, v29;
	[tilespmem:s1+$0x70] =	vst v36  }
0x20a: {  	v32 =	vadd.f32 v47, v46;
	v49 =	vmul.f32 v63, v18;
	v36 =	vld [tilespmem:s5+$0xFFFFEC40]  }
0x20b: {  	[tilespmem:s0+$0xFFFFFFE0] =	vst v31;
	v50 =	vmul.f32 v45, v27;
	v35 =	vadd.f32 v40, v35;
	v51 =	vld [tilespmem:s5+$0xFFFFF6C0]  }
0x20c: {  	v34 =	vld [tilespmem:s31+$0xFFFFEBB0];
	v32 =	vadd.f32 v49, v32;
	v53 =	vmul.f32 v43, v14  }
0x20d: {  	v55 =	vmul.f32 v48, v26;
	v56 =	vld [tilespmem:s5+$0x140];
	v54 =	vadd.f32 v50, v35  }
0x20e: {  	v52 =	vld [tilespmem:s30+$0x160];
	v32 =	vadd.f32 v53, v32  }
0x20f: {  	v58 =	vld [tilespmem:s5+$0xBC0];
	v31 =	vadd.f32 v55, v54  }
0x210: {  	v57 =	vld [tilespmem:s30+$0xBE0];
	[tilespmem:s0+$0x80] =	vst v32;
	v59 =	vmul.f32 v36, v24;
	v60 =	vmul.f32 v51, v25  }
0x211: {  	v61 =	vld [tilespmem:s31+$0xFFFFEC50];
	[tilespmem:s1+$0xFFFFFFC0] =	vst v31  }
0x212: {  	v35 =	vmul.f32 v56, v23;
	v31 =	vld [tilespmem:s5+$0xFFFFEB90];
	v32 =	vadd.f32 v60, v59  }
0x213: {  	v62 =	vld [tilespmem:s5+$0xFFFFF610]  }
0x214: {  	v63 =	vld [tilespmem:s31+$0xFFFFF6D0];
	v33 =	vmul.f32 v58, v22;
	v32 =	vadd.f32 v35, v32  }
0x215: {  	v49 =	vmul.f32 v52, v11;
	v45 =	vld [tilespmem:s5+$0x90]  }
0x216: {  	v46 =	vld [tilespmem:s31+$0x150];
	v32 =	vadd.f32 v33, v32  }
0x217: {  	v30 =	vadd.f32 v49, v30;
	v37 =	vmul.f32 v57, v10;
	v47 =	vld [tilespmem:s5+$0xB10]  }
0x218: {  	v48 =	vld [tilespmem:s31+$0xBD0];
	v31 =	vmul.f32 v31, v28;
	v36 =	vmul.f32 v62, v29;
	[tilespmem:s1+$0x80] =	vst v32  }
0x219: {  	v30 =	vadd.f32 v37, v30;
	v38 =	vmul.f32 v61, v15;
	v50 =	vld [tilespmem:s5+$0xFFFFEC50]  }
0x21a: {  	v39 =	vmul.f32 v63, v16;
	v35 =	vmul.f32 v45, v27;
	v31 =	vadd.f32 v36, v31;
	v51 =	vld [tilespmem:s5+$0xFFFFF6D0]  }
0x21b: {  	v43 =	vld [tilespmem:s31+$0xFFFFF630];
	v52 =	vmul.f32 v46, v18  }
0x21c: {  	[tilespmem:s26+$0xA0] =	vst v30;
	v38 =	vadd.f32 v39, v38;
	v33 =	vmul.f32 v47, v26;
	v53 =	vld [tilespmem:s5+$0x150];
	v31 =	vadd.f32 v35, v31  }
0x21d: {  	v40 =	vld [tilespmem:s30+$0xFFFFEC70]  }
0x21e: {  	v54 =	vmul.f32 v48, v14;
	v32 =	vadd.f32 v52, v38;
	v55 =	vld [tilespmem:s5+$0xBD0];
	v31 =	vadd.f32 v33, v31  }
0x21f: {  	v44 =	vld [tilespmem:s30+$0xFFFFF6F0];
	v30 =	vmul.f32 v50, v24;
	v36 =	vmul.f32 v51, v25  }
0x220: {  	v39 =	vld [tilespmem:s31+$0xB0];
	v32 =	vadd.f32 v54, v32;
	[tilespmem:s1+$0xFFFFFFD0] =	vst v31  }
0x221: {  	v35 =	vmul.f32 v53, v23;
	v31 =	vld [tilespmem:s5+$0xFFFFEBA0];
	v30 =	vadd.f32 v36, v30  }
0x222: {  	[tilespmem:s0+$0x90] =	vst v32;
	v56 =	vld [tilespmem:s5+$0xFFFFF620]  }
0x223: {  	v57 =	vld [tilespmem:s31+$0xFFFFEC60];
	v33 =	vmul.f32 v55, v22;
	v30 =	vadd.f32 v35, v30  }
0x224: {  	v58 =	vld [tilespmem:s5+$0xA0]  }
0x225: {  	v59 =	vld [tilespmem:s31+$0xFFFFF6E0];
	v30 =	vadd.f32 v33, v30  }
0x226: {  	v60 =	vld [tilespmem:s5+$0xB20]  }
0x227: {  	v61 =	vld [tilespmem:s31+$0x160];
	v31 =	vmul.f32 v31, v28;
	v32 =	vmul.f32 v56, v29;
	[tilespmem:s1+$0x90] =	vst v30  }
0x228: {  	v30 =	vld [tilespmem:s5+$0xFFFFEC60]  }
0x229: {  	v62 =	vmul.f32 v58, v27;
	v31 =	vadd.f32 v32, v31;
	v63 =	vld [tilespmem:s5+$0xFFFFF6E0]  }
0x22a: {  	v48 =	vld [tilespmem:s31+$0xBE0];
	v36 =	vmul.f32 v57, v15  }
0x22b: {  	v37 =	vmul.f32 v59, v16;
	v49 =	vmul.f32 v60, v26;
	v50 =	vld [tilespmem:s5+$0x160];
	v31 =	vadd.f32 v62, v31  }
0x22c: {  	v45 =	vld [tilespmem:s30+$0xBF0]  }
0x22d: {  	v51 =	vmul.f32 v61, v18;
	v36 =	vadd.f32 v37, v36;
	v52 =	vld [tilespmem:s5+$0xBE0];
	v31 =	vadd.f32 v49, v31  }
0x22e: {  	v38 =	vld [tilespmem:s31+$0xB30];
	v30 =	vmul.f32 v30, v24;
	v35 =	vmul.f32 v63, v25  }
0x22f: {  	v53 =	vld [tilespmem:s30+$0x170];
	v32 =	vadd.f32 v51, v36;
	[tilespmem:s1+$0xFFFFFFE0] =	vst v31;
	v31 =	vmul.f32 v48, v14  }
0x230: {  	v33 =	vmul.f32 v50, v23;
	v54 =	vld [tilespmem:s5+$0xFFFFEBB0];
	v30 =	vadd.f32 v35, v30  }
0x231: {  	v55 =	vld [tilespmem:s5+$0xFFFFF630];
	v31 =	vadd.f32 v31, v32  }
0x232: {  	v37 =	vmul.f32 v52, v22;
	v56 =	vld [tilespmem:s5+$0xB0];
	v30 =	vadd.f32 v33, v30  }
0x233: {  	v57 =	vld [tilespmem:s5+$0xB30];
	[tilespmem:s0+$0xA0] =	vst v31  }
0x234: {  	v20 =	vmul.f32 v34, v20;
	v21 =	vmul.f32 v43, v21;
	v31 =	vld [tilespmem:s31+$0xFFFFEC70];
	v30 =	vadd.f32 v37, v30  }
0x235: {  	v12 =	vmul.f32 v40, v12;
	v58 =	vld [tilespmem:s31+$0xFFFFF6F0]  }
0x236: {  	v20 =	vadd.f32 v21, v20;
	v13 =	vmul.f32 v44, v13;
	v19 =	vmul.f32 v39, v19;
	v21 =	vld [tilespmem:s31+$0x170];
	[tilespmem:s1+$0xA0] =	vst v30  }
0x237: {  	v28 =	vmul.f32 v54, v28;
	v29 =	vmul.f32 v55, v29;
	v30 =	vld [tilespmem:s5+$0xFFFFEC70]  }
0x238: {  	v12 =	vadd.f32 v13, v12;
	v19 =	vadd.f32 v19, v20;
	v17 =	vmul.f32 v38, v17;
	v13 =	vld [tilespmem:s5+$0xFFFFF6F0]  }
0x239: {  	v11 =	vmul.f32 v53, v11;
	v27 =	vmul.f32 v56, v27;
	v20 =	vadd.f32 v29, v28  }
0x23a: {  	v17 =	vadd.f32 v17, v19;
	v19 =	vld [tilespmem:s5+$0x170];
	v15 =	vmul.f32 v31, v15;
	v16 =	vmul.f32 v58, v16  }
0x23b: {  	v10 =	vmul.f32 v45, v10;
	v11 =	vadd.f32 v11, v12;
	v12 =	vadd.f32 v27, v20;
	v20 =	vld [tilespmem:s31+$0xBF0]  }
0x23c: {  	p0 =	seq.s32 s24, $0x6;
	v26 =	vmul.f32 v57, v26;
	v15 =	vadd.f32 v16, v15;
	v16 =	vmul.f32 v21, v18;
	v18 =	vld [tilespmem:s5+$0xBF0]  }
0x23d: {  	v10 =	vadd.f32 v10, v11;
	s5 =	sadd.s32 @!p0 $0x2, s29;
	v11 =	vmul.f32 v30, v24;
	v13 =	vmul.f32 v13, v25  }
0x23e: {  	v12 =	vadd.f32 v26, v12;
	v15 =	vadd.f32 v16, v15;
	v16 =	vmov @!p0 s5  }
0x23f: {  	s5 =	sadd.s32 @!p0 $0x12, s29;
	v11 =	vadd.f32 v13, v11;
	v13 =	vmul.f32 v19, v23;
	v16 =	vand.u32 @!p0 $0xFFFFFFFE, v16  }
0x240: {  	v14 =	vmul.f32 v20, v14;
	v19 =	vmov @!p0 s5;
	v16 =	vbroadcast @!p0 v16, $0x0  }
0x241: {  	[tilespmem:s0+$0xFFFFFFF0] =	vst v17;
	v17 =	vand.u32 @!p0 $0xFFFFFFFE, v19;
	v11 =	vadd.f32 v13, v11;
	v13 =	vmul.f32 v18, v22  }
0x242: {  	[tilespmem:s26+$0xB0] =	vst v10;
	v10 =	vadd.f32 v14, v15;
	v14 =	vbroadcast @!p0 v17, $0x0  }
0x243: {  	[tilespmem:s1+$0xFFFFFFF0] =	vst v12;
	v11 =	vadd.f32 v13, v11  }
0x244: {  	[tilespmem:s0+$0xB0] =	vst v10  }
0x245: {  	s0 =	simm.s32 @!p0 $0x1408;
	[tilespmem:s1+$0xB0] =	vst v11  }
0x246: {  	v10 =	vld.idx.msk @!p0 [tilespmem:v16+s0+$0x0], $0xffff;
	_ =	sdelay $0x1  }
0x247: {  	v11 =	vld.idx.msk @!p0 [tilespmem:v14+s0+$0x0], $0xffff;
	_ =	sdelay $0x2  }
0x248: {  	v12 =	vadd.s32 @!p0 v3, v10  }
0x249: {  	v10 =	vadd.s32 @!p0 v5, v10;
	[tilespmem:$0x1428] =	vst @!p0 v12  }
0x24a: {  	[tilespmem:$0x1436] =	vst @!p0 v10;
	v10 =	vadd.s32 @!p0 v3, v11  }
0x24b: {  	[tilespmem:$0x1444] =	vst @!p0 v10;
	v10 =	vadd.s32 @!p0 v5, v11  }
0x24c: {  	s5 =	simm.s32 @!p0 $0x14A8;
	s1 =	simm.s32 @!p0 $0x1428;
	s0 =	simm.s32 @!p0 $0x38;
	[tilespmem:$0x1452] =	vst @!p0 v10  }
0x24d: {  	[tilespmem:s5], [sflag:$0x1] =	stream.indirect.gather @!p0 [hbm4b:s4+s0], $0xC0, s1, s0, $0xb8;
	[tilespmem:$0x18EA8] =	vst v63  }
0x24e: {  	_ =	swait.ge [sflag:s19], $0x2A00  }
0x24f: {  	[sflag:s19] =	ssyncset.done $0x0  }
0x250: {  	[sflag:s19] =	ssyncadd.s32 $0xFFFFD600  }
0x251: {  	v9 =	vld.idx.msk [tilespmem:v9+s18+$0x0], $0xffff;
	_ =	sdelay $0x1  }
0x252: {  	v8 =	vld.idx.msk [tilespmem:v8+s18+$0x0], $0xffff;
	_ =	sdelay $0x2  }
0x253: {  	v9 =	vmul.f32 v9, v6;
	_ =	sdelay $0x1  }
0x254: {  	v8 =	vmul.f32 v9, v8;
	_ =	sdelay $0x1  }
0x255: {  	v9 =	vsub.f32 v9, v8  }
0x256: {  	s1 =	simm.s32 $0x40  }
0x257: {  	s5 =	simm.s32 $0x50;
	v11 =	vmov s1;
	v10 =	vmul.f32 v9, v7  }
0x258: {  	v12 =	vmov s5;
	v11 =	vand.u32 $0xFFFFFFFE, v11;
	v9 =	vmul.f32 v9, v4  }
0x259: {  	s10 =	simm.s32 $0x60;
	v12 =	vand.u32 $0xFFFFFFFE, v12;
	v11 =	vbroadcast v11, $0x0;
	[tilespmem:$0x13C8] =	vst v10;
	v10 =	vmul.f32 v8, v7  }
0x25a: {  	s11 =	simm.s32 $0x70;
	[tilespmem:$0x13D8] =	vst v9;
	v8 =	vmul.f32 v8, v4;
	v9 =	vbroadcast v12, $0x0;
	v12 =	vmov s10  }
0x25b: {  	v12 =	vand.u32 $0xFFFFFFFE, v12;
	[tilespmem:$0x13E8] =	vst v10;
	v10 =	vmov s11  }
0x25c: {  	s29 =	simm.s32 $0x0;
	[tilespmem:$0x13F8] =	vst v8;
	v8 =	vand.u32 $0xFFFFFFFE, v10;
	v10 =	vbroadcast v12, $0x0  }
0x25d: {  	v12 =	vld [tilespmem:s29+$0x3EA8]  }
0x25e: {  	v13 =	vld [tilespmem:s29+$0x4928];
	v8 =	vbroadcast v8, $0x0  }
0x25f: {  	v31 =	vld.idx.msk [tilespmem:v11+s18+$0x0], $0xffff  }
0x260: {  	v32 =	vld.idx.msk [tilespmem:v9+s18+$0x0], $0xffff  }
0x261: {  	v11 =	vld [tilespmem:s29+$0x53A8]  }
0x262: {  	s21 =	simm.s32 $0x61;
	v30 =	vld.idx.msk [tilespmem:v10+s18+$0x0], $0xffff  }
0x263: {  	s26 =	simm.s32 $0x41;
	v15 =	vld [tilespmem:s29+$0x5E28];
	v10 =	vmov s21  }
0x264: {  	v14 =	vmov s26;
	v29 =	vld.idx.msk [tilespmem:v8+s18+$0x0], $0xffff  }
0x265: {  	s31 =	simm.s32 $0x51;
	v8 =	vmul.f32 v12, v31;
	v12 =	vmul.f32 v13, v32  }
0x266: {  	v16 =	vmov s31  }
0x267: {  	v18 =	vld [tilespmem:s29+$0x5EE8];
	v12 =	vadd.f32 v12, v8;
	v13 =	vmul.f32 v11, v30  }
0x268: {  	v8 =	vmov s28;
	v10 =	vld.idx.msk [tilespmem:v10+s18+$0x0], $0xffff  }
0x269: {  	v11 =	vld.idx.msk [tilespmem:v14+s18+$0x0], $0xffff;
	v14 =	vmul.f32 v15, v29;
	v13 =	vadd.f32 v13, v12  }
0x26a: {  	s20 =	simm.s32 $0x71;
	v15 =	vld [tilespmem:s29+$0x3F68]  }
0x26b: {  	v9 =	vmov s20;
	v12 =	vld.idx.msk [tilespmem:v16+s18+$0x0], $0xffff;
	v13 =	vadd.f32 v14, v13  }
0x26c: {  	v14 =	vld [tilespmem:s29+$0x49E8]  }
0x26d: {  	v16 =	vld [tilespmem:s29+$0x5468];
	[tilespmem:v8+s29+$0x0 ss:$0x1] =	vst.idx.msk $0xffff, v13  }
0x26e: {  	v13 =	vld [tilespmem:s29+$0x3EB8]  }
0x26f: {  	v17 =	vld [tilespmem:s29+$0x4938]  }
0x270: {  	v9 =	vld.idx.msk [tilespmem:v9+s18+$0x0], $0xffff  }
0x271: {  	v15 =	vmul.f32 v15, v11;
	v19 =	vld [tilespmem:s29+$0x53B8];
	v14 =	vmul.f32 v14, v12;
	_ =	sdelay $0x1  }
0x272: {  	v16 =	vmul.f32 v16, v10;
	v14 =	vadd.f32 v14, v15;
	v15 =	vld [tilespmem:s29+$0x5E38]  }
0x273: {  	v13 =	vmul.f32 v13, v31;
	v17 =	vmul.f32 v17, v32  }
0x274: {  	v18 =	vmul.f32 v18, v9;
	v14 =	vadd.f32 v16, v14  }
0x275: {  	v16 =	vmul.f32 v19, v30;
	v13 =	vadd.f32 v17, v13  }
0x276: {  	v14 =	vadd.f32 v18, v14  }
0x277: {  	v13 =	vadd.f32 v16, v13;
	v15 =	vmul.f32 v15, v29  }
0x278: {  	[tilespmem:v8+s29+$0xC0 ss:$0x1] =	vst.idx.msk $0xffff, v14  }
0x279: {  	v14 =	vld [tilespmem:s29+$0x3F78];
	v13 =	vadd.f32 v15, v13  }
0x27a: {  	v15 =	vld [tilespmem:s29+$0x49F8]  }
0x27b: {  	v16 =	vld [tilespmem:s29+$0x5478];
	[tilespmem:v8+s29+$0x10 ss:$0x1] =	vst.idx.msk $0xffff, v13  }
0x27c: {  	v13 =	vld [tilespmem:s29+$0x3EC8]  }
0x27d: {  	v17 =	vld [tilespmem:s29+$0x4948]  }
0x27e: {  	v18 =	vld [tilespmem:s29+$0x5EF8]  }
0x27f: {  	v19 =	vld [tilespmem:s29+$0x53C8];
	v14 =	vmul.f32 v14, v11;
	v15 =	vmul.f32 v15, v12;
	_ =	sdelay $0x1  }
0x280: {  	v16 =	vmul.f32 v16, v10;
	v14 =	vadd.f32 v15, v14;
	v15 =	vld [tilespmem:s29+$0x5E48]  }
0x281: {  	v13 =	vmul.f32 v13, v31;
	v17 =	vmul.f32 v17, v32  }
0x282: {  	v18 =	vmul.f32 v18, v9;
	v14 =	vadd.f32 v16, v14  }
0x283: {  	v16 =	vmul.f32 v19, v30;
	v13 =	vadd.f32 v17, v13  }
0x284: {  	v14 =	vadd.f32 v18, v14  }
0x285: {  	v13 =	vadd.f32 v16, v13;
	v15 =	vmul.f32 v15, v29  }
0x286: {  	[tilespmem:v8+s29+$0xD0 ss:$0x1] =	vst.idx.msk $0xffff, v14  }
0x287: {  	v14 =	vld [tilespmem:s29+$0x3F88];
	v13 =	vadd.f32 v15, v13  }
0x288: {  	v15 =	vld [tilespmem:s29+$0x4A08]  }
0x289: {  	v16 =	vld [tilespmem:s29+$0x5488];
	[tilespmem:v8+s29+$0x20 ss:$0x1] =	vst.idx.msk $0xffff, v13  }
0x28a: {  	v13 =	vld [tilespmem:s29+$0x3ED8]  }
0x28b: {  	v17 =	vld [tilespmem:s29+$0x4958]  }
0x28c: {  	v18 =	vld [tilespmem:s29+$0x5F08]  }
0x28d: {  	v19 =	vld [tilespmem:s29+$0x53D8]  }
0x28e: {  	v14 =	vmul.f32 v14, v11;
	v15 =	vmul.f32 v15, v12  }
0x28f: {  	v20 =	vld [tilespmem:s29+$0x5E58];
	v16 =	vmul.f32 v16, v10  }
0x290: {  	v14 =	vadd.f32 v15, v14;
	v13 =	vmul.f32 v13, v31;
	v15 =	vmul.f32 v17, v32  }
0x291: {  	v17 =	vmul.f32 v18, v9  }
0x292: {  	v14 =	vadd.f32 v16, v14;
	v16 =	vmul.f32 v19, v30;
	v13 =	vadd.f32 v15, v13;
	_ =	sdelay $0x1  }
0x293: {  	v15 =	vmul.f32 v20, v29;
	v14 =	vadd.f32 v17, v14;
	v13 =	vadd.f32 v16, v13;
	_ =	sdelay $0x1  }
0x294: {  	[tilespmem:v8+s29+$0xE0 ss:$0x1] =	vst.idx.msk $0xffff, v14;
	v13 =	vadd.f32 v15, v13  }
0x295: {  	v14 =	vld [tilespmem:s29+$0x3F98]  }
0x296: {  	v15 =	vld [tilespmem:s29+$0x4A18];
	[tilespmem:v8+s29+$0x30 ss:$0x1] =	vst.idx.msk $0xffff, v13  }
0x297: {  	v13 =	vld [tilespmem:s29+$0x3EE8]  }
0x298: {  	v16 =	vld [tilespmem:s29+$0x4968];
	_ =	sdelay $0x1  }
0x299: {  	v18 =	vld [tilespmem:s29+$0x53E8]  }
0x29a: {  	v17 =	vld [tilespmem:s29+$0x5498]  }
0x29b: {  	v20 =	vld [tilespmem:s29+$0x5E68];
	v14 =	vmul.f32 v14, v11;
	v15 =	vmul.f32 v15, v12  }
0x29c: {  	v13 =	vmul.f32 v13, v31;
	v16 =	vmul.f32 v16, v32  }
0x29d: {  	v19 =	vld [tilespmem:s29+$0x5F18]  }
0x29e: {  	v14 =	vadd.f32 v15, v14;
	v15 =	vmul.f32 v18, v30;
	v13 =	vadd.f32 v16, v13;
	_ =	sdelay $0x1  }
0x29f: {  	v17 =	vmul.f32 v17, v10;
	v13 =	vadd.f32 v15, v13;
	v15 =	vmul.f32 v20, v29;
	_ =	sdelay $0x1  }
0x2a0: {  	v14 =	vadd.f32 v17, v14;
	v16 =	vmul.f32 v19, v9;
	v13 =	vadd.f32 v15, v13;
	_ =	sdelay $0x1  }
0x2a1: {  	v14 =	vadd.f32 v16, v14;
	[tilespmem:v8+s29+$0x40 ss:$0x1] =	vst.idx.msk $0xffff, v13  }
0x2a2: {  	v13 =	vld [tilespmem:s29+$0x3EF8]  }
0x2a3: {  	[tilespmem:v8+s29+$0xF0 ss:$0x1] =	vst.idx.msk $0xffff, v14;
	v15 =	vld [tilespmem:s29+$0x4978]  }
0x2a4: {  	v14 =	vld [tilespmem:s29+$0x3FA8]  }
0x2a5: {  	v17 =	vld [tilespmem:s29+$0x53F8]  }
0x2a6: {  	v16 =	vld [tilespmem:s29+$0x4A28]  }
0x2a7: {  	v19 =	vld [tilespmem:s29+$0x5E78]  }
0x2a8: {  	v18 =	vld [tilespmem:s29+$0x54A8];
	v13 =	vmul.f32 v13, v31;
	v15 =	vmul.f32 v15, v32;
	_ =	sdelay $0x1  }
0x2a9: {  	v13 =	vadd.f32 v15, v13;
	v15 =	vmul.f32 v17, v30  }
0x2aa: {  	v20 =	vld [tilespmem:s29+$0x5F28];
	v14 =	vmul.f32 v14, v11  }
0x2ab: {  	v16 =	vmul.f32 v16, v12;
	v13 =	vadd.f32 v15, v13;
	v15 =	vmul.f32 v19, v29  }
0x2ac: {  	s1 =	simm.s32 $0x73;
	v18 =	vmul.f32 v18, v10  }
0x2ad: {  	v14 =	vadd.f32 v16, v14;
	v17 =	vmov s1;
	v15 =	vadd.f32 v15, v13  }
0x2ae: {  	s30 =	simm.s32 $0x180  }
0x2af: {  	v28 =	vld [tilespmem:s30+$0x53A8];
	v16 =	vmul.f32 v20, v9;
	v14 =	vadd.f32 v18, v14;
	[tilespmem:v8+s29+$0x50 ss:$0x1] =	vst.idx.msk $0xffff, v15  }
0x2b0: {  	s11 =	simm.s32 $0x42;
	s20 =	simm.s32 $0x52;
	v15 =	vld [tilespmem:s29+$0x3F08]  }
0x2b1: {  	v18 =	vmov s11;
	v14 =	vadd.f32 v16, v14;
	v19 =	vmov s20;
	v16 =	vld [tilespmem:s29+$0x4988]  }
0x2b2: {  	s26 =	simm.s32 $0x62;
	s10 =	simm.s32 $0x53;
	v18 =	vand.u32 $0xFFFFFFFE, v18;
	v19 =	vand.u32 $0xFFFFFFFE, v19;
	v13 =	vld.idx.msk [tilespmem:v17+s18+$0x0], $0xffff  }
0x2b3: {  	v24 =	vbroadcast v19, $0x0;
	v19 =	vmov s26;
	v17 =	vmov s10;
	v20 =	vld [tilespmem:s29+$0x5408]  }
0x2b4: {  	v59 =	vld [tilespmem:s30+$0x4928];
	s21 =	simm.s32 $0x72;
	v18 =	vbroadcast v18, $0x0;
	v19 =	vand.u32 $0xFFFFFFFE, v19  }
0x2b5: {  	v23 =	vmov s21;
	v27 =	vbroadcast v19, $0x0;
	v25 =	vld [tilespmem:s29+$0x5E88]  }
0x2b6: {  	v61 =	vld [tilespmem:s30+$0x3F68];
	v23 =	vand.u32 $0xFFFFFFFE, v23;
	v26 =	vmul.f32 v15, v31;
	v16 =	vmul.f32 v16, v32  }
0x2b7: {  	v62 =	vld [tilespmem:s30+$0x49E8];
	v23 =	vbroadcast v23, $0x0  }
0x2b8: {  	[tilespmem:v8+s29+$0x100 ss:$0x1] =	vst.idx.msk $0xffff, v14;
	v15 =	vld.idx.msk [tilespmem:v17+s18+$0x0], $0xffff;
	v17 =	vmul.f32 v20, v30;
	v16 =	vadd.f32 v16, v26  }
0x2b9: {  	v21 =	vld [tilespmem:s29+$0x3FB8]  }
0x2ba: {  	v19 =	vld.idx.msk [tilespmem:v18+s18+$0x0], $0xffff;
	v16 =	vadd.f32 v17, v16;
	v17 =	vmul.f32 v25, v29  }
0x2bb: {  	v20 =	vld.idx.msk [tilespmem:v24+s18+$0x0], $0xffff  }
0x2bc: {  	v18 =	vld.idx.msk [tilespmem:v27+s18+$0x0], $0xffff;
	v16 =	vadd.f32 v17, v16  }
0x2bd: {  	v26 =	vld [tilespmem:s30+$0x3EA8]  }
0x2be: {  	v17 =	vld.idx.msk [tilespmem:v23+s18+$0x0], $0xffff;
	[tilespmem:v8+s29+$0x60 ss:$0x1] =	vst.idx.msk $0xffff, v16  }
0x2bf: {  	s5 =	simm.s32 $0x43;
	v16 =	vld [tilespmem:s29+$0x3F18]  }
0x2c0: {  	s31 =	simm.s32 $0x63;
	v14 =	vmov s5;
	v23 =	vld [tilespmem:s29+$0x4998]  }
0x2c1: {  	v24 =	vmov s31;
	v25 =	vld [tilespmem:s30+$0x5E28]  }
0x2c2: {  	v27 =	vmul.f32 v59, v20;
	v26 =	vmul.f32 v26, v19;
	v60 =	vld [tilespmem:s29+$0x5418]  }
0x2c3: {  	v22 =	vld [tilespmem:s29+$0x4A38]  }
0x2c4: {  	v26 =	vadd.f32 v27, v26;
	v27 =	vmul.f32 v28, v18;
	v28 =	vld [tilespmem:s29+$0x5E98]  }
0x2c5: {  	v14 =	vld.idx.msk [tilespmem:v14+s18+$0x0], $0xffff;
	v63 =	vmul.f32 v16, v31;
	v23 =	vmul.f32 v23, v32  }
0x2c6: {  	v25 =	vmul.f32 v25, v17;
	v16 =	vld.idx.msk [tilespmem:v24+s18+$0x0], $0xffff;
	v24 =	vadd.f32 v27, v26  }
0x2c7: {  	v26 =	vld [tilespmem:s30+$0x5468];
	v27 =	vmul.f32 v60, v30;
	v23 =	vadd.f32 v23, v63  }
0x2c8: {  	v39 =	vld [tilespmem:s29+$0x54B8];
	v24 =	vadd.f32 v25, v24  }
0x2c9: {  	v25 =	vld [tilespmem:s30+$0x5EE8];
	v23 =	vadd.f32 v27, v23;
	v27 =	vmul.f32 v28, v29  }
0x2ca: {  	v34 =	vmul.f32 v61, v14;
	v28 =	vld [tilespmem:s29+$0x5F38];
	[tilespmem:v8+s30+$0x0 ss:$0x1] =	vst.idx.msk $0xffff, v24;
	v24 =	vmul.f32 v62, v15  }
0x2cb: {  	v21 =	vmul.f32 v21, v11;
	v40 =	vld [tilespmem:s30+$0x3EB8];
	v23 =	vadd.f32 v27, v23  }
0x2cc: {  	v22 =	vmul.f32 v22, v12;
	v26 =	vmul.f32 v26, v16;
	v27 =	vld [tilespmem:s30+$0x4938];
	v24 =	vadd.f32 v24, v34  }
0x2cd: {  	v33 =	vmul.f32 v39, v10;
	v41 =	vld [tilespmem:s30+$0x53B8];
	[tilespmem:v8+s29+$0x70 ss:$0x1] =	vst.idx.msk $0xffff, v23  }
0x2ce: {  	v21 =	vadd.f32 v22, v21;
	v22 =	vmul.f32 v25, v13;
	v23 =	vadd.f32 v26, v24;
	v24 =	vld [tilespmem:s29+$0x3F28]  }
0x2cf: {  	v25 =	vld [tilespmem:s29+$0x49A8]  }
0x2d0: {  	v21 =	vadd.f32 v33, v21;
	v26 =	vmul.f32 v28, v9;
	v28 =	vld [tilespmem:s30+$0x5E38];
	v22 =	vadd.f32 v22, v23  }
0x2d1: {  	v42 =	vld [tilespmem:s29+$0x5428];
	v23 =	vmul.f32 v40, v19;
	v27 =	vmul.f32 v27, v20  }
0x2d2: {  	v21 =	vadd.f32 v26, v21;
	[tilespmem:v8+s30+$0xC0 ss:$0x1] =	vst.idx.msk $0xffff, v22;
	v22 =	vld [tilespmem:s29+$0x5EA8]  }
0x2d3: {  	v26 =	vmul.f32 v41, v18;
	v23 =	vadd.f32 v27, v23;
	v27 =	vld [tilespmem:s30+$0x3F78]  }
0x2d4: {  	[tilespmem:v8+s29+$0x110 ss:$0x1] =	vst.idx.msk $0xffff, v21;
	v21 =	vmul.f32 v24, v31;
	v24 =	vmul.f32 v25, v32;
	v25 =	vld [tilespmem:s30+$0x49F8]  }
0x2d5: {  	v43 =	vld [tilespmem:s29+$0x3FC8];
	v23 =	vadd.f32 v26, v23;
	v26 =	vmul.f32 v28, v17  }
0x2d6: {  	v28 =	vld [tilespmem:s30+$0x5478];
	v21 =	vadd.f32 v24, v21;
	v24 =	vmul.f32 v42, v30  }
0x2d7: {  	v44 =	vld [tilespmem:s29+$0x4A48];
	v23 =	vadd.f32 v26, v23  }
0x2d8: {  	v26 =	vld [tilespmem:s30+$0x5EF8];
	v22 =	vmul.f32 v22, v29;
	v21 =	vadd.f32 v24, v21  }
0x2d9: {  	v24 =	vld [tilespmem:s29+$0x54C8];
	[tilespmem:v8+s30+$0x10 ss:$0x1] =	vst.idx.msk $0xffff, v23;
	v23 =	vmul.f32 v27, v14;
	v25 =	vmul.f32 v25, v15  }
0x2da: {  	v27 =	vld [tilespmem:s30+$0x3EC8]  }
0x2db: {  	v21 =	vadd.f32 v22, v21;
	v22 =	vld [tilespmem:s30+$0x4948];
	v28 =	vmul.f32 v28, v16;
	v23 =	vadd.f32 v25, v23  }
0x2dc: {  	v45 =	vld [tilespmem:s30+$0x53C8]  }
0x2dd: {  	v25 =	vld [tilespmem:s29+$0x5F48];
	v26 =	vmul.f32 v26, v13;
	[tilespmem:v8+s29+$0x80 ss:$0x1] =	vst.idx.msk $0xffff, v21;
	v21 =	vadd.f32 v28, v23  }
0x2de: {  	v23 =	vld [tilespmem:s29+$0x3F38]  }
0x2df: {  	v28 =	vld [tilespmem:s30+$0x5E48];
	v21 =	vadd.f32 v26, v21  }
0x2e0: {  	v26 =	vld [tilespmem:s29+$0x49B8];
	v27 =	vmul.f32 v27, v19;
	v22 =	vmul.f32 v22, v20  }
0x2e1: {  	v34 =	vmul.f32 v43, v11;
	v33 =	vmul.f32 v44, v12;
	v46 =	vld [tilespmem:s29+$0x5438];
	[tilespmem:v8+s30+$0xD0 ss:$0x1] =	vst.idx.msk $0xffff, v21  }
0x2e2: {  	v21 =	vadd.f32 v22, v27;
	v22 =	vmul.f32 v45, v18;
	v27 =	vld [tilespmem:s30+$0x3F88]  }
0x2e3: {  	v33 =	vadd.f32 v33, v34;
	v24 =	vmul.f32 v24, v10;
	v47 =	vld [tilespmem:s30+$0x4A08]  }
0x2e4: {  	v48 =	vld [tilespmem:s29+$0x5EB8];
	v25 =	vmul.f32 v25, v9;
	v21 =	vadd.f32 v22, v21;
	v22 =	vmul.f32 v28, v17  }
0x2e5: {  	v24 =	vadd.f32 v24, v33;
	v23 =	vmul.f32 v23, v31;
	v28 =	vld [tilespmem:s30+$0x5488];
	v26 =	vmul.f32 v26, v32  }
0x2e6: {  	v21 =	vadd.f32 v22, v21  }
0x2e7: {  	v22 =	vadd.f32 v25, v24;
	v24 =	vmul.f32 v46, v30;
	v25 =	vld [tilespmem:s30+$0x5F08];
	v23 =	vadd.f32 v26, v23  }
0x2e8: {  	[tilespmem:v8+s30+$0x20 ss:$0x1] =	vst.idx.msk $0xffff, v21;
	v21 =	vmul.f32 v27, v14;
	v26 =	vmul.f32 v47, v15  }
0x2e9: {  	[tilespmem:v8+s29+$0x120 ss:$0x1] =	vst.idx.msk $0xffff, v22;
	v22 =	vadd.f32 v24, v23;
	v23 =	vld [tilespmem:s30+$0x3ED8]  }
0x2ea: {  	v24 =	vmul.f32 v48, v29;
	v27 =	vmul.f32 v28, v16;
	v28 =	vld [tilespmem:s30+$0x4958];
	v21 =	vadd.f32 v26, v21  }
0x2eb: {  	v49 =	vld [tilespmem:s30+$0x53D8]  }
0x2ec: {  	v26 =	vld [tilespmem:s29+$0x3FD8];
	v22 =	vadd.f32 v24, v22;
	v24 =	vmul.f32 v25, v13;
	v21 =	vadd.f32 v27, v21  }
0x2ed: {  	v25 =	vld [tilespmem:s29+$0x4A58]  }
0x2ee: {  	[tilespmem:v8+s29+$0x90 ss:$0x1] =	vst.idx.msk $0xffff, v22;
	v22 =	vld [tilespmem:s30+$0x5E58];
	v21 =	vadd.f32 v24, v21  }
0x2ef: {  	v24 =	vld [tilespmem:s29+$0x3F48];
	v23 =	vmul.f32 v23, v19;
	v27 =	vmul.f32 v28, v20  }
0x2f0: {  	v28 =	vld [tilespmem:s29+$0x49C8];
	[tilespmem:v8+s30+$0xE0 ss:$0x1] =	vst.idx.msk $0xffff, v21  }
0x2f1: {  	v21 =	vmul.f32 v49, v18;
	v23 =	vadd.f32 v27, v23;
	v27 =	vld [tilespmem:s30+$0x3F98]  }
0x2f2: {  	v50 =	vld [tilespmem:s30+$0x4A18]  }
0x2f3: {  	v51 =	vld [tilespmem:s29+$0x5448];
	v22 =	vmul.f32 v22, v17;
	v21 =	vadd.f32 v21, v23  }
0x2f4: {  	v23 =	vld [tilespmem:s30+$0x5498]  }
0x2f5: {  	v52 =	vld [tilespmem:s29+$0x5EC8];
	v21 =	vadd.f32 v22, v21  }
0x2f6: {  	v22 =	vmul.f32 v24, v31;
	v24 =	vmul.f32 v28, v32;
	v28 =	vld [tilespmem:s30+$0x5F18]  }
0x2f7: {  	v53 =	vld [tilespmem:s29+$0x54D8];
	v27 =	vmul.f32 v27, v14;
	[tilespmem:v8+s30+$0x30 ss:$0x1] =	vst.idx.msk $0xffff, v21;
	v21 =	vmul.f32 v50, v15  }
0x2f8: {  	v22 =	vadd.f32 v24, v22;
	v24 =	vmul.f32 v51, v30;
	v54 =	vld [tilespmem:s30+$0x3EE8]  }
0x2f9: {  	v23 =	vmul.f32 v23, v16;
	v56 =	vld [tilespmem:s30+$0x4968];
	v21 =	vadd.f32 v21, v27  }
0x2fa: {  	v26 =	vmul.f32 v26, v11;
	v27 =	vld [tilespmem:s29+$0x5F58];
	v22 =	vadd.f32 v24, v22;
	v24 =	vmul.f32 v52, v29  }
0x2fb: {  	v25 =	vmul.f32 v25, v12;
	v28 =	vmul.f32 v28, v13;
	v21 =	vadd.f32 v23, v21;
	v23 =	vld [tilespmem:s30+$0x53E8]  }
0x2fc: {  	v22 =	vadd.f32 v24, v22  }
0x2fd: {  	s0 =	simm.s32 $0x300;
	v25 =	vadd.f32 v25, v26;
	v24 =	vmul.f32 v53, v10;
	v26 =	vadd.f32 v28, v21;
	v28 =	vld [tilespmem:s30+$0x5E68]  }
0x2fe: {  	s1 =	simm.s32 $0x75;
	v50 =	vld [tilespmem:s0+$0x53A8];
	[tilespmem:v8+s29+$0xA0 ss:$0x1] =	vst.idx.msk $0xffff, v22;
	v22 =	vmul.f32 v54, v19;
	v57 =	vmul.f32 v56, v20  }
0x2ff: {  	v55 =	vmov s1;
	v51 =	vld [tilespmem:s0+$0x4928];
	v24 =	vadd.f32 v24, v25;
	v25 =	vmul.f32 v27, v9;
	[tilespmem:v8+s30+$0xF0 ss:$0x1] =	vst.idx.msk $0xffff, v26  }
0x300: {  	v22 =	vadd.f32 v57, v22;
	v26 =	vld [tilespmem:s30+$0x3FA8];
	v23 =	vmul.f32 v23, v18  }
0x301: {  	v24 =	vadd.f32 v25, v24;
	v25 =	vld [tilespmem:s30+$0x4A28]  }
0x302: {  	v53 =	vld [tilespmem:s0+$0x49E8];
	v22 =	vadd.f32 v23, v22;
	v23 =	vmul.f32 v28, v17  }
0x303: {  	v27 =	vld [tilespmem:s30+$0x54A8]  }
0x304: {  	v21 =	vld.idx.msk [tilespmem:v55+s18+$0x0], $0xffff;
	v22 =	vadd.f32 v23, v22  }
0x305: {  	[tilespmem:v8+s29+$0x130 ss:$0x1] =	vst.idx.msk $0xffff, v24;
	v24 =	vld [tilespmem:s30+$0x5F28]  }
0x306: {  	v28 =	vld [tilespmem:s29+$0x3FE8];
	v26 =	vmul.f32 v26, v14;
	v25 =	vmul.f32 v25, v15;
	[tilespmem:v8+s30+$0x40 ss:$0x1] =	vst.idx.msk $0xffff, v22  }
0x307: {  	v22 =	vld [tilespmem:s30+$0x3EF8]  }
0x308: {  	v27 =	vmul.f32 v27, v16;
	v25 =	vadd.f32 v25, v26;
	v26 =	vld [tilespmem:s30+$0x4978]  }
0x309: {  	v23 =	vld [tilespmem:s29+$0x4A68]  }
0x30a: {  	v24 =	vmul.f32 v24, v13;
	v25 =	vadd.f32 v27, v25;
	v27 =	vld [tilespmem:s30+$0x53F8]  }
0x30b: {  	v58 =	vld [tilespmem:s29+$0x54E8]  }
0x30c: {  	v24 =	vadd.f32 v24, v25;
	v25 =	vld [tilespmem:s30+$0x5E78]  }
0x30d: {  	v59 =	vld [tilespmem:s29+$0x5F68];
	v22 =	vmul.f32 v22, v19;
	v26 =	vmul.f32 v26, v20  }
0x30e: {  	v56 =	vld [tilespmem:s0+$0x3EA8];
	v28 =	vmul.f32 v28, v11;
	v23 =	vmul.f32 v23, v12  }
0x30f: {  	v33 =	vld [tilespmem:s29+$0x3F58];
	[tilespmem:v8+s30+$0x100 ss:$0x1] =	vst.idx.msk $0xffff, v24;
	v22 =	vadd.f32 v26, v22;
	v24 =	vmul.f32 v27, v18  }
0x310: {  	v36 =	vld [tilespmem:s29+$0x49D8];
	v60 =	vmul.f32 v58, v10;
	v23 =	vadd.f32 v23, v28  }
0x311: {  	v35 =	vld [tilespmem:s29+$0x5458];
	v22 =	vadd.f32 v24, v22;
	v24 =	vmul.f32 v25, v17  }
0x312: {  	v34 =	vld [tilespmem:s29+$0x5ED8];
	v28 =	vmul.f32 v59, v9;
	v23 =	vadd.f32 v60, v23  }
0x313: {  	v59 =	vld [tilespmem:s0+$0x5E28];
	v22 =	vadd.f32 v24, v22  }
0x314: {  	v61 =	vld [tilespmem:s30+$0x3FB8];
	v23 =	vadd.f32 v28, v23  }
0x315: {  	s5 =	simm.s32 $0x65;
	v62 =	vld [tilespmem:s30+$0x4A38];
	[tilespmem:v8+s30+$0x50 ss:$0x1] =	vst.idx.msk $0xffff, v22  }
0x316: {  	s10 =	simm.s32 $0x45;
	[tilespmem:v8+s29+$0x140 ss:$0x1] =	vst.idx.msk $0xffff, v23;
	v23 =	vmov s5;
	v24 =	vld [tilespmem:s30+$0x3F08]  }
0x317: {  	v25 =	vmov s10;
	v26 =	vld [tilespmem:s30+$0x4988]  }
0x318: {  	s20 =	simm.s32 $0x44;
	v63 =	vld [tilespmem:s30+$0x54B8]  }
0x319: {  	s31 =	simm.s32 $0x64;
	v22 =	vmov s20;
	v55 =	vld [tilespmem:s30+$0x5408]  }
0x31a: {  	s21 =	simm.s32 $0x54;
	s11 =	simm.s32 $0x55;
	v48 =	vmov s31;
	v46 =	vand.u32 $0xFFFFFFFE, v22;
	v49 =	vld [tilespmem:s30+$0x5E88]  }
0x31b: {  	v27 =	vmov s11;
	v28 =	vmov s21;
	v22 =	vld.idx.msk [tilespmem:v23+s18+$0x0], $0xffff;
	v46 =	vbroadcast v46, $0x0  }
0x31c: {  	v28 =	vand.u32 $0xFFFFFFFE, v28;
	v23 =	vld.idx.msk [tilespmem:v25+s18+$0x0], $0xffff;
	v25 =	vmul.f32 v24, v19;
	v26 =	vmul.f32 v26, v20  }
0x31d: {  	v48 =	vand.u32 $0xFFFFFFFE, v48;
	v54 =	vld [tilespmem:s30+$0x5F38];
	v28 =	vbroadcast v28, $0x0  }
0x31e: {  	s26 =	simm.s32 $0x74;
	v48 =	vbroadcast v48, $0x0;
	v41 =	vld [tilespmem:s29+$0x3FF8];
	v25 =	vadd.f32 v26, v25;
	v26 =	vmul.f32 v55, v18  }
0x31f: {  	v47 =	vmov s26;
	v42 =	vld [tilespmem:s29+$0x4A78]  }
0x320: {  	v47 =	vand.u32 $0xFFFFFFFE, v47;
	v43 =	vld [tilespmem:s29+$0x54F8];
	v49 =	vmul.f32 v49, v17;
	v25 =	vadd.f32 v26, v25  }
0x321: {  	v47 =	vbroadcast v47, $0x0;
	v24 =	vld.idx.msk [tilespmem:v27+s18+$0x0], $0xffff  }
0x322: {  	v27 =	vld.idx.msk [tilespmem:v46+s18+$0x0], $0xffff;
	v57 =	vadd.f32 v49, v25  }
0x323: {  	v26 =	vld.idx.msk [tilespmem:v28+s18+$0x0], $0xffff  }
0x324: {  	v28 =	vld.idx.msk [tilespmem:v48+s18+$0x0], $0xffff;
	[tilespmem:v8+s30+$0x60 ss:$0x1] =	vst.idx.msk $0xffff, v57  }
0x325: {  	v37 =	vmul.f32 v61, v14;
	v38 =	vmul.f32 v62, v15;
	v46 =	vld [tilespmem:s30+$0x3F18]  }
0x326: {  	v58 =	vld [tilespmem:s30+$0x4998]  }
0x327: {  	v39 =	vmul.f32 v63, v16;
	v37 =	vadd.f32 v38, v37;
	v25 =	vld.idx.msk [tilespmem:v47+s18+$0x0], $0xffff  }
0x328: {  	v45 =	vmul.f32 v56, v27;
	v60 =	vmul.f32 v51, v26;
	v61 =	vld [tilespmem:s30+$0x5418]  }
0x329: {  	v44 =	vld [tilespmem:s29+$0x5F78];
	v40 =	vmul.f32 v54, v13;
	v37 =	vadd.f32 v39, v37  }
0x32a: {  	v41 =	vmul.f32 v41, v11;
	v63 =	vmul.f32 v50, v28;
	v52 =	vld [tilespmem:s30+$0x5E98];
	v45 =	vadd.f32 v60, v45  }
0x32b: {  	v62 =	vld [tilespmem:s0+$0x3F68];
	v37 =	vadd.f32 v40, v37;
	v46 =	vmul.f32 v46, v19;
	v47 =	vmul.f32 v58, v20  }
0x32c: {  	v54 =	vld [tilespmem:s0+$0x5468];
	v42 =	vmul.f32 v42, v12;
	v38 =	vmul.f32 v59, v25;
	v45 =	vadd.f32 v63, v45  }
0x32d: {  	[tilespmem:v8+s30+$0x110 ss:$0x1] =	vst.idx.msk $0xffff, v37;
	v55 =	vld [tilespmem:s0+$0x5EE8];
	v56 =	vmul.f32 v61, v18;
	v46 =	vadd.f32 v47, v46  }
0x32e: {  	v41 =	vadd.f32 v42, v41;
	v42 =	vld [tilespmem:s30+$0x5F48];
	v38 =	vadd.f32 v38, v45  }
0x32f: {  	v49 =	vld [tilespmem:s30+$0x4A48];
	v57 =	vmul.f32 v52, v17;
	v46 =	vadd.f32 v56, v46  }
0x330: {  	v45 =	vld [tilespmem:s30+$0x3FC8];
	[tilespmem:v8+s0+$0x0 ss:$0x1] =	vst.idx.msk $0xffff, v38  }
0x331: {  	v39 =	vmul.f32 v62, v23;
	v40 =	vmul.f32 v53, v24;
	v58 =	vld [tilespmem:s0+$0x3EB8];
	v46 =	vadd.f32 v57, v46  }
0x332: {  	v59 =	vld [tilespmem:s0+$0x4938]  }
0x333: {  	v48 =	vmul.f32 v54, v22;
	v39 =	vadd.f32 v40, v39;
	v60 =	vld [tilespmem:s0+$0x53B8];
	[tilespmem:v8+s30+$0x70 ss:$0x1] =	vst.idx.msk $0xffff, v46  }
0x334: {  	v46 =	vld [tilespmem:s30+$0x3F28]  }
0x335: {  	v37 =	vmul.f32 v55, v21;
	v39 =	vadd.f32 v48, v39;
	v61 =	vld [tilespmem:s30+$0x49A8]  }
0x336: {  	v62 =	vmul.f32 v43, v10;
	v63 =	vld [tilespmem:s0+$0x5E38]  }
0x337: {  	v37 =	vadd.f32 v37, v39;
	v52 =	vmul.f32 v58, v27;
	v47 =	vmul.f32 v59, v26;
	v53 =	vld [tilespmem:s30+$0x5428]  }
0x338: {  	v44 =	vmul.f32 v44, v9;
	v41 =	vadd.f32 v62, v41;
	v38 =	vld [tilespmem:s30+$0x54C8]  }
0x339: {  	[tilespmem:v8+s0+$0xC0 ss:$0x1] =	vst.idx.msk $0xffff, v37;
	v55 =	vmul.f32 v60, v28;
	v56 =	vld [tilespmem:s30+$0x5EA8];
	v54 =	vadd.f32 v47, v52  }
0x33a: {  	v41 =	vadd.f32 v44, v41;
	v57 =	vld [tilespmem:s0+$0x3F78];
	v46 =	vmul.f32 v46, v19;
	v58 =	vmul.f32 v61, v20  }
0x33b: {  	v59 =	vmul.f32 v63, v25;
	v60 =	vld [tilespmem:s0+$0x49F8];
	v37 =	vadd.f32 v55, v54  }
0x33c: {  	[tilespmem:v8+s29+$0x150 ss:$0x1] =	vst.idx.msk $0xffff, v41;
	v62 =	vld [tilespmem:s0+$0x5478];
	v63 =	vmul.f32 v53, v18;
	v61 =	vadd.f32 v58, v46  }
0x33d: {  	v45 =	vmul.f32 v45, v14;
	v52 =	vmul.f32 v49, v15;
	v47 =	vld [tilespmem:s29+$0x4008];
	v37 =	vadd.f32 v59, v37  }
0x33e: {  	v53 =	vld [tilespmem:s0+$0x5EF8];
	v40 =	vmul.f32 v56, v17;
	v41 =	vadd.f32 v63, v61  }
0x33f: {  	v38 =	vmul.f32 v38, v16;
	v45 =	vadd.f32 v52, v45;
	[tilespmem:v8+s0+$0x10 ss:$0x1] =	vst.idx.msk $0xffff, v37;
	v37 =	vld [tilespmem:s29+$0x4A88]  }
0x340: {  	v44 =	vmul.f32 v57, v23;
	v43 =	vmul.f32 v60, v24;
	v54 =	vld [tilespmem:s0+$0x3EC8];
	v40 =	vadd.f32 v40, v41  }
0x341: {  	v42 =	vmul.f32 v42, v13;
	v38 =	vadd.f32 v38, v45;
	v55 =	vld [tilespmem:s0+$0x4948]  }
0x342: {  	v46 =	vmul.f32 v62, v22;
	v43 =	vadd.f32 v43, v44;
	v56 =	vld [tilespmem:s0+$0x53C8];
	[tilespmem:v8+s30+$0x80 ss:$0x1] =	vst.idx.msk $0xffff, v40  }
0x343: {  	v38 =	vadd.f32 v42, v38;
	v40 =	vld [tilespmem:s30+$0x3F38]  }
0x344: {  	v57 =	vadd.f32 v46, v43;
	v39 =	vmul.f32 v53, v21;
	v58 =	vld [tilespmem:s30+$0x49B8]  }
0x345: {  	v59 =	vld [tilespmem:s0+$0x5E48];
	[tilespmem:v8+s30+$0x120 ss:$0x1] =	vst.idx.msk $0xffff, v38  }
0x346: {  	v39 =	vadd.f32 v39, v57;
	v41 =	vmul.f32 v54, v27;
	v45 =	vmul.f32 v55, v26;
	v60 =	vld [tilespmem:s30+$0x5438]  }
0x347: {  	v46 =	vld [tilespmem:s30+$0x3FD8]  }
0x348: {  	v44 =	vmul.f32 v56, v28;
	[tilespmem:v8+s0+$0xD0 ss:$0x1] =	vst.idx.msk $0xffff, v39;
	v61 =	vld [tilespmem:s30+$0x5EB8];
	v41 =	vadd.f32 v45, v41  }
0x349: {  	v62 =	vld [tilespmem:s0+$0x3F88];
	v40 =	vmul.f32 v40, v19;
	v43 =	vmul.f32 v58, v20  }
0x34a: {  	v38 =	vmul.f32 v59, v25;
	v63 =	vld [tilespmem:s0+$0x4A08];
	v41 =	vadd.f32 v44, v41  }
0x34b: {  	v52 =	vld [tilespmem:s30+$0x4A58];
	v42 =	vmul.f32 v60, v18;
	v40 =	vadd.f32 v43, v40  }
0x34c: {  	v31 =	vmul.f32 v33, v31;
	v32 =	vmul.f32 v36, v32;
	v48 =	vld [tilespmem:s0+$0x5488];
	v49 =	vadd.f32 v38, v41  }
0x34d: {  	v53 =	vld [tilespmem:s30+$0x54D8];
	v39 =	vmul.f32 v61, v17;
	v51 =	vadd.f32 v42, v40  }
0x34e: {  	v30 =	vmul.f32 v35, v30;
	v31 =	vadd.f32 v32, v31;
	v50 =	vld [tilespmem:s0+$0x5F08];
	[tilespmem:v8+s0+$0x20 ss:$0x1] =	vst.idx.msk $0xffff, v49  }
0x34f: {  	v54 =	vmul.f32 v62, v23;
	v57 =	vmul.f32 v63, v24;
	v56 =	vld [tilespmem:s0+$0x53D8];
	v55 =	vadd.f32 v39, v51  }
0x350: {  	v29 =	vmul.f32 v34, v29;
	v30 =	vadd.f32 v30, v31;
	v58 =	vld [tilespmem:s0+$0x3ED8]  }
0x351: {  	v59 =	vmul.f32 v48, v22;
	v31 =	vadd.f32 v57, v54;
	v60 =	vld [tilespmem:s0+$0x4958];
	[tilespmem:v8+s30+$0x90 ss:$0x1] =	vst.idx.msk $0xffff, v55  }
0x352: {  	v29 =	vadd.f32 v29, v30;
	v61 =	vmul.f32 v46, v14;
	v30 =	vld [tilespmem:s30+$0x3F48]  }
0x353: {  	v62 =	vmul.f32 v50, v21;
	v40 =	vmul.f32 v52, v15;
	v31 =	vadd.f32 v59, v31;
	v32 =	vld [tilespmem:s30+$0x49C8]  }
0x354: {  	[tilespmem:v8+s29+$0xB0 ss:$0x1] =	vst.idx.msk $0xffff, v29;
	v29 =	vmul.f32 v47, v11;
	v37 =	vmul.f32 v37, v12;
	v36 =	vld [tilespmem:s0+$0x5E58]  }
0x355: {  	v33 =	vmul.f32 v53, v16;
	v40 =	vadd.f32 v40, v61;
	v63 =	vadd.f32 v62, v31;
	v31 =	vld [tilespmem:s30+$0x5448]  }
0x356: {  	v35 =	vld [tilespmem:s30+$0x5F58];
	v29 =	vadd.f32 v37, v29;
	v38 =	vmul.f32 v58, v27;
	v39 =	vmul.f32 v60, v26  }
0x357: {  	s1 =	simm.s32 $0xC00;
	s5 =	simm.s32 $0x4;
	v34 =	vadd.f32 v33, v40;
	v37 =	vmul.f32 v56, v28;
	[tilespmem:v8+s0+$0xE0 ss:$0x1] =	vst.idx.msk $0xffff, v63;
	v33 =	vld [tilespmem:s30+$0x5EC8]  }
.LBB2_6:
0x358: {  	s10 =	sadd.s32 $0x73, s5;
	v38 =	vadd.f32 v39, v38;
	v39 =	vld [tilespmem:s0+$0x3F98];
	v30 =	vmul.f32 v30, v19;
	v32 =	vmul.f32 v32, v20  }
0x359: {  	v40 =	vmov s10;
	v36 =	vmul.f32 v36, v25;
	v41 =	vld [tilespmem:s0+$0x4A18]  }
0x35a: {  	v37 =	vadd.f32 v37, v38;
	v38 =	vld [tilespmem:s0+$0x5498];
	v30 =	vadd.f32 v32, v30;
	v31 =	vmul.f32 v31, v18  }
0x35b: {  	v32 =	vld [tilespmem:s0+$0x5F18];
	v35 =	vmul.f32 v35, v13  }
0x35c: {  	v36 =	vadd.f32 v36, v37;
	v31 =	vadd.f32 v31, v30;
	v33 =	vmul.f32 v33, v17;
	v37 =	vld [tilespmem:s29+$0x5508]  }
0x35d: {  	v39 =	vmul.f32 v39, v23;
	v34 =	vadd.f32 v35, v34;
	v35 =	vld [tilespmem:s29+$0x5F88]  }
0x35e: {  	v30 =	vld.idx.msk [tilespmem:v40+s18+$0x0], $0xffff;
	[tilespmem:v8+s0+$0x30 ss:$0x1] =	vst.idx.msk $0xffff, v36;
	v36 =	vmul.f32 v41, v24;
	v31 =	vadd.f32 v33, v31  }
0x35f: {  	v33 =	vld [tilespmem:s0+$0x3EE8];
	v38 =	vmul.f32 v38, v22;
	[tilespmem:v8+s30+$0x130 ss:$0x1] =	vst.idx.msk $0xffff, v34  }
0x360: {  	v34 =	vld [tilespmem:s0+$0x4968];
	v36 =	vadd.f32 v36, v39;
	v32 =	vmul.f32 v32, v21;
	[tilespmem:v8+s30+$0xA0 ss:$0x1] =	vst.idx.msk $0xffff, v31  }
0x361: {  	v31 =	vld [tilespmem:s30+$0x3F58];
	v37 =	vmul.f32 v37, v10  }
0x362: {  	v36 =	vadd.f32 v38, v36;
	v38 =	vld [tilespmem:s30+$0x49D8];
	v35 =	vmul.f32 v35, v9  }
0x363: {  	v39 =	vld [tilespmem:s0+$0x53E8];
	v29 =	vadd.f32 v37, v29  }
0x364: {  	v32 =	vadd.f32 v32, v36;
	v36 =	vld [tilespmem:s30+$0x5458]  }
0x365: {  	v37 =	vld [tilespmem:s0+$0x5E68];
	v29 =	vadd.f32 v35, v29  }
0x366: {  	v33 =	vmul.f32 v33, v27;
	v34 =	vmul.f32 v34, v26;
	[tilespmem:v8+s0+$0xF0 ss:$0x1] =	vst.idx.msk $0xffff, v32;
	v32 =	vld [tilespmem:s30+$0x5ED8]  }
0x367: {  	v31 =	vmul.f32 v31, v19;
	v19 =	vmov v27;
	v35 =	vld [tilespmem:s0+$0x3FA8];
	v38 =	vmul.f32 v38, v20;
	[tilespmem:v8+s29+$0x160 ss:$0x1] =	vst.idx.msk $0xffff, v29  }
0x368: {  	v27 =	vadd.f32 v34, v33;
	v20 =	vmov v26;
	v29 =	vmul.f32 v39, v28;
	v33 =	vld [tilespmem:s0+$0x4A28]  }
0x369: {  	v26 =	vld [tilespmem:s0+$0x54A8];
	v31 =	vadd.f32 v38, v31;
	v34 =	vmul.f32 v36, v18;
	v18 =	vmov v28  }
0x36a: {  	v27 =	vadd.f32 v29, v27;
	v28 =	vmul.f32 v37, v25;
	v29 =	vld [tilespmem:s0+$0x5F28]  }
0x36b: {  	v31 =	vadd.f32 v34, v31;
	v32 =	vmul.f32 v32, v17;
	v34 =	vld [tilespmem:s30+$0x3FE8];
	v17 =	vmov v25  }
0x36c: {  	v25 =	vadd.f32 v28, v27;
	v27 =	vmul.f32 v35, v23;
	v28 =	vld [tilespmem:s30+$0x4A68]  }
0x36d: {  	v33 =	vmul.f32 v33, v24;
	v31 =	vadd.f32 v32, v31;
	v32 =	vld [tilespmem:s30+$0x54E8]  }
0x36e: {  	[tilespmem:v8+s0+$0x40 ss:$0x1] =	vst.idx.msk $0xffff, v25;
	v25 =	vmul.f32 v26, v22;
	v26 =	vld [tilespmem:s30+$0x5F68]  }
0x36f: {  	v35 =	vld [tilespmem:s0+$0x3EF8];
	v27 =	vadd.f32 v33, v27;
	v29 =	vmul.f32 v29, v21;
	[tilespmem:v8+s30+$0xB0 ss:$0x1] =	vst.idx.msk $0xffff, v31  }
0x370: {  	v31 =	vld [tilespmem:s0+$0x4978];
	v33 =	vmul.f32 v34, v14  }
0x371: {  	v25 =	vadd.f32 v25, v27;
	v27 =	vmul.f32 v28, v15;
	v28 =	vld [tilespmem:s29+$0x4018]  }
0x372: {  	v34 =	vld [tilespmem:s0+$0x53F8];
	v32 =	vmul.f32 v32, v16  }
0x373: {  	v25 =	vadd.f32 v29, v25;
	v27 =	vadd.f32 v27, v33;
	v26 =	vmul.f32 v26, v13;
	v29 =	vld [tilespmem:s29+$0x4A98]  }
0x374: {  	v33 =	vld [tilespmem:s0+$0x5E78]  }
0x375: {  	v35 =	vmul.f32 v35, v19;
	v31 =	vmul.f32 v31, v20;
	[tilespmem:v8+s0+$0x100 ss:$0x1] =	vst.idx.msk $0xffff, v25;
	v25 =	vld [tilespmem:s29+$0x5518]  }
0x376: {  	v27 =	vadd.f32 v32, v27;
	v36 =	vld [tilespmem:s0+$0x3FB8];
	v28 =	vmul.f32 v28, v11;
	v11 =	vmovc v14;
	v14 =	vmov v23  }
0x377: {  	v23 =	vadd.f32 v31, v35;
	v31 =	vmul.f32 v34, v18;
	v32 =	vld [tilespmem:s0+$0x4A38]  }
0x378: {  	v26 =	vadd.f32 v26, v27;
	v34 =	vld [tilespmem:s0+$0x54B8];
	v27 =	vmul.f32 v29, v12;
	v12 =	vmovc v15;
	v15 =	vmov v24  }
0x379: {  	v23 =	vadd.f32 v31, v23;
	v24 =	vmul.f32 v33, v17;
	v29 =	vld [tilespmem:s0+$0x5F38]  }
0x37a: {  	[tilespmem:v8+s30+$0x140 ss:$0x1] =	vst.idx.msk $0xffff, v26;
	v26 =	vadd.f32 v27, v28;
	v25 =	vmul.f32 v25, v10;
	v27 =	vld [tilespmem:s29+$0x5F98];
	v10 =	vmov v16  }
0x37b: {  	v16 =	vmov v22;
	v23 =	vadd.f32 v24, v23;
	v24 =	vmul.f32 v36, v14;
	v28 =	vld [tilespmem:s30+$0x3FF8]  }
0x37c: {  	s10 =	sadd.s32 $0x63, s5;
	v22 =	vmul.f32 v32, v15;
	v31 =	vld [tilespmem:s30+$0x4A78];
	v25 =	vadd.f32 v25, v26  }
0x37d: {  	v26 =	vmov s10;
	[tilespmem:v8+s0+$0x50 ss:$0x1] =	vst.idx.msk $0xffff, v23;
	v23 =	vmul.f32 v34, v16;
	v32 =	vld [tilespmem:s30+$0x54F8]  }
0x37e: {  	s10 =	sadd.s32 $0x43, s5;
	v33 =	vld [tilespmem:s0+$0x3F08];
	v22 =	vadd.f32 v22, v24;
	v29 =	vmul.f32 v29, v21  }
0x37f: {  	v24 =	vmov s10;
	s10 =	sadd.s32 $0x53, s5;
	v34 =	vld [tilespmem:s0+$0x4988];
	v35 =	vmul.f32 v27, v9;
	v9 =	vmovc v13;
	v13 =	vmovc v21;
	v21 =	vmov v30  }
0x380: {  	s11 =	sadd.s32 $0x42, s5;
	s20 =	sadd.s32 $0x52, s5;
	v27 =	vmov s10;
	v30 =	vadd.f32 v23, v22;
	v28 =	vmul.f32 v28, v11;
	v36 =	vld [tilespmem:s30+$0x5F78]  }
0x381: {  	s10 =	sadd.s32 $0x72, s5;
	v22 =	vmov s11;
	v23 =	vmov s20;
	v37 =	vld [tilespmem:s0+$0x5408];
	v31 =	vmul.f32 v31, v12  }
0x382: {  	s11 =	sadd.s32 $0x62, s5;
	v39 =	vmov s10;
	v38 =	vand.u32 $0xFFFFFFFE, v22;
	v23 =	vand.u32 $0xFFFFFFFE, v23;
	v22 =	vld.idx.msk [tilespmem:v26+s18+$0x0], $0xffff  }
0x383: {  	v40 =	vmov s11;
	v26 =	vbroadcast v38, $0x0;
	v38 =	vbroadcast v23, $0x0;
	v41 =	vld [tilespmem:s0+$0x5E88]  }
0x384: {  	s1 =	sadd.s32 $0x600, s1;
	v39 =	vand.u32 $0xFFFFFFFE, v39;
	v33 =	vmul.f32 v33, v19;
	v23 =	vld.idx.msk [tilespmem:v24+s18+$0x0], $0xffff;
	v34 =	vmul.f32 v34, v20  }
0x385: {  	s10 =	sshra.s32 s1, $0x2;
	v40 =	vand.u32 $0xFFFFFFFE, v40;
	v39 =	vbroadcast v39, $0x0;
	v24 =	vld.idx.msk [tilespmem:v27+s18+$0x0], $0xffff;
	v27 =	vadd.f32 v29, v30  }
0x386: {  	v29 =	vbroadcast v40, $0x0;
	v30 =	vld [tilespmem:s10+$0x53A8];
	v33 =	vadd.f32 v34, v33;
	v34 =	vmul.f32 v37, v18  }
0x387: {  	v28 =	vadd.f32 v31, v28;
	v31 =	vmul.f32 v32, v10;
	v37 =	vld [tilespmem:s10+$0x3EA8];
	[tilespmem:v8+s0+$0x110 ss:$0x1] =	vst.idx.msk $0xffff, v27  }
0x388: {  	v36 =	vmul.f32 v36, v9;
	v32 =	vld [tilespmem:s10+$0x4928];
	v33 =	vadd.f32 v34, v33;
	v34 =	vmul.f32 v41, v17  }
0x389: {  	v28 =	vadd.f32 v31, v28;
	v31 =	vadd.f32 v35, v25;
	v27 =	vld.idx.msk [tilespmem:v26+s18+$0x0], $0xffff  }
0x38a: {  	v26 =	vld.idx.msk [tilespmem:v38+s18+$0x0], $0xffff;
	v33 =	vadd.f32 v34, v33  }
0x38b: {  	v34 =	vadd.f32 v36, v28;
	v25 =	vld.idx.msk [tilespmem:v39+s18+$0x0], $0xffff;
	[tilespmem:v8+s29+$0x170 ss:$0x1] =	vst.idx.msk $0xffff, v31;
	s29 =	smov.u32 s30;
	s30 =	smov.u32 s0;
	s0 =	smov.u32 s10  }
0x38c: {  	v28 =	vld.idx.msk [tilespmem:v29+s18+$0x0], $0xffff;
	[tilespmem:v8+s30+$0x60 ss:$0x1] =	vst.idx.msk $0xffff, v33  }
0x38d: {  	v29 =	vld [tilespmem:s30+$0x3F18];
	[tilespmem:v8+s29+$0x150 ss:$0x1] =	vst.idx.msk $0xffff, v34  }
0x38e: {  	s5 =	sadd.s32 $0x2, s5;
	v31 =	vld [tilespmem:s30+$0x4998]  }
0x38f: {  	p0 =	slt.u32 s5, $0xC;
	v33 =	vld [tilespmem:s0+$0x5E28]  }
0x390: {  	v34 =	vmul.f32 v37, v27;
	v32 =	vmul.f32 v32, v26;
	v35 =	vld [tilespmem:s30+$0x5418]  }
0x391: {  	v36 =	vld [tilespmem:s0+$0x3F68]  }
0x392: {  	v32 =	vadd.f32 v32, v34;
	v30 =	vmul.f32 v30, v28;
	v34 =	vld [tilespmem:s30+$0x5E98]  }
0x393: {  	v29 =	vmul.f32 v29, v19;
	v37 =	vld [tilespmem:s0+$0x49E8];
	v31 =	vmul.f32 v31, v20  }
0x394: {  	v30 =	vadd.f32 v30, v32;
	v32 =	vmul.f32 v33, v25;
	v33 =	vld [tilespmem:s0+$0x5468]  }
0x395: {  	v38 =	vld [tilespmem:s0+$0x5EE8];
	v29 =	vadd.f32 v31, v29;
	v31 =	vmul.f32 v35, v18  }
0x396: {  	v30 =	vadd.f32 v32, v30;
	v32 =	vmul.f32 v36, v23;
	v35 =	vld [tilespmem:s30+$0x3FC8]  }
0x397: {  	v29 =	vadd.f32 v31, v29;
	v31 =	vmul.f32 v34, v17;
	v34 =	vld [tilespmem:s30+$0x4A48]  }
0x398: {  	[tilespmem:v8+s0+$0x0 ss:$0x1] =	vst.idx.msk $0xffff, v30;
	v30 =	vmul.f32 v37, v24;
	v36 =	vld [tilespmem:s30+$0x54C8]  }
0x399: {  	v37 =	vld [tilespmem:s0+$0x3EB8];
	v33 =	vmul.f32 v33, v22;
	v29 =	vadd.f32 v31, v29  }
0x39a: {  	v31 =	vld [tilespmem:s0+$0x4938];
	v30 =	vadd.f32 v30, v32;
	v32 =	vmul.f32 v38, v21  }
0x39b: {  	v38 =	vld [tilespmem:s0+$0x53B8];
	[tilespmem:v8+s30+$0x70 ss:$0x1] =	vst.idx.msk $0xffff, v29;
	v29 =	vmul.f32 v35, v14  }
0x39c: {  	v30 =	vadd.f32 v33, v30;
	v33 =	vld [tilespmem:s30+$0x3F28];
	v34 =	vmul.f32 v34, v15  }
0x39d: {  	v35 =	vld [tilespmem:s30+$0x49A8];
	v36 =	vmul.f32 v36, v16  }
0x39e: {  	v39 =	vld [tilespmem:s0+$0x5E38];
	v30 =	vadd.f32 v32, v30;
	v29 =	vadd.f32 v34, v29  }
0x39f: {  	v32 =	vmul.f32 v37, v27;
	v31 =	vmul.f32 v31, v26;
	v34 =	vld [tilespmem:s30+$0x5428]  }
0x3a0: {  	[tilespmem:v8+s0+$0xC0 ss:$0x1] =	vst.idx.msk $0xffff, v30;
	v29 =	vadd.f32 v36, v29;
	v30 =	vld [tilespmem:s30+$0x5F48]  }
0x3a1: {  	v31 =	vadd.f32 v31, v32;
	v32 =	vmul.f32 v38, v28;
	v36 =	vld [tilespmem:s30+$0x5EA8]  }
0x3a2: {  	v33 =	vmul.f32 v33, v19;
	v37 =	vld [tilespmem:s0+$0x3F78];
	v35 =	vmul.f32 v35, v20  }
0x3a3: {  	v31 =	vadd.f32 v32, v31;
	v32 =	vmul.f32 v39, v25;
	v38 =	vld [tilespmem:s0+$0x49F8]  }
0x3a4: {  	v39 =	vld [tilespmem:s0+$0x5478];
	v33 =	vadd.f32 v35, v33;
	v34 =	vmul.f32 v34, v18  }
0x3a5: {  	v31 =	vadd.f32 v32, v31;
	v32 =	vld [tilespmem:s0+$0x5EF8];
	v30 =	vmul.f32 v30, v13  }
0x3a6: {  	v33 =	vadd.f32 v34, v33;
	v34 =	vmul.f32 v36, v17;
	v35 =	vld [tilespmem:s29+$0x4008]  }
0x3a7: {  	[tilespmem:v8+s0+$0x10 ss:$0x1] =	vst.idx.msk $0xffff, v31;
	v31 =	vmul.f32 v37, v23;
	v29 =	vadd.f32 v30, v29;
	v30 =	vld [tilespmem:s29+$0x4A88]  }
0x3a8: {  	v36 =	vld [tilespmem:s0+$0x3EC8];
	v37 =	vmul.f32 v38, v24;
	v33 =	vadd.f32 v34, v33  }
0x3a9: {  	v34 =	vld [tilespmem:s0+$0x4948];
	v38 =	vmul.f32 v39, v22;
	[tilespmem:v8+s30+$0x120 ss:$0x1] =	vst.idx.msk $0xffff, v29  }
0x3aa: {  	v39 =	vld [tilespmem:s0+$0x53C8];
	v29 =	vadd.f32 v37, v31;
	v31 =	vmul.f32 v32, v21;
	[tilespmem:v8+s30+$0x80 ss:$0x1] =	vst.idx.msk $0xffff, v33  }
0x3ab: {  	v32 =	vld [tilespmem:s30+$0x3F38];
	v33 =	vmul.f32 v35, v11  }
0x3ac: {  	v29 =	vadd.f32 v38, v29;
	v35 =	vld [tilespmem:s30+$0x49B8];
	v30 =	vmul.f32 v30, v12  }
0x3ad: {  	v37 =	vld [tilespmem:s0+$0x5E48]  }
0x3ae: {  	v36 =	vmul.f32 v36, v27;
	v34 =	vmul.f32 v34, v26;
	v31 =	vadd.f32 v31, v29;
	v38 =	vld [tilespmem:s30+$0x5438]  }
0x3af: {  	v29 =	vadd.f32 v30, v33;
	v40 =	vld [tilespmem:s30+$0x3FD8]  }
0x3b0: {  	v33 =	vmul.f32 v39, v28;
	v30 =	vadd.f32 v34, v36;
	[tilespmem:v8+s0+$0xD0 ss:$0x1] =	vst.idx.msk $0xffff, v31;
	v31 =	vld [tilespmem:s30+$0x5EB8]  }
0x3b1: {  	v32 =	vmul.f32 v32, v19;
	v34 =	vld [tilespmem:s0+$0x3F88];
	v35 =	vmul.f32 v35, v20  }
0x3b2: {  	v30 =	vadd.f32 v33, v30;
	v33 =	vmul.f32 v37, v25;
	v36 =	vld [tilespmem:s0+$0x4A08]  }
0x3b3: {  	v37 =	vld [tilespmem:s0+$0x5488];
	v32 =	vadd.f32 v35, v32;
	v35 =	vmul.f32 v38, v18  }
0x3b4: {  	v30 =	vadd.f32 v33, v30;
	v33 =	vld [tilespmem:s0+$0x5F08];
	v38 =	vmul.f32 v40, v14  }
0x3b5: {  	v32 =	vadd.f32 v35, v32;
	v31 =	vmul.f32 v31, v17;
	v35 =	vld [tilespmem:s30+$0x4A58]  }
0x3b6: {  	[tilespmem:v8+s0+$0x20 ss:$0x1] =	vst.idx.msk $0xffff, v30;
	v30 =	vmul.f32 v34, v23;
	v34 =	vld [tilespmem:s30+$0x54D8]  }
0x3b7: {  	v40 =	vld [tilespmem:s0+$0x53D8];
	v36 =	vmul.f32 v36, v24;
	v31 =	vadd.f32 v31, v32  }
0x3b8: {  	v39 =	vld [tilespmem:s0+$0x3ED8];
	v32 =	vmul.f32 v37, v22  }
0x3b9: {  	v37 =	vld [tilespmem:s0+$0x4958];
	v36 =	vadd.f32 v36, v30;
	v33 =	vmul.f32 v33, v21;
	[tilespmem:v8+s30+$0x90 ss:$0x1] =	vst.idx.msk $0xffff, v31  }
0x3ba: {  	v30 =	vld [tilespmem:s30+$0x3F48];
	v31 =	vmul.f32 v35, v15  }
.Ltmp1:
0x3bb: {  	v35 =	vadd.f32 v32, v36;
	v32 =	vld [tilespmem:s30+$0x49C8];
	v34 =	vmul.f32 v34, v16;
	(pc) =	sbr.rel @p0 .LBB2_6-.Ltmp1, $4  }
0x3bc: {  	v36 =	vld [tilespmem:s0+$0x5E58];
	v41 =	vadd.f32 v31, v38  }
0x3bd: {  	v33 =	vadd.f32 v33, v35;
	v31 =	vld [tilespmem:s30+$0x5448]  }
0x3be: {  	v38 =	vmul.f32 v39, v27;
	v39 =	vmul.f32 v37, v26;
	v34 =	vadd.f32 v34, v41;
	v35 =	vld [tilespmem:s30+$0x5F58]  }
0x3bf: {  	v37 =	vmul.f32 v40, v28;
	[tilespmem:v8+s0+$0xE0 ss:$0x1] =	vst.idx.msk $0xffff, v33;
	v33 =	vld [tilespmem:s30+$0x5EC8]  }
0x3c0: {  	v40 =	vld [tilespmem:s0+$0x3F98]  }
0x3c1: {  	v59 =	vld [tilespmem:s0+$0x4A18];
	_ =	sdelay $0x1  }
0x3c2: {  	v38 =	vadd.f32 v39, v38;
	v60 =	vld [tilespmem:s0+$0x5498];
	_ =	sdelay $0x1  }
0x3c3: {  	v41 =	vld [tilespmem:s0+$0x5F18];
	v36 =	vmul.f32 v36, v25;
	v37 =	vadd.f32 v37, v38  }
0x3c4: {  	v61 =	vmul.f32 v40, v23;
	v39 =	vmul.f32 v59, v24  }
0x3c5: {  	v36 =	vadd.f32 v36, v37  }
0x3c6: {  	v38 =	vmul.f32 v60, v22;
	v37 =	vadd.f32 v39, v61  }
0x3c7: {  	[tilespmem:v8+s0+$0x30 ss:$0x1] =	vst.idx.msk $0xffff, v36  }
0x3c8: {  	v63 =	vmul.f32 v41, v21;
	v36 =	vld [tilespmem:s0+$0x3EE8];
	v37 =	vadd.f32 v38, v37  }
0x3c9: {  	v62 =	vld [tilespmem:s0+$0x4968]  }
0x3ca: {  	v37 =	vadd.f32 v63, v37  }
0x3cb: {  	v44 =	vld [tilespmem:s0+$0x53E8]  }
0x3cc: {  	v45 =	vld [tilespmem:s0+$0x5E68];
	[tilespmem:v8+s0+$0xF0 ss:$0x1] =	vst.idx.msk $0xffff, v37  }
0x3cd: {  	v37 =	vld [tilespmem:s0+$0x3FA8]  }
0x3ce: {  	v36 =	vmul.f32 v36, v27;
	v39 =	vmul.f32 v62, v26;
	v46 =	vld [tilespmem:s0+$0x4A28];
	_ =	sdelay $0x1  }
0x3cf: {  	v38 =	vmul.f32 v44, v28;
	v36 =	vadd.f32 v39, v36;
	v47 =	vld [tilespmem:s0+$0x54A8];
	_ =	sdelay $0x1  }
0x3d0: {  	v48 =	vmul.f32 v45, v25;
	v49 =	vld [tilespmem:s0+$0x5F28];
	v36 =	vadd.f32 v38, v36  }
0x3d1: {  	v37 =	vmul.f32 v37, v23;
	v50 =	vmul.f32 v46, v24  }
0x3d2: {  	v36 =	vadd.f32 v48, v36  }
0x3d3: {  	v51 =	vmul.f32 v47, v22;
	v37 =	vadd.f32 v50, v37  }
0x3d4: {  	[tilespmem:v8+s0+$0x40 ss:$0x1] =	vst.idx.msk $0xffff, v36  }
0x3d5: {  	v40 =	vmul.f32 v49, v21;
	v52 =	vld [tilespmem:s0+$0x3EF8];
	v36 =	vadd.f32 v51, v37  }
0x3d6: {  	v53 =	vld [tilespmem:s0+$0x4978]  }
0x3d7: {  	v36 =	vadd.f32 v40, v36  }
0x3d8: {  	v54 =	vld [tilespmem:s0+$0x53F8]  }
0x3d9: {  	v55 =	vld [tilespmem:s0+$0x5E78];
	[tilespmem:v8+s0+$0x100 ss:$0x1] =	vst.idx.msk $0xffff, v36  }
0x3da: {  	v36 =	vld [tilespmem:s0+$0x3FB8]  }
0x3db: {  	v39 =	vmul.f32 v52, v27;
	v38 =	vmul.f32 v53, v26;
	v56 =	vld [tilespmem:s0+$0x4A38];
	_ =	sdelay $0x1  }
0x3dc: {  	v37 =	vmul.f32 v54, v28;
	v38 =	vadd.f32 v38, v39;
	v57 =	vld [tilespmem:s0+$0x54B8];
	_ =	sdelay $0x1  }
0x3dd: {  	v58 =	vmul.f32 v55, v25;
	v59 =	vld [tilespmem:s0+$0x5F38];
	v37 =	vadd.f32 v37, v38  }
0x3de: {  	v36 =	vmul.f32 v36, v23;
	v60 =	vmul.f32 v56, v24  }
0x3df: {  	v37 =	vadd.f32 v58, v37  }
0x3e0: {  	v61 =	vmul.f32 v57, v22;
	v36 =	vadd.f32 v60, v36  }
0x3e1: {  	[tilespmem:v8+s0+$0x50 ss:$0x1] =	vst.idx.msk $0xffff, v37  }
0x3e2: {  	v40 =	vmul.f32 v59, v21;
	v62 =	vld [tilespmem:s0+$0x3F08];
	v36 =	vadd.f32 v61, v36  }
0x3e3: {  	v63 =	vld [tilespmem:s0+$0x4988]  }
0x3e4: {  	v36 =	vadd.f32 v40, v36  }
0x3e5: {  	v44 =	vld [tilespmem:s0+$0x5408]  }
0x3e6: {  	v45 =	vld [tilespmem:s0+$0x5E88];
	[tilespmem:v8+s0+$0x110 ss:$0x1] =	vst.idx.msk $0xffff, v36  }
0x3e7: {  	v36 =	vld [tilespmem:s0+$0x3FC8]  }
0x3e8: {  	v39 =	vmul.f32 v62, v27;
	v38 =	vmul.f32 v63, v26;
	v46 =	vld [tilespmem:s0+$0x4A48];
	_ =	sdelay $0x1  }
0x3e9: {  	v37 =	vmul.f32 v44, v28;
	v38 =	vadd.f32 v38, v39;
	v48 =	vld [tilespmem:s0+$0x54C8];
	_ =	sdelay $0x1  }
0x3ea: {  	v47 =	vmul.f32 v45, v25;
	v49 =	vld [tilespmem:s0+$0x5F48];
	v37 =	vadd.f32 v37, v38  }
0x3eb: {  	v36 =	vmul.f32 v36, v23;
	v39 =	vmul.f32 v46, v24  }
0x3ec: {  	v37 =	vadd.f32 v47, v37  }
0x3ed: {  	v40 =	vmul.f32 v48, v22;
	v36 =	vadd.f32 v39, v36  }
0x3ee: {  	[tilespmem:v8+s0+$0x60 ss:$0x1] =	vst.idx.msk $0xffff, v37  }
0x3ef: {  	v38 =	vmul.f32 v49, v21;
	v37 =	vld [tilespmem:s0+$0x3F18];
	v36 =	vadd.f32 v40, v36  }
0x3f0: {  	v50 =	vld [tilespmem:s0+$0x4998]  }
0x3f1: {  	v36 =	vadd.f32 v38, v36  }
0x3f2: {  	v51 =	vld [tilespmem:s0+$0x5418]  }
0x3f3: {  	v52 =	vld [tilespmem:s0+$0x5E98];
	[tilespmem:v8+s0+$0x120 ss:$0x1] =	vst.idx.msk $0xffff, v36  }
0x3f4: {  	v36 =	vld [tilespmem:s0+$0x3FD8]  }
0x3f5: {  	v37 =	vmul.f32 v37, v27;
	v39 =	vmul.f32 v50, v26;
	v54 =	vld [tilespmem:s0+$0x4A58]  }
0x3f6: {  	v35 =	vmul.f32 v35, v13  }
0x3f7: {  	v53 =	vmul.f32 v51, v28;
	v37 =	vadd.f32 v39, v37;
	v57 =	vld [tilespmem:s0+$0x54D8]  }
0x3f8: {  	v34 =	vadd.f32 v35, v34  }
0x3f9: {  	v56 =	vmul.f32 v52, v25;
	v59 =	vld [tilespmem:s0+$0x5F58];
	v55 =	vadd.f32 v53, v37  }
0x3fa: {  	[tilespmem:v8+s30+$0x130 ss:$0x1] =	vst.idx.msk $0xffff, v34;
	v36 =	vmul.f32 v36, v23;
	v61 =	vmul.f32 v54, v24  }
0x3fb: {  	v60 =	vld [tilespmem:s30+$0x3FE8];
	v58 =	vadd.f32 v56, v55  }
0x3fc: {  	v62 =	vld [tilespmem:s30+$0x4A68];
	v38 =	vmul.f32 v57, v22;
	v36 =	vadd.f32 v61, v36  }
0x3fd: {  	v45 =	vld [tilespmem:s30+$0x54E8];
	[tilespmem:v8+s0+$0x70 ss:$0x1] =	vst.idx.msk $0xffff, v58  }
0x3fe: {  	v35 =	vmul.f32 v59, v21;
	v34 =	vld [tilespmem:s0+$0x3F28];
	v36 =	vadd.f32 v38, v36  }
0x3ff: {  	v63 =	vld [tilespmem:s0+$0x49A8]  }
0x400: {  	v42 =	vld [tilespmem:s30+$0x5F68];
	v35 =	vadd.f32 v35, v36  }
0x401: {  	v47 =	vmul.f32 v60, v14;
	v48 =	vmul.f32 v62, v15;
	v46 =	vld [tilespmem:s0+$0x5428]  }
0x402: {  	v49 =	vld [tilespmem:s0+$0x5EA8];
	[tilespmem:v8+s0+$0x130 ss:$0x1] =	vst.idx.msk $0xffff, v35  }
0x403: {  	v50 =	vmul.f32 v45, v16;
	v36 =	vadd.f32 v48, v47;
	v51 =	vld [tilespmem:s0+$0x3FE8]  }
0x404: {  	v34 =	vmul.f32 v34, v27;
	v39 =	vmul.f32 v63, v26;
	v52 =	vld [tilespmem:s0+$0x4A68]  }
0x405: {  	v53 =	vmul.f32 v42, v13;
	v35 =	vadd.f32 v50, v36  }
0x406: {  	v38 =	vmul.f32 v46, v28;
	v34 =	vadd.f32 v39, v34;
	v55 =	vld [tilespmem:s0+$0x54E8]  }
0x407: {  	v41 =	vld [tilespmem:s29+$0x5F88];
	v35 =	vadd.f32 v53, v35  }
0x408: {  	v54 =	vmul.f32 v49, v25;
	v57 =	vld [tilespmem:s0+$0x5F68];
	v34 =	vadd.f32 v38, v34  }
0x409: {  	v56 =	vld [tilespmem:s29+$0x5508];
	[tilespmem:v8+s30+$0x140 ss:$0x1] =	vst.idx.msk $0xffff, v35;
	v58 =	vmul.f32 v51, v23;
	v59 =	vmul.f32 v52, v24  }
0x40a: {  	v30 =	vmul.f32 v30, v19;
	v32 =	vmul.f32 v32, v20;
	v60 =	vld [tilespmem:s30+$0x3FF8]  }
0x40b: {  	v34 =	vadd.f32 v54, v34;
	v62 =	vld [tilespmem:s30+$0x4A78];
	v38 =	vmul.f32 v55, v22;
	v35 =	vadd.f32 v59, v58  }
0x40c: {  	v30 =	vadd.f32 v32, v30;
	v31 =	vmul.f32 v31, v18;
	v43 =	vld [tilespmem:s30+$0x54F8]  }
0x40d: {  	v45 =	vld [tilespmem:s30+$0x5F78];
	v36 =	vmul.f32 v57, v21;
	[tilespmem:v8+s0+$0x80 ss:$0x1] =	vst.idx.msk $0xffff, v34;
	v35 =	vadd.f32 v38, v35  }
0x40e: {  	v30 =	vadd.f32 v31, v30;
	v63 =	vmul.f32 v33, v17;
	v34 =	vld [tilespmem:s0+$0x3F38]  }
0x40f: {  	v61 =	vld [tilespmem:s0+$0x49B8];
	v35 =	vadd.f32 v36, v35  }
0x410: {  	v30 =	vadd.f32 v63, v30;
	v42 =	vld [tilespmem:s0+$0x5438]  }
0x411: {  	v44 =	vld [tilespmem:s0+$0x5EB8];
	v46 =	vmul.f32 v60, v14;
	v37 =	vmul.f32 v62, v15;
	[tilespmem:v8+s0+$0x140 ss:$0x1] =	vst.idx.msk $0xffff, v35  }
0x412: {  	v47 =	vld [tilespmem:s0+$0x3FF8]  }
0x413: {  	[tilespmem:v8+s30+$0xA0 ss:$0x1] =	vst.idx.msk $0xffff, v30;
	v51 =	vmul.f32 v43, v16;
	v35 =	vadd.f32 v37, v46;
	v50 =	vld [tilespmem:s0+$0x4A78]  }
0x414: {  	v38 =	vld [tilespmem:s30+$0x49D8];
	v36 =	vmul.f32 v45, v13  }
0x415: {  	v34 =	vmul.f32 v34, v27;
	v32 =	vmul.f32 v61, v26;
	v52 =	vld [tilespmem:s0+$0x54F8];
	v35 =	vadd.f32 v51, v35  }
0x416: {  	v49 =	vmul.f32 v42, v28;
	v42 =	vld [tilespmem:s30+$0x5ED8]  }
0x417: {  	v48 =	vadd.f32 v32, v34;
	v53 =	vld [tilespmem:s0+$0x5F78];
	v35 =	vadd.f32 v36, v35  }
0x418: {  	v37 =	vld [tilespmem:s30+$0x5458];
	v39 =	vmul.f32 v47, v23;
	v33 =	vmul.f32 v50, v24  }
0x419: {  	v31 =	vmul.f32 v44, v25;
	v34 =	vld [tilespmem:s30+$0x3F58];
	v30 =	vadd.f32 v49, v48;
	[tilespmem:v8+s30+$0x150 ss:$0x1] =	vst.idx.msk $0xffff, v35  }
0x41a: {  	v32 =	vmul.f32 v52, v22;
	v55 =	vld [tilespmem:s30+$0x4008];
	v33 =	vadd.f32 v33, v39  }
0x41b: {  	v30 =	vadd.f32 v31, v30;
	v58 =	vld [tilespmem:s30+$0x4A88]  }
0x41c: {  	v31 =	vmul.f32 v53, v21;
	v61 =	vld [tilespmem:s30+$0x5508];
	v32 =	vadd.f32 v32, v33  }
0x41d: {  	v56 =	vmul.f32 v56, v10;
	[tilespmem:v8+s0+$0x90 ss:$0x1] =	vst.idx.msk $0xffff, v30;
	v45 =	vld [tilespmem:s30+$0x5F88]  }
0x41e: {  	v30 =	vld [tilespmem:s0+$0x3F48];
	v31 =	vadd.f32 v31, v32  }
0x41f: {  	v29 =	vadd.f32 v56, v29;
	v59 =	vmul.f32 v41, v9;
	v54 =	vld [tilespmem:s0+$0x49C8]  }
0x420: {  	v57 =	vld [tilespmem:s0+$0x5448];
	[tilespmem:v8+s0+$0x150 ss:$0x1] =	vst.idx.msk $0xffff, v31  }
0x421: {  	v29 =	vadd.f32 v59, v29;
	v44 =	vmul.f32 v55, v14;
	v46 =	vmul.f32 v58, v15;
	v31 =	vld [tilespmem:s0+$0x4008]  }
0x422: {  	v63 =	vld [tilespmem:s0+$0x4A88]  }
0x423: {  	[tilespmem:v8+s29+$0x160 ss:$0x1] =	vst.idx.msk $0xffff, v29;
	v60 =	vld [tilespmem:s0+$0x5EC8];
	v50 =	vmul.f32 v61, v16;
	v29 =	vadd.f32 v46, v44  }
0x424: {  	v30 =	vmul.f32 v30, v27;
	v35 =	vmul.f32 v54, v26;
	v48 =	vld [tilespmem:s0+$0x5508]  }
0x425: {  	v49 =	vld [tilespmem:s29+$0x4018];
	v55 =	vmul.f32 v45, v13;
	v29 =	vadd.f32 v50, v29  }
0x426: {  	v62 =	vmul.f32 v57, v28;
	v30 =	vadd.f32 v35, v30;
	v51 =	vld [tilespmem:s0+$0x5F88]  }
0x427: {  	v52 =	vld [tilespmem:s29+$0x4A98];
	v29 =	vadd.f32 v55, v29;
	v31 =	vmul.f32 v31, v23;
	v35 =	vmul.f32 v63, v24  }
0x428: {  	v53 =	vld [tilespmem:s29+$0x5518];
	v47 =	vmul.f32 v60, v25;
	v30 =	vadd.f32 v62, v30  }
0x429: {  	v54 =	vld [tilespmem:s29+$0x5F98];
	v33 =	vmul.f32 v48, v22;
	[tilespmem:v8+s30+$0x160 ss:$0x1] =	vst.idx.msk $0xffff, v29;
	v31 =	vadd.f32 v35, v31  }
0x42a: {  	v39 =	vmul.f32 v42, v17;
	v57 =	vmul.f32 v38, v20;
	v38 =	vld [tilespmem:s30+$0x4018]  }
0x42b: {  	v30 =	vadd.f32 v47, v30;
	v60 =	vmul.f32 v51, v21;
	v42 =	vld [tilespmem:s30+$0x4A98];
	v31 =	vadd.f32 v33, v31  }
0x42c: {  	v56 =	vmul.f32 v34, v19;
	v45 =	vld [tilespmem:s30+$0x5518]  }
0x42d: {  	v62 =	vmul.f32 v37, v18;
	[tilespmem:v8+s0+$0xA0 ss:$0x1] =	vst.idx.msk $0xffff, v30;
	v51 =	vld [tilespmem:s30+$0x5F98];
	v37 =	vadd.f32 v60, v31  }
0x42e: {  	v58 =	vld [tilespmem:s0+$0x3F58]  }
0x42f: {  	v19 =	vadd.f32 v57, v56;
	v59 =	vld [tilespmem:s0+$0x49D8];
	[tilespmem:v8+s0+$0x160 ss:$0x1] =	vst.idx.msk $0xffff, v37  }
0x430: {  	v11 =	vmul.f32 v49, v11;
	v12 =	vmul.f32 v52, v12;
	v29 =	vld [tilespmem:s0+$0x4018]  }
0x431: {  	v18 =	vadd.f32 v62, v19;
	v43 =	vld [tilespmem:s0+$0x4A98]  }
0x432: {  	v11 =	vadd.f32 v12, v11;
	v44 =	vmul.f32 v53, v10;
	v61 =	vld [tilespmem:s0+$0x5458]  }
0x433: {  	v49 =	vmul.f32 v54, v9;
	v17 =	vadd.f32 v39, v18;
	v52 =	vmul.f32 v38, v14;
	v48 =	vld [tilespmem:s0+$0x5518]  }
0x434: {  	v10 =	vadd.f32 v44, v11;
	v63 =	vld [tilespmem:s0+$0x5ED8];
	v53 =	vmul.f32 v42, v15;
	v56 =	vmul.f32 v45, v16  }
0x435: {  	[tilespmem:v8+s30+$0xB0 ss:$0x1] =	vst.idx.msk $0xffff, v17;
	v46 =	vmul.f32 v58, v27;
	v47 =	vmul.f32 v59, v26;
	v54 =	vld [tilespmem:s0+$0x5F98]  }
0x436: {  	v14 =	vadd.f32 v53, v52;
	v55 =	vmul.f32 v29, v23;
	v18 =	vmul.f32 v43, v24  }
0x437: {  	v60 =	vmul.f32 v51, v13;
	v50 =	vmul.f32 v61, v28;
	v17 =	vadd.f32 v47, v46  }
0x438: {  	s24 =	sadd.s32 $0x1, s24;
	v59 =	vadd.f32 v56, v14;
	v58 =	vmul.f32 v48, v22;
	v11 =	vadd.f32 v18, v55  }
0x439: {  	p0 =	sne.s32 s24, $0x7;
	v9 =	vadd.f32 v49, v10;
	v57 =	vmul.f32 v63, v25;
	v12 =	vadd.f32 v50, v17  }
.Ltmp2:
0x43a: {  	v62 =	vadd.f32 v60, v59;
	v61 =	vmul.f32 v54, v21;
	v11 =	vadd.f32 v58, v11;
	(pc) =	sbr.rel @p0 .LBB2_3-.Ltmp2, $4  }
0x43b: {  	[tilespmem:v8+s29+$0x170 ss:$0x1] =	vst.idx.msk $0xffff, v9;
	v12 =	vadd.f32 v57, v12  }
0x43c: {  	[tilespmem:v8+s30+$0x170 ss:$0x1] =	vst.idx.msk $0xffff, v62;
	v63 =	vadd.f32 v61, v11  }
0x43d: {  	[tilespmem:v8+s0+$0xB0 ss:$0x1] =	vst.idx.msk $0xffff, v12  }
0x43e: {  	s7 =	sadd.s32 $0x1500, s7;
	s28 =	sadd.s32 $0x1500, s28;
	[tilespmem:v8+s0+$0x170 ss:$0x1] =	vst.idx.msk $0xffff, v63  }
0x43f: {  	s22 =	sadd.s32 $0x1, s22  }
0x440: {  	s0 =	smul.u32 $0x9300, s23;
	p0 =	sne.s32 s22, s8  }
.Ltmp3:
0x441: {  	_ = 	snop;
	(pc) =	sbr.rel @p0 .LBB2_2-.Ltmp3, $4  }
0x442: {  	_ = 	snop  }
0x443: {  	s0 =	sshrl.u32 s0, $0x3  }
0x444: {  	s0 =	sadd.s32 s2, s0  }
0x445: {  	[hbm4b:s0+s3] =	stream.linear.scatter [tilespmem:s25], [sflag:$0x3], $0x9300, $0x38;
	[tilespmem:$0x18EA8] =	vst v63  }
0x446: {  	s1 =	simm.s32 $0x3  }
0x447: {  	_ =	swait.ge [sflag:s1], $0x9300  }
0x448: {  	[sflag:s1] =	ssyncset.done $0x0  }
0x449: {  	[sflag:s1] =	ssyncadd.s32 $0xFFFF6D00  }
0x44a: {  	_ =	swait.ge [sflag:s1], $0x9300  }
0x44b: {  	s5 =	rddreg [dreg:$0x6]  }
0x44c: {  	s0 =	rddreg [dreg:$0x5];
	s5 =	sadd.s32 $0x1, s5  }
0x44d: {  	p0 =	sne.s32 s5, s0  }
.Ltmp4:
0x44e: {  	_ = 	snop;
	(pc) =	sbr.rel @p0 .LBB2_1-.Ltmp4, $3  }
0x44f: {  	_ =	sdelay $0x1  }
0x450: {  	[sflag:s1] =	ssyncset.done $0x0  }
0x451: {  	[sflag:s1] =	ssyncadd.s32 $0xFFFF6D00  }
0x452: {  	_ =	sfence.sel $0x180000  }
0x453: {  	[bflag:$0x0] =	sbarrier.arrive $0xFFFF  }
0x454: {  	_ =	strace $0x90000047  }
0x455: {  	s0 =	stileid.u32;
	[bflag:$0x2] =	sbarrier.arrive $0xFFFF  }
0x456: {  	p0 =	sne.s32 s0, $0x0;
	s0 =	rddreg [dreg:$0x3]  }
0x457: {  	s0 =	sadd.s32 @!p0 $0x100000, s0  }
0x458: {  	[sflag:s0] =	ssyncadd.tile.s32 @!p0 $0x1;
	_ =	shalt  }
.Lfunc_end2:
_tile_overlayer_lowered:
.L_overlay_start_2:
0x459: {  	(tag) =	ssettag $0x2  }
0x45a: {  	s0 =	rddreg [dreg:$0x0];
	s2 =	stileid.u32  }
0x45b: {  	s1 =	rddreg [dreg:$0x1];
	p0 =	sne.s32 s2, $0x0  }
0x45c: {  	s3 =	rddreg [dreg:$0x2];
	[bflag:$0x3] =	sbarrier.arrive $0xFFFF;
	s2 =	simm.s32 @!p0 $0x1C04  }
0x45d: {  	[timem:s3], [sflag:s2] =	dma.local @!p0 [hbm:s0], s1  }
0x45e: {  	s0 =	simm.s32 @!p0 $0x4  }
0x45f: {  	_ =	swait.ge @!p0 [sflag:s0], s1  }
0x460: {  	s1 =	ssub.s32 @!p0 $0x0, s1;
	[sflag:s0] =	ssyncset.done @!p0 $0x0  }
0x461: {  	[sflag:s0] =	ssyncadd.s32 @!p0 s1  }
0x462: {  	[bflag:$0x3] =	sbarrier.arrive $0xFFFF  }
0x463: {  	_ =	shalt  }

// kernel: sparse-core-data-format-call.cloned.1.call-start
scs
called_computation_lowered:
.L_overlay_start_0:
0x0: {  	s2 =	sld [smem:$0x3FD9]  }
0x1: {  	s3 =	sld [smem:$0x3FFE];
	_ =	sdelay $0x1  }
0x2: {  	s1 =	srdreg.scid  }
0x3: {  	s0 =	sand.u32 $0x1, s1  }
0x4: {  	s18 =	sshll.u32 s0, $0xA;
	s2 =	sadd.s32 s3, s2  }
0x5: {  	s2 =	sadd.s32 s2, s18  }
0x6: {  	[smem:$0x3FC5] =	sst s2  }
0x7: {  	_ = 	snop  }
0x8: {  	s2 =	sld [smem:$0x3FD0];
	(tm) =	ssettm $0x1  }
0x9: {  	s19 =	sld [smem:$0x3FFB];
	_ =	sdelay $0x3  }
0xa: {  	_ =	strace s19  }
0xb: {  	s3 =	sld [smem:$0x3FFC];
	_ =	sdelay $0x3  }
0xc: {  	_ =	strace s3  }
0xd: {  	s3 =	sld [smem:$0x3FFD];
	_ =	sdelay $0x3  }
0xe: {  	_ =	strace s3  }
0xf: {  	_ =	strace $0x8FFFFFFF  }
0x10: {  	s20 =	sld [smem:$0x3FDB];
	_ =	sdelay $0x1  }
0x11: {  	s4 =	simm.s32 $_scs_section_size  }
0x12: {  	s5 =	simm.s32 $_size__tile_overlayer_lowered;
	s6 =	simm.s32 $_tile_overlayer_lowered  }
0x13: {  	s23 =	simm.s32 $0x1BFF;
	s22 =	sshll.u32 s6, $0x1;
	s3 =	sadd.s32 s4, s20  }
0x14: {  	s7 =	simm.s32 $0x0;
	s21 =	sshll.u32 s5, $0x1;
	s5 =	sadd.s32 s22, s3  }
0x15: {  	[timem:s7], [sflag:s23] =	dma.local [hbm:s5], s21  }
0x16: {  	_ =	swait.ge [sflag:s23], s21  }
0x17: {  	s4 =	ssub.s32 $0x0, s21;
	[sflag:s23] =	ssyncset.done $0x0  }
0x18: {  	[sflag:s23] =	ssyncadd.s32 s4;
	_ =	sdelay $0x1  }
0x19: {  	s24 =	simm.s32 $0x1B8B  }
0x1a: {  	_ =	swait.ge [sflag:s24], $0x1  }
0x1b: {  	[sflag:s24] =	ssyncset.done $0x0  }
0x1c: {  	s26 =	simm.s32 $0x1B8E;
	s25 =	sld [smem:$0x3FFE];
	[sflag:s24] =	ssyncadd.s32 $0xFFFFFFFF  }
0x1d: {  	s27 =	simm.s32 $execute0_lowered;
	[smem:$0x3FD2] =	sst s26  }
0x1e: {  	s5 =	sshll.u32 s27, $0x1;
	_ =	strace $0x80000049;
	[dreg:$0x1] =	wrdreg $0xFFFFFFFF  }
0x1f: {  	s28 =	simm.s32 $_size_execute0_lowered;
	s3 =	sadd.s32 s3, s5;
	[dreg:$0x0] =	wrdreg $0x0  }
0x20: {  	s5 =	sshll.u32 s28, $0x1;
	[dreg:$0x2] =	wrdreg s3  }
0x21: {  	[dreg:$0x3] =	wrdreg s5  }
0x22: {  	[dreg:$0x4] =	wrdreg $0xC0  }
0x23: {  	_ =	task [dreg:s7], $0x5FFFF  }
0x24: {  	[dreg:$0x1] =	wrdreg $0xFFFFFFFF  }
0x25: {  	[dreg:$0x0] =	wrdreg $0x60  }
0x26: {  	[dreg:$0x2] =	wrdreg s25  }
0x27: {  	[dreg:$0x3] =	wrdreg s2  }
0x28: {  	[dreg:$0x4] =	wrdreg $0x9  }
0x29: {  	_ =	task.clear_ibuf [dreg:s7], $0x5FFFF;
	_ =	strace $0x90000049  }
0x2a: {  	s29 =	simm.s32 $0x9;
	_ =	strace $0x8000004B  }
0x2b: {  	_ =	swait.ge [sflag:s29], $0x1  }
0x2c: {  	[sflag:s29] =	ssyncadd.s32 $0xFFFFFFFF  }
0x2d: {  	_ =	strace $0x9000004B  }
0x2e: {  	_ =	sfence  }
0x2f: {  	s30 =	sld [smem:$0x0];
	_ =	sdelay $0x2  }
0x30: {  	s31 =	sshll.u32 s1, $0xD;
	s1 =	sshrl.u32 s1, $0x2  }
0x31: {  	s3 =	sand.u32 $0x4000, s31;
	s1 =	sadd.s32 s1, s30  }
0x32: {  	s0 =	sor.u32 s3, s0;
	s1 =	sshll.u32 s1, $0x11  }
0x33: {  	s0 =	sor.u32 s1, s0  }
0x34: {  	s0 =	sadd.s32 $0x8F2B, s0  }
0x35: {  	[sflag:s0] =	ssyncadd.remote.s32 $0x1  }
0x36: {  	_ =	sfence.sel $0xFFFF  }
0x37: {  	[dreg:$0x0] =	wrdreg $0xFFFFFFFF;
	(pc) =	sbr.abs _section_cstart, $3  }
0x38: {  	[dreg:$0x1] =	wrdreg $0xFFFFFFFF  }
0x39: {  	_ =	task.clear_ibuf [dreg:s7], $0x2FFFF;
	_ =	strace $0x9FFFFFFF  }
0x3a: {  	(tm) =	ssettm $0x7FFFFFFF  }
0x3b: {  	_ =	shalt  }
tec
execute0_lowered:
.L_overlay_start_1:
0x0: {  	(tag) =	ssettag $0x1  }
0x1: {  	s0 =	stileid.u32  }
0x2: {  	s1 =	srdreg.scid;
	s4 =	rddreg [dreg:$0x0]  }
0x3: {  	s2 =	rddreg [dreg:$0x1];
	s5 =	simm.s32 $0x1;
	s9 =	simm.s32 $0x2  }
0x4: {  	s14 =	simm.s32 $0x0;
	s3 =	sshll.u32 s0, $0x4;
	s1 =	sshll.u32 s1, $0x8  }
0x5: {  	s13 =	simm.s32 $0x0;
	s12 =	simm.s32 $0x0;
	s3 =	sor.u32 s3, s1  }
0x6: {  	s4 =	sadd.s32 $0x800, s4;
	s7 =	sshll.u32 s0, $0x7;
	s3 =	sand.u32 $0x180, s3  }
0x7: {  	s1 =	rddreg [dreg:$0x2];
	_ =	strace $0x8000004A;
	s6 =	ssub.s32 $0x9300, s3  }
.Ltmp0:
0x8: {  	[sflag:s5] =	ssyncpa.u1 $0x0;
	s8 =	sand.u32 $0x180, s6;
	(pc) =	sbr.rel .LBB1_1-.Ltmp0, $4  }
0x9: {  	[sflag:s9] =	ssyncpa.u1 $0x0;
	p0 =	sne.s32 s8, $0x0;
	s8 =	simm.s32 $0x1  }
0xa: {  	s10 =	sshrl.u32 s6, $0x9;
	s6 =	sand.u32 $0x380, s7;
	s8 =	simm.s32 @!p0 $0x0  }
0xb: {  	s9 =	simm.s32 $0x2000;
	s11 =	smov.u32 s6;
	s7 =	sadd.s32 s8, s10  }
0xc: {  	p0 =	por $0x0, $0x0;
	s10 =	smov.u32 s3;
	s8 =	sadd.s32 $0x1, s7  }
.LBB1_4:
0xd: {  	v5 =	vld [tilespmem:s18+$0xFFFFFFD0];
	[tilespmem:s17+$0x2040 ss:$0x81] =	vst.msk $0xffff, v4;
	s20 =	sshll.u32 s14, $0xA;
	s21 =	sshll.u32 s13, $0x3  }
0xe: {  	v58 =	vld [tilespmem:s18+$0xFFFFFFE0];
	[tilespmem:s17+$0x2850 ss:$0x81] =	vst.msk $0xffff, v3;
	s20 =	sand.u32 $0xFFFFE000, s20;
	s21 =	sand.u32 $0xFFFFFC00, s21  }
0xf: {  	s19 =	sshra.s32 s19, $0x2;
	v59 =	vld [tilespmem:s18+$0xFFFFFFF0];
	[tilespmem:s17+$0x3060 ss:$0x81] =	vst.msk $0xffff, v2;
	s20 =	sadd.s32 s21, s20  }
0x10: {  	v60 =	vld [tilespmem:s18+$0x0];
	[tilespmem:s17+$0x0 ss:$0x81] =	vst.msk $0xffff, v0;
	s16 =	sadd.s32 s19, s16;
	s26 =	sshrl.u32 s20, $0xA  }
0x11: {  	v61 =	vld [tilespmem:s18+$0x10];
	[tilespmem:s16+$0x3870 ss:$0x81] =	vst.msk $0xffff, v1;
	s27 =	smulhi.u32 $0x6F74AF, s26  }
0x12: {  	v62 =	vld [tilespmem:s18+$0x20];
	[tilespmem:s16+$0x810 ss:$0x81] =	vst.msk $0xffff, v5  }
0x13: {  	v63 =	vld [tilespmem:s18+$0xFFFFFFC0];
	s28 =	sshll.u32 s14, $0x7;
	[tilespmem:s16+$0x1020 ss:$0x81] =	vst.msk $0xffff, v58;
	s29 =	sshrl.u32 s27, $0x6  }
0x14: {  	s30 =	sand.u32 $0x78, s13;
	s14 =	sand.u32 $0x380, s28;
	[tilespmem:s16+$0x1830 ss:$0x81] =	vst.msk $0xffff, v59;
	s18 =	smul.u32 $0x9300, s29  }
0x15: {  	s14 =	sor.u32 s30, s14;
	[tilespmem:s16+$0x2040 ss:$0x81] =	vst.msk $0xffff, v60  }
0x16: {  	s31 =	sand.u32 $0x7, s13;
	s14 =	sshrl.u32 s14, $0x3;
	[tilespmem:s16+$0x2850 ss:$0x81] =	vst.msk $0xffff, v61;
	s17 =	ssub.s32 s26, s18  }
0x17: {  	s13 =	sshll.u32 s31, $0x12;
	s14 =	sadd.s32 s2, s14;
	[tilespmem:s16+$0x3060 ss:$0x81] =	vst.msk $0xffff, v62;
	s17 =	sshll.u32 s17, $0x7  }
0x18: {  	s13 =	sor.u32 $0x400, s13;
	[tilespmem:s16+$0x0 ss:$0x81] =	vst.msk $0xffff, v63;
	s14 =	sadd.s32 s17, s14  }
0x19: {  	[hbm4b:s14+s13] =	stream.strided.scatter [tilespmem:s15], [sflag:$0x2], $0x4000, s9, s13, $0x20;
	[tilespmem:$0x10100] =	vst v63  }
.LBB1_5:
0x1a: {  	s15 =	sadd.s32 $0x200, s10  }
0x1b: {  	s13 =	sadd.s32 $0x400, s11;
	s17 =	smov.u32 s11;
	p2 =	sgt.s32 s15, $0x92FF  }
0x1c: {  	s17 =	smov.u32 @p2 s13  }
0x1d: {  	s15 =	smov.u32 @p2 s3;
	p2 =	sgt.s32 s17, $0x3E7  }
0x1e: {  	s17 =	smov.u32 @p2 s6;
	p2 =	sne.s32 s12, s8  }
.Ltmp1:
0x1f: {  	p1 =	slt.u32 s12, $0x2;
	(pc) =	sbr.rel @!p2 .LBB1_6-.Ltmp1, $4  }
0x20: {  	s16 =	simm.s32 @!p1 $0x2  }
0x21: {  	s14 =	smov.u32 s10;
	p0 =	por !p0, !p0;
	_ =	swait.ge @!p1 [sflag:s16], $0x4000  }
0x22: {  	s13 =	smov.u32 s11;
	[sflag:s16] =	ssyncset.done @!p1 $0x0;
	s10 =	smov.u32 s15  }
0x23: {  	s12 =	sadd.s32 $0x1, s12;
	[sflag:s16] =	ssyncadd.s32 @!p1 $0xFFFFC000;
	s11 =	smov.u32 s17  }
.LBB1_1:
0x24: {  	p1 =	sge.u32 s12, s7  }
0x25: {  	s18 =	smov.u32 s11;
	s20 =	smov.u32 s10;
	s31 =	sadd.s32 $0xFFFFFFFF, s12  }
0x26: {  	s15 =	sshrl.u32 @!p1 s11, $0x3;
	s16 =	sshll.u32 @!p1 s10, $0x3;
	s17 =	sshll.u32 @!p1 s11, $0x7  }
0x27: {  	p2 =	sgt.s32 @!p1 s11, $0x368;
	s19 =	sshra.s32 @!p1 s11, $0x1F;
	s21 =	sshra.s32 @!p1 s10, $0x1F  }
0x28: {  	s15 =	smul.u32 @!p1 $0x49800, s15;
	s16 =	sand.u32 @!p1 $0xFFFFFC00, s16;
	p2 =	por !p2, p1  }
0x29: {  	s19 =	sand.u32 @!p1 s19, s11;
	s21 =	sand.u32 @!p1 s21, s10;
	s18 =	simm.s32 @p2 $0x368  }
0x2a: {  	p2 =	sgt.s32 @!p1 s10, $0x9280;
	s15 =	sadd.s32 @!p1 s15, s16;
	s16 =	sand.u32 @!p1 $0x380, s17  }
0x2b: {  	s17 =	sand.u32 @!p1 $0x7F, s10;
	p2 =	por !p2, p1;
	s15 =	sor.u32 @!p1 s16, s15  }
0x2c: {  	s18 =	ssub.s32 @!p1 s18, s19;
	s20 =	simm.s32 @p2 $0x9280;
	s16 =	sor.u32 @!p1 s17, s15  }
0x2d: {  	s15 =	smulhi.u32 @!p1 $0xDEE95C4D, s15;
	s19 =	ssub.s32 @!p1 s20, s21;
	s21 =	sadd.s32 @!p1 $0xFFFFFC98, s18  }
0x2e: {  	s18 =	ssub.s32 @!p1 $0x3E8, s18;
	s17 =	smulhi.u32 @!p1 $0xDEE95C4D, s16;
	s22 =	sadd.s32 @!p1 $0xFFFF6D80, s19  }
0x2f: {  	p2 =	sgt.s32 @!p1 s21, $0x7F;
	s19 =	ssub.s32 @!p1 $0x9300, s19;
	s15 =	sshrl.u32 @!p1 s15, $0xF  }
0x30: {  	p3 =	sgt.s32 @!p1 s22, $0x7F;
	s17 =	sshrl.u32 @!p1 s17, $0xF;
	s20 =	smulhi.u32 @!p1 $0x418938, s15  }
0x31: {  	p2 =	por !p2, p1;
	p3 =	por !p3, p1;
	s17 =	smul.u32 @!p1 $0x9300, s17  }
0x32: {  	s18 =	simm.s32 @!p2 $0x0;
	s19 =	simm.s32 @!p3 $0x0;
	s20 =	smul.u32 @!p1 $0x3E8, s20  }
0x33: {  	s18 =	smul.u32 @!p1 s18, s19;
	s16 =	ssub.s32 @!p1 s16, s17;
	s17 =	sxor.u32 @!p1 $0xFFFFFFFF, s12  }
0x34: {  	s17 =	sshll.u32 @!p1 s17, $0xE;
	s15 =	ssub.s32 @!p1 s15, s20;
	s19 =	sshrl.u32 @!p1 s16, $0x3  }
0x35: {  	s16 =	sand.u32 @!p1 $0x7, s16;
	s18 =	sand.u32 @!p1 $0x3FFFFFFF, s18;
	s15 =	smul.u32 @!p1 $0x1260, s15  }
0x36: {  	s17 =	sand.u32 @!p1 $0x4000, s17;
	s19 =	sadd.s32 @!p1 s4, s19;
	s16 =	sshll.u32 @!p1 s16, $0x12  }
0x37: {  	s16 =	sor.u32 @!p1 $0x400, s16;
	s15 =	sadd.s32 @!p1 s15, s19;
	s19 =	simm.s32 @!p1 $0x49800  }
0x38: {  	[tilespmem:s17], [sflag:$0x1] =	stream.strided.gather @!p1 [hbm4b:s15+s16], s18, s19, s16, $0x38;
	[tilespmem:$0x10100] =	vst v63  }
0x39: {  	p1 =	sge.u32 s31, s7  }
.Ltmp2:
0x3a: {  	_ = 	snop;
	(pc) =	sbr.rel @p1 .LBB1_5-.Ltmp2, $1  }
0x3b: {  	_ =	sdelay $0x3  }
0x3c: {  	p1 =	sgt.s32 s13, $0x368  }
0x3d: {  	s15 =	smov.u32 s13;
	s16 =	sshra.s32 s13, $0x1F;
	s17 =	smov.u32 s14  }
0x3e: {  	s18 =	sshra.s32 s14, $0x1F;
	s15 =	simm.s32 @!p1 $0x368;
	p1 =	sgt.s32 s14, $0x9280  }
0x3f: {  	s16 =	sand.u32 s16, s13;
	s26 =	sand.u32 s18, s14;
	s17 =	simm.s32 @!p1 $0x9280  }
0x40: {  	s15 =	ssub.s32 s15, s16;
	s16 =	ssub.s32 s17, s26  }
0x41: {  	s27 =	sadd.s32 $0xFFFFFC98, s15;
	s15 =	ssub.s32 $0x3E8, s15;
	s17 =	sadd.s32 $0xFFFF6D80, s16  }
0x42: {  	p1 =	sgt.s32 s27, $0x7F;
	s16 =	ssub.s32 $0x9300, s16;
	p2 =	sgt.s32 s17, $0x7F  }
0x43: {  	s15 =	simm.s32 @p1 $0x0;
	s16 =	simm.s32 @p2 $0x0  }
0x44: {  	s15 =	smul.u32 s15, s16;
	_ =	sdelay $0x1  }
0x45: {  	s16 =	simm.s32 $0x1;
	s15 =	sand.u32 $0x3FFFFFFF, s15  }
0x46: {  	s16 =	simm.s32 @!p0 $0x0;
	_ =	swait.ge [sflag:s5], s15  }
0x47: {  	s28 =	sshll.u32 s16, $0xE;
	s15 =	ssub.s32 $0x0, s15;
	[sflag:s5] =	ssyncset.done $0x0  }
0x48: {  	s29 =	sor.u32 $0x40, s28;
	[sflag:s5] =	ssyncadd.s32 s15  }
0x49: {  	s30 =	smul.u32 $0x10200, s16;
	v0 =	vld [tilespmem:s29+$0x30]  }
0x4a: {  	v1 =	vld [tilespmem:s29+$0xFFFFFFD0]  }
0x4b: {  	s15 =	sshrl.u32 s30, $0x2;
	v5 =	vld [tilespmem:s29+$0xFFFFFFE0]  }
0x4c: {  	s16 =	sor.u32 $0x8000, s15;
	v6 =	vld [tilespmem:s29+$0xFFFFFFF0]  }
0x4d: {  	s31 =	sand.u32 $0x1, s12;
	v4 =	vld [tilespmem:s29+$0x0];
	s17 =	sadd.s32 $0x0, s16  }
0x4e: {  	s15 =	smul.u32 $0x10200, s31;
	v3 =	vld [tilespmem:s29+$0x10];
	[tilespmem:s17+$0x3870 ss:$0x81] =	vst.msk $0xffff, v0  }
0x4f: {  	v2 =	vld [tilespmem:s29+$0x20];
	[tilespmem:s17+$0x810 ss:$0x81] =	vst.msk $0xffff, v1  }
0x50: {  	s18 =	sadd.s32 $0x80, s29;
	s15 =	sshrl.u32 s15, $0x2;
	v0 =	vld [tilespmem:s29+$0xFFFFFFC0];
	[tilespmem:s17+$0x1020 ss:$0x81] =	vst.msk $0xffff, v5  }
0x51: {  	s19 =	simm.s32 $0x4;
	s20 =	simm.s32 $0x8;
	s15 =	sor.u32 $0x8000, s15;
	v1 =	vld [tilespmem:s18+$0x30];
	[tilespmem:s17+$0x1830 ss:$0x81] =	vst.msk $0xffff, v6  }
.LBB1_3:
0x52: {  	p1 =	sne.s32 s20, $0x1FC;
	v5 =	vld [tilespmem:s18+$0xFFFFFFD0];
	[tilespmem:s17+$0x2040 ss:$0x81] =	vst.msk $0xffff, v4  }
0x53: {  	v6 =	vld [tilespmem:s18+$0xFFFFFFE0];
	[tilespmem:s17+$0x2850 ss:$0x81] =	vst.msk $0xffff, v3  }
0x54: {  	s21 =	sshra.s32 s19, $0x2;
	s19 =	smov.u32 s20;
	v7 =	vld [tilespmem:s18+$0xFFFFFFF0];
	[tilespmem:s17+$0x3060 ss:$0x81] =	vst.msk $0xffff, v2  }
.Ltmp3:
0x55: {  	v4 =	vld [tilespmem:s18+$0x0];
	[tilespmem:s17+$0x0 ss:$0x81] =	vst.msk $0xffff, v0;
	s17 =	sadd.s32 s21, s16;
	(pc) =	sbr.rel @p1 .LBB1_3-.Ltmp3, $4  }
0x56: {  	v3 =	vld [tilespmem:s18+$0x10];
	[tilespmem:s17+$0x3870 ss:$0x81] =	vst.msk $0xffff, v1  }
0x57: {  	[tilespmem:s17+$0x810 ss:$0x81] =	vst.msk $0xffff, v5;
	v2 =	vld [tilespmem:s18+$0x20]  }
0x58: {  	v0 =	vld [tilespmem:s18+$0xFFFFFFC0];
	[tilespmem:s17+$0x1020 ss:$0x81] =	vst.msk $0xffff, v6;
	s18 =	sadd.s32 $0x80, s18  }
0x59: {  	s20 =	sadd.s32 $0x4, s20;
	v1 =	vld [tilespmem:s18+$0x30];
	[tilespmem:s17+$0x1830 ss:$0x81] =	vst.msk $0xffff, v7  }
.Ltmp4:
0x5a: {  	_ = 	snop;
	(pc) =	sbr.rel .LBB1_4-.Ltmp4, $1  }
0x5b: {  	_ =	sdelay $0x3  }
.LBB1_6:
0x5c: {  	_ =	sfence.sel $0x180000  }
0x5d: {  	s2 =	simm.s32 $0x1;
	[bflag:$0x0] =	sbarrier.arrive $0xFFFF  }
0x5e: {  	s31 =	simm.s32 $0x2;
	[sflag:s2] =	ssyncpa.u1 $0x1  }
0x5f: {  	[sflag:s31] =	ssyncpa.u1 $0x1  }
0x60: {  	p0 =	sne.s32 s0, $0x0;
	_ =	strace $0x9000004A  }
0x61: {  	s0 =	sadd.s32 @!p0 $0x100000, s1;
	[bflag:$0x2] =	sbarrier.arrive $0xFFFF  }
0x62: {  	[sflag:s0] =	ssyncadd.tile.s32 @!p0 $0x1;
	_ =	shalt  }
.Lfunc_end1:
_tile_overlayer_lowered:
.L_overlay_start_2:
0x63: {  	(tag) =	ssettag $0x2  }
0x64: {  	s0 =	rddreg [dreg:$0x0];
	s2 =	stileid.u32  }
0x65: {  	s1 =	rddreg [dreg:$0x1];
	p0 =	sne.s32 s2, $0x0  }
0x66: {  	s3 =	rddreg [dreg:$0x2];
	[bflag:$0x3] =	sbarrier.arrive $0xFFFF;
	s2 =	simm.s32 @!p0 $0x1C01  }
0x67: {  	[timem:s3], [sflag:s2] =	dma.local @!p0 [hbm:s0], s1  }
0x68: {  	s0 =	simm.s32 @!p0 $0x1  }
0x69: {  	_ =	swait.ge @!p0 [sflag:s0], s1  }
0x6a: {  	s1 =	ssub.s32 @!p0 $0x0, s1;
	[sflag:s0] =	ssyncset.done @!p0 $0x0  }
0x6b: {  	[sflag:s0] =	ssyncadd.s32 @!p0 s1  }
0x6c: {  	[bflag:$0x3] =	sbarrier.arrive $0xFFFF  }
0x6d: {  	_ =	shalt  }

</sc_bundles>
